<compile_context>
chip_gen: v7x
topology: tpu7x:2x2x1
jax: 0.10.2.dev20260603
libtpu: 0.0.44.dev20260713+nightly
codegen_flags: <defaults>
</compile_context>

<pallas_src>
import functools

import jax
import jax.numpy as jnp
import numpy as np
from jax import lax
from jax.experimental import pallas as pl
from jax.experimental.pallas import tpu as pltpu
from jax.experimental.pallas import tpu_sc as plsc

H = 128
HM = 153
N = 10000
E = 160000
F32 = jnp.float32

NCORES = 2
NSUB = 16
NW = NCORES * NSUB
CHUNK = 128
NJ = 80
NJC = NJ * CHUNK
E2 = NSUB * NJC
NP = 10240
RPT = NP // NSUB
BR = 1024

_R = np.arange(E2 - E, dtype=np.int32)
_DUMMY = np.stack([N + _R % (NP - N), (_R * 67) % NP]).astype(np.int32)


def _inv_sqrt(d):
    safe = jnp.where(d > 0, d, 1.0)
    return jnp.where(d > 0, lax.rsqrt(safe), 0.0)



def _mlp_pair_body(rank1, x_ref, deg_ref, W1_ref, b1_ref, W2_ref, b2_ref,
                   W3_ref, b3_ref, W0_ref, oa_ref, ob_ref):
    dsi = _inv_sqrt(deg_ref[...])
    x = x_ref[...]
    for k, out in ((0, oa_ref), (1, ob_ref)):
        if rank1:
            w1e = jnp.dot(W0_ref[...], W1_ref[k], preferred_element_type=F32)
            h = x * w1e + b1_ref[k]
        else:
            h = jnp.dot(x, W1_ref[k], preferred_element_type=F32) + b1_ref[k]
        h = jnp.maximum(h, 0.0)
        h = jnp.maximum(jnp.dot(h, W2_ref[k], preferred_element_type=F32) + b2_ref[k], 0.0)
        h = jnp.maximum(jnp.dot(h, W3_ref[k], preferred_element_type=F32) + b3_ref[k], 0.0)
        out[...] = h * dsi


def _mlp_pair(x, deg, W0, W1, b1, W2, b2, W3, b3, rank1):
    grid = (NP // BR,)
    full = lambda *s: pl.BlockSpec(s, lambda i: (0,) * len(s))
    return pl.pallas_call(
        functools.partial(_mlp_pair_body, rank1),
        grid=grid,
        in_specs=[
            pl.BlockSpec((BR, 1 if rank1 else H), lambda i: (i, 0)),
            pl.BlockSpec((BR, 1), lambda i: (i, 0)),
            full(2, H, HM), full(2, 1, HM),
            full(2, HM, HM), full(2, 1, HM),
            full(2, HM, H), full(2, 1, H),
            full(1, H),
        ],
        out_specs=[pl.BlockSpec((BR, H), lambda i: (i, 0))] * 2,
        out_shape=[jax.ShapeDtypeStruct((NP, H), F32)] * 2,
    )(x, deg, W1, b1, W2, b2, W3, b3, W0)



def _combine_body(rank1, pp_ref, pn_ref, deg_ref, prev_ref, w0_ref, W_ref,
                  b_ref, out_ref):
    dti = _inv_sqrt(deg_ref[...])
    a = pp_ref[...] * dti
    c = pn_ref[...] * dti
    acc = jnp.dot(a, W_ref[0], preferred_element_type=F32)
    acc += jnp.dot(c, W_ref[1], preferred_element_type=F32)
    if rank1:
        we = jnp.dot(w0_ref[...], W_ref[2], preferred_element_type=F32)
        acc += prev_ref[...] * we
    else:
        acc += jnp.dot(prev_ref[...], W_ref[2], preferred_element_type=F32)
    out_ref[...] = acc + b_ref[...]


def _combine(pp, pn, deg, prev, W3s, b, rank1, w0=None, rows=NP):
    grid = (10,)
    br = rows // 10
    full = lambda *s: pl.BlockSpec(s, lambda i: (0,) * len(s))
    if w0 is None:
        w0 = jnp.zeros((1, H), F32)
    return pl.pallas_call(
        functools.partial(_combine_body, rank1),
        grid=grid,
        in_specs=[
            pl.BlockSpec((br, H), lambda i: (i, 0)),
            pl.BlockSpec((br, H), lambda i: (i, 0)),
            pl.BlockSpec((br, 1), lambda i: (i, 0)),
            pl.BlockSpec((br, 1 if rank1 else H), lambda i: (i, 0)),
            full(1, H), full(3, H, H), full(1, H),
        ],
        out_specs=pl.BlockSpec((br, H), lambda i: (i, 0)),
        out_shape=jax.ShapeDtypeStruct((rows, H), F32),
    )(pp, pn, deg, prev, w0, W3s, b)



def _conv2_body(z0, s0, t0, z1, s1, t1, zrows, out0, out1,
                acc, sbuf, tbuf, rows, semg, semt, sems):
    cid = lax.axis_index("c")
    sid = lax.axis_index("s")
    base = sid * RPT
    ebase = sid * NJC
    for k, (z, s, t, out) in enumerate(((z0, s0, t0, out0),
                                        (z1, s1, t1, out1))):
        @pl.when(cid == k)
        def _():
            pltpu.sync_copy(s.at[pl.ds(ebase, NJC)], sbuf)
            pltpu.sync_copy(zrows, acc.at[pl.ds(base, RPT)])
            plsc.subcore_barrier()

            def gat(j, b):
                pltpu.async_copy(z.at[sbuf.at[pl.ds(j * CHUNK, CHUNK)]],
                                 rows.at[b], semg[b])

            def tcp(j, b):
                pltpu.async_copy(t.at[pl.ds(ebase + j * CHUNK, CHUNK)],
                                 tbuf.at[b], semt[b])

            def wg(b):
                pltpu.make_async_copy(z.at[sbuf.at[pl.ds(0, CHUNK)]],
                                      rows.at[b], semg[b]).wait()
                pltpu.make_async_copy(t.at[pl.ds(0, CHUNK)],
                                      tbuf.at[b], semt[b]).wait()

            def sca(b):
                pltpu.async_copy(rows.at[b], acc.at[tbuf.at[b]], sems[b],
                                 add=True)

            def ws(b):
                pltpu.make_async_copy(rows.at[b], acc.at[tbuf.at[b]],
                                      sems[b]).wait()

            gat(0, 0); tcp(0, 0)

            @pl.loop(0, NJ // 2)
            def _(g):
                for b in (0, 1):
                    j = g * 2 + b
                    jn = jnp.minimum(j + 1, NJ - 1)
                    gat(jn, 1 - b)
                    tcp(jn, 1 - b)
                    wg(b)
                    pltpu.sync_copy(rows.at[b], acc.at[tbuf.at[b]], add=True)

            wg(0)

            plsc.subcore_barrier()
            pltpu.sync_copy(acc.at[pl.ds(base, RPT)],
                            out.at[pl.ds(base, RPT)])


@functools.cache
def _conv2_kernel():
    mesh = plsc.VectorSubcoreMesh(core_axis_name="c", subcore_axis_name="s")
    return pl.kernel(
        _conv2_body,
        mesh=mesh,
        out_type=[jax.ShapeDtypeStruct((NP, H), F32)] * 2,
        scratch_types=[
            pltpu.VMEM_SHARED((NP, H), F32),
            pltpu.VMEM((NJC,), jnp.int32),
            pltpu.VMEM((2, CHUNK), jnp.int32),
            pltpu.VMEM((2, CHUNK, H), F32),
            [pltpu.SemaphoreType.DMA] * 2,
            [pltpu.SemaphoreType.DMA] * 2,
            [pltpu.SemaphoreType.DMA] * 2,
        ],
    )


def _conv_pair(z0, ei0, z1, ei1, zrows):
    return _conv2_kernel()(z0, ei0[0], ei0[1], z1, ei1[0], ei1[1], zrows)


def _pad_edges(ei):
    return jnp.concatenate([ei, jnp.asarray(_DUMMY)], axis=1)


def kernel(x_clause, x_variable, deg_clause, deg_variable, ei_cp, ei_cn,
           ei_rp, ei_rn, W0c, W0v, conv_ls_W, conv_ls_b, mlp_W1, mlp_b1,
           mlp_W2, mlp_b2, mlp_W3, mlp_b3, lins_c_W, lins_c_b, lins_v_W,
           lins_v_b):
    del conv_ls_W, conv_ls_b
    pad = NP - N
    xc = jnp.pad(x_clause, ((0, pad), (0, 0)))
    xv = jnp.pad(x_variable, ((0, pad), (0, 0)))
    degc = jnp.pad(deg_clause.reshape(N, 1), ((0, pad), (0, 0)))
    degv = jnp.pad(deg_variable.reshape(N, 1), ((0, pad), (0, 0)))
    e_cp, e_cn = _pad_edges(ei_cp), _pad_edges(ei_cn)
    e_rp, e_rn = _pad_edges(ei_rp), _pad_edges(ei_rn)
    zrows = jnp.zeros((RPT, H), F32)

    def mw(l, r0):
        return (mlp_W1[l, r0:r0 + 2], mlp_b1[l, r0:r0 + 2, None],
                mlp_W2[l, r0:r0 + 2], mlp_b2[l, r0:r0 + 2, None],
                mlp_W3[l, r0:r0 + 2], mlp_b3[l, r0:r0 + 2, None])

    zv0, zv1 = _mlp_pair(xv, degv, W0v, *mw(0, 2), rank1=True)
    zc0, zc1 = _mlp_pair(xc, degc, W0c, *mw(0, 0), rank1=True)

    pcp, pcn = _conv_pair(zv0, e_rp, zv1, e_rn, zrows)
    pvp, pvn = _conv_pair(zc0, e_cp, zc1, e_cn, zrows)

    xc1 = _combine(pcp, pcn, degc, xc, lins_c_W[0].reshape(3, H, H),
                   lins_c_b[0][None], rank1=True, w0=W0c)
    xv1 = _combine(pvp, pvn, degv, xv, lins_v_W[0].reshape(3, H, H),
                   lins_v_b[0][None], rank1=True, w0=W0v)

    zq0, zq1 = _mlp_pair(xc1, degc, W0c, *mw(1, 0), rank1=False)
    qvp, qvn = _conv_pair(zq0, e_cp, zq1, e_cn, zrows)

    return _combine(qvp, qvn, degv, xv1, lins_v_W[1].reshape(3, H, H),
                    lins_v_b[1][None], rank1=False, rows=N)

# --- scband reference (transcript-rebuilt; emitter-appended) ---
"""Pipeline reference for scband-g4-gcn-vcg-7146825580938 (READ-ONLY COPY).

The authoritative reference and input builder live on the scoring server;
editing this copy changes nothing except your own understanding.
"""

import jax, jax.numpy as jnp
import numpy as np

H = 128
HM = int(H * 1.2)
L = 2
R = 4
NC = 10000
NV = 10000
E = 160000

def setup_inputs(seed: int = 0):
    key = jax.random.key(seed)
    ks = jax.random.split(key, 30)
    x_clause = jax.random.normal(ks[0], (NC, 1), dtype=jnp.float32)
    x_variable = jax.random.normal(ks[1], (NV, 1), dtype=jnp.float32)
    deg_clause = jax.random.randint(ks[2], (NC,), 0, 32).astype(jnp.float32)
    deg_variable = jax.random.randint(ks[3], (NV,), 0, 64).astype(jnp.float32)
    ei_cp = jnp.stack([jax.random.randint(ks[4], (E,), 0, NC), jax.random.randint(ks[5], (E,), 0, NV)])
    ei_cn = jnp.stack([jax.random.randint(ks[6], (E,), 0, NC), jax.random.randint(ks[7], (E,), 0, NV)])
    ei_rp = jnp.stack([jax.random.randint(ks[8], (E,), 0, NV), jax.random.randint(ks[9], (E,), 0, NC)])
    ei_rn = jnp.stack([jax.random.randint(ks[10], (E,), 0, NV), jax.random.randint(ks[11], (E,), 0, NC)])
    W0c = jax.random.normal(ks[12], (1, H), dtype=jnp.float32)
    W0v = jax.random.normal(ks[13], (1, H), dtype=jnp.float32)
    conv_ls_W = jax.random.normal(ks[14], (L, R, H, H), dtype=jnp.float32) / np.sqrt(H)
    conv_ls_b = jax.random.normal(ks[15], (L, R, H), dtype=jnp.float32) * 0.01
    mlp_W1 = jax.random.normal(ks[16], (L, R, H, HM), dtype=jnp.float32) / np.sqrt(H)
    mlp_b1 = jax.random.normal(ks[17], (L, R, HM), dtype=jnp.float32) * 0.01
    mlp_W2 = jax.random.normal(ks[18], (L, R, HM, HM), dtype=jnp.float32) / np.sqrt(HM)
    mlp_b2 = jax.random.normal(ks[19], (L, R, HM), dtype=jnp.float32) * 0.01
    mlp_W3 = jax.random.normal(ks[20], (L, R, HM, H), dtype=jnp.float32) / np.sqrt(HM)
    mlp_b3 = jax.random.normal(ks[21], (L, R, H), dtype=jnp.float32) * 0.01
    lins_c_W = jax.random.normal(ks[22], (L, 3 * H, H), dtype=jnp.float32) / np.sqrt(3 * H)
    lins_c_b = jax.random.normal(ks[23], (L, H), dtype=jnp.float32) * 0.01
    lins_v_W = jax.random.normal(ks[24], (L, 3 * H, H), dtype=jnp.float32) / np.sqrt(3 * H)
    lins_v_b = jax.random.normal(ks[25], (L, H), dtype=jnp.float32) * 0.01
    return {"x_clause": x_clause, "x_variable": x_variable, "deg_clause": deg_clause, "deg_variable": deg_variable, "ei_cp": ei_cp, "ei_cn": ei_cn, "ei_rp": ei_rp, "ei_rn": ei_rn, "W0c": W0c, "W0v": W0v, "conv_ls_W": conv_ls_W, "conv_ls_b": conv_ls_b, "mlp_W1": mlp_W1, "mlp_b1": mlp_b1, "mlp_W2": mlp_W2, "mlp_b2": mlp_b2, "mlp_W3": mlp_W3, "mlp_b3": mlp_b3, "lins_c_W": lins_c_W, "lins_c_b": lins_c_b, "lins_v_W": lins_v_W, "lins_v_b": lins_v_b}

def _inv_sqrt(d):
    # deg.pow(-0.5) with inf (deg==0) replaced by 0, NaN-safe for autodiff
    safe = jnp.where(d > 0, d, 1.0)
    return jnp.where(d > 0, safe ** -0.5, 0.0)

def _forward(x_clause, x_variable, deg_clause, deg_variable, W0c, W0v, conv_ls_W, conv_ls_b, mlp_W1, mlp_b1, mlp_W2, mlp_b2, mlp_W3, mlp_b3, lins_c_W, lins_c_b, lins_v_W, lins_v_b, ei_cp, ei_cn, ei_rp, ei_rn):
    dci = _inv_sqrt(deg_clause)
    dvi = _inv_sqrt(deg_variable)
    def conv(x_src, n_trg, dsi, dti, ei, l, r):
        # lin_src output is computed but never used in the original torch forward
        # (propagate receives the ORIGINAL x tuple), so it does not affect the output.
        _dead = jax.nn.relu(x_src @ conv_ls_W[l, r] + conv_ls_b[l, r])
        src = ei[0]
        trg = ei[1]
        norm = dsi[src] * dti[trg]
        xj = x_src[src]
        h = jax.nn.relu(xj @ mlp_W1[l, r] + mlp_b1[l, r])
        h = jax.nn.relu(h @ mlp_W2[l, r] + mlp_b2[l, r])
        h = jax.nn.relu(h @ mlp_W3[l, r] + mlp_b3[l, r])
        msg = norm[:, None] * h
        return jnp.zeros((n_trg, h.shape[1]), dtype=h.dtype).at[trg].add(msg)
    xc = x_clause @ W0c
    xv = x_variable @ W0v
    for l in range(L):
        xc_prev = xc
        xv_prev = xv
        ov_pos = conv(xc, NV, dci, dvi, ei_cp, l, 0)
        ov_neg = conv(xc, NV, dci, dvi, ei_cn, l, 1)
        oc_pos = conv(xv, NC, dvi, dci, ei_rp, l, 2)
        oc_neg = conv(xv, NC, dvi, dci, ei_rn, l, 3)
        xc = jnp.concatenate([oc_pos, oc_neg, xc_prev], axis=1) @ lins_c_W[l] + lins_c_b[l]
        xv = jnp.concatenate([ov_pos, ov_neg, xv_prev], axis=1) @ lins_v_W[l] + lins_v_b[l]
    return xv

def reference(x_clause, x_variable, deg_clause, deg_variable, ei_cp, ei_cn, ei_rp, ei_rn, W0c, W0v, conv_ls_W, conv_ls_b, mlp_W1, mlp_b1, mlp_W2, mlp_b2, mlp_W3, mlp_b3, lins_c_W, lins_c_b, lins_v_W, lins_v_b):
    return _forward(x_clause, x_variable, deg_clause, deg_variable, W0c, W0v, conv_ls_W, conv_ls_b, mlp_W1, mlp_b1, mlp_W2, mlp_b2, mlp_W3, mlp_b3, lins_c_W, lins_c_b, lins_v_W, lins_v_b, ei_cp, ei_cn, ei_rp, ei_rn)

if __name__ == "__main__":
    import jax
    _d = setup_inputs()
    print(jax.jit(kernel)(*tuple(_d.values())))

</pallas_src>

<mosaic_0001>
#map = affine_map<(d0, d1) -> (0, 0)>
#map1 = affine_map<(d0, d1) -> (0)>
module attributes {stable_mosaic.version = 14 : i64} {
  func.func @_conv2_body(%arg0: i32, %arg1: i32, %arg2: memref<10240x128xf32, #tpu.memory_space<hbm>>, %arg3: memref<163840xi32, #tpu.memory_space<hbm>>, %arg4: memref<163840xi32, #tpu.memory_space<hbm>>, %arg5: memref<10240x128xf32, #tpu.memory_space<hbm>>, %arg6: memref<163840xi32, #tpu.memory_space<hbm>>, %arg7: memref<163840xi32, #tpu.memory_space<hbm>>, %arg8: memref<640x128xf32, #tpu.memory_space<hbm>>, %arg9: memref<10240x128xf32, #tpu.memory_space<hbm>>, %arg10: memref<10240x128xf32, #tpu.memory_space<hbm>>, %arg11: memref<10240x128xf32, #tpu.memory_space<vmem_shared>>, %arg12: memref<10240xi32, #tpu.memory_space<vmem>>, %arg13: memref<2x128xi32, #tpu.memory_space<vmem>>, %arg14: memref<2x128x128xf32, #tpu.memory_space<vmem>>, %arg15: memref<!tpu.dma_semaphore, #tpu.memory_space<semaphore_mem>>, %arg16: memref<!tpu.dma_semaphore, #tpu.memory_space<semaphore_mem>>, %arg17: memref<!tpu.dma_semaphore, #tpu.memory_space<semaphore_mem>>, %arg18: memref<!tpu.dma_semaphore, #tpu.memory_space<semaphore_mem>>, %arg19: memref<!tpu.dma_semaphore, #tpu.memory_space<semaphore_mem>>, %arg20: memref<!tpu.dma_semaphore, #tpu.memory_space<semaphore_mem>>) attributes {dimension_semantics = [#tpu.dimension_semantics<core_parallel>, #tpu.dimension_semantics<subcore_parallel>], iteration_bounds = array<i64: 2, 16>, scalar_prefetch = 0 : i64, scratch_operands = 10 : i64, tpu.core_type = #tpu.core_type<sc_vector_subcore>, window_params = [{transform_indices = #map}, {transform_indices = #map1}, {transform_indices = #map1}, {transform_indices = #map}, {transform_indices = #map1}, {transform_indices = #map1}, {transform_indices = #map}, {transform_indices = #map}, {transform_indices = #map}]} {
    %mul3A = arith.constant 640 : i32
    %mul3A_0 = arith.muli %arg1, %mul3A : i32
    %mul3A_1 = arith.constant 10240 : i32
    %mul3A_2 = arith.muli %arg1, %mul3A_1 : i32
    %eq3A = arith.constant 0 : i32
    %eq3A_3 = arith.cmpi eq, %arg0, %eq3A : i32
    %convert_element_type3A = arith.extui %eq3A_3 : i1 to i32
    %cond3A = arith.constant 0 : i32
    %cond3A_4 = arith.cmpi ne, %convert_element_type3A, %cond3A : i32
    scf.if %cond3A_4 {
      "tpu.region"() ({
        %run_scoped3A = tpu.sem_alloc : memref<!tpu.dma_semaphore, #tpu.memory_space<semaphore_mem>>
        %dma_start3A_54 = tpu.memref_slice %arg3[%mul3A_2] : memref<163840xi32, #tpu.memory_space<hbm>> -> memref<10240xi32, #tpu.memory_space<hbm>>
        %dma_start3A_55 = tpu.memref_slice %arg3[%mul3A_2] : memref<163840xi32, #tpu.memory_space<hbm>> -> memref<10240xi32, #tpu.memory_space<hbm>>
        tpu.enqueue_dma source(%dma_start3A_55 : memref<10240xi32, #tpu.memory_space<hbm>>) target(%arg12 : memref<10240xi32, #tpu.memory_space<vmem>>) target_semaphore(%run_scoped3A : memref<!tpu.dma_semaphore, #tpu.memory_space<semaphore_mem>>)
        %dma_wait3A_56 = tpu.memref_slice %arg3[%mul3A_2] : memref<163840xi32, #tpu.memory_space<hbm>> -> memref<10240xi32, #tpu.memory_space<hbm>>
        %dma_wait3A_57 = tpu.memref_slice %arg3[%mul3A_2] : memref<163840xi32, #tpu.memory_space<hbm>> -> memref<10240xi32, #tpu.memory_space<hbm>>
        tpu.wait_dma2 semaphore(%run_scoped3A : memref<!tpu.dma_semaphore, #tpu.memory_space<semaphore_mem>>) src(%dma_wait3A_57 : memref<10240xi32, #tpu.memory_space<hbm>>) dst(%arg12 : memref<10240xi32, #tpu.memory_space<vmem>>)
        tpu.yield
      }) : () -> ()
      "tpu.region"() ({
        %run_scoped3A = tpu.sem_alloc : memref<!tpu.dma_semaphore, #tpu.memory_space<semaphore_mem>>
        %dma_start3A_54 = arith.constant 0 : i32
        %dma_start3A_55 = tpu.memref_slice %arg11[%mul3A_0, %dma_start3A_54] : memref<10240x128xf32, #tpu.memory_space<vmem_shared>> -> memref<640x128xf32, #tpu.memory_space<vmem_shared>>
        tpu.enqueue_dma source(%arg8 : memref<640x128xf32, #tpu.memory_space<hbm>>) target(%dma_start3A_55 : memref<640x128xf32, #tpu.memory_space<vmem_shared>>) target_semaphore(%run_scoped3A : memref<!tpu.dma_semaphore, #tpu.memory_space<semaphore_mem>>)
        %dma_wait3A_56 = arith.constant 0 : i32
        %dma_wait3A_57 = tpu.memref_slice %arg11[%mul3A_0, %dma_wait3A_56] : memref<10240x128xf32, #tpu.memory_space<vmem_shared>> -> memref<640x128xf32, #tpu.memory_space<vmem_shared>>
        tpu.wait_dma2 semaphore(%run_scoped3A : memref<!tpu.dma_semaphore, #tpu.memory_space<semaphore_mem>>) src(%arg8 : memref<640x128xf32, #tpu.memory_space<hbm>>) dst(%dma_wait3A_57 : memref<640x128xf32, #tpu.memory_space<vmem_shared>>)
        tpu.yield
      }) : () -> ()
      %barrier3A = arith.constant 0 : index
      tpu.barrier barrier_id(%barrier3A)
      %dma_start3A = arith.constant 0 : i32
      %dma_start3A_10 = arith.constant 0 : i32
      %dma_start3A_11 = arith.constant 0 : i32
      %dma_start3A_12 = tpu.memref_slice %arg14[%dma_start3A, %dma_start3A_10, %dma_start3A_11] : memref<2x128x128xf32, #tpu.memory_space<vmem>> -> memref<1x128x128xf32, #tpu.memory_space<vmem>>
      %dma_start3A_13 = tpu.memref_squeeze %dma_start3A_12 : memref<1x128x128xf32, #tpu.memory_space<vmem>> -> memref<128x128xf32, #tpu.memory_space<vmem>>
      %dma_start3A_14 = arith.constant 0 : i32
      %dma_start3A_15 = tpu.memref_slice %arg12[%dma_start3A_14] : memref<10240xi32, #tpu.memory_space<vmem>> -> memref<128xi32, #tpu.memory_space<vmem>>
      %dma_start3A_16 = arith.constant 0 : i32
      %dma_start3A_17 = arith.constant 0 : i32
      %dma_start3A_18 = tpu.memref_slice %arg2[%dma_start3A_16, %dma_start3A_17] : memref<10240x128xf32, #tpu.memory_space<hbm>> -> memref<10240x128xf32, #tpu.memory_space<hbm>>
      tpu.enqueue_indirect_dma source(%dma_start3A_18 : memref<10240x128xf32, #tpu.memory_space<hbm>>) target(%dma_start3A_13 : memref<128x128xf32, #tpu.memory_space<vmem>>) offsets(%dma_start3A_15 : memref<128xi32, #tpu.memory_space<vmem>>) semaphore(%arg15 : memref<!tpu.dma_semaphore, #tpu.memory_space<semaphore_mem>>)
      %add3A = arith.constant 0 : i32
      %add3A_19 = arith.addi %mul3A_2, %add3A : i32
      %dma_start3A_20 = arith.constant 0 : i32
      %dma_start3A_21 = arith.constant 0 : i32
      %dma_start3A_22 = tpu.memref_slice %arg13[%dma_start3A_20, %dma_start3A_21] : memref<2x128xi32, #tpu.memory_space<vmem>> -> memref<1x128xi32, #tpu.memory_space<vmem>>
      %dma_start3A_23 = tpu.memref_squeeze %dma_start3A_22 : memref<1x128xi32, #tpu.memory_space<vmem>> -> memref<128xi32, #tpu.memory_space<vmem>>
      %dma_start3A_24 = tpu.memref_slice %arg4[%add3A_19] : memref<163840xi32, #tpu.memory_space<hbm>> -> memref<128xi32, #tpu.memory_space<hbm>>
      %dma_start3A_25 = arith.constant 0 : i32
      %dma_start3A_26 = tpu.memref_slice %arg13[%dma_start3A_20, %dma_start3A_25] : memref<2x128xi32, #tpu.memory_space<vmem>> -> memref<1x128xi32, #tpu.memory_space<vmem>>
      %dma_start3A_27 = tpu.memref_squeeze %dma_start3A_26 : memref<1x128xi32, #tpu.memory_space<vmem>> -> memref<128xi32, #tpu.memory_space<vmem>>
      %dma_start3A_28 = tpu.memref_slice %arg4[%add3A_19] : memref<163840xi32, #tpu.memory_space<hbm>> -> memref<128xi32, #tpu.memory_space<hbm>>
      tpu.enqueue_dma source(%dma_start3A_28 : memref<128xi32, #tpu.memory_space<hbm>>) target(%dma_start3A_27 : memref<128xi32, #tpu.memory_space<vmem>>) target_semaphore(%arg17 : memref<!tpu.dma_semaphore, #tpu.memory_space<semaphore_mem>>)
      %scan3A = arith.constant 0 : i32
      %scan3A_29 = arith.constant 40 : i32
      %scan3A_30 = arith.addi %scan3A, %scan3A_29 : i32
      %scan3A_31 = arith.constant 1 : i32
      scf.for %scan3A_54 = %scan3A to %scan3A_30 step %scan3A_31  : i32 {
        %mul3A_55 = arith.constant 1 : i32
        %mul3A_56 = arith.muli %scan3A_54, %mul3A_55 : i32
        %add3A_57 = arith.constant 0 : i32
        %add3A_58 = arith.addi %add3A_57, %mul3A_56 : i32
        %mul3A_59 = arith.constant 2 : i32
        %mul3A_60 = arith.muli %add3A_58, %mul3A_59 : i32
        %add3A_61 = arith.constant 0 : i32
        %add3A_62 = arith.addi %mul3A_60, %add3A_61 : i32
        %add3A_63 = arith.constant 1 : i32
        %add3A_64 = arith.addi %add3A_62, %add3A_63 : i32
        %min3A = arith.constant 79 : i32
        %min3A_65 = arith.minsi %add3A_64, %min3A : i32
        %mul3A_66 = arith.constant 128 : i32
        %mul3A_67 = arith.muli %min3A_65, %mul3A_66 : i32
        %dma_start3A_68 = arith.constant 1 : i32
        %dma_start3A_69 = arith.constant 0 : i32
        %dma_start3A_70 = arith.constant 0 : i32
        %dma_start3A_71 = tpu.memref_slice %arg14[%dma_start3A_68, %dma_start3A_69, %dma_start3A_70] : memref<2x128x128xf32, #tpu.memory_space<vmem>> -> memref<1x128x128xf32, #tpu.memory_space<vmem>>
        %dma_start3A_72 = tpu.memref_squeeze %dma_start3A_71 : memref<1x128x128xf32, #tpu.memory_space<vmem>> -> memref<128x128xf32, #tpu.memory_space<vmem>>
        %dma_start3A_73 = tpu.memref_slice %arg12[%mul3A_67] : memref<10240xi32, #tpu.memory_space<vmem>> -> memref<128xi32, #tpu.memory_space<vmem>>
        %dma_start3A_74 = arith.constant 0 : i32
        %dma_start3A_75 = arith.constant 0 : i32
        %dma_start3A_76 = tpu.memref_slice %arg2[%dma_start3A_74, %dma_start3A_75] : memref<10240x128xf32, #tpu.memory_space<hbm>> -> memref<10240x128xf32, #tpu.memory_space<hbm>>
        tpu.enqueue_indirect_dma source(%dma_start3A_76 : memref<10240x128xf32, #tpu.memory_space<hbm>>) target(%dma_start3A_72 : memref<128x128xf32, #tpu.memory_space<vmem>>) offsets(%dma_start3A_73 : memref<128xi32, #tpu.memory_space<vmem>>) semaphore(%arg16 : memref<!tpu.dma_semaphore, #tpu.memory_space<semaphore_mem>>)
        %mul3A_77 = arith.constant 128 : i32
        %mul3A_78 = arith.muli %min3A_65, %mul3A_77 : i32
        %add3A_79 = arith.addi %mul3A_2, %mul3A_78 : i32
        %dma_start3A_80 = arith.constant 1 : i32
        %dma_start3A_81 = arith.constant 0 : i32
        %dma_start3A_82 = tpu.memref_slice %arg13[%dma_start3A_80, %dma_start3A_81] : memref<2x128xi32, #tpu.memory_space<vmem>> -> memref<1x128xi32, #tpu.memory_space<vmem>>
        %dma_start3A_83 = tpu.memref_squeeze %dma_start3A_82 : memref<1x128xi32, #tpu.memory_space<vmem>> -> memref<128xi32, #tpu.memory_space<vmem>>
        %dma_start3A_84 = tpu.memref_slice %arg4[%add3A_79] : memref<163840xi32, #tpu.memory_space<hbm>> -> memref<128xi32, #tpu.memory_space<hbm>>
        %dma_start3A_85 = arith.constant 0 : i32
        %dma_start3A_86 = tpu.memref_slice %arg13[%dma_start3A_80, %dma_start3A_85] : memref<2x128xi32, #tpu.memory_space<vmem>> -> memref<1x128xi32, #tpu.memory_space<vmem>>
        %dma_start3A_87 = tpu.memref_squeeze %dma_start3A_86 : memref<1x128xi32, #tpu.memory_space<vmem>> -> memref<128xi32, #tpu.memory_space<vmem>>
        %dma_start3A_88 = tpu.memref_slice %arg4[%add3A_79] : memref<163840xi32, #tpu.memory_space<hbm>> -> memref<128xi32, #tpu.memory_space<hbm>>
        tpu.enqueue_dma source(%dma_start3A_88 : memref<128xi32, #tpu.memory_space<hbm>>) target(%dma_start3A_87 : memref<128xi32, #tpu.memory_space<vmem>>) target_semaphore(%arg18 : memref<!tpu.dma_semaphore, #tpu.memory_space<semaphore_mem>>)
        %dma_wait3A_89 = arith.constant 0 : i32
        %dma_wait3A_90 = arith.constant 0 : i32
        %dma_wait3A_91 = arith.constant 0 : i32
        %dma_wait3A_92 = tpu.memref_slice %arg14[%dma_wait3A_89, %dma_wait3A_90, %dma_wait3A_91] : memref<2x128x128xf32, #tpu.memory_space<vmem>> -> memref<1x128x128xf32, #tpu.memory_space<vmem>>
        %dma_wait3A_93 = tpu.memref_squeeze %dma_wait3A_92 : memref<1x128x128xf32, #tpu.memory_space<vmem>> -> memref<128x128xf32, #tpu.memory_space<vmem>>
        %dma_wait3A_94 = arith.constant 0 : i32
        %dma_wait3A_95 = tpu.memref_slice %arg12[%dma_wait3A_94] : memref<10240xi32, #tpu.memory_space<vmem>> -> memref<128xi32, #tpu.memory_space<vmem>>
        %dma_wait3A_96 = arith.constant 0 : i32
        %dma_wait3A_97 = arith.constant 0 : i32
        %dma_wait3A_98 = tpu.memref_slice %arg2[%dma_wait3A_96, %dma_wait3A_97] : memref<10240x128xf32, #tpu.memory_space<hbm>> -> memref<10240x128xf32, #tpu.memory_space<hbm>>
        tpu.wait_indirect_dma semaphore(%arg15 : memref<!tpu.dma_semaphore, #tpu.memory_space<semaphore_mem>>) src(%dma_wait3A_98 : memref<10240x128xf32, #tpu.memory_space<hbm>>) dst(%dma_wait3A_93 : memref<128x128xf32, #tpu.memory_space<vmem>>)
        %dma_wait3A_99 = arith.constant 0 : i32
        %dma_wait3A_100 = arith.constant 0 : i32
        %dma_wait3A_101 = tpu.memref_slice %arg13[%dma_wait3A_99, %dma_wait3A_100] : memref<2x128xi32, #tpu.memory_space<vmem>> -> memref<1x128xi32, #tpu.memory_space<vmem>>
        %dma_wait3A_102 = tpu.memref_squeeze %dma_wait3A_101 : memref<1x128xi32, #tpu.memory_space<vmem>> -> memref<128xi32, #tpu.memory_space<vmem>>
        %dma_wait3A_103 = arith.constant 0 : i32
        %dma_wait3A_104 = tpu.memref_slice %arg4[%dma_wait3A_103] : memref<163840xi32, #tpu.memory_space<hbm>> -> memref<128xi32, #tpu.memory_space<hbm>>
        %dma_wait3A_105 = arith.constant 0 : i32
        %dma_wait3A_106 = tpu.memref_slice %arg13[%dma_wait3A_99, %dma_wait3A_105] : memref<2x128xi32, #tpu.memory_space<vmem>> -> memref<1x128xi32, #tpu.memory_space<vmem>>
        %dma_wait3A_107 = tpu.memref_squeeze %dma_wait3A_106 : memref<1x128xi32, #tpu.memory_space<vmem>> -> memref<128xi32, #tpu.memory_space<vmem>>
        %dma_wait3A_108 = arith.constant 0 : i32
        %dma_wait3A_109 = tpu.memref_slice %arg4[%dma_wait3A_108] : memref<163840xi32, #tpu.memory_space<hbm>> -> memref<128xi32, #tpu.memory_space<hbm>>
        tpu.wait_dma2 semaphore(%arg17 : memref<!tpu.dma_semaphore, #tpu.memory_space<semaphore_mem>>) src(%dma_wait3A_109 : memref<128xi32, #tpu.memory_space<hbm>>) dst(%dma_wait3A_107 : memref<128xi32, #tpu.memory_space<vmem>>)
        %run_scoped3A = arith.constant 0 : i32
        %run_scoped3A_110 = arith.constant 0 : i32
        "tpu.region"() ({
          %run_scoped3A_165 = tpu.sem_alloc : memref<!tpu.dma_semaphore, #tpu.memory_space<semaphore_mem>>
          %dma_start3A_166 = arith.constant 0 : i32
          %dma_start3A_167 = arith.constant 0 : i32
          %dma_start3A_168 = tpu.memref_slice %arg14[%run_scoped3A, %dma_start3A_166, %dma_start3A_167] : memref<2x128x128xf32, #tpu.memory_space<vmem>> -> memref<1x128x128xf32, #tpu.memory_space<vmem>>
          %dma_start3A_169 = tpu.memref_squeeze %dma_start3A_168 : memref<1x128x128xf32, #tpu.memory_space<vmem>> -> memref<128x128xf32, #tpu.memory_space<vmem>>
          %dma_start3A_170 = arith.constant 0 : i32
          %dma_start3A_171 = tpu.memref_slice %arg13[%run_scoped3A_110, %dma_start3A_170] : memref<2x128xi32, #tpu.memory_space<vmem>> -> memref<1x128xi32, #tpu.memory_space<vmem>>
          %dma_start3A_172 = tpu.memref_squeeze %dma_start3A_171 : memref<1x128xi32, #tpu.memory_space<vmem>> -> memref<128xi32, #tpu.memory_space<vmem>>
          %dma_start3A_173 = arith.constant 0 : i32
          %dma_start3A_174 = arith.constant 0 : i32
          %dma_start3A_175 = tpu.memref_slice %arg11[%dma_start3A_173, %dma_start3A_174] : memref<10240x128xf32, #tpu.memory_space<vmem_shared>> -> memref<10240x128xf32, #tpu.memory_space<vmem_shared>>
          tpu.enqueue_indirect_dma source(%dma_start3A_169 : memref<128x128xf32, #tpu.memory_space<vmem>>) target(%dma_start3A_175 : memref<10240x128xf32, #tpu.memory_space<vmem_shared>>) offsets(%dma_start3A_172 : memref<128xi32, #tpu.memory_space<vmem>>) semaphore(%run_scoped3A_165 : memref<!tpu.dma_semaphore, #tpu.memory_space<semaphore_mem>>) {add = true}
          %dma_wait3A_176 = arith.constant 0 : i32
          %dma_wait3A_177 = arith.constant 0 : i32
          %dma_wait3A_178 = tpu.memref_slice %arg14[%run_scoped3A, %dma_wait3A_176, %dma_wait3A_177] : memref<2x128x128xf32, #tpu.memory_space<vmem>> -> memref<1x128x128xf32, #tpu.memory_space<vmem>>
          %dma_wait3A_179 = tpu.memref_squeeze %dma_wait3A_178 : memref<1x128x128xf32, #tpu.memory_space<vmem>> -> memref<128x128xf32, #tpu.memory_space<vmem>>
          %dma_wait3A_180 = arith.constant 0 : i32
          %dma_wait3A_181 = tpu.memref_slice %arg13[%run_scoped3A_110, %dma_wait3A_180] : memref<2x128xi32, #tpu.memory_space<vmem>> -> memref<1x128xi32, #tpu.memory_space<vmem>>
          %dma_wait3A_182 = tpu.memref_squeeze %dma_wait3A_181 : memref<1x128xi32, #tpu.memory_space<vmem>> -> memref<128xi32, #tpu.memory_space<vmem>>
          %dma_wait3A_183 = arith.constant 0 : i32
          %dma_wait3A_184 = arith.constant 0 : i32
          %dma_wait3A_185 = tpu.memref_slice %arg11[%dma_wait3A_183, %dma_wait3A_184] : memref<10240x128xf32, #tpu.memory_space<vmem_shared>> -> memref<10240x128xf32, #tpu.memory_space<vmem_shared>>
          tpu.wait_indirect_dma semaphore(%run_scoped3A_165 : memref<!tpu.dma_semaphore, #tpu.memory_space<semaphore_mem>>) src(%dma_wait3A_179 : memref<128x128xf32, #tpu.memory_space<vmem>>) dst(%dma_wait3A_185 : memref<10240x128xf32, #tpu.memory_space<vmem_shared>>)
          tpu.yield
        }) : () -> ()
        %mul3A_111 = arith.constant 2 : i32
        %mul3A_112 = arith.muli %add3A_58, %mul3A_111 : i32
        %add3A_113 = arith.constant 1 : i32
        %add3A_114 = arith.addi %mul3A_112, %add3A_113 : i32
        %add3A_115 = arith.constant 1 : i32
        %add3A_116 = arith.addi %add3A_114, %add3A_115 : i32
        %min3A_117 = arith.constant 79 : i32
        %min3A_118 = arith.minsi %add3A_116, %min3A_117 : i32
        %mul3A_119 = arith.constant 128 : i32
        %mul3A_120 = arith.muli %min3A_118, %mul3A_119 : i32
        %dma_start3A_121 = arith.constant 0 : i32
        %dma_start3A_122 = arith.constant 0 : i32
        %dma_start3A_123 = arith.constant 0 : i32
        %dma_start3A_124 = tpu.memref_slice %arg14[%dma_start3A_121, %dma_start3A_122, %dma_start3A_123] : memref<2x128x128xf32, #tpu.memory_space<vmem>> -> memref<1x128x128xf32, #tpu.memory_space<vmem>>
        %dma_start3A_125 = tpu.memref_squeeze %dma_start3A_124 : memref<1x128x128xf32, #tpu.memory_space<vmem>> -> memref<128x128xf32, #tpu.memory_space<vmem>>
        %dma_start3A_126 = tpu.memref_slice %arg12[%mul3A_120] : memref<10240xi32, #tpu.memory_space<vmem>> -> memref<128xi32, #tpu.memory_space<vmem>>
        %dma_start3A_127 = arith.constant 0 : i32
        %dma_start3A_128 = arith.constant 0 : i32
        %dma_start3A_129 = tpu.memref_slice %arg2[%dma_start3A_127, %dma_start3A_128] : memref<10240x128xf32, #tpu.memory_space<hbm>> -> memref<10240x128xf32, #tpu.memory_space<hbm>>
        tpu.enqueue_indirect_dma source(%dma_start3A_129 : memref<10240x128xf32, #tpu.memory_space<hbm>>) target(%dma_start3A_125 : memref<128x128xf32, #tpu.memory_space<vmem>>) offsets(%dma_start3A_126 : memref<128xi32, #tpu.memory_space<vmem>>) semaphore(%arg15 : memref<!tpu.dma_semaphore, #tpu.memory_space<semaphore_mem>>)
        %mul3A_130 = arith.constant 128 : i32
        %mul3A_131 = arith.muli %min3A_118, %mul3A_130 : i32
        %add3A_132 = arith.addi %mul3A_2, %mul3A_131 : i32
        %dma_start3A_133 = arith.constant 0 : i32
        %dma_start3A_134 = arith.constant 0 : i32
        %dma_start3A_135 = tpu.memref_slice %arg13[%dma_start3A_133, %dma_start3A_134] : memref<2x128xi32, #tpu.memory_space<vmem>> -> memref<1x128xi32, #tpu.memory_space<vmem>>
        %dma_start3A_136 = tpu.memref_squeeze %dma_start3A_135 : memref<1x128xi32, #tpu.memory_space<vmem>> -> memref<128xi32, #tpu.memory_space<vmem>>
        %dma_start3A_137 = tpu.memref_slice %arg4[%add3A_132] : memref<163840xi32, #tpu.memory_space<hbm>> -> memref<128xi32, #tpu.memory_space<hbm>>
        %dma_start3A_138 = arith.constant 0 : i32
        %dma_start3A_139 = tpu.memref_slice %arg13[%dma_start3A_133, %dma_start3A_138] : memref<2x128xi32, #tpu.memory_space<vmem>> -> memref<1x128xi32, #tpu.memory_space<vmem>>
        %dma_start3A_140 = tpu.memref_squeeze %dma_start3A_139 : memref<1x128xi32, #tpu.memory_space<vmem>> -> memref<128xi32, #tpu.memory_space<vmem>>
        %dma_start3A_141 = tpu.memref_slice %arg4[%add3A_132] : memref<163840xi32, #tpu.memory_space<hbm>> -> memref<128xi32, #tpu.memory_space<hbm>>
        tpu.enqueue_dma source(%dma_start3A_141 : memref<128xi32, #tpu.memory_space<hbm>>) target(%dma_start3A_140 : memref<128xi32, #tpu.memory_space<vmem>>) target_semaphore(%arg17 : memref<!tpu.dma_semaphore, #tpu.memory_space<semaphore_mem>>)
        %dma_wait3A_142 = arith.constant 1 : i32
        %dma_wait3A_143 = arith.constant 0 : i32
        %dma_wait3A_144 = arith.constant 0 : i32
        %dma_wait3A_145 = tpu.memref_slice %arg14[%dma_wait3A_142, %dma_wait3A_143, %dma_wait3A_144] : memref<2x128x128xf32, #tpu.memory_space<vmem>> -> memref<1x128x128xf32, #tpu.memory_space<vmem>>
        %dma_wait3A_146 = tpu.memref_squeeze %dma_wait3A_145 : memref<1x128x128xf32, #tpu.memory_space<vmem>> -> memref<128x128xf32, #tpu.memory_space<vmem>>
        %dma_wait3A_147 = arith.constant 0 : i32
        %dma_wait3A_148 = tpu.memref_slice %arg12[%dma_wait3A_147] : memref<10240xi32, #tpu.memory_space<vmem>> -> memref<128xi32, #tpu.memory_space<vmem>>
        %dma_wait3A_149 = arith.constant 0 : i32
        %dma_wait3A_150 = arith.constant 0 : i32
        %dma_wait3A_151 = tpu.memref_slice %arg2[%dma_wait3A_149, %dma_wait3A_150] : memref<10240x128xf32, #tpu.memory_space<hbm>> -> memref<10240x128xf32, #tpu.memory_space<hbm>>
        tpu.wait_indirect_dma semaphore(%arg16 : memref<!tpu.dma_semaphore, #tpu.memory_space<semaphore_mem>>) src(%dma_wait3A_151 : memref<10240x128xf32, #tpu.memory_space<hbm>>) dst(%dma_wait3A_146 : memref<128x128xf32, #tpu.memory_space<vmem>>)
        %dma_wait3A_152 = arith.constant 1 : i32
        %dma_wait3A_153 = arith.constant 0 : i32
        %dma_wait3A_154 = tpu.memref_slice %arg13[%dma_wait3A_152, %dma_wait3A_153] : memref<2x128xi32, #tpu.memory_space<vmem>> -> memref<1x128xi32, #tpu.memory_space<vmem>>
        %dma_wait3A_155 = tpu.memref_squeeze %dma_wait3A_154 : memref<1x128xi32, #tpu.memory_space<vmem>> -> memref<128xi32, #tpu.memory_space<vmem>>
        %dma_wait3A_156 = arith.constant 0 : i32
        %dma_wait3A_157 = tpu.memref_slice %arg4[%dma_wait3A_156] : memref<163840xi32, #tpu.memory_space<hbm>> -> memref<128xi32, #tpu.memory_space<hbm>>
        %dma_wait3A_158 = arith.constant 0 : i32
        %dma_wait3A_159 = tpu.memref_slice %arg13[%dma_wait3A_152, %dma_wait3A_158] : memref<2x128xi32, #tpu.memory_space<vmem>> -> memref<1x128xi32, #tpu.memory_space<vmem>>
        %dma_wait3A_160 = tpu.memref_squeeze %dma_wait3A_159 : memref<1x128xi32, #tpu.memory_space<vmem>> -> memref<128xi32, #tpu.memory_space<vmem>>
        %dma_wait3A_161 = arith.constant 0 : i32
        %dma_wait3A_162 = tpu.memref_slice %arg4[%dma_wait3A_161] : memref<163840xi32, #tpu.memory_space<hbm>> -> memref<128xi32, #tpu.memory_space<hbm>>
        tpu.wait_dma2 semaphore(%arg18 : memref<!tpu.dma_semaphore, #tpu.memory_space<semaphore_mem>>) src(%dma_wait3A_162 : memref<128xi32, #tpu.memory_space<hbm>>) dst(%dma_wait3A_160 : memref<128xi32, #tpu.memory_space<vmem>>)
        %run_scoped3A_163 = arith.constant 1 : i32
        %run_scoped3A_164 = arith.constant 1 : i32
        "tpu.region"() ({
          %run_scoped3A_165 = tpu.sem_alloc : memref<!tpu.dma_semaphore, #tpu.memory_space<semaphore_mem>>
          %dma_start3A_166 = arith.constant 0 : i32
          %dma_start3A_167 = arith.constant 0 : i32
          %dma_start3A_168 = tpu.memref_slice %arg14[%run_scoped3A_163, %dma_start3A_166, %dma_start3A_167] : memref<2x128x128xf32, #tpu.memory_space<vmem>> -> memref<1x128x128xf32, #tpu.memory_space<vmem>>
          %dma_start3A_169 = tpu.memref_squeeze %dma_start3A_168 : memref<1x128x128xf32, #tpu.memory_space<vmem>> -> memref<128x128xf32, #tpu.memory_space<vmem>>
          %dma_start3A_170 = arith.constant 0 : i32
          %dma_start3A_171 = tpu.memref_slice %arg13[%run_scoped3A_164, %dma_start3A_170] : memref<2x128xi32, #tpu.memory_space<vmem>> -> memref<1x128xi32, #tpu.memory_space<vmem>>
          %dma_start3A_172 = tpu.memref_squeeze %dma_start3A_171 : memref<1x128xi32, #tpu.memory_space<vmem>> -> memref<128xi32, #tpu.memory_space<vmem>>
          %dma_start3A_173 = arith.constant 0 : i32
          %dma_start3A_174 = arith.constant 0 : i32
          %dma_start3A_175 = tpu.memref_slice %arg11[%dma_start3A_173, %dma_start3A_174] : memref<10240x128xf32, #tpu.memory_space<vmem_shared>> -> memref<10240x128xf32, #tpu.memory_space<vmem_shared>>
          tpu.enqueue_indirect_dma source(%dma_start3A_169 : memref<128x128xf32, #tpu.memory_space<vmem>>) target(%dma_start3A_175 : memref<10240x128xf32, #tpu.memory_space<vmem_shared>>) offsets(%dma_start3A_172 : memref<128xi32, #tpu.memory_space<vmem>>) semaphore(%run_scoped3A_165 : memref<!tpu.dma_semaphore, #tpu.memory_space<semaphore_mem>>) {add = true}
          %dma_wait3A_176 = arith.constant 0 : i32
          %dma_wait3A_177 = arith.constant 0 : i32
          %dma_wait3A_178 = tpu.memref_slice %arg14[%run_scoped3A_163, %dma_wait3A_176, %dma_wait3A_177] : memref<2x128x128xf32, #tpu.memory_space<vmem>> -> memref<1x128x128xf32, #tpu.memory_space<vmem>>
          %dma_wait3A_179 = tpu.memref_squeeze %dma_wait3A_178 : memref<1x128x128xf32, #tpu.memory_space<vmem>> -> memref<128x128xf32, #tpu.memory_space<vmem>>
          %dma_wait3A_180 = arith.constant 0 : i32
          %dma_wait3A_181 = tpu.memref_slice %arg13[%run_scoped3A_164, %dma_wait3A_180] : memref<2x128xi32, #tpu.memory_space<vmem>> -> memref<1x128xi32, #tpu.memory_space<vmem>>
          %dma_wait3A_182 = tpu.memref_squeeze %dma_wait3A_181 : memref<1x128xi32, #tpu.memory_space<vmem>> -> memref<128xi32, #tpu.memory_space<vmem>>
          %dma_wait3A_183 = arith.constant 0 : i32
          %dma_wait3A_184 = arith.constant 0 : i32
          %dma_wait3A_185 = tpu.memref_slice %arg11[%dma_wait3A_183, %dma_wait3A_184] : memref<10240x128xf32, #tpu.memory_space<vmem_shared>> -> memref<10240x128xf32, #tpu.memory_space<vmem_shared>>
          tpu.wait_indirect_dma semaphore(%run_scoped3A_165 : memref<!tpu.dma_semaphore, #tpu.memory_space<semaphore_mem>>) src(%dma_wait3A_179 : memref<128x128xf32, #tpu.memory_space<vmem>>) dst(%dma_wait3A_185 : memref<10240x128xf32, #tpu.memory_space<vmem_shared>>)
          tpu.yield
        }) : () -> ()
      }
      %scan3A_32 = arith.constant 40 : i32
      %dma_wait3A = arith.constant 0 : i32
      %dma_wait3A_33 = arith.constant 0 : i32
      %dma_wait3A_34 = arith.constant 0 : i32
      %dma_wait3A_35 = tpu.memref_slice %arg14[%dma_wait3A, %dma_wait3A_33, %dma_wait3A_34] : memref<2x128x128xf32, #tpu.memory_space<vmem>> -> memref<1x128x128xf32, #tpu.memory_space<vmem>>
      %dma_wait3A_36 = tpu.memref_squeeze %dma_wait3A_35 : memref<1x128x128xf32, #tpu.memory_space<vmem>> -> memref<128x128xf32, #tpu.memory_space<vmem>>
      %dma_wait3A_37 = arith.constant 0 : i32
      %dma_wait3A_38 = tpu.memref_slice %arg12[%dma_wait3A_37] : memref<10240xi32, #tpu.memory_space<vmem>> -> memref<128xi32, #tpu.memory_space<vmem>>
      %dma_wait3A_39 = arith.constant 0 : i32
      %dma_wait3A_40 = arith.constant 0 : i32
      %dma_wait3A_41 = tpu.memref_slice %arg2[%dma_wait3A_39, %dma_wait3A_40] : memref<10240x128xf32, #tpu.memory_space<hbm>> -> memref<10240x128xf32, #tpu.memory_space<hbm>>
      tpu.wait_indirect_dma semaphore(%arg15 : memref<!tpu.dma_semaphore, #tpu.memory_space<semaphore_mem>>) src(%dma_wait3A_41 : memref<10240x128xf32, #tpu.memory_space<hbm>>) dst(%dma_wait3A_36 : memref<128x128xf32, #tpu.memory_space<vmem>>)
      %dma_wait3A_42 = arith.constant 0 : i32
      %dma_wait3A_43 = arith.constant 0 : i32
      %dma_wait3A_44 = tpu.memref_slice %arg13[%dma_wait3A_42, %dma_wait3A_43] : memref<2x128xi32, #tpu.memory_space<vmem>> -> memref<1x128xi32, #tpu.memory_space<vmem>>
      %dma_wait3A_45 = tpu.memref_squeeze %dma_wait3A_44 : memref<1x128xi32, #tpu.memory_space<vmem>> -> memref<128xi32, #tpu.memory_space<vmem>>
      %dma_wait3A_46 = arith.constant 0 : i32
      %dma_wait3A_47 = tpu.memref_slice %arg4[%dma_wait3A_46] : memref<163840xi32, #tpu.memory_space<hbm>> -> memref<128xi32, #tpu.memory_space<hbm>>
      %dma_wait3A_48 = arith.constant 0 : i32
      %dma_wait3A_49 = tpu.memref_slice %arg13[%dma_wait3A_42, %dma_wait3A_48] : memref<2x128xi32, #tpu.memory_space<vmem>> -> memref<1x128xi32, #tpu.memory_space<vmem>>
      %dma_wait3A_50 = tpu.memref_squeeze %dma_wait3A_49 : memref<1x128xi32, #tpu.memory_space<vmem>> -> memref<128xi32, #tpu.memory_space<vmem>>
      %dma_wait3A_51 = arith.constant 0 : i32
      %dma_wait3A_52 = tpu.memref_slice %arg4[%dma_wait3A_51] : memref<163840xi32, #tpu.memory_space<hbm>> -> memref<128xi32, #tpu.memory_space<hbm>>
      tpu.wait_dma2 semaphore(%arg17 : memref<!tpu.dma_semaphore, #tpu.memory_space<semaphore_mem>>) src(%dma_wait3A_52 : memref<128xi32, #tpu.memory_space<hbm>>) dst(%dma_wait3A_50 : memref<128xi32, #tpu.memory_space<vmem>>)
      %barrier3A_53 = arith.constant 0 : index
      tpu.barrier barrier_id(%barrier3A_53)
      "tpu.region"() ({
        %run_scoped3A = tpu.sem_alloc : memref<!tpu.dma_semaphore, #tpu.memory_space<semaphore_mem>>
        %dma_start3A_54 = arith.constant 0 : i32
        %dma_start3A_55 = tpu.memref_slice %arg9[%mul3A_0, %dma_start3A_54] : memref<10240x128xf32, #tpu.memory_space<hbm>> -> memref<640x128xf32, #tpu.memory_space<hbm>>
        %dma_start3A_56 = arith.constant 0 : i32
        %dma_start3A_57 = tpu.memref_slice %arg11[%mul3A_0, %dma_start3A_56] : memref<10240x128xf32, #tpu.memory_space<vmem_shared>> -> memref<640x128xf32, #tpu.memory_space<vmem_shared>>
        tpu.enqueue_dma source(%dma_start3A_57 : memref<640x128xf32, #tpu.memory_space<vmem_shared>>) target(%dma_start3A_55 : memref<640x128xf32, #tpu.memory_space<hbm>>) target_semaphore(%run_scoped3A : memref<!tpu.dma_semaphore, #tpu.memory_space<semaphore_mem>>)
        %dma_wait3A_58 = arith.constant 0 : i32
        %dma_wait3A_59 = tpu.memref_slice %arg9[%mul3A_0, %dma_wait3A_58] : memref<10240x128xf32, #tpu.memory_space<hbm>> -> memref<640x128xf32, #tpu.memory_space<hbm>>
        %dma_wait3A_60 = arith.constant 0 : i32
        %dma_wait3A_61 = tpu.memref_slice %arg11[%mul3A_0, %dma_wait3A_60] : memref<10240x128xf32, #tpu.memory_space<vmem_shared>> -> memref<640x128xf32, #tpu.memory_space<vmem_shared>>
        tpu.wait_dma2 semaphore(%run_scoped3A : memref<!tpu.dma_semaphore, #tpu.memory_space<semaphore_mem>>) src(%dma_wait3A_61 : memref<640x128xf32, #tpu.memory_space<vmem_shared>>) dst(%dma_wait3A_59 : memref<640x128xf32, #tpu.memory_space<hbm>>)
        tpu.yield
      }) : () -> ()
    } else {
    }
    %eq3A_5 = arith.constant 1 : i32
    %eq3A_6 = arith.cmpi eq, %arg0, %eq3A_5 : i32
    %convert_element_type3A_7 = arith.extui %eq3A_6 : i1 to i32
    %cond3A_8 = arith.constant 0 : i32
    %cond3A_9 = arith.cmpi ne, %convert_element_type3A_7, %cond3A_8 : i32
    scf.if %cond3A_9 {
      "tpu.region"() ({
        %run_scoped3A = tpu.sem_alloc : memref<!tpu.dma_semaphore, #tpu.memory_space<semaphore_mem>>
        %dma_start3A_54 = tpu.memref_slice %arg6[%mul3A_2] : memref<163840xi32, #tpu.memory_space<hbm>> -> memref<10240xi32, #tpu.memory_space<hbm>>
        %dma_start3A_55 = tpu.memref_slice %arg6[%mul3A_2] : memref<163840xi32, #tpu.memory_space<hbm>> -> memref<10240xi32, #tpu.memory_space<hbm>>
        tpu.enqueue_dma source(%dma_start3A_55 : memref<10240xi32, #tpu.memory_space<hbm>>) target(%arg12 : memref<10240xi32, #tpu.memory_space<vmem>>) target_semaphore(%run_scoped3A : memref<!tpu.dma_semaphore, #tpu.memory_space<semaphore_mem>>)
        %dma_wait3A_56 = tpu.memref_slice %arg6[%mul3A_2] : memref<163840xi32, #tpu.memory_space<hbm>> -> memref<10240xi32, #tpu.memory_space<hbm>>
        %dma_wait3A_57 = tpu.memref_slice %arg6[%mul3A_2] : memref<163840xi32, #tpu.memory_space<hbm>> -> memref<10240xi32, #tpu.memory_space<hbm>>
        tpu.wait_dma2 semaphore(%run_scoped3A : memref<!tpu.dma_semaphore, #tpu.memory_space<semaphore_mem>>) src(%dma_wait3A_57 : memref<10240xi32, #tpu.memory_space<hbm>>) dst(%arg12 : memref<10240xi32, #tpu.memory_space<vmem>>)
        tpu.yield
      }) : () -> ()
      "tpu.region"() ({
        %run_scoped3A = tpu.sem_alloc : memref<!tpu.dma_semaphore, #tpu.memory_space<semaphore_mem>>
        %dma_start3A_54 = arith.constant 0 : i32
        %dma_start3A_55 = tpu.memref_slice %arg11[%mul3A_0, %dma_start3A_54] : memref<10240x128xf32, #tpu.memory_space<vmem_shared>> -> memref<640x128xf32, #tpu.memory_space<vmem_shared>>
        tpu.enqueue_dma source(%arg8 : memref<640x128xf32, #tpu.memory_space<hbm>>) target(%dma_start3A_55 : memref<640x128xf32, #tpu.memory_space<vmem_shared>>) target_semaphore(%run_scoped3A : memref<!tpu.dma_semaphore, #tpu.memory_space<semaphore_mem>>)
        %dma_wait3A_56 = arith.constant 0 : i32
        %dma_wait3A_57 = tpu.memref_slice %arg11[%mul3A_0, %dma_wait3A_56] : memref<10240x128xf32, #tpu.memory_space<vmem_shared>> -> memref<640x128xf32, #tpu.memory_space<vmem_shared>>
        tpu.wait_dma2 semaphore(%run_scoped3A : memref<!tpu.dma_semaphore, #tpu.memory_space<semaphore_mem>>) src(%arg8 : memref<640x128xf32, #tpu.memory_space<hbm>>) dst(%dma_wait3A_57 : memref<640x128xf32, #tpu.memory_space<vmem_shared>>)
        tpu.yield
      }) : () -> ()
      %barrier3A = arith.constant 0 : index
      tpu.barrier barrier_id(%barrier3A)
      %dma_start3A = arith.constant 0 : i32
      %dma_start3A_10 = arith.constant 0 : i32
      %dma_start3A_11 = arith.constant 0 : i32
      %dma_start3A_12 = tpu.memref_slice %arg14[%dma_start3A, %dma_start3A_10, %dma_start3A_11] : memref<2x128x128xf32, #tpu.memory_space<vmem>> -> memref<1x128x128xf32, #tpu.memory_space<vmem>>
      %dma_start3A_13 = tpu.memref_squeeze %dma_start3A_12 : memref<1x128x128xf32, #tpu.memory_space<vmem>> -> memref<128x128xf32, #tpu.memory_space<vmem>>
      %dma_start3A_14 = arith.constant 0 : i32
      %dma_start3A_15 = tpu.memref_slice %arg12[%dma_start3A_14] : memref<10240xi32, #tpu.memory_space<vmem>> -> memref<128xi32, #tpu.memory_space<vmem>>
      %dma_start3A_16 = arith.constant 0 : i32
      %dma_start3A_17 = arith.constant 0 : i32
      %dma_start3A_18 = tpu.memref_slice %arg5[%dma_start3A_16, %dma_start3A_17] : memref<10240x128xf32, #tpu.memory_space<hbm>> -> memref<10240x128xf32, #tpu.memory_space<hbm>>
      tpu.enqueue_indirect_dma source(%dma_start3A_18 : memref<10240x128xf32, #tpu.memory_space<hbm>>) target(%dma_start3A_13 : memref<128x128xf32, #tpu.memory_space<vmem>>) offsets(%dma_start3A_15 : memref<128xi32, #tpu.memory_space<vmem>>) semaphore(%arg15 : memref<!tpu.dma_semaphore, #tpu.memory_space<semaphore_mem>>)
      %add3A = arith.constant 0 : i32
      %add3A_19 = arith.addi %mul3A_2, %add3A : i32
      %dma_start3A_20 = arith.constant 0 : i32
      %dma_start3A_21 = arith.constant 0 : i32
      %dma_start3A_22 = tpu.memref_slice %arg13[%dma_start3A_20, %dma_start3A_21] : memref<2x128xi32, #tpu.memory_space<vmem>> -> memref<1x128xi32, #tpu.memory_space<vmem>>
      %dma_start3A_23 = tpu.memref_squeeze %dma_start3A_22 : memref<1x128xi32, #tpu.memory_space<vmem>> -> memref<128xi32, #tpu.memory_space<vmem>>
      %dma_start3A_24 = tpu.memref_slice %arg7[%add3A_19] : memref<163840xi32, #tpu.memory_space<hbm>> -> memref<128xi32, #tpu.memory_space<hbm>>
      %dma_start3A_25 = arith.constant 0 : i32
      %dma_start3A_26 = tpu.memref_slice %arg13[%dma_start3A_20, %dma_start3A_25] : memref<2x128xi32, #tpu.memory_space<vmem>> -> memref<1x128xi32, #tpu.memory_space<vmem>>
      %dma_start3A_27 = tpu.memref_squeeze %dma_start3A_26 : memref<1x128xi32, #tpu.memory_space<vmem>> -> memref<128xi32, #tpu.memory_space<vmem>>
      %dma_start3A_28 = tpu.memref_slice %arg7[%add3A_19] : memref<163840xi32, #tpu.memory_space<hbm>> -> memref<128xi32, #tpu.memory_space<hbm>>
      tpu.enqueue_dma source(%dma_start3A_28 : memref<128xi32, #tpu.memory_space<hbm>>) target(%dma_start3A_27 : memref<128xi32, #tpu.memory_space<vmem>>) target_semaphore(%arg17 : memref<!tpu.dma_semaphore, #tpu.memory_space<semaphore_mem>>)
      %scan3A = arith.constant 0 : i32
      %scan3A_29 = arith.constant 40 : i32
      %scan3A_30 = arith.addi %scan3A, %scan3A_29 : i32
      %scan3A_31 = arith.constant 1 : i32
      scf.for %scan3A_54 = %scan3A to %scan3A_30 step %scan3A_31  : i32 {
        %mul3A_55 = arith.constant 1 : i32
        %mul3A_56 = arith.muli %scan3A_54, %mul3A_55 : i32
        %add3A_57 = arith.constant 0 : i32
        %add3A_58 = arith.addi %add3A_57, %mul3A_56 : i32
        %mul3A_59 = arith.constant 2 : i32
        %mul3A_60 = arith.muli %add3A_58, %mul3A_59 : i32
        %add3A_61 = arith.constant 0 : i32
        %add3A_62 = arith.addi %mul3A_60, %add3A_61 : i32
        %add3A_63 = arith.constant 1 : i32
        %add3A_64 = arith.addi %add3A_62, %add3A_63 : i32
        %min3A = arith.constant 79 : i32
        %min3A_65 = arith.minsi %add3A_64, %min3A : i32
        %mul3A_66 = arith.constant 128 : i32
        %mul3A_67 = arith.muli %min3A_65, %mul3A_66 : i32
        %dma_start3A_68 = arith.constant 1 : i32
        %dma_start3A_69 = arith.constant 0 : i32
        %dma_start3A_70 = arith.constant 0 : i32
        %dma_start3A_71 = tpu.memref_slice %arg14[%dma_start3A_68, %dma_start3A_69, %dma_start3A_70] : memref<2x128x128xf32, #tpu.memory_space<vmem>> -> memref<1x128x128xf32, #tpu.memory_space<vmem>>
        %dma_start3A_72 = tpu.memref_squeeze %dma_start3A_71 : memref<1x128x128xf32, #tpu.memory_space<vmem>> -> memref<128x128xf32, #tpu.memory_space<vmem>>
        %dma_start3A_73 = tpu.memref_slice %arg12[%mul3A_67] : memref<10240xi32, #tpu.memory_space<vmem>> -> memref<128xi32, #tpu.memory_space<vmem>>
        %dma_start3A_74 = arith.constant 0 : i32
        %dma_start3A_75 = arith.constant 0 : i32
        %dma_start3A_76 = tpu.memref_slice %arg5[%dma_start3A_74, %dma_start3A_75] : memref<10240x128xf32, #tpu.memory_space<hbm>> -> memref<10240x128xf32, #tpu.memory_space<hbm>>
        tpu.enqueue_indirect_dma source(%dma_start3A_76 : memref<10240x128xf32, #tpu.memory_space<hbm>>) target(%dma_start3A_72 : memref<128x128xf32, #tpu.memory_space<vmem>>) offsets(%dma_start3A_73 : memref<128xi32, #tpu.memory_space<vmem>>) semaphore(%arg16 : memref<!tpu.dma_semaphore, #tpu.memory_space<semaphore_mem>>)
        %mul3A_77 = arith.constant 128 : i32
        %mul3A_78 = arith.muli %min3A_65, %mul3A_77 : i32
        %add3A_79 = arith.addi %mul3A_2, %mul3A_78 : i32
        %dma_start3A_80 = arith.constant 1 : i32
        %dma_start3A_81 = arith.constant 0 : i32
        %dma_start3A_82 = tpu.memref_slice %arg13[%dma_start3A_80, %dma_start3A_81] : memref<2x128xi32, #tpu.memory_space<vmem>> -> memref<1x128xi32, #tpu.memory_space<vmem>>
        %dma_start3A_83 = tpu.memref_squeeze %dma_start3A_82 : memref<1x128xi32, #tpu.memory_space<vmem>> -> memref<128xi32, #tpu.memory_space<vmem>>
        %dma_start3A_84 = tpu.memref_slice %arg7[%add3A_79] : memref<163840xi32, #tpu.memory_space<hbm>> -> memref<128xi32, #tpu.memory_space<hbm>>
        %dma_start3A_85 = arith.constant 0 : i32
        %dma_start3A_86 = tpu.memref_slice %arg13[%dma_start3A_80, %dma_start3A_85] : memref<2x128xi32, #tpu.memory_space<vmem>> -> memref<1x128xi32, #tpu.memory_space<vmem>>
        %dma_start3A_87 = tpu.memref_squeeze %dma_start3A_86 : memref<1x128xi32, #tpu.memory_space<vmem>> -> memref<128xi32, #tpu.memory_space<vmem>>
        %dma_start3A_88 = tpu.memref_slice %arg7[%add3A_79] : memref<163840xi32, #tpu.memory_space<hbm>> -> memref<128xi32, #tpu.memory_space<hbm>>
        tpu.enqueue_dma source(%dma_start3A_88 : memref<128xi32, #tpu.memory_space<hbm>>) target(%dma_start3A_87 : memref<128xi32, #tpu.memory_space<vmem>>) target_semaphore(%arg18 : memref<!tpu.dma_semaphore, #tpu.memory_space<semaphore_mem>>)
        %dma_wait3A_89 = arith.constant 0 : i32
        %dma_wait3A_90 = arith.constant 0 : i32
        %dma_wait3A_91 = arith.constant 0 : i32
        %dma_wait3A_92 = tpu.memref_slice %arg14[%dma_wait3A_89, %dma_wait3A_90, %dma_wait3A_91] : memref<2x128x128xf32, #tpu.memory_space<vmem>> -> memref<1x128x128xf32, #tpu.memory_space<vmem>>
        %dma_wait3A_93 = tpu.memref_squeeze %dma_wait3A_92 : memref<1x128x128xf32, #tpu.memory_space<vmem>> -> memref<128x128xf32, #tpu.memory_space<vmem>>
        %dma_wait3A_94 = arith.constant 0 : i32
        %dma_wait3A_95 = tpu.memref_slice %arg12[%dma_wait3A_94] : memref<10240xi32, #tpu.memory_space<vmem>> -> memref<128xi32, #tpu.memory_space<vmem>>
        %dma_wait3A_96 = arith.constant 0 : i32
        %dma_wait3A_97 = arith.constant 0 : i32
        %dma_wait3A_98 = tpu.memref_slice %arg5[%dma_wait3A_96, %dma_wait3A_97] : memref<10240x128xf32, #tpu.memory_space<hbm>> -> memref<10240x128xf32, #tpu.memory_space<hbm>>
        tpu.wait_indirect_dma semaphore(%arg15 : memref<!tpu.dma_semaphore, #tpu.memory_space<semaphore_mem>>) src(%dma_wait3A_98 : memref<10240x128xf32, #tpu.memory_space<hbm>>) dst(%dma_wait3A_93 : memref<128x128xf32, #tpu.memory_space<vmem>>)
        %dma_wait3A_99 = arith.constant 0 : i32
        %dma_wait3A_100 = arith.constant 0 : i32
        %dma_wait3A_101 = tpu.memref_slice %arg13[%dma_wait3A_99, %dma_wait3A_100] : memref<2x128xi32, #tpu.memory_space<vmem>> -> memref<1x128xi32, #tpu.memory_space<vmem>>
        %dma_wait3A_102 = tpu.memref_squeeze %dma_wait3A_101 : memref<1x128xi32, #tpu.memory_space<vmem>> -> memref<128xi32, #tpu.memory_space<vmem>>
        %dma_wait3A_103 = arith.constant 0 : i32
        %dma_wait3A_104 = tpu.memref_slice %arg7[%dma_wait3A_103] : memref<163840xi32, #tpu.memory_space<hbm>> -> memref<128xi32, #tpu.memory_space<hbm>>
        %dma_wait3A_105 = arith.constant 0 : i32
        %dma_wait3A_106 = tpu.memref_slice %arg13[%dma_wait3A_99, %dma_wait3A_105] : memref<2x128xi32, #tpu.memory_space<vmem>> -> memref<1x128xi32, #tpu.memory_space<vmem>>
        %dma_wait3A_107 = tpu.memref_squeeze %dma_wait3A_106 : memref<1x128xi32, #tpu.memory_space<vmem>> -> memref<128xi32, #tpu.memory_space<vmem>>
        %dma_wait3A_108 = arith.constant 0 : i32
        %dma_wait3A_109 = tpu.memref_slice %arg7[%dma_wait3A_108] : memref<163840xi32, #tpu.memory_space<hbm>> -> memref<128xi32, #tpu.memory_space<hbm>>
        tpu.wait_dma2 semaphore(%arg17 : memref<!tpu.dma_semaphore, #tpu.memory_space<semaphore_mem>>) src(%dma_wait3A_109 : memref<128xi32, #tpu.memory_space<hbm>>) dst(%dma_wait3A_107 : memref<128xi32, #tpu.memory_space<vmem>>)
        %run_scoped3A = arith.constant 0 : i32
        %run_scoped3A_110 = arith.constant 0 : i32
        "tpu.region"() ({
          %run_scoped3A_165 = tpu.sem_alloc : memref<!tpu.dma_semaphore, #tpu.memory_space<semaphore_mem>>
          %dma_start3A_166 = arith.constant 0 : i32
          %dma_start3A_167 = arith.constant 0 : i32
          %dma_start3A_168 = tpu.memref_slice %arg14[%run_scoped3A, %dma_start3A_166, %dma_start3A_167] : memref<2x128x128xf32, #tpu.memory_space<vmem>> -> memref<1x128x128xf32, #tpu.memory_space<vmem>>
          %dma_start3A_169 = tpu.memref_squeeze %dma_start3A_168 : memref<1x128x128xf32, #tpu.memory_space<vmem>> -> memref<128x128xf32, #tpu.memory_space<vmem>>
          %dma_start3A_170 = arith.constant 0 : i32
          %dma_start3A_171 = tpu.memref_slice %arg13[%run_scoped3A_110, %dma_start3A_170] : memref<2x128xi32, #tpu.memory_space<vmem>> -> memref<1x128xi32, #tpu.memory_space<vmem>>
          %dma_start3A_172 = tpu.memref_squeeze %dma_start3A_171 : memref<1x128xi32, #tpu.memory_space<vmem>> -> memref<128xi32, #tpu.memory_space<vmem>>
          %dma_start3A_173 = arith.constant 0 : i32
          %dma_start3A_174 = arith.constant 0 : i32
          %dma_start3A_175 = tpu.memref_slice %arg11[%dma_start3A_173, %dma_start3A_174] : memref<10240x128xf32, #tpu.memory_space<vmem_shared>> -> memref<10240x128xf32, #tpu.memory_space<vmem_shared>>
          tpu.enqueue_indirect_dma source(%dma_start3A_169 : memref<128x128xf32, #tpu.memory_space<vmem>>) target(%dma_start3A_175 : memref<10240x128xf32, #tpu.memory_space<vmem_shared>>) offsets(%dma_start3A_172 : memref<128xi32, #tpu.memory_space<vmem>>) semaphore(%run_scoped3A_165 : memref<!tpu.dma_semaphore, #tpu.memory_space<semaphore_mem>>) {add = true}
          %dma_wait3A_176 = arith.constant 0 : i32
          %dma_wait3A_177 = arith.constant 0 : i32
          %dma_wait3A_178 = tpu.memref_slice %arg14[%run_scoped3A, %dma_wait3A_176, %dma_wait3A_177] : memref<2x128x128xf32, #tpu.memory_space<vmem>> -> memref<1x128x128xf32, #tpu.memory_space<vmem>>
          %dma_wait3A_179 = tpu.memref_squeeze %dma_wait3A_178 : memref<1x128x128xf32, #tpu.memory_space<vmem>> -> memref<128x128xf32, #tpu.memory_space<vmem>>
          %dma_wait3A_180 = arith.constant 0 : i32
          %dma_wait3A_181 = tpu.memref_slice %arg13[%run_scoped3A_110, %dma_wait3A_180] : memref<2x128xi32, #tpu.memory_space<vmem>> -> memref<1x128xi32, #tpu.memory_space<vmem>>
          %dma_wait3A_182 = tpu.memref_squeeze %dma_wait3A_181 : memref<1x128xi32, #tpu.memory_space<vmem>> -> memref<128xi32, #tpu.memory_space<vmem>>
          %dma_wait3A_183 = arith.constant 0 : i32
          %dma_wait3A_184 = arith.constant 0 : i32
          %dma_wait3A_185 = tpu.memref_slice %arg11[%dma_wait3A_183, %dma_wait3A_184] : memref<10240x128xf32, #tpu.memory_space<vmem_shared>> -> memref<10240x128xf32, #tpu.memory_space<vmem_shared>>
          tpu.wait_indirect_dma semaphore(%run_scoped3A_165 : memref<!tpu.dma_semaphore, #tpu.memory_space<semaphore_mem>>) src(%dma_wait3A_179 : memref<128x128xf32, #tpu.memory_space<vmem>>) dst(%dma_wait3A_185 : memref<10240x128xf32, #tpu.memory_space<vmem_shared>>)
          tpu.yield
        }) : () -> ()
        %mul3A_111 = arith.constant 2 : i32
        %mul3A_112 = arith.muli %add3A_58, %mul3A_111 : i32
        %add3A_113 = arith.constant 1 : i32
        %add3A_114 = arith.addi %mul3A_112, %add3A_113 : i32
        %add3A_115 = arith.constant 1 : i32
        %add3A_116 = arith.addi %add3A_114, %add3A_115 : i32
        %min3A_117 = arith.constant 79 : i32
        %min3A_118 = arith.minsi %add3A_116, %min3A_117 : i32
        %mul3A_119 = arith.constant 128 : i32
        %mul3A_120 = arith.muli %min3A_118, %mul3A_119 : i32
        %dma_start3A_121 = arith.constant 0 : i32
        %dma_start3A_122 = arith.constant 0 : i32
        %dma_start3A_123 = arith.constant 0 : i32
        %dma_start3A_124 = tpu.memref_slice %arg14[%dma_start3A_121, %dma_start3A_122, %dma_start3A_123] : memref<2x128x128xf32, #tpu.memory_space<vmem>> -> memref<1x128x128xf32, #tpu.memory_space<vmem>>
        %dma_start3A_125 = tpu.memref_squeeze %dma_start3A_124 : memref<1x128x128xf32, #tpu.memory_space<vmem>> -> memref<128x128xf32, #tpu.memory_space<vmem>>
        %dma_start3A_126 = tpu.memref_slice %arg12[%mul3A_120] : memref<10240xi32, #tpu.memory_space<vmem>> -> memref<128xi32, #tpu.memory_space<vmem>>
        %dma_start3A_127 = arith.constant 0 : i32
        %dma_start3A_128 = arith.constant 0 : i32
        %dma_start3A_129 = tpu.memref_slice %arg5[%dma_start3A_127, %dma_start3A_128] : memref<10240x128xf32, #tpu.memory_space<hbm>> -> memref<10240x128xf32, #tpu.memory_space<hbm>>
        tpu.enqueue_indirect_dma source(%dma_start3A_129 : memref<10240x128xf32, #tpu.memory_space<hbm>>) target(%dma_start3A_125 : memref<128x128xf32, #tpu.memory_space<vmem>>) offsets(%dma_start3A_126 : memref<128xi32, #tpu.memory_space<vmem>>) semaphore(%arg15 : memref<!tpu.dma_semaphore, #tpu.memory_space<semaphore_mem>>)
        %mul3A_130 = arith.constant 128 : i32
        %mul3A_131 = arith.muli %min3A_118, %mul3A_130 : i32
        %add3A_132 = arith.addi %mul3A_2, %mul3A_131 : i32
        %dma_start3A_133 = arith.constant 0 : i32
        %dma_start3A_134 = arith.constant 0 : i32
        %dma_start3A_135 = tpu.memref_slice %arg13[%dma_start3A_133, %dma_start3A_134] : memref<2x128xi32, #tpu.memory_space<vmem>> -> memref<1x128xi32, #tpu.memory_space<vmem>>
        %dma_start3A_136 = tpu.memref_squeeze %dma_start3A_135 : memref<1x128xi32, #tpu.memory_space<vmem>> -> memref<128xi32, #tpu.memory_space<vmem>>
        %dma_start3A_137 = tpu.memref_slice %arg7[%add3A_132] : memref<163840xi32, #tpu.memory_space<hbm>> -> memref<128xi32, #tpu.memory_space<hbm>>
        %dma_start3A_138 = arith.constant 0 : i32
        %dma_start3A_139 = tpu.memref_slice %arg13[%dma_start3A_133, %dma_start3A_138] : memref<2x128xi32, #tpu.memory_space<vmem>> -> memref<1x128xi32, #tpu.memory_space<vmem>>
        %dma_start3A_140 = tpu.memref_squeeze %dma_start3A_139 : memref<1x128xi32, #tpu.memory_space<vmem>> -> memref<128xi32, #tpu.memory_space<vmem>>
        %dma_start3A_141 = tpu.memref_slice %arg7[%add3A_132] : memref<163840xi32, #tpu.memory_space<hbm>> -> memref<128xi32, #tpu.memory_space<hbm>>
        tpu.enqueue_dma source(%dma_start3A_141 : memref<128xi32, #tpu.memory_space<hbm>>) target(%dma_start3A_140 : memref<128xi32, #tpu.memory_space<vmem>>) target_semaphore(%arg17 : memref<!tpu.dma_semaphore, #tpu.memory_space<semaphore_mem>>)
        %dma_wait3A_142 = arith.constant 1 : i32
        %dma_wait3A_143 = arith.constant 0 : i32
        %dma_wait3A_144 = arith.constant 0 : i32
        %dma_wait3A_145 = tpu.memref_slice %arg14[%dma_wait3A_142, %dma_wait3A_143, %dma_wait3A_144] : memref<2x128x128xf32, #tpu.memory_space<vmem>> -> memref<1x128x128xf32, #tpu.memory_space<vmem>>
        %dma_wait3A_146 = tpu.memref_squeeze %dma_wait3A_145 : memref<1x128x128xf32, #tpu.memory_space<vmem>> -> memref<128x128xf32, #tpu.memory_space<vmem>>
        %dma_wait3A_147 = arith.constant 0 : i32
        %dma_wait3A_148 = tpu.memref_slice %arg12[%dma_wait3A_147] : memref<10240xi32, #tpu.memory_space<vmem>> -> memref<128xi32, #tpu.memory_space<vmem>>
        %dma_wait3A_149 = arith.constant 0 : i32
        %dma_wait3A_150 = arith.constant 0 : i32
        %dma_wait3A_151 = tpu.memref_slice %arg5[%dma_wait3A_149, %dma_wait3A_150] : memref<10240x128xf32, #tpu.memory_space<hbm>> -> memref<10240x128xf32, #tpu.memory_space<hbm>>
        tpu.wait_indirect_dma semaphore(%arg16 : memref<!tpu.dma_semaphore, #tpu.memory_space<semaphore_mem>>) src(%dma_wait3A_151 : memref<10240x128xf32, #tpu.memory_space<hbm>>) dst(%dma_wait3A_146 : memref<128x128xf32, #tpu.memory_space<vmem>>)
        %dma_wait3A_152 = arith.constant 1 : i32
        %dma_wait3A_153 = arith.constant 0 : i32
        %dma_wait3A_154 = tpu.memref_slice %arg13[%dma_wait3A_152, %dma_wait3A_153] : memref<2x128xi32, #tpu.memory_space<vmem>> -> memref<1x128xi32, #tpu.memory_space<vmem>>
        %dma_wait3A_155 = tpu.memref_squeeze %dma_wait3A_154 : memref<1x128xi32, #tpu.memory_space<vmem>> -> memref<128xi32, #tpu.memory_space<vmem>>
        %dma_wait3A_156 = arith.constant 0 : i32
        %dma_wait3A_157 = tpu.memref_slice %arg7[%dma_wait3A_156] : memref<163840xi32, #tpu.memory_space<hbm>> -> memref<128xi32, #tpu.memory_space<hbm>>
        %dma_wait3A_158 = arith.constant 0 : i32
        %dma_wait3A_159 = tpu.memref_slice %arg13[%dma_wait3A_152, %dma_wait3A_158] : memref<2x128xi32, #tpu.memory_space<vmem>> -> memref<1x128xi32, #tpu.memory_space<vmem>>
        %dma_wait3A_160 = tpu.memref_squeeze %dma_wait3A_159 : memref<1x128xi32, #tpu.memory_space<vmem>> -> memref<128xi32, #tpu.memory_space<vmem>>
        %dma_wait3A_161 = arith.constant 0 : i32
        %dma_wait3A_162 = tpu.memref_slice %arg7[%dma_wait3A_161] : memref<163840xi32, #tpu.memory_space<hbm>> -> memref<128xi32, #tpu.memory_space<hbm>>
        tpu.wait_dma2 semaphore(%arg18 : memref<!tpu.dma_semaphore, #tpu.memory_space<semaphore_mem>>) src(%dma_wait3A_162 : memref<128xi32, #tpu.memory_space<hbm>>) dst(%dma_wait3A_160 : memref<128xi32, #tpu.memory_space<vmem>>)
        %run_scoped3A_163 = arith.constant 1 : i32
        %run_scoped3A_164 = arith.constant 1 : i32
        "tpu.region"() ({
          %run_scoped3A_165 = tpu.sem_alloc : memref<!tpu.dma_semaphore, #tpu.memory_space<semaphore_mem>>
          %dma_start3A_166 = arith.constant 0 : i32
          %dma_start3A_167 = arith.constant 0 : i32
          %dma_start3A_168 = tpu.memref_slice %arg14[%run_scoped3A_163, %dma_start3A_166, %dma_start3A_167] : memref<2x128x128xf32, #tpu.memory_space<vmem>> -> memref<1x128x128xf32, #tpu.memory_space<vmem>>
          %dma_start3A_169 = tpu.memref_squeeze %dma_start3A_168 : memref<1x128x128xf32, #tpu.memory_space<vmem>> -> memref<128x128xf32, #tpu.memory_space<vmem>>
          %dma_start3A_170 = arith.constant 0 : i32
          %dma_start3A_171 = tpu.memref_slice %arg13[%run_scoped3A_164, %dma_start3A_170] : memref<2x128xi32, #tpu.memory_space<vmem>> -> memref<1x128xi32, #tpu.memory_space<vmem>>
          %dma_start3A_172 = tpu.memref_squeeze %dma_start3A_171 : memref<1x128xi32, #tpu.memory_space<vmem>> -> memref<128xi32, #tpu.memory_space<vmem>>
          %dma_start3A_173 = arith.constant 0 : i32
          %dma_start3A_174 = arith.constant 0 : i32
          %dma_start3A_175 = tpu.memref_slice %arg11[%dma_start3A_173, %dma_start3A_174] : memref<10240x128xf32, #tpu.memory_space<vmem_shared>> -> memref<10240x128xf32, #tpu.memory_space<vmem_shared>>
          tpu.enqueue_indirect_dma source(%dma_start3A_169 : memref<128x128xf32, #tpu.memory_space<vmem>>) target(%dma_start3A_175 : memref<10240x128xf32, #tpu.memory_space<vmem_shared>>) offsets(%dma_start3A_172 : memref<128xi32, #tpu.memory_space<vmem>>) semaphore(%run_scoped3A_165 : memref<!tpu.dma_semaphore, #tpu.memory_space<semaphore_mem>>) {add = true}
          %dma_wait3A_176 = arith.constant 0 : i32
          %dma_wait3A_177 = arith.constant 0 : i32
          %dma_wait3A_178 = tpu.memref_slice %arg14[%run_scoped3A_163, %dma_wait3A_176, %dma_wait3A_177] : memref<2x128x128xf32, #tpu.memory_space<vmem>> -> memref<1x128x128xf32, #tpu.memory_space<vmem>>
          %dma_wait3A_179 = tpu.memref_squeeze %dma_wait3A_178 : memref<1x128x128xf32, #tpu.memory_space<vmem>> -> memref<128x128xf32, #tpu.memory_space<vmem>>
          %dma_wait3A_180 = arith.constant 0 : i32
          %dma_wait3A_181 = tpu.memref_slice %arg13[%run_scoped3A_164, %dma_wait3A_180] : memref<2x128xi32, #tpu.memory_space<vmem>> -> memref<1x128xi32, #tpu.memory_space<vmem>>
          %dma_wait3A_182 = tpu.memref_squeeze %dma_wait3A_181 : memref<1x128xi32, #tpu.memory_space<vmem>> -> memref<128xi32, #tpu.memory_space<vmem>>
          %dma_wait3A_183 = arith.constant 0 : i32
          %dma_wait3A_184 = arith.constant 0 : i32
          %dma_wait3A_185 = tpu.memref_slice %arg11[%dma_wait3A_183, %dma_wait3A_184] : memref<10240x128xf32, #tpu.memory_space<vmem_shared>> -> memref<10240x128xf32, #tpu.memory_space<vmem_shared>>
          tpu.wait_indirect_dma semaphore(%run_scoped3A_165 : memref<!tpu.dma_semaphore, #tpu.memory_space<semaphore_mem>>) src(%dma_wait3A_179 : memref<128x128xf32, #tpu.memory_space<vmem>>) dst(%dma_wait3A_185 : memref<10240x128xf32, #tpu.memory_space<vmem_shared>>)
          tpu.yield
        }) : () -> ()
      }
      %scan3A_32 = arith.constant 40 : i32
      %dma_wait3A = arith.constant 0 : i32
      %dma_wait3A_33 = arith.constant 0 : i32
      %dma_wait3A_34 = arith.constant 0 : i32
      %dma_wait3A_35 = tpu.memref_slice %arg14[%dma_wait3A, %dma_wait3A_33, %dma_wait3A_34] : memref<2x128x128xf32, #tpu.memory_space<vmem>> -> memref<1x128x128xf32, #tpu.memory_space<vmem>>
      %dma_wait3A_36 = tpu.memref_squeeze %dma_wait3A_35 : memref<1x128x128xf32, #tpu.memory_space<vmem>> -> memref<128x128xf32, #tpu.memory_space<vmem>>
      %dma_wait3A_37 = arith.constant 0 : i32
      %dma_wait3A_38 = tpu.memref_slice %arg12[%dma_wait3A_37] : memref<10240xi32, #tpu.memory_space<vmem>> -> memref<128xi32, #tpu.memory_space<vmem>>
      %dma_wait3A_39 = arith.constant 0 : i32
      %dma_wait3A_40 = arith.constant 0 : i32
      %dma_wait3A_41 = tpu.memref_slice %arg5[%dma_wait3A_39, %dma_wait3A_40] : memref<10240x128xf32, #tpu.memory_space<hbm>> -> memref<10240x128xf32, #tpu.memory_space<hbm>>
      tpu.wait_indirect_dma semaphore(%arg15 : memref<!tpu.dma_semaphore, #tpu.memory_space<semaphore_mem>>) src(%dma_wait3A_41 : memref<10240x128xf32, #tpu.memory_space<hbm>>) dst(%dma_wait3A_36 : memref<128x128xf32, #tpu.memory_space<vmem>>)
      %dma_wait3A_42 = arith.constant 0 : i32
      %dma_wait3A_43 = arith.constant 0 : i32
      %dma_wait3A_44 = tpu.memref_slice %arg13[%dma_wait3A_42, %dma_wait3A_43] : memref<2x128xi32, #tpu.memory_space<vmem>> -> memref<1x128xi32, #tpu.memory_space<vmem>>
      %dma_wait3A_45 = tpu.memref_squeeze %dma_wait3A_44 : memref<1x128xi32, #tpu.memory_space<vmem>> -> memref<128xi32, #tpu.memory_space<vmem>>
      %dma_wait3A_46 = arith.constant 0 : i32
      %dma_wait3A_47 = tpu.memref_slice %arg7[%dma_wait3A_46] : memref<163840xi32, #tpu.memory_space<hbm>> -> memref<128xi32, #tpu.memory_space<hbm>>
      %dma_wait3A_48 = arith.constant 0 : i32
      %dma_wait3A_49 = tpu.memref_slice %arg13[%dma_wait3A_42, %dma_wait3A_48] : memref<2x128xi32, #tpu.memory_space<vmem>> -> memref<1x128xi32, #tpu.memory_space<vmem>>
      %dma_wait3A_50 = tpu.memref_squeeze %dma_wait3A_49 : memref<1x128xi32, #tpu.memory_space<vmem>> -> memref<128xi32, #tpu.memory_space<vmem>>
      %dma_wait3A_51 = arith.constant 0 : i32
      %dma_wait3A_52 = tpu.memref_slice %arg7[%dma_wait3A_51] : memref<163840xi32, #tpu.memory_space<hbm>> -> memref<128xi32, #tpu.memory_space<hbm>>
      tpu.wait_dma2 semaphore(%arg17 : memref<!tpu.dma_semaphore, #tpu.memory_space<semaphore_mem>>) src(%dma_wait3A_52 : memref<128xi32, #tpu.memory_space<hbm>>) dst(%dma_wait3A_50 : memref<128xi32, #tpu.memory_space<vmem>>)
      %barrier3A_53 = arith.constant 0 : index
      tpu.barrier barrier_id(%barrier3A_53)
      "tpu.region"() ({
        %run_scoped3A = tpu.sem_alloc : memref<!tpu.dma_semaphore, #tpu.memory_space<semaphore_mem>>
        %dma_start3A_54 = arith.constant 0 : i32
        %dma_start3A_55 = tpu.memref_slice %arg10[%mul3A_0, %dma_start3A_54] : memref<10240x128xf32, #tpu.memory_space<hbm>> -> memref<640x128xf32, #tpu.memory_space<hbm>>
        %dma_start3A_56 = arith.constant 0 : i32
        %dma_start3A_57 = tpu.memref_slice %arg11[%mul3A_0, %dma_start3A_56] : memref<10240x128xf32, #tpu.memory_space<vmem_shared>> -> memref<640x128xf32, #tpu.memory_space<vmem_shared>>
        tpu.enqueue_dma source(%dma_start3A_57 : memref<640x128xf32, #tpu.memory_space<vmem_shared>>) target(%dma_start3A_55 : memref<640x128xf32, #tpu.memory_space<hbm>>) target_semaphore(%run_scoped3A : memref<!tpu.dma_semaphore, #tpu.memory_space<semaphore_mem>>)
        %dma_wait3A_58 = arith.constant 0 : i32
        %dma_wait3A_59 = tpu.memref_slice %arg10[%mul3A_0, %dma_wait3A_58] : memref<10240x128xf32, #tpu.memory_space<hbm>> -> memref<640x128xf32, #tpu.memory_space<hbm>>
        %dma_wait3A_60 = arith.constant 0 : i32
        %dma_wait3A_61 = tpu.memref_slice %arg11[%mul3A_0, %dma_wait3A_60] : memref<10240x128xf32, #tpu.memory_space<vmem_shared>> -> memref<640x128xf32, #tpu.memory_space<vmem_shared>>
        tpu.wait_dma2 semaphore(%run_scoped3A : memref<!tpu.dma_semaphore, #tpu.memory_space<semaphore_mem>>) src(%dma_wait3A_61 : memref<640x128xf32, #tpu.memory_space<vmem_shared>>) dst(%dma_wait3A_59 : memref<640x128xf32, #tpu.memory_space<hbm>>)
        tpu.yield
      }) : () -> ()
    } else {
    }
    return
  }
}

#map = affine_map<(d0, d1) -> (0, 0)>
#map1 = affine_map<(d0, d1) -> (0)>
module attributes {stable_mosaic.version = 14 : i64} {
  func.func @_conv2_body(%arg0: i32, %arg1: i32, %arg2: memref<10240x128xf32, #tpu.memory_space<hbm>>, %arg3: memref<163840xi32, #tpu.memory_space<hbm>>, %arg4: memref<163840xi32, #tpu.memory_space<hbm>>, %arg5: memref<10240x128xf32, #tpu.memory_space<hbm>>, %arg6: memref<163840xi32, #tpu.memory_space<hbm>>, %arg7: memref<163840xi32, #tpu.memory_space<hbm>>, %arg8: memref<640x128xf32, #tpu.memory_space<hbm>>, %arg9: memref<10240x128xf32, #tpu.memory_space<hbm>>, %arg10: memref<10240x128xf32, #tpu.memory_space<hbm>>, %arg11: memref<10240x128xf32, #tpu.memory_space<vmem_shared>>, %arg12: memref<10240xi32, #tpu.memory_space<vmem>>, %arg13: memref<2x128xi32, #tpu.memory_space<vmem>>, %arg14: memref<2x128x128xf32, #tpu.memory_space<vmem>>, %arg15: memref<!tpu.dma_semaphore, #tpu.memory_space<semaphore_mem>>, %arg16: memref<!tpu.dma_semaphore, #tpu.memory_space<semaphore_mem>>, %arg17: memref<!tpu.dma_semaphore, #tpu.memory_space<semaphore_mem>>, %arg18: memref<!tpu.dma_semaphore, #tpu.memory_space<semaphore_mem>>, %arg19: memref<!tpu.dma_semaphore, #tpu.memory_space<semaphore_mem>>, %arg20: memref<!tpu.dma_semaphore, #tpu.memory_space<semaphore_mem>>) attributes {dimension_semantics = [#tpu.dimension_semantics<core_parallel>, #tpu.dimension_semantics<subcore_parallel>], iteration_bounds = array<i64: 2, 16>, scalar_prefetch = 0 : i64, scratch_operands = 10 : i64, tpu.core_type = #tpu.core_type<sc_vector_subcore>, window_params = [{transform_indices = #map}, {transform_indices = #map1}, {transform_indices = #map1}, {transform_indices = #map}, {transform_indices = #map1}, {transform_indices = #map1}, {transform_indices = #map}, {transform_indices = #map}, {transform_indices = #map}]} {
    %mul3A = arith.constant 640 : i32
    %mul3A_0 = arith.muli %arg1, %mul3A : i32
    %mul3A_1 = arith.constant 10240 : i32
    %mul3A_2 = arith.muli %arg1, %mul3A_1 : i32
    %eq3A = arith.constant 0 : i32
    %eq3A_3 = arith.cmpi eq, %arg0, %eq3A : i32
    %convert_element_type3A = arith.extui %eq3A_3 : i1 to i32
    %cond3A = arith.constant 0 : i32
    %cond3A_4 = arith.cmpi ne, %convert_element_type3A, %cond3A : i32
    scf.if %cond3A_4 {
      "tpu.region"() ({
        %run_scoped3A = tpu.sem_alloc : memref<!tpu.dma_semaphore, #tpu.memory_space<semaphore_mem>>
        %dma_start3A_54 = tpu.memref_slice %arg3[%mul3A_2] : memref<163840xi32, #tpu.memory_space<hbm>> -> memref<10240xi32, #tpu.memory_space<hbm>>
        %dma_start3A_55 = tpu.memref_slice %arg3[%mul3A_2] : memref<163840xi32, #tpu.memory_space<hbm>> -> memref<10240xi32, #tpu.memory_space<hbm>>
        tpu.enqueue_dma source(%dma_start3A_55 : memref<10240xi32, #tpu.memory_space<hbm>>) target(%arg12 : memref<10240xi32, #tpu.memory_space<vmem>>) target_semaphore(%run_scoped3A : memref<!tpu.dma_semaphore, #tpu.memory_space<semaphore_mem>>)
        %dma_wait3A_56 = tpu.memref_slice %arg3[%mul3A_2] : memref<163840xi32, #tpu.memory_space<hbm>> -> memref<10240xi32, #tpu.memory_space<hbm>>
        %dma_wait3A_57 = tpu.memref_slice %arg3[%mul3A_2] : memref<163840xi32, #tpu.memory_space<hbm>> -> memref<10240xi32, #tpu.memory_space<hbm>>
        tpu.wait_dma2 semaphore(%run_scoped3A : memref<!tpu.dma_semaphore, #tpu.memory_space<semaphore_mem>>) src(%dma_wait3A_57 : memref<10240xi32, #tpu.memory_space<hbm>>) dst(%arg12 : memref<10240xi32, #tpu.memory_space<vmem>>)
        tpu.yield
      }) : () -> ()
      "tpu.region"() ({
        %run_scoped3A = tpu.sem_alloc : memref<!tpu.dma_semaphore, #tpu.memory_space<semaphore_mem>>
        %dma_start3A_54 = arith.constant 0 : i32
        %dma_start3A_55 = tpu.memref_slice %arg11[%mul3A_0, %dma_start3A_54] : memref<10240x128xf32, #tpu.memory_space<vmem_shared>> -> memref<640x128xf32, #tpu.memory_space<vmem_shared>>
        tpu.enqueue_dma source(%arg8 : memref<640x128xf32, #tpu.memory_space<hbm>>) target(%dma_start3A_55 : memref<640x128xf32, #tpu.memory_space<vmem_shared>>) target_semaphore(%run_scoped3A : memref<!tpu.dma_semaphore, #tpu.memory_space<semaphore_mem>>)
        %dma_wait3A_56 = arith.constant 0 : i32
        %dma_wait3A_57 = tpu.memref_slice %arg11[%mul3A_0, %dma_wait3A_56] : memref<10240x128xf32, #tpu.memory_space<vmem_shared>> -> memref<640x128xf32, #tpu.memory_space<vmem_shared>>
        tpu.wait_dma2 semaphore(%run_scoped3A : memref<!tpu.dma_semaphore, #tpu.memory_space<semaphore_mem>>) src(%arg8 : memref<640x128xf32, #tpu.memory_space<hbm>>) dst(%dma_wait3A_57 : memref<640x128xf32, #tpu.memory_space<vmem_shared>>)
        tpu.yield
      }) : () -> ()
      %barrier3A = arith.constant 0 : index
      tpu.barrier barrier_id(%barrier3A)
      %dma_start3A = arith.constant 0 : i32
      %dma_start3A_10 = arith.constant 0 : i32
      %dma_start3A_11 = arith.constant 0 : i32
      %dma_start3A_12 = tpu.memref_slice %arg14[%dma_start3A, %dma_start3A_10, %dma_start3A_11] : memref<2x128x128xf32, #tpu.memory_space<vmem>> -> memref<1x128x128xf32, #tpu.memory_space<vmem>>
      %dma_start3A_13 = tpu.memref_squeeze %dma_start3A_12 : memref<1x128x128xf32, #tpu.memory_space<vmem>> -> memref<128x128xf32, #tpu.memory_space<vmem>>
      %dma_start3A_14 = arith.constant 0 : i32
      %dma_start3A_15 = tpu.memref_slice %arg12[%dma_start3A_14] : memref<10240xi32, #tpu.memory_space<vmem>> -> memref<128xi32, #tpu.memory_space<vmem>>
      %dma_start3A_16 = arith.constant 0 : i32
      %dma_start3A_17 = arith.constant 0 : i32
      %dma_start3A_18 = tpu.memref_slice %arg2[%dma_start3A_16, %dma_start3A_17] : memref<10240x128xf32, #tpu.memory_space<hbm>> -> memref<10240x128xf32, #tpu.memory_space<hbm>>
      tpu.enqueue_indirect_dma source(%dma_start3A_18 : memref<10240x128xf32, #tpu.memory_space<hbm>>) target(%dma_start3A_13 : memref<128x128xf32, #tpu.memory_space<vmem>>) offsets(%dma_start3A_15 : memref<128xi32, #tpu.memory_space<vmem>>) semaphore(%arg15 : memref<!tpu.dma_semaphore, #tpu.memory_space<semaphore_mem>>)
      %add3A = arith.constant 0 : i32
      %add3A_19 = arith.addi %mul3A_2, %add3A : i32
      %dma_start3A_20 = arith.constant 0 : i32
      %dma_start3A_21 = arith.constant 0 : i32
      %dma_start3A_22 = tpu.memref_slice %arg13[%dma_start3A_20, %dma_start3A_21] : memref<2x128xi32, #tpu.memory_space<vmem>> -> memref<1x128xi32, #tpu.memory_space<vmem>>
      %dma_start3A_23 = tpu.memref_squeeze %dma_start3A_22 : memref<1x128xi32, #tpu.memory_space<vmem>> -> memref<128xi32, #tpu.memory_space<vmem>>
      %dma_start3A_24 = tpu.memref_slice %arg4[%add3A_19] : memref<163840xi32, #tpu.memory_space<hbm>> -> memref<128xi32, #tpu.memory_space<hbm>>
      %dma_start3A_25 = arith.constant 0 : i32
      %dma_start3A_26 = tpu.memref_slice %arg13[%dma_start3A_20, %dma_start3A_25] : memref<2x128xi32, #tpu.memory_space<vmem>> -> memref<1x128xi32, #tpu.memory_space<vmem>>
      %dma_start3A_27 = tpu.memref_squeeze %dma_start3A_26 : memref<1x128xi32, #tpu.memory_space<vmem>> -> memref<128xi32, #tpu.memory_space<vmem>>
      %dma_start3A_28 = tpu.memref_slice %arg4[%add3A_19] : memref<163840xi32, #tpu.memory_space<hbm>> -> memref<128xi32, #tpu.memory_space<hbm>>
      tpu.enqueue_dma source(%dma_start3A_28 : memref<128xi32, #tpu.memory_space<hbm>>) target(%dma_start3A_27 : memref<128xi32, #tpu.memory_space<vmem>>) target_semaphore(%arg17 : memref<!tpu.dma_semaphore, #tpu.memory_space<semaphore_mem>>)
      %scan3A = arith.constant 0 : i32
      %scan3A_29 = arith.constant 40 : i32
      %scan3A_30 = arith.addi %scan3A, %scan3A_29 : i32
      %scan3A_31 = arith.constant 1 : i32
      scf.for %scan3A_54 = %scan3A to %scan3A_30 step %scan3A_31  : i32 {
        %mul3A_55 = arith.constant 1 : i32
        %mul3A_56 = arith.muli %scan3A_54, %mul3A_55 : i32
        %add3A_57 = arith.constant 0 : i32
        %add3A_58 = arith.addi %add3A_57, %mul3A_56 : i32
        %mul3A_59 = arith.constant 2 : i32
        %mul3A_60 = arith.muli %add3A_58, %mul3A_59 : i32
        %add3A_61 = arith.constant 0 : i32
        %add3A_62 = arith.addi %mul3A_60, %add3A_61 : i32
        %add3A_63 = arith.constant 1 : i32
        %add3A_64 = arith.addi %add3A_62, %add3A_63 : i32
        %min3A = arith.constant 79 : i32
        %min3A_65 = arith.minsi %add3A_64, %min3A : i32
        %mul3A_66 = arith.constant 128 : i32
        %mul3A_67 = arith.muli %min3A_65, %mul3A_66 : i32
        %dma_start3A_68 = arith.constant 1 : i32
        %dma_start3A_69 = arith.constant 0 : i32
        %dma_start3A_70 = arith.constant 0 : i32
        %dma_start3A_71 = tpu.memref_slice %arg14[%dma_start3A_68, %dma_start3A_69, %dma_start3A_70] : memref<2x128x128xf32, #tpu.memory_space<vmem>> -> memref<1x128x128xf32, #tpu.memory_space<vmem>>
        %dma_start3A_72 = tpu.memref_squeeze %dma_start3A_71 : memref<1x128x128xf32, #tpu.memory_space<vmem>> -> memref<128x128xf32, #tpu.memory_space<vmem>>
        %dma_start3A_73 = tpu.memref_slice %arg12[%mul3A_67] : memref<10240xi32, #tpu.memory_space<vmem>> -> memref<128xi32, #tpu.memory_space<vmem>>
        %dma_start3A_74 = arith.constant 0 : i32
        %dma_start3A_75 = arith.constant 0 : i32
        %dma_start3A_76 = tpu.memref_slice %arg2[%dma_start3A_74, %dma_start3A_75] : memref<10240x128xf32, #tpu.memory_space<hbm>> -> memref<10240x128xf32, #tpu.memory_space<hbm>>
        tpu.enqueue_indirect_dma source(%dma_start3A_76 : memref<10240x128xf32, #tpu.memory_space<hbm>>) target(%dma_start3A_72 : memref<128x128xf32, #tpu.memory_space<vmem>>) offsets(%dma_start3A_73 : memref<128xi32, #tpu.memory_space<vmem>>) semaphore(%arg16 : memref<!tpu.dma_semaphore, #tpu.memory_space<semaphore_mem>>)
        %mul3A_77 = arith.constant 128 : i32
        %mul3A_78 = arith.muli %min3A_65, %mul3A_77 : i32
        %add3A_79 = arith.addi %mul3A_2, %mul3A_78 : i32
        %dma_start3A_80 = arith.constant 1 : i32
        %dma_start3A_81 = arith.constant 0 : i32
        %dma_start3A_82 = tpu.memref_slice %arg13[%dma_start3A_80, %dma_start3A_81] : memref<2x128xi32, #tpu.memory_space<vmem>> -> memref<1x128xi32, #tpu.memory_space<vmem>>
        %dma_start3A_83 = tpu.memref_squeeze %dma_start3A_82 : memref<1x128xi32, #tpu.memory_space<vmem>> -> memref<128xi32, #tpu.memory_space<vmem>>
        %dma_start3A_84 = tpu.memref_slice %arg4[%add3A_79] : memref<163840xi32, #tpu.memory_space<hbm>> -> memref<128xi32, #tpu.memory_space<hbm>>
        %dma_start3A_85 = arith.constant 0 : i32
        %dma_start3A_86 = tpu.memref_slice %arg13[%dma_start3A_80, %dma_start3A_85] : memref<2x128xi32, #tpu.memory_space<vmem>> -> memref<1x128xi32, #tpu.memory_space<vmem>>
        %dma_start3A_87 = tpu.memref_squeeze %dma_start3A_86 : memref<1x128xi32, #tpu.memory_space<vmem>> -> memref<128xi32, #tpu.memory_space<vmem>>
        %dma_start3A_88 = tpu.memref_slice %arg4[%add3A_79] : memref<163840xi32, #tpu.memory_space<hbm>> -> memref<128xi32, #tpu.memory_space<hbm>>
        tpu.enqueue_dma source(%dma_start3A_88 : memref<128xi32, #tpu.memory_space<hbm>>) target(%dma_start3A_87 : memref<128xi32, #tpu.memory_space<vmem>>) target_semaphore(%arg18 : memref<!tpu.dma_semaphore, #tpu.memory_space<semaphore_mem>>)
        %dma_wait3A_89 = arith.constant 0 : i32
        %dma_wait3A_90 = arith.constant 0 : i32
        %dma_wait3A_91 = arith.constant 0 : i32
        %dma_wait3A_92 = tpu.memref_slice %arg14[%dma_wait3A_89, %dma_wait3A_90, %dma_wait3A_91] : memref<2x128x128xf32, #tpu.memory_space<vmem>> -> memref<1x128x128xf32, #tpu.memory_space<vmem>>
        %dma_wait3A_93 = tpu.memref_squeeze %dma_wait3A_92 : memref<1x128x128xf32, #tpu.memory_space<vmem>> -> memref<128x128xf32, #tpu.memory_space<vmem>>
        %dma_wait3A_94 = arith.constant 0 : i32
        %dma_wait3A_95 = tpu.memref_slice %arg12[%dma_wait3A_94] : memref<10240xi32, #tpu.memory_space<vmem>> -> memref<128xi32, #tpu.memory_space<vmem>>
        %dma_wait3A_96 = arith.constant 0 : i32
        %dma_wait3A_97 = arith.constant 0 : i32
        %dma_wait3A_98 = tpu.memref_slice %arg2[%dma_wait3A_96, %dma_wait3A_97] : memref<10240x128xf32, #tpu.memory_space<hbm>> -> memref<10240x128xf32, #tpu.memory_space<hbm>>
        tpu.wait_indirect_dma semaphore(%arg15 : memref<!tpu.dma_semaphore, #tpu.memory_space<semaphore_mem>>) src(%dma_wait3A_98 : memref<10240x128xf32, #tpu.memory_space<hbm>>) dst(%dma_wait3A_93 : memref<128x128xf32, #tpu.memory_space<vmem>>)
        %dma_wait3A_99 = arith.constant 0 : i32
        %dma_wait3A_100 = arith.constant 0 : i32
        %dma_wait3A_101 = tpu.memref_slice %arg13[%dma_wait3A_99, %dma_wait3A_100] : memref<2x128xi32, #tpu.memory_space<vmem>> -> memref<1x128xi32, #tpu.memory_space<vmem>>
        %dma_wait3A_102 = tpu.memref_squeeze %dma_wait3A_101 : memref<1x128xi32, #tpu.memory_space<vmem>> -> memref<128xi32, #tpu.memory_space<vmem>>
        %dma_wait3A_103 = arith.constant 0 : i32
        %dma_wait3A_104 = tpu.memref_slice %arg4[%dma_wait3A_103] : memref<163840xi32, #tpu.memory_space<hbm>> -> memref<128xi32, #tpu.memory_space<hbm>>
        %dma_wait3A_105 = arith.constant 0 : i32
        %dma_wait3A_106 = tpu.memref_slice %arg13[%dma_wait3A_99, %dma_wait3A_105] : memref<2x128xi32, #tpu.memory_space<vmem>> -> memref<1x128xi32, #tpu.memory_space<vmem>>
        %dma_wait3A_107 = tpu.memref_squeeze %dma_wait3A_106 : memref<1x128xi32, #tpu.memory_space<vmem>> -> memref<128xi32, #tpu.memory_space<vmem>>
        %dma_wait3A_108 = arith.constant 0 : i32
        %dma_wait3A_109 = tpu.memref_slice %arg4[%dma_wait3A_108] : memref<163840xi32, #tpu.memory_space<hbm>> -> memref<128xi32, #tpu.memory_space<hbm>>
        tpu.wait_dma2 semaphore(%arg17 : memref<!tpu.dma_semaphore, #tpu.memory_space<semaphore_mem>>) src(%dma_wait3A_109 : memref<128xi32, #tpu.memory_space<hbm>>) dst(%dma_wait3A_107 : memref<128xi32, #tpu.memory_space<vmem>>)
        %run_scoped3A = arith.constant 0 : i32
        %run_scoped3A_110 = arith.constant 0 : i32
        "tpu.region"() ({
          %run_scoped3A_165 = tpu.sem_alloc : memref<!tpu.dma_semaphore, #tpu.memory_space<semaphore_mem>>
          %dma_start3A_166 = arith.constant 0 : i32
          %dma_start3A_167 = arith.constant 0 : i32
          %dma_start3A_168 = tpu.memref_slice %arg14[%run_scoped3A, %dma_start3A_166, %dma_start3A_167] : memref<2x128x128xf32, #tpu.memory_space<vmem>> -> memref<1x128x128xf32, #tpu.memory_space<vmem>>
          %dma_start3A_169 = tpu.memref_squeeze %dma_start3A_168 : memref<1x128x128xf32, #tpu.memory_space<vmem>> -> memref<128x128xf32, #tpu.memory_space<vmem>>
          %dma_start3A_170 = arith.constant 0 : i32
          %dma_start3A_171 = tpu.memref_slice %arg13[%run_scoped3A_110, %dma_start3A_170] : memref<2x128xi32, #tpu.memory_space<vmem>> -> memref<1x128xi32, #tpu.memory_space<vmem>>
          %dma_start3A_172 = tpu.memref_squeeze %dma_start3A_171 : memref<1x128xi32, #tpu.memory_space<vmem>> -> memref<128xi32, #tpu.memory_space<vmem>>
          %dma_start3A_173 = arith.constant 0 : i32
          %dma_start3A_174 = arith.constant 0 : i32
          %dma_start3A_175 = tpu.memref_slice %arg11[%dma_start3A_173, %dma_start3A_174] : memref<10240x128xf32, #tpu.memory_space<vmem_shared>> -> memref<10240x128xf32, #tpu.memory_space<vmem_shared>>
          tpu.enqueue_indirect_dma source(%dma_start3A_169 : memref<128x128xf32, #tpu.memory_space<vmem>>) target(%dma_start3A_175 : memref<10240x128xf32, #tpu.memory_space<vmem_shared>>) offsets(%dma_start3A_172 : memref<128xi32, #tpu.memory_space<vmem>>) semaphore(%run_scoped3A_165 : memref<!tpu.dma_semaphore, #tpu.memory_space<semaphore_mem>>) {add = true}
          %dma_wait3A_176 = arith.constant 0 : i32
          %dma_wait3A_177 = arith.constant 0 : i32
          %dma_wait3A_178 = tpu.memref_slice %arg14[%run_scoped3A, %dma_wait3A_176, %dma_wait3A_177] : memref<2x128x128xf32, #tpu.memory_space<vmem>> -> memref<1x128x128xf32, #tpu.memory_space<vmem>>
          %dma_wait3A_179 = tpu.memref_squeeze %dma_wait3A_178 : memref<1x128x128xf32, #tpu.memory_space<vmem>> -> memref<128x128xf32, #tpu.memory_space<vmem>>
          %dma_wait3A_180 = arith.constant 0 : i32
          %dma_wait3A_181 = tpu.memref_slice %arg13[%run_scoped3A_110, %dma_wait3A_180] : memref<2x128xi32, #tpu.memory_space<vmem>> -> memref<1x128xi32, #tpu.memory_space<vmem>>
          %dma_wait3A_182 = tpu.memref_squeeze %dma_wait3A_181 : memref<1x128xi32, #tpu.memory_space<vmem>> -> memref<128xi32, #tpu.memory_space<vmem>>
          %dma_wait3A_183 = arith.constant 0 : i32
          %dma_wait3A_184 = arith.constant 0 : i32
          %dma_wait3A_185 = tpu.memref_slice %arg11[%dma_wait3A_183, %dma_wait3A_184] : memref<10240x128xf32, #tpu.memory_space<vmem_shared>> -> memref<10240x128xf32, #tpu.memory_space<vmem_shared>>
          tpu.wait_indirect_dma semaphore(%run_scoped3A_165 : memref<!tpu.dma_semaphore, #tpu.memory_space<semaphore_mem>>) src(%dma_wait3A_179 : memref<128x128xf32, #tpu.memory_space<vmem>>) dst(%dma_wait3A_185 : memref<10240x128xf32, #tpu.memory_space<vmem_shared>>)
          tpu.yield
        }) : () -> ()
        %mul3A_111 = arith.constant 2 : i32
        %mul3A_112 = arith.muli %add3A_58, %mul3A_111 : i32
        %add3A_113 = arith.constant 1 : i32
        %add3A_114 = arith.addi %mul3A_112, %add3A_113 : i32
        %add3A_115 = arith.constant 1 : i32
        %add3A_116 = arith.addi %add3A_114, %add3A_115 : i32
        %min3A_117 = arith.constant 79 : i32
        %min3A_118 = arith.minsi %add3A_116, %min3A_117 : i32
        %mul3A_119 = arith.constant 128 : i32
        %mul3A_120 = arith.muli %min3A_118, %mul3A_119 : i32
        %dma_start3A_121 = arith.constant 0 : i32
        %dma_start3A_122 = arith.constant 0 : i32
        %dma_start3A_123 = arith.constant 0 : i32
        %dma_start3A_124 = tpu.memref_slice %arg14[%dma_start3A_121, %dma_start3A_122, %dma_start3A_123] : memref<2x128x128xf32, #tpu.memory_space<vmem>> -> memref<1x128x128xf32, #tpu.memory_space<vmem>>
        %dma_start3A_125 = tpu.memref_squeeze %dma_start3A_124 : memref<1x128x128xf32, #tpu.memory_space<vmem>> -> memref<128x128xf32, #tpu.memory_space<vmem>>
        %dma_start3A_126 = tpu.memref_slice %arg12[%mul3A_120] : memref<10240xi32, #tpu.memory_space<vmem>> -> memref<128xi32, #tpu.memory_space<vmem>>
        %dma_start3A_127 = arith.constant 0 : i32
        %dma_start3A_128 = arith.constant 0 : i32
        %dma_start3A_129 = tpu.memref_slice %arg2[%dma_start3A_127, %dma_start3A_128] : memref<10240x128xf32, #tpu.memory_space<hbm>> -> memref<10240x128xf32, #tpu.memory_space<hbm>>
        tpu.enqueue_indirect_dma source(%dma_start3A_129 : memref<10240x128xf32, #tpu.memory_space<hbm>>) target(%dma_start3A_125 : memref<128x128xf32, #tpu.memory_space<vmem>>) offsets(%dma_start3A_126 : memref<128xi32, #tpu.memory_space<vmem>>) semaphore(%arg15 : memref<!tpu.dma_semaphore, #tpu.memory_space<semaphore_mem>>)
        %mul3A_130 = arith.constant 128 : i32
        %mul3A_131 = arith.muli %min3A_118, %mul3A_130 : i32
        %add3A_132 = arith.addi %mul3A_2, %mul3A_131 : i32
        %dma_start3A_133 = arith.constant 0 : i32
        %dma_start3A_134 = arith.constant 0 : i32
        %dma_start3A_135 = tpu.memref_slice %arg13[%dma_start3A_133, %dma_start3A_134] : memref<2x128xi32, #tpu.memory_space<vmem>> -> memref<1x128xi32, #tpu.memory_space<vmem>>
        %dma_start3A_136 = tpu.memref_squeeze %dma_start3A_135 : memref<1x128xi32, #tpu.memory_space<vmem>> -> memref<128xi32, #tpu.memory_space<vmem>>
        %dma_start3A_137 = tpu.memref_slice %arg4[%add3A_132] : memref<163840xi32, #tpu.memory_space<hbm>> -> memref<128xi32, #tpu.memory_space<hbm>>
        %dma_start3A_138 = arith.constant 0 : i32
        %dma_start3A_139 = tpu.memref_slice %arg13[%dma_start3A_133, %dma_start3A_138] : memref<2x128xi32, #tpu.memory_space<vmem>> -> memref<1x128xi32, #tpu.memory_space<vmem>>
        %dma_start3A_140 = tpu.memref_squeeze %dma_start3A_139 : memref<1x128xi32, #tpu.memory_space<vmem>> -> memref<128xi32, #tpu.memory_space<vmem>>
        %dma_start3A_141 = tpu.memref_slice %arg4[%add3A_132] : memref<163840xi32, #tpu.memory_space<hbm>> -> memref<128xi32, #tpu.memory_space<hbm>>
        tpu.enqueue_dma source(%dma_start3A_141 : memref<128xi32, #tpu.memory_space<hbm>>) target(%dma_start3A_140 : memref<128xi32, #tpu.memory_space<vmem>>) target_semaphore(%arg17 : memref<!tpu.dma_semaphore, #tpu.memory_space<semaphore_mem>>)
        %dma_wait3A_142 = arith.constant 1 : i32
        %dma_wait3A_143 = arith.constant 0 : i32
        %dma_wait3A_144 = arith.constant 0 : i32
        %dma_wait3A_145 = tpu.memref_slice %arg14[%dma_wait3A_142, %dma_wait3A_143, %dma_wait3A_144] : memref<2x128x128xf32, #tpu.memory_space<vmem>> -> memref<1x128x128xf32, #tpu.memory_space<vmem>>
        %dma_wait3A_146 = tpu.memref_squeeze %dma_wait3A_145 : memref<1x128x128xf32, #tpu.memory_space<vmem>> -> memref<128x128xf32, #tpu.memory_space<vmem>>
        %dma_wait3A_147 = arith.constant 0 : i32
        %dma_wait3A_148 = tpu.memref_slice %arg12[%dma_wait3A_147] : memref<10240xi32, #tpu.memory_space<vmem>> -> memref<128xi32, #tpu.memory_space<vmem>>
        %dma_wait3A_149 = arith.constant 0 : i32
        %dma_wait3A_150 = arith.constant 0 : i32
        %dma_wait3A_151 = tpu.memref_slice %arg2[%dma_wait3A_149, %dma_wait3A_150] : memref<10240x128xf32, #tpu.memory_space<hbm>> -> memref<10240x128xf32, #tpu.memory_space<hbm>>
        tpu.wait_indirect_dma semaphore(%arg16 : memref<!tpu.dma_semaphore, #tpu.memory_space<semaphore_mem>>) src(%dma_wait3A_151 : memref<10240x128xf32, #tpu.memory_space<hbm>>) dst(%dma_wait3A_146 : memref<128x128xf32, #tpu.memory_space<vmem>>)
        %dma_wait3A_152 = arith.constant 1 : i32
        %dma_wait3A_153 = arith.constant 0 : i32
        %dma_wait3A_154 = tpu.memref_slice %arg13[%dma_wait3A_152, %dma_wait3A_153] : memref<2x128xi32, #tpu.memory_space<vmem>> -> memref<1x128xi32, #tpu.memory_space<vmem>>
        %dma_wait3A_155 = tpu.memref_squeeze %dma_wait3A_154 : memref<1x128xi32, #tpu.memory_space<vmem>> -> memref<128xi32, #tpu.memory_space<vmem>>
        %dma_wait3A_156 = arith.constant 0 : i32
        %dma_wait3A_157 = tpu.memref_slice %arg4[%dma_wait3A_156] : memref<163840xi32, #tpu.memory_space<hbm>> -> memref<128xi32, #tpu.memory_space<hbm>>
        %dma_wait3A_158 = arith.constant 0 : i32
        %dma_wait3A_159 = tpu.memref_slice %arg13[%dma_wait3A_152, %dma_wait3A_158] : memref<2x128xi32, #tpu.memory_space<vmem>> -> memref<1x128xi32, #tpu.memory_space<vmem>>
        %dma_wait3A_160 = tpu.memref_squeeze %dma_wait3A_159 : memref<1x128xi32, #tpu.memory_space<vmem>> -> memref<128xi32, #tpu.memory_space<vmem>>
        %dma_wait3A_161 = arith.constant 0 : i32
        %dma_wait3A_162 = tpu.memref_slice %arg4[%dma_wait3A_161] : memref<163840xi32, #tpu.memory_space<hbm>> -> memref<128xi32, #tpu.memory_space<hbm>>
        tpu.wait_dma2 semaphore(%arg18 : memref<!tpu.dma_semaphore, #tpu.memory_space<semaphore_mem>>) src(%dma_wait3A_162 : memref<128xi32, #tpu.memory_space<hbm>>) dst(%dma_wait3A_160 : memref<128xi32, #tpu.memory_space<vmem>>)
        %run_scoped3A_163 = arith.constant 1 : i32
        %run_scoped3A_164 = arith.constant 1 : i32
        "tpu.region"() ({
          %run_scoped3A_165 = tpu.sem_alloc : memref<!tpu.dma_semaphore, #tpu.memory_space<semaphore_mem>>
          %dma_start3A_166 = arith.constant 0 : i32
          %dma_start3A_167 = arith.constant 0 : i32
          %dma_start3A_168 = tpu.memref_slice %arg14[%run_scoped3A_163, %dma_start3A_166, %dma_start3A_167] : memref<2x128x128xf32, #tpu.memory_space<vmem>> -> memref<1x128x128xf32, #tpu.memory_space<vmem>>
          %dma_start3A_169 = tpu.memref_squeeze %dma_start3A_168 : memref<1x128x128xf32, #tpu.memory_space<vmem>> -> memref<128x128xf32, #tpu.memory_space<vmem>>
          %dma_start3A_170 = arith.constant 0 : i32
          %dma_start3A_171 = tpu.memref_slice %arg13[%run_scoped3A_164, %dma_start3A_170] : memref<2x128xi32, #tpu.memory_space<vmem>> -> memref<1x128xi32, #tpu.memory_space<vmem>>
          %dma_start3A_172 = tpu.memref_squeeze %dma_start3A_171 : memref<1x128xi32, #tpu.memory_space<vmem>> -> memref<128xi32, #tpu.memory_space<vmem>>
          %dma_start3A_173 = arith.constant 0 : i32
          %dma_start3A_174 = arith.constant 0 : i32
          %dma_start3A_175 = tpu.memref_slice %arg11[%dma_start3A_173, %dma_start3A_174] : memref<10240x128xf32, #tpu.memory_space<vmem_shared>> -> memref<10240x128xf32, #tpu.memory_space<vmem_shared>>
          tpu.enqueue_indirect_dma source(%dma_start3A_169 : memref<128x128xf32, #tpu.memory_space<vmem>>) target(%dma_start3A_175 : memref<10240x128xf32, #tpu.memory_space<vmem_shared>>) offsets(%dma_start3A_172 : memref<128xi32, #tpu.memory_space<vmem>>) semaphore(%run_scoped3A_165 : memref<!tpu.dma_semaphore, #tpu.memory_space<semaphore_mem>>) {add = true}
          %dma_wait3A_176 = arith.constant 0 : i32
          %dma_wait3A_177 = arith.constant 0 : i32
          %dma_wait3A_178 = tpu.memref_slice %arg14[%run_scoped3A_163, %dma_wait3A_176, %dma_wait3A_177] : memref<2x128x128xf32, #tpu.memory_space<vmem>> -> memref<1x128x128xf32, #tpu.memory_space<vmem>>
          %dma_wait3A_179 = tpu.memref_squeeze %dma_wait3A_178 : memref<1x128x128xf32, #tpu.memory_space<vmem>> -> memref<128x128xf32, #tpu.memory_space<vmem>>
          %dma_wait3A_180 = arith.constant 0 : i32
          %dma_wait3A_181 = tpu.memref_slice %arg13[%run_scoped3A_164, %dma_wait3A_180] : memref<2x128xi32, #tpu.memory_space<vmem>> -> memref<1x128xi32, #tpu.memory_space<vmem>>
          %dma_wait3A_182 = tpu.memref_squeeze %dma_wait3A_181 : memref<1x128xi32, #tpu.memory_space<vmem>> -> memref<128xi32, #tpu.memory_space<vmem>>
          %dma_wait3A_183 = arith.constant 0 : i32
          %dma_wait3A_184 = arith.constant 0 : i32
          %dma_wait3A_185 = tpu.memref_slice %arg11[%dma_wait3A_183, %dma_wait3A_184] : memref<10240x128xf32, #tpu.memory_space<vmem_shared>> -> memref<10240x128xf32, #tpu.memory_space<vmem_shared>>
          tpu.wait_indirect_dma semaphore(%run_scoped3A_165 : memref<!tpu.dma_semaphore, #tpu.memory_space<semaphore_mem>>) src(%dma_wait3A_179 : memref<128x128xf32, #tpu.memory_space<vmem>>) dst(%dma_wait3A_185 : memref<10240x128xf32, #tpu.memory_space<vmem_shared>>)
          tpu.yield
        }) : () -> ()
      }
      %scan3A_32 = arith.constant 40 : i32
      %dma_wait3A = arith.constant 0 : i32
      %dma_wait3A_33 = arith.constant 0 : i32
      %dma_wait3A_34 = arith.constant 0 : i32
      %dma_wait3A_35 = tpu.memref_slice %arg14[%dma_wait3A, %dma_wait3A_33, %dma_wait3A_34] : memref<2x128x128xf32, #tpu.memory_space<vmem>> -> memref<1x128x128xf32, #tpu.memory_space<vmem>>
      %dma_wait3A_36 = tpu.memref_squeeze %dma_wait3A_35 : memref<1x128x128xf32, #tpu.memory_space<vmem>> -> memref<128x128xf32, #tpu.memory_space<vmem>>
      %dma_wait3A_37 = arith.constant 0 : i32
      %dma_wait3A_38 = tpu.memref_slice %arg12[%dma_wait3A_37] : memref<10240xi32, #tpu.memory_space<vmem>> -> memref<128xi32, #tpu.memory_space<vmem>>
      %dma_wait3A_39 = arith.constant 0 : i32
      %dma_wait3A_40 = arith.constant 0 : i32
      %dma_wait3A_41 = tpu.memref_slice %arg2[%dma_wait3A_39, %dma_wait3A_40] : memref<10240x128xf32, #tpu.memory_space<hbm>> -> memref<10240x128xf32, #tpu.memory_space<hbm>>
      tpu.wait_indirect_dma semaphore(%arg15 : memref<!tpu.dma_semaphore, #tpu.memory_space<semaphore_mem>>) src(%dma_wait3A_41 : memref<10240x128xf32, #tpu.memory_space<hbm>>) dst(%dma_wait3A_36 : memref<128x128xf32, #tpu.memory_space<vmem>>)
      %dma_wait3A_42 = arith.constant 0 : i32
      %dma_wait3A_43 = arith.constant 0 : i32
      %dma_wait3A_44 = tpu.memref_slice %arg13[%dma_wait3A_42, %dma_wait3A_43] : memref<2x128xi32, #tpu.memory_space<vmem>> -> memref<1x128xi32, #tpu.memory_space<vmem>>
      %dma_wait3A_45 = tpu.memref_squeeze %dma_wait3A_44 : memref<1x128xi32, #tpu.memory_space<vmem>> -> memref<128xi32, #tpu.memory_space<vmem>>
      %dma_wait3A_46 = arith.constant 0 : i32
      %dma_wait3A_47 = tpu.memref_slice %arg4[%dma_wait3A_46] : memref<163840xi32, #tpu.memory_space<hbm>> -> memref<128xi32, #tpu.memory_space<hbm>>
      %dma_wait3A_48 = arith.constant 0 : i32
      %dma_wait3A_49 = tpu.memref_slice %arg13[%dma_wait3A_42, %dma_wait3A_48] : memref<2x128xi32, #tpu.memory_space<vmem>> -> memref<1x128xi32, #tpu.memory_space<vmem>>
      %dma_wait3A_50 = tpu.memref_squeeze %dma_wait3A_49 : memref<1x128xi32, #tpu.memory_space<vmem>> -> memref<128xi32, #tpu.memory_space<vmem>>
      %dma_wait3A_51 = arith.constant 0 : i32
      %dma_wait3A_52 = tpu.memref_slice %arg4[%dma_wait3A_51] : memref<163840xi32, #tpu.memory_space<hbm>> -> memref<128xi32, #tpu.memory_space<hbm>>
      tpu.wait_dma2 semaphore(%arg17 : memref<!tpu.dma_semaphore, #tpu.memory_space<semaphore_mem>>) src(%dma_wait3A_52 : memref<128xi32, #tpu.memory_space<hbm>>) dst(%dma_wait3A_50 : memref<128xi32, #tpu.memory_space<vmem>>)
      %barrier3A_53 = arith.constant 0 : index
      tpu.barrier barrier_id(%barrier3A_53)
      "tpu.region"() ({
        %run_scoped3A = tpu.sem_alloc : memref<!tpu.dma_semaphore, #tpu.memory_space<semaphore_mem>>
        %dma_start3A_54 = arith.constant 0 : i32
        %dma_start3A_55 = tpu.memref_slice %arg9[%mul3A_0, %dma_start3A_54] : memref<10240x128xf32, #tpu.memory_space<hbm>> -> memref<640x128xf32, #tpu.memory_space<hbm>>
        %dma_start3A_56 = arith.constant 0 : i32
        %dma_start3A_57 = tpu.memref_slice %arg11[%mul3A_0, %dma_start3A_56] : memref<10240x128xf32, #tpu.memory_space<vmem_shared>> -> memref<640x128xf32, #tpu.memory_space<vmem_shared>>
        tpu.enqueue_dma source(%dma_start3A_57 : memref<640x128xf32, #tpu.memory_space<vmem_shared>>) target(%dma_start3A_55 : memref<640x128xf32, #tpu.memory_space<hbm>>) target_semaphore(%run_scoped3A : memref<!tpu.dma_semaphore, #tpu.memory_space<semaphore_mem>>)
        %dma_wait3A_58 = arith.constant 0 : i32
        %dma_wait3A_59 = tpu.memref_slice %arg9[%mul3A_0, %dma_wait3A_58] : memref<10240x128xf32, #tpu.memory_space<hbm>> -> memref<640x128xf32, #tpu.memory_space<hbm>>
        %dma_wait3A_60 = arith.constant 0 : i32
        %dma_wait3A_61 = tpu.memref_slice %arg11[%mul3A_0, %dma_wait3A_60] : memref<10240x128xf32, #tpu.memory_space<vmem_shared>> -> memref<640x128xf32, #tpu.memory_space<vmem_shared>>
        tpu.wait_dma2 semaphore(%run_scoped3A : memref<!tpu.dma_semaphore, #tpu.memory_space<semaphore_mem>>) src(%dma_wait3A_61 : memref<640x128xf32, #tpu.memory_space<vmem_shared>>) dst(%dma_wait3A_59 : memref<640x128xf32, #tpu.memory_space<hbm>>)
        tpu.yield
      }) : () -> ()
    } else {
    }
    %eq3A_5 = arith.constant 1 : i32
    %eq3A_6 = arith.cmpi eq, %arg0, %eq3A_5 : i32
    %convert_element_type3A_7 = arith.extui %eq3A_6 : i1 to i32
    %cond3A_8 = arith.constant 0 : i32
    %cond3A_9 = arith.cmpi ne, %convert_element_type3A_7, %cond3A_8 : i32
    scf.if %cond3A_9 {
      "tpu.region"() ({
        %run_scoped3A = tpu.sem_alloc : memref<!tpu.dma_semaphore, #tpu.memory_space<semaphore_mem>>
        %dma_start3A_54 = tpu.memref_slice %arg6[%mul3A_2] : memref<163840xi32, #tpu.memory_space<hbm>> -> memref<10240xi32, #tpu.memory_space<hbm>>
        %dma_start3A_55 = tpu.memref_slice %arg6[%mul3A_2] : memref<163840xi32, #tpu.memory_space<hbm>> -> memref<10240xi32, #tpu.memory_space<hbm>>
        tpu.enqueue_dma source(%dma_start3A_55 : memref<10240xi32, #tpu.memory_space<hbm>>) target(%arg12 : memref<10240xi32, #tpu.memory_space<vmem>>) target_semaphore(%run_scoped3A : memref<!tpu.dma_semaphore, #tpu.memory_space<semaphore_mem>>)
        %dma_wait3A_56 = tpu.memref_slice %arg6[%mul3A_2] : memref<163840xi32, #tpu.memory_space<hbm>> -> memref<10240xi32, #tpu.memory_space<hbm>>
        %dma_wait3A_57 = tpu.memref_slice %arg6[%mul3A_2] : memref<163840xi32, #tpu.memory_space<hbm>> -> memref<10240xi32, #tpu.memory_space<hbm>>
        tpu.wait_dma2 semaphore(%run_scoped3A : memref<!tpu.dma_semaphore, #tpu.memory_space<semaphore_mem>>) src(%dma_wait3A_57 : memref<10240xi32, #tpu.memory_space<hbm>>) dst(%arg12 : memref<10240xi32, #tpu.memory_space<vmem>>)
        tpu.yield
      }) : () -> ()
      "tpu.region"() ({
        %run_scoped3A = tpu.sem_alloc : memref<!tpu.dma_semaphore, #tpu.memory_space<semaphore_mem>>
        %dma_start3A_54 = arith.constant 0 : i32
        %dma_start3A_55 = tpu.memref_slice %arg11[%mul3A_0, %dma_start3A_54] : memref<10240x128xf32, #tpu.memory_space<vmem_shared>> -> memref<640x128xf32, #tpu.memory_space<vmem_shared>>
        tpu.enqueue_dma source(%arg8 : memref<640x128xf32, #tpu.memory_space<hbm>>) target(%dma_start3A_55 : memref<640x128xf32, #tpu.memory_space<vmem_shared>>) target_semaphore(%run_scoped3A : memref<!tpu.dma_semaphore, #tpu.memory_space<semaphore_mem>>)
        %dma_wait3A_56 = arith.constant 0 : i32
        %dma_wait3A_57 = tpu.memref_slice %arg11[%mul3A_0, %dma_wait3A_56] : memref<10240x128xf32, #tpu.memory_space<vmem_shared>> -> memref<640x128xf32, #tpu.memory_space<vmem_shared>>
        tpu.wait_dma2 semaphore(%run_scoped3A : memref<!tpu.dma_semaphore, #tpu.memory_space<semaphore_mem>>) src(%arg8 : memref<640x128xf32, #tpu.memory_space<hbm>>) dst(%dma_wait3A_57 : memref<640x128xf32, #tpu.memory_space<vmem_shared>>)
        tpu.yield
      }) : () -> ()
      %barrier3A = arith.constant 0 : index
      tpu.barrier barrier_id(%barrier3A)
      %dma_start3A = arith.constant 0 : i32
      %dma_start3A_10 = arith.constant 0 : i32
      %dma_start3A_11 = arith.constant 0 : i32
      %dma_start3A_12 = tpu.memref_slice %arg14[%dma_start3A, %dma_start3A_10, %dma_start3A_11] : memref<2x128x128xf32, #tpu.memory_space<vmem>> -> memref<1x128x128xf32, #tpu.memory_space<vmem>>
      %dma_start3A_13 = tpu.memref_squeeze %dma_start3A_12 : memref<1x128x128xf32, #tpu.memory_space<vmem>> -> memref<128x128xf32, #tpu.memory_space<vmem>>
      %dma_start3A_14 = arith.constant 0 : i32
      %dma_start3A_15 = tpu.memref_slice %arg12[%dma_start3A_14] : memref<10240xi32, #tpu.memory_space<vmem>> -> memref<128xi32, #tpu.memory_space<vmem>>
      %dma_start3A_16 = arith.constant 0 : i32
      %dma_start3A_17 = arith.constant 0 : i32
      %dma_start3A_18 = tpu.memref_slice %arg5[%dma_start3A_16, %dma_start3A_17] : memref<10240x128xf32, #tpu.memory_space<hbm>> -> memref<10240x128xf32, #tpu.memory_space<hbm>>
      tpu.enqueue_indirect_dma source(%dma_start3A_18 : memref<10240x128xf32, #tpu.memory_space<hbm>>) target(%dma_start3A_13 : memref<128x128xf32, #tpu.memory_space<vmem>>) offsets(%dma_start3A_15 : memref<128xi32, #tpu.memory_space<vmem>>) semaphore(%arg15 : memref<!tpu.dma_semaphore, #tpu.memory_space<semaphore_mem>>)
      %add3A = arith.constant 0 : i32
      %add3A_19 = arith.addi %mul3A_2, %add3A : i32
      %dma_start3A_20 = arith.constant 0 : i32
      %dma_start3A_21 = arith.constant 0 : i32
      %dma_start3A_22 = tpu.memref_slice %arg13[%dma_start3A_20, %dma_start3A_21] : memref<2x128xi32, #tpu.memory_space<vmem>> -> memref<1x128xi32, #tpu.memory_space<vmem>>
      %dma_start3A_23 = tpu.memref_squeeze %dma_start3A_22 : memref<1x128xi32, #tpu.memory_space<vmem>> -> memref<128xi32, #tpu.memory_space<vmem>>
      %dma_start3A_24 = tpu.memref_slice %arg7[%add3A_19] : memref<163840xi32, #tpu.memory_space<hbm>> -> memref<128xi32, #tpu.memory_space<hbm>>
      %dma_start3A_25 = arith.constant 0 : i32
      %dma_start3A_26 = tpu.memref_slice %arg13[%dma_start3A_20, %dma_start3A_25] : memref<2x128xi32, #tpu.memory_space<vmem>> -> memref<1x128xi32, #tpu.memory_space<vmem>>
      %dma_start3A_27 = tpu.memref_squeeze %dma_start3A_26 : memref<1x128xi32, #tpu.memory_space<vmem>> -> memref<128xi32, #tpu.memory_space<vmem>>
      %dma_start3A_28 = tpu.memref_slice %arg7[%add3A_19] : memref<163840xi32, #tpu.memory_space<hbm>> -> memref<128xi32, #tpu.memory_space<hbm>>
      tpu.enqueue_dma source(%dma_start3A_28 : memref<128xi32, #tpu.memory_space<hbm>>) target(%dma_start3A_27 : memref<128xi32, #tpu.memory_space<vmem>>) target_semaphore(%arg17 : memref<!tpu.dma_semaphore, #tpu.memory_space<semaphore_mem>>)
      %scan3A = arith.constant 0 : i32
      %scan3A_29 = arith.constant 40 : i32
      %scan3A_30 = arith.addi %scan3A, %scan3A_29 : i32
      %scan3A_31 = arith.constant 1 : i32
      scf.for %scan3A_54 = %scan3A to %scan3A_30 step %scan3A_31  : i32 {
        %mul3A_55 = arith.constant 1 : i32
        %mul3A_56 = arith.muli %scan3A_54, %mul3A_55 : i32
        %add3A_57 = arith.constant 0 : i32
        %add3A_58 = arith.addi %add3A_57, %mul3A_56 : i32
        %mul3A_59 = arith.constant 2 : i32
        %mul3A_60 = arith.muli %add3A_58, %mul3A_59 : i32
        %add3A_61 = arith.constant 0 : i32
        %add3A_62 = arith.addi %mul3A_60, %add3A_61 : i32
        %add3A_63 = arith.constant 1 : i32
        %add3A_64 = arith.addi %add3A_62, %add3A_63 : i32
        %min3A = arith.constant 79 : i32
        %min3A_65 = arith.minsi %add3A_64, %min3A : i32
        %mul3A_66 = arith.constant 128 : i32
        %mul3A_67 = arith.muli %min3A_65, %mul3A_66 : i32
        %dma_start3A_68 = arith.constant 1 : i32
        %dma_start3A_69 = arith.constant 0 : i32
        %dma_start3A_70 = arith.constant 0 : i32
        %dma_start3A_71 = tpu.memref_slice %arg14[%dma_start3A_68, %dma_start3A_69, %dma_start3A_70] : memref<2x128x128xf32, #tpu.memory_space<vmem>> -> memref<1x128x128xf32, #tpu.memory_space<vmem>>
        %dma_start3A_72 = tpu.memref_squeeze %dma_start3A_71 : memref<1x128x128xf32, #tpu.memory_space<vmem>> -> memref<128x128xf32, #tpu.memory_space<vmem>>
        %dma_start3A_73 = tpu.memref_slice %arg12[%mul3A_67] : memref<10240xi32, #tpu.memory_space<vmem>> -> memref<128xi32, #tpu.memory_space<vmem>>
        %dma_start3A_74 = arith.constant 0 : i32
        %dma_start3A_75 = arith.constant 0 : i32
        %dma_start3A_76 = tpu.memref_slice %arg5[%dma_start3A_74, %dma_start3A_75] : memref<10240x128xf32, #tpu.memory_space<hbm>> -> memref<10240x128xf32, #tpu.memory_space<hbm>>
        tpu.enqueue_indirect_dma source(%dma_start3A_76 : memref<10240x128xf32, #tpu.memory_space<hbm>>) target(%dma_start3A_72 : memref<128x128xf32, #tpu.memory_space<vmem>>) offsets(%dma_start3A_73 : memref<128xi32, #tpu.memory_space<vmem>>) semaphore(%arg16 : memref<!tpu.dma_semaphore, #tpu.memory_space<semaphore_mem>>)
        %mul3A_77 = arith.constant 128 : i32
        %mul3A_78 = arith.muli %min3A_65, %mul3A_77 : i32
        %add3A_79 = arith.addi %mul3A_2, %mul3A_78 : i32
        %dma_start3A_80 = arith.constant 1 : i32
        %dma_start3A_81 = arith.constant 0 : i32
        %dma_start3A_82 = tpu.memref_slice %arg13[%dma_start3A_80, %dma_start3A_81] : memref<2x128xi32, #tpu.memory_space<vmem>> -> memref<1x128xi32, #tpu.memory_space<vmem>>
        %dma_start3A_83 = tpu.memref_squeeze %dma_start3A_82 : memref<1x128xi32, #tpu.memory_space<vmem>> -> memref<128xi32, #tpu.memory_space<vmem>>
        %dma_start3A_84 = tpu.memref_slice %arg7[%add3A_79] : memref<163840xi32, #tpu.memory_space<hbm>> -> memref<128xi32, #tpu.memory_space<hbm>>
        %dma_start3A_85 = arith.constant 0 : i32
        %dma_start3A_86 = tpu.memref_slice %arg13[%dma_start3A_80, %dma_start3A_85] : memref<2x128xi32, #tpu.memory_space<vmem>> -> memref<1x128xi32, #tpu.memory_space<vmem>>
        %dma_start3A_87 = tpu.memref_squeeze %dma_start3A_86 : memref<1x128xi32, #tpu.memory_space<vmem>> -> memref<128xi32, #tpu.memory_space<vmem>>
        %dma_start3A_88 = tpu.memref_slice %arg7[%add3A_79] : memref<163840xi32, #tpu.memory_space<hbm>> -> memref<128xi32, #tpu.memory_space<hbm>>
        tpu.enqueue_dma source(%dma_start3A_88 : memref<128xi32, #tpu.memory_space<hbm>>) target(%dma_start3A_87 : memref<128xi32, #tpu.memory_space<vmem>>) target_semaphore(%arg18 : memref<!tpu.dma_semaphore, #tpu.memory_space<semaphore_mem>>)
        %dma_wait3A_89 = arith.constant 0 : i32
        %dma_wait3A_90 = arith.constant 0 : i32
        %dma_wait3A_91 = arith.constant 0 : i32
        %dma_wait3A_92 = tpu.memref_slice %arg14[%dma_wait3A_89, %dma_wait3A_90, %dma_wait3A_91] : memref<2x128x128xf32, #tpu.memory_space<vmem>> -> memref<1x128x128xf32, #tpu.memory_space<vmem>>
        %dma_wait3A_93 = tpu.memref_squeeze %dma_wait3A_92 : memref<1x128x128xf32, #tpu.memory_space<vmem>> -> memref<128x128xf32, #tpu.memory_space<vmem>>
        %dma_wait3A_94 = arith.constant 0 : i32
        %dma_wait3A_95 = tpu.memref_slice %arg12[%dma_wait3A_94] : memref<10240xi32, #tpu.memory_space<vmem>> -> memref<128xi32, #tpu.memory_space<vmem>>
        %dma_wait3A_96 = arith.constant 0 : i32
        %dma_wait3A_97 = arith.constant 0 : i32
        %dma_wait3A_98 = tpu.memref_slice %arg5[%dma_wait3A_96, %dma_wait3A_97] : memref<10240x128xf32, #tpu.memory_space<hbm>> -> memref<10240x128xf32, #tpu.memory_space<hbm>>
        tpu.wait_indirect_dma semaphore(%arg15 : memref<!tpu.dma_semaphore, #tpu.memory_space<semaphore_mem>>) src(%dma_wait3A_98 : memref<10240x128xf32, #tpu.memory_space<hbm>>) dst(%dma_wait3A_93 : memref<128x128xf32, #tpu.memory_space<vmem>>)
        %dma_wait3A_99 = arith.constant 0 : i32
        %dma_wait3A_100 = arith.constant 0 : i32
        %dma_wait3A_101 = tpu.memref_slice %arg13[%dma_wait3A_99, %dma_wait3A_100] : memref<2x128xi32, #tpu.memory_space<vmem>> -> memref<1x128xi32, #tpu.memory_space<vmem>>
        %dma_wait3A_102 = tpu.memref_squeeze %dma_wait3A_101 : memref<1x128xi32, #tpu.memory_space<vmem>> -> memref<128xi32, #tpu.memory_space<vmem>>
        %dma_wait3A_103 = arith.constant 0 : i32
        %dma_wait3A_104 = tpu.memref_slice %arg7[%dma_wait3A_103] : memref<163840xi32, #tpu.memory_space<hbm>> -> memref<128xi32, #tpu.memory_space<hbm>>
        %dma_wait3A_105 = arith.constant 0 : i32
        %dma_wait3A_106 = tpu.memref_slice %arg13[%dma_wait3A_99, %dma_wait3A_105] : memref<2x128xi32, #tpu.memory_space<vmem>> -> memref<1x128xi32, #tpu.memory_space<vmem>>
        %dma_wait3A_107 = tpu.memref_squeeze %dma_wait3A_106 : memref<1x128xi32, #tpu.memory_space<vmem>> -> memref<128xi32, #tpu.memory_space<vmem>>
        %dma_wait3A_108 = arith.constant 0 : i32
        %dma_wait3A_109 = tpu.memref_slice %arg7[%dma_wait3A_108] : memref<163840xi32, #tpu.memory_space<hbm>> -> memref<128xi32, #tpu.memory_space<hbm>>
        tpu.wait_dma2 semaphore(%arg17 : memref<!tpu.dma_semaphore, #tpu.memory_space<semaphore_mem>>) src(%dma_wait3A_109 : memref<128xi32, #tpu.memory_space<hbm>>) dst(%dma_wait3A_107 : memref<128xi32, #tpu.memory_space<vmem>>)
        %run_scoped3A = arith.constant 0 : i32
        %run_scoped3A_110 = arith.constant 0 : i32
        "tpu.region"() ({
          %run_scoped3A_165 = tpu.sem_alloc : memref<!tpu.dma_semaphore, #tpu.memory_space<semaphore_mem>>
          %dma_start3A_166 = arith.constant 0 : i32
          %dma_start3A_167 = arith.constant 0 : i32
          %dma_start3A_168 = tpu.memref_slice %arg14[%run_scoped3A, %dma_start3A_166, %dma_start3A_167] : memref<2x128x128xf32, #tpu.memory_space<vmem>> -> memref<1x128x128xf32, #tpu.memory_space<vmem>>
          %dma_start3A_169 = tpu.memref_squeeze %dma_start3A_168 : memref<1x128x128xf32, #tpu.memory_space<vmem>> -> memref<128x128xf32, #tpu.memory_space<vmem>>
          %dma_start3A_170 = arith.constant 0 : i32
          %dma_start3A_171 = tpu.memref_slice %arg13[%run_scoped3A_110, %dma_start3A_170] : memref<2x128xi32, #tpu.memory_space<vmem>> -> memref<1x128xi32, #tpu.memory_space<vmem>>
          %dma_start3A_172 = tpu.memref_squeeze %dma_start3A_171 : memref<1x128xi32, #tpu.memory_space<vmem>> -> memref<128xi32, #tpu.memory_space<vmem>>
          %dma_start3A_173 = arith.constant 0 : i32
          %dma_start3A_174 = arith.constant 0 : i32
          %dma_start3A_175 = tpu.memref_slice %arg11[%dma_start3A_173, %dma_start3A_174] : memref<10240x128xf32, #tpu.memory_space<vmem_shared>> -> memref<10240x128xf32, #tpu.memory_space<vmem_shared>>
          tpu.enqueue_indirect_dma source(%dma_start3A_169 : memref<128x128xf32, #tpu.memory_space<vmem>>) target(%dma_start3A_175 : memref<10240x128xf32, #tpu.memory_space<vmem_shared>>) offsets(%dma_start3A_172 : memref<128xi32, #tpu.memory_space<vmem>>) semaphore(%run_scoped3A_165 : memref<!tpu.dma_semaphore, #tpu.memory_space<semaphore_mem>>) {add = true}
          %dma_wait3A_176 = arith.constant 0 : i32
          %dma_wait3A_177 = arith.constant 0 : i32
          %dma_wait3A_178 = tpu.memref_slice %arg14[%run_scoped3A, %dma_wait3A_176, %dma_wait3A_177] : memref<2x128x128xf32, #tpu.memory_space<vmem>> -> memref<1x128x128xf32, #tpu.memory_space<vmem>>
          %dma_wait3A_179 = tpu.memref_squeeze %dma_wait3A_178 : memref<1x128x128xf32, #tpu.memory_space<vmem>> -> memref<128x128xf32, #tpu.memory_space<vmem>>
          %dma_wait3A_180 = arith.constant 0 : i32
          %dma_wait3A_181 = tpu.memref_slice %arg13[%run_scoped3A_110, %dma_wait3A_180] : memref<2x128xi32, #tpu.memory_space<vmem>> -> memref<1x128xi32, #tpu.memory_space<vmem>>
          %dma_wait3A_182 = tpu.memref_squeeze %dma_wait3A_181 : memref<1x128xi32, #tpu.memory_space<vmem>> -> memref<128xi32, #tpu.memory_space<vmem>>
          %dma_wait3A_183 = arith.constant 0 : i32
          %dma_wait3A_184 = arith.constant 0 : i32
          %dma_wait3A_185 = tpu.memref_slice %arg11[%dma_wait3A_183, %dma_wait3A_184] : memref<10240x128xf32, #tpu.memory_space<vmem_shared>> -> memref<10240x128xf32, #tpu.memory_space<vmem_shared>>
          tpu.wait_indirect_dma semaphore(%run_scoped3A_165 : memref<!tpu.dma_semaphore, #tpu.memory_space<semaphore_mem>>) src(%dma_wait3A_179 : memref<128x128xf32, #tpu.memory_space<vmem>>) dst(%dma_wait3A_185 : memref<10240x128xf32, #tpu.memory_space<vmem_shared>>)
          tpu.yield
        }) : () -> ()
        %mul3A_111 = arith.constant 2 : i32
        %mul3A_112 = arith.muli %add3A_58, %mul3A_111 : i32
        %add3A_113 = arith.constant 1 : i32
        %add3A_114 = arith.addi %mul3A_112, %add3A_113 : i32
        %add3A_115 = arith.constant 1 : i32
        %add3A_116 = arith.addi %add3A_114, %add3A_115 : i32
        %min3A_117 = arith.constant 79 : i32
        %min3A_118 = arith.minsi %add3A_116, %min3A_117 : i32
        %mul3A_119 = arith.constant 128 : i32
        %mul3A_120 = arith.muli %min3A_118, %mul3A_119 : i32
        %dma_start3A_121 = arith.constant 0 : i32
        %dma_start3A_122 = arith.constant 0 : i32
        %dma_start3A_123 = arith.constant 0 : i32
        %dma_start3A_124 = tpu.memref_slice %arg14[%dma_start3A_121, %dma_start3A_122, %dma_start3A_123] : memref<2x128x128xf32, #tpu.memory_space<vmem>> -> memref<1x128x128xf32, #tpu.memory_space<vmem>>
        %dma_start3A_125 = tpu.memref_squeeze %dma_start3A_124 : memref<1x128x128xf32, #tpu.memory_space<vmem>> -> memref<128x128xf32, #tpu.memory_space<vmem>>
        %dma_start3A_126 = tpu.memref_slice %arg12[%mul3A_120] : memref<10240xi32, #tpu.memory_space<vmem>> -> memref<128xi32, #tpu.memory_space<vmem>>
        %dma_start3A_127 = arith.constant 0 : i32
        %dma_start3A_128 = arith.constant 0 : i32
        %dma_start3A_129 = tpu.memref_slice %arg5[%dma_start3A_127, %dma_start3A_128] : memref<10240x128xf32, #tpu.memory_space<hbm>> -> memref<10240x128xf32, #tpu.memory_space<hbm>>
        tpu.enqueue_indirect_dma source(%dma_start3A_129 : memref<10240x128xf32, #tpu.memory_space<hbm>>) target(%dma_start3A_125 : memref<128x128xf32, #tpu.memory_space<vmem>>) offsets(%dma_start3A_126 : memref<128xi32, #tpu.memory_space<vmem>>) semaphore(%arg15 : memref<!tpu.dma_semaphore, #tpu.memory_space<semaphore_mem>>)
        %mul3A_130 = arith.constant 128 : i32
        %mul3A_131 = arith.muli %min3A_118, %mul3A_130 : i32
        %add3A_132 = arith.addi %mul3A_2, %mul3A_131 : i32
        %dma_start3A_133 = arith.constant 0 : i32
        %dma_start3A_134 = arith.constant 0 : i32
        %dma_start3A_135 = tpu.memref_slice %arg13[%dma_start3A_133, %dma_start3A_134] : memref<2x128xi32, #tpu.memory_space<vmem>> -> memref<1x128xi32, #tpu.memory_space<vmem>>
        %dma_start3A_136 = tpu.memref_squeeze %dma_start3A_135 : memref<1x128xi32, #tpu.memory_space<vmem>> -> memref<128xi32, #tpu.memory_space<vmem>>
        %dma_start3A_137 = tpu.memref_slice %arg7[%add3A_132] : memref<163840xi32, #tpu.memory_space<hbm>> -> memref<128xi32, #tpu.memory_space<hbm>>
        %dma_start3A_138 = arith.constant 0 : i32
        %dma_start3A_139 = tpu.memref_slice %arg13[%dma_start3A_133, %dma_start3A_138] : memref<2x128xi32, #tpu.memory_space<vmem>> -> memref<1x128xi32, #tpu.memory_space<vmem>>
        %dma_start3A_140 = tpu.memref_squeeze %dma_start3A_139 : memref<1x128xi32, #tpu.memory_space<vmem>> -> memref<128xi32, #tpu.memory_space<vmem>>
        %dma_start3A_141 = tpu.memref_slice %arg7[%add3A_132] : memref<163840xi32, #tpu.memory_space<hbm>> -> memref<128xi32, #tpu.memory_space<hbm>>
        tpu.enqueue_dma source(%dma_start3A_141 : memref<128xi32, #tpu.memory_space<hbm>>) target(%dma_start3A_140 : memref<128xi32, #tpu.memory_space<vmem>>) target_semaphore(%arg17 : memref<!tpu.dma_semaphore, #tpu.memory_space<semaphore_mem>>)
        %dma_wait3A_142 = arith.constant 1 : i32
        %dma_wait3A_143 = arith.constant 0 : i32
        %dma_wait3A_144 = arith.constant 0 : i32
        %dma_wait3A_145 = tpu.memref_slice %arg14[%dma_wait3A_142, %dma_wait3A_143, %dma_wait3A_144] : memref<2x128x128xf32, #tpu.memory_space<vmem>> -> memref<1x128x128xf32, #tpu.memory_space<vmem>>
        %dma_wait3A_146 = tpu.memref_squeeze %dma_wait3A_145 : memref<1x128x128xf32, #tpu.memory_space<vmem>> -> memref<128x128xf32, #tpu.memory_space<vmem>>
        %dma_wait3A_147 = arith.constant 0 : i32
        %dma_wait3A_148 = tpu.memref_slice %arg12[%dma_wait3A_147] : memref<10240xi32, #tpu.memory_space<vmem>> -> memref<128xi32, #tpu.memory_space<vmem>>
        %dma_wait3A_149 = arith.constant 0 : i32
        %dma_wait3A_150 = arith.constant 0 : i32
        %dma_wait3A_151 = tpu.memref_slice %arg5[%dma_wait3A_149, %dma_wait3A_150] : memref<10240x128xf32, #tpu.memory_space<hbm>> -> memref<10240x128xf32, #tpu.memory_space<hbm>>
        tpu.wait_indirect_dma semaphore(%arg16 : memref<!tpu.dma_semaphore, #tpu.memory_space<semaphore_mem>>) src(%dma_wait3A_151 : memref<10240x128xf32, #tpu.memory_space<hbm>>) dst(%dma_wait3A_146 : memref<128x128xf32, #tpu.memory_space<vmem>>)
        %dma_wait3A_152 = arith.constant 1 : i32
        %dma_wait3A_153 = arith.constant 0 : i32
        %dma_wait3A_154 = tpu.memref_slice %arg13[%dma_wait3A_152, %dma_wait3A_153] : memref<2x128xi32, #tpu.memory_space<vmem>> -> memref<1x128xi32, #tpu.memory_space<vmem>>
        %dma_wait3A_155 = tpu.memref_squeeze %dma_wait3A_154 : memref<1x128xi32, #tpu.memory_space<vmem>> -> memref<128xi32, #tpu.memory_space<vmem>>
        %dma_wait3A_156 = arith.constant 0 : i32
        %dma_wait3A_157 = tpu.memref_slice %arg7[%dma_wait3A_156] : memref<163840xi32, #tpu.memory_space<hbm>> -> memref<128xi32, #tpu.memory_space<hbm>>
        %dma_wait3A_158 = arith.constant 0 : i32
        %dma_wait3A_159 = tpu.memref_slice %arg13[%dma_wait3A_152, %dma_wait3A_158] : memref<2x128xi32, #tpu.memory_space<vmem>> -> memref<1x128xi32, #tpu.memory_space<vmem>>
        %dma_wait3A_160 = tpu.memref_squeeze %dma_wait3A_159 : memref<1x128xi32, #tpu.memory_space<vmem>> -> memref<128xi32, #tpu.memory_space<vmem>>
        %dma_wait3A_161 = arith.constant 0 : i32
        %dma_wait3A_162 = tpu.memref_slice %arg7[%dma_wait3A_161] : memref<163840xi32, #tpu.memory_space<hbm>> -> memref<128xi32, #tpu.memory_space<hbm>>
        tpu.wait_dma2 semaphore(%arg18 : memref<!tpu.dma_semaphore, #tpu.memory_space<semaphore_mem>>) src(%dma_wait3A_162 : memref<128xi32, #tpu.memory_space<hbm>>) dst(%dma_wait3A_160 : memref<128xi32, #tpu.memory_space<vmem>>)
        %run_scoped3A_163 = arith.constant 1 : i32
        %run_scoped3A_164 = arith.constant 1 : i32
        "tpu.region"() ({
          %run_scoped3A_165 = tpu.sem_alloc : memref<!tpu.dma_semaphore, #tpu.memory_space<semaphore_mem>>
          %dma_start3A_166 = arith.constant 0 : i32
          %dma_start3A_167 = arith.constant 0 : i32
          %dma_start3A_168 = tpu.memref_slice %arg14[%run_scoped3A_163, %dma_start3A_166, %dma_start3A_167] : memref<2x128x128xf32, #tpu.memory_space<vmem>> -> memref<1x128x128xf32, #tpu.memory_space<vmem>>
          %dma_start3A_169 = tpu.memref_squeeze %dma_start3A_168 : memref<1x128x128xf32, #tpu.memory_space<vmem>> -> memref<128x128xf32, #tpu.memory_space<vmem>>
          %dma_start3A_170 = arith.constant 0 : i32
          %dma_start3A_171 = tpu.memref_slice %arg13[%run_scoped3A_164, %dma_start3A_170] : memref<2x128xi32, #tpu.memory_space<vmem>> -> memref<1x128xi32, #tpu.memory_space<vmem>>
          %dma_start3A_172 = tpu.memref_squeeze %dma_start3A_171 : memref<1x128xi32, #tpu.memory_space<vmem>> -> memref<128xi32, #tpu.memory_space<vmem>>
          %dma_start3A_173 = arith.constant 0 : i32
          %dma_start3A_174 = arith.constant 0 : i32
          %dma_start3A_175 = tpu.memref_slice %arg11[%dma_start3A_173, %dma_start3A_174] : memref<10240x128xf32, #tpu.memory_space<vmem_shared>> -> memref<10240x128xf32, #tpu.memory_space<vmem_shared>>
          tpu.enqueue_indirect_dma source(%dma_start3A_169 : memref<128x128xf32, #tpu.memory_space<vmem>>) target(%dma_start3A_175 : memref<10240x128xf32, #tpu.memory_space<vmem_shared>>) offsets(%dma_start3A_172 : memref<128xi32, #tpu.memory_space<vmem>>) semaphore(%run_scoped3A_165 : memref<!tpu.dma_semaphore, #tpu.memory_space<semaphore_mem>>) {add = true}
          %dma_wait3A_176 = arith.constant 0 : i32
          %dma_wait3A_177 = arith.constant 0 : i32
          %dma_wait3A_178 = tpu.memref_slice %arg14[%run_scoped3A_163, %dma_wait3A_176, %dma_wait3A_177] : memref<2x128x128xf32, #tpu.memory_space<vmem>> -> memref<1x128x128xf32, #tpu.memory_space<vmem>>
          %dma_wait3A_179 = tpu.memref_squeeze %dma_wait3A_178 : memref<1x128x128xf32, #tpu.memory_space<vmem>> -> memref<128x128xf32, #tpu.memory_space<vmem>>
          %dma_wait3A_180 = arith.constant 0 : i32
          %dma_wait3A_181 = tpu.memref_slice %arg13[%run_scoped3A_164, %dma_wait3A_180] : memref<2x128xi32, #tpu.memory_space<vmem>> -> memref<1x128xi32, #tpu.memory_space<vmem>>
          %dma_wait3A_182 = tpu.memref_squeeze %dma_wait3A_181 : memref<1x128xi32, #tpu.memory_space<vmem>> -> memref<128xi32, #tpu.memory_space<vmem>>
          %dma_wait3A_183 = arith.constant 0 : i32
          %dma_wait3A_184 = arith.constant 0 : i32
          %dma_wait3A_185 = tpu.memref_slice %arg11[%dma_wait3A_183, %dma_wait3A_184] : memref<10240x128xf32, #tpu.memory_space<vmem_shared>> -> memref<10240x128xf32, #tpu.memory_space<vmem_shared>>
          tpu.wait_indirect_dma semaphore(%run_scoped3A_165 : memref<!tpu.dma_semaphore, #tpu.memory_space<semaphore_mem>>) src(%dma_wait3A_179 : memref<128x128xf32, #tpu.memory_space<vmem>>) dst(%dma_wait3A_185 : memref<10240x128xf32, #tpu.memory_space<vmem_shared>>)
          tpu.yield
        }) : () -> ()
      }
      %scan3A_32 = arith.constant 40 : i32
      %dma_wait3A = arith.constant 0 : i32
      %dma_wait3A_33 = arith.constant 0 : i32
      %dma_wait3A_34 = arith.constant 0 : i32
      %dma_wait3A_35 = tpu.memref_slice %arg14[%dma_wait3A, %dma_wait3A_33, %dma_wait3A_34] : memref<2x128x128xf32, #tpu.memory_space<vmem>> -> memref<1x128x128xf32, #tpu.memory_space<vmem>>
      %dma_wait3A_36 = tpu.memref_squeeze %dma_wait3A_35 : memref<1x128x128xf32, #tpu.memory_space<vmem>> -> memref<128x128xf32, #tpu.memory_space<vmem>>
      %dma_wait3A_37 = arith.constant 0 : i32
      %dma_wait3A_38 = tpu.memref_slice %arg12[%dma_wait3A_37] : memref<10240xi32, #tpu.memory_space<vmem>> -> memref<128xi32, #tpu.memory_space<vmem>>
      %dma_wait3A_39 = arith.constant 0 : i32
      %dma_wait3A_40 = arith.constant 0 : i32
      %dma_wait3A_41 = tpu.memref_slice %arg5[%dma_wait3A_39, %dma_wait3A_40] : memref<10240x128xf32, #tpu.memory_space<hbm>> -> memref<10240x128xf32, #tpu.memory_space<hbm>>
      tpu.wait_indirect_dma semaphore(%arg15 : memref<!tpu.dma_semaphore, #tpu.memory_space<semaphore_mem>>) src(%dma_wait3A_41 : memref<10240x128xf32, #tpu.memory_space<hbm>>) dst(%dma_wait3A_36 : memref<128x128xf32, #tpu.memory_space<vmem>>)
      %dma_wait3A_42 = arith.constant 0 : i32
      %dma_wait3A_43 = arith.constant 0 : i32
      %dma_wait3A_44 = tpu.memref_slice %arg13[%dma_wait3A_42, %dma_wait3A_43] : memref<2x128xi32, #tpu.memory_space<vmem>> -> memref<1x128xi32, #tpu.memory_space<vmem>>
      %dma_wait3A_45 = tpu.memref_squeeze %dma_wait3A_44 : memref<1x128xi32, #tpu.memory_space<vmem>> -> memref<128xi32, #tpu.memory_space<vmem>>
      %dma_wait3A_46 = arith.constant 0 : i32
      %dma_wait3A_47 = tpu.memref_slice %arg7[%dma_wait3A_46] : memref<163840xi32, #tpu.memory_space<hbm>> -> memref<128xi32, #tpu.memory_space<hbm>>
      %dma_wait3A_48 = arith.constant 0 : i32
      %dma_wait3A_49 = tpu.memref_slice %arg13[%dma_wait3A_42, %dma_wait3A_48] : memref<2x128xi32, #tpu.memory_space<vmem>> -> memref<1x128xi32, #tpu.memory_space<vmem>>
      %dma_wait3A_50 = tpu.memref_squeeze %dma_wait3A_49 : memref<1x128xi32, #tpu.memory_space<vmem>> -> memref<128xi32, #tpu.memory_space<vmem>>
      %dma_wait3A_51 = arith.constant 0 : i32
      %dma_wait3A_52 = tpu.memref_slice %arg7[%dma_wait3A_51] : memref<163840xi32, #tpu.memory_space<hbm>> -> memref<128xi32, #tpu.memory_space<hbm>>
      tpu.wait_dma2 semaphore(%arg17 : memref<!tpu.dma_semaphore, #tpu.memory_space<semaphore_mem>>) src(%dma_wait3A_52 : memref<128xi32, #tpu.memory_space<hbm>>) dst(%dma_wait3A_50 : memref<128xi32, #tpu.memory_space<vmem>>)
      %barrier3A_53 = arith.constant 0 : index
      tpu.barrier barrier_id(%barrier3A_53)
      "tpu.region"() ({
        %run_scoped3A = tpu.sem_alloc : memref<!tpu.dma_semaphore, #tpu.memory_space<semaphore_mem>>
        %dma_start3A_54 = arith.constant 0 : i32
        %dma_start3A_55 = tpu.memref_slice %arg10[%mul3A_0, %dma_start3A_54] : memref<10240x128xf32, #tpu.memory_space<hbm>> -> memref<640x128xf32, #tpu.memory_space<hbm>>
        %dma_start3A_56 = arith.constant 0 : i32
        %dma_start3A_57 = tpu.memref_slice %arg11[%mul3A_0, %dma_start3A_56] : memref<10240x128xf32, #tpu.memory_space<vmem_shared>> -> memref<640x128xf32, #tpu.memory_space<vmem_shared>>
        tpu.enqueue_dma source(%dma_start3A_57 : memref<640x128xf32, #tpu.memory_space<vmem_shared>>) target(%dma_start3A_55 : memref<640x128xf32, #tpu.memory_space<hbm>>) target_semaphore(%run_scoped3A : memref<!tpu.dma_semaphore, #tpu.memory_space<semaphore_mem>>)
        %dma_wait3A_58 = arith.constant 0 : i32
        %dma_wait3A_59 = tpu.memref_slice %arg10[%mul3A_0, %dma_wait3A_58] : memref<10240x128xf32, #tpu.memory_space<hbm>> -> memref<640x128xf32, #tpu.memory_space<hbm>>
        %dma_wait3A_60 = arith.constant 0 : i32
        %dma_wait3A_61 = tpu.memref_slice %arg11[%mul3A_0, %dma_wait3A_60] : memref<10240x128xf32, #tpu.memory_space<vmem_shared>> -> memref<640x128xf32, #tpu.memory_space<vmem_shared>>
        tpu.wait_dma2 semaphore(%run_scoped3A : memref<!tpu.dma_semaphore, #tpu.memory_space<semaphore_mem>>) src(%dma_wait3A_61 : memref<640x128xf32, #tpu.memory_space<vmem_shared>>) dst(%dma_wait3A_59 : memref<640x128xf32, #tpu.memory_space<hbm>>)
        tpu.yield
      }) : () -> ()
    } else {
    }
    return
  }
}

#map = affine_map<(d0, d1) -> (0, 0)>
#map1 = affine_map<(d0, d1) -> (0)>
module attributes {stable_mosaic.version = 14 : i64} {
  func.func @_conv2_body(%arg0: i32, %arg1: i32, %arg2: memref<10240x128xf32, #tpu.memory_space<hbm>>, %arg3: memref<163840xi32, #tpu.memory_space<hbm>>, %arg4: memref<163840xi32, #tpu.memory_space<hbm>>, %arg5: memref<10240x128xf32, #tpu.memory_space<hbm>>, %arg6: memref<163840xi32, #tpu.memory_space<hbm>>, %arg7: memref<163840xi32, #tpu.memory_space<hbm>>, %arg8: memref<640x128xf32, #tpu.memory_space<hbm>>, %arg9: memref<10240x128xf32, #tpu.memory_space<hbm>>, %arg10: memref<10240x128xf32, #tpu.memory_space<hbm>>, %arg11: memref<10240x128xf32, #tpu.memory_space<vmem_shared>>, %arg12: memref<10240xi32, #tpu.memory_space<vmem>>, %arg13: memref<2x128xi32, #tpu.memory_space<vmem>>, %arg14: memref<2x128x128xf32, #tpu.memory_space<vmem>>, %arg15: memref<!tpu.dma_semaphore, #tpu.memory_space<semaphore_mem>>, %arg16: memref<!tpu.dma_semaphore, #tpu.memory_space<semaphore_mem>>, %arg17: memref<!tpu.dma_semaphore, #tpu.memory_space<semaphore_mem>>, %arg18: memref<!tpu.dma_semaphore, #tpu.memory_space<semaphore_mem>>, %arg19: memref<!tpu.dma_semaphore, #tpu.memory_space<semaphore_mem>>, %arg20: memref<!tpu.dma_semaphore, #tpu.memory_space<semaphore_mem>>) attributes {dimension_semantics = [#tpu.dimension_semantics<core_parallel>, #tpu.dimension_semantics<subcore_parallel>], iteration_bounds = array<i64: 2, 16>, scalar_prefetch = 0 : i64, scratch_operands = 10 : i64, tpu.core_type = #tpu.core_type<sc_vector_subcore>, window_params = [{transform_indices = #map}, {transform_indices = #map1}, {transform_indices = #map1}, {transform_indices = #map}, {transform_indices = #map1}, {transform_indices = #map1}, {transform_indices = #map}, {transform_indices = #map}, {transform_indices = #map}]} {
    %mul3A = arith.constant 640 : i32
    %mul3A_0 = arith.muli %arg1, %mul3A : i32
    %mul3A_1 = arith.constant 10240 : i32
    %mul3A_2 = arith.muli %arg1, %mul3A_1 : i32
    %eq3A = arith.constant 0 : i32
    %eq3A_3 = arith.cmpi eq, %arg0, %eq3A : i32
    %convert_element_type3A = arith.extui %eq3A_3 : i1 to i32
    %cond3A = arith.constant 0 : i32
    %cond3A_4 = arith.cmpi ne, %convert_element_type3A, %cond3A : i32
    scf.if %cond3A_4 {
      "tpu.region"() ({
        %run_scoped3A = tpu.sem_alloc : memref<!tpu.dma_semaphore, #tpu.memory_space<semaphore_mem>>
        %dma_start3A_54 = tpu.memref_slice %arg3[%mul3A_2] : memref<163840xi32, #tpu.memory_space<hbm>> -> memref<10240xi32, #tpu.memory_space<hbm>>
        %dma_start3A_55 = tpu.memref_slice %arg3[%mul3A_2] : memref<163840xi32, #tpu.memory_space<hbm>> -> memref<10240xi32, #tpu.memory_space<hbm>>
        tpu.enqueue_dma source(%dma_start3A_55 : memref<10240xi32, #tpu.memory_space<hbm>>) target(%arg12 : memref<10240xi32, #tpu.memory_space<vmem>>) target_semaphore(%run_scoped3A : memref<!tpu.dma_semaphore, #tpu.memory_space<semaphore_mem>>)
        %dma_wait3A_56 = tpu.memref_slice %arg3[%mul3A_2] : memref<163840xi32, #tpu.memory_space<hbm>> -> memref<10240xi32, #tpu.memory_space<hbm>>
        %dma_wait3A_57 = tpu.memref_slice %arg3[%mul3A_2] : memref<163840xi32, #tpu.memory_space<hbm>> -> memref<10240xi32, #tpu.memory_space<hbm>>
        tpu.wait_dma2 semaphore(%run_scoped3A : memref<!tpu.dma_semaphore, #tpu.memory_space<semaphore_mem>>) src(%dma_wait3A_57 : memref<10240xi32, #tpu.memory_space<hbm>>) dst(%arg12 : memref<10240xi32, #tpu.memory_space<vmem>>)
        tpu.yield
      }) : () -> ()
      "tpu.region"() ({
        %run_scoped3A = tpu.sem_alloc : memref<!tpu.dma_semaphore, #tpu.memory_space<semaphore_mem>>
        %dma_start3A_54 = arith.constant 0 : i32
        %dma_start3A_55 = tpu.memref_slice %arg11[%mul3A_0, %dma_start3A_54] : memref<10240x128xf32, #tpu.memory_space<vmem_shared>> -> memref<640x128xf32, #tpu.memory_space<vmem_shared>>
        tpu.enqueue_dma source(%arg8 : memref<640x128xf32, #tpu.memory_space<hbm>>) target(%dma_start3A_55 : memref<640x128xf32, #tpu.memory_space<vmem_shared>>) target_semaphore(%run_scoped3A : memref<!tpu.dma_semaphore, #tpu.memory_space<semaphore_mem>>)
        %dma_wait3A_56 = arith.constant 0 : i32
        %dma_wait3A_57 = tpu.memref_slice %arg11[%mul3A_0, %dma_wait3A_56] : memref<10240x128xf32, #tpu.memory_space<vmem_shared>> -> memref<640x128xf32, #tpu.memory_space<vmem_shared>>
        tpu.wait_dma2 semaphore(%run_scoped3A : memref<!tpu.dma_semaphore, #tpu.memory_space<semaphore_mem>>) src(%arg8 : memref<640x128xf32, #tpu.memory_space<hbm>>) dst(%dma_wait3A_57 : memref<640x128xf32, #tpu.memory_space<vmem_shared>>)
        tpu.yield
      }) : () -> ()
      %barrier3A = arith.constant 0 : index
      tpu.barrier barrier_id(%barrier3A)
      %dma_start3A = arith.constant 0 : i32
      %dma_start3A_10 = arith.constant 0 : i32
      %dma_start3A_11 = arith.constant 0 : i32
      %dma_start3A_12 = tpu.memref_slice %arg14[%dma_start3A, %dma_start3A_10, %dma_start3A_11] : memref<2x128x128xf32, #tpu.memory_space<vmem>> -> memref<1x128x128xf32, #tpu.memory_space<vmem>>
      %dma_start3A_13 = tpu.memref_squeeze %dma_start3A_12 : memref<1x128x128xf32, #tpu.memory_space<vmem>> -> memref<128x128xf32, #tpu.memory_space<vmem>>
      %dma_start3A_14 = arith.constant 0 : i32
      %dma_start3A_15 = tpu.memref_slice %arg12[%dma_start3A_14] : memref<10240xi32, #tpu.memory_space<vmem>> -> memref<128xi32, #tpu.memory_space<vmem>>
      %dma_start3A_16 = arith.constant 0 : i32
      %dma_start3A_17 = arith.constant 0 : i32
      %dma_start3A_18 = tpu.memref_slice %arg2[%dma_start3A_16, %dma_start3A_17] : memref<10240x128xf32, #tpu.memory_space<hbm>> -> memref<10240x128xf32, #tpu.memory_space<hbm>>
      tpu.enqueue_indirect_dma source(%dma_start3A_18 : memref<10240x128xf32, #tpu.memory_space<hbm>>) target(%dma_start3A_13 : memref<128x128xf32, #tpu.memory_space<vmem>>) offsets(%dma_start3A_15 : memref<128xi32, #tpu.memory_space<vmem>>) semaphore(%arg15 : memref<!tpu.dma_semaphore, #tpu.memory_space<semaphore_mem>>)
      %add3A = arith.constant 0 : i32
      %add3A_19 = arith.addi %mul3A_2, %add3A : i32
      %dma_start3A_20 = arith.constant 0 : i32
      %dma_start3A_21 = arith.constant 0 : i32
      %dma_start3A_22 = tpu.memref_slice %arg13[%dma_start3A_20, %dma_start3A_21] : memref<2x128xi32, #tpu.memory_space<vmem>> -> memref<1x128xi32, #tpu.memory_space<vmem>>
      %dma_start3A_23 = tpu.memref_squeeze %dma_start3A_22 : memref<1x128xi32, #tpu.memory_space<vmem>> -> memref<128xi32, #tpu.memory_space<vmem>>
      %dma_start3A_24 = tpu.memref_slice %arg4[%add3A_19] : memref<163840xi32, #tpu.memory_space<hbm>> -> memref<128xi32, #tpu.memory_space<hbm>>
      %dma_start3A_25 = arith.constant 0 : i32
      %dma_start3A_26 = tpu.memref_slice %arg13[%dma_start3A_20, %dma_start3A_25] : memref<2x128xi32, #tpu.memory_space<vmem>> -> memref<1x128xi32, #tpu.memory_space<vmem>>
      %dma_start3A_27 = tpu.memref_squeeze %dma_start3A_26 : memref<1x128xi32, #tpu.memory_space<vmem>> -> memref<128xi32, #tpu.memory_space<vmem>>
      %dma_start3A_28 = tpu.memref_slice %arg4[%add3A_19] : memref<163840xi32, #tpu.memory_space<hbm>> -> memref<128xi32, #tpu.memory_space<hbm>>
      tpu.enqueue_dma source(%dma_start3A_28 : memref<128xi32, #tpu.memory_space<hbm>>) target(%dma_start3A_27 : memref<128xi32, #tpu.memory_space<vmem>>) target_semaphore(%arg17 : memref<!tpu.dma_semaphore, #tpu.memory_space<semaphore_mem>>)
      %scan3A = arith.constant 0 : i32
      %scan3A_29 = arith.constant 40 : i32
      %scan3A_30 = arith.addi %scan3A, %scan3A_29 : i32
      %scan3A_31 = arith.constant 1 : i32
      scf.for %scan3A_54 = %scan3A to %scan3A_30 step %scan3A_31  : i32 {
        %mul3A_55 = arith.constant 1 : i32
        %mul3A_56 = arith.muli %scan3A_54, %mul3A_55 : i32
        %add3A_57 = arith.constant 0 : i32
        %add3A_58 = arith.addi %add3A_57, %mul3A_56 : i32
        %mul3A_59 = arith.constant 2 : i32
        %mul3A_60 = arith.muli %add3A_58, %mul3A_59 : i32
        %add3A_61 = arith.constant 0 : i32
        %add3A_62 = arith.addi %mul3A_60, %add3A_61 : i32
        %add3A_63 = arith.constant 1 : i32
        %add3A_64 = arith.addi %add3A_62, %add3A_63 : i32
        %min3A = arith.constant 79 : i32
        %min3A_65 = arith.minsi %add3A_64, %min3A : i32
        %mul3A_66 = arith.constant 128 : i32
        %mul3A_67 = arith.muli %min3A_65, %mul3A_66 : i32
        %dma_start3A_68 = arith.constant 1 : i32
        %dma_start3A_69 = arith.constant 0 : i32
        %dma_start3A_70 = arith.constant 0 : i32
        %dma_start3A_71 = tpu.memref_slice %arg14[%dma_start3A_68, %dma_start3A_69, %dma_start3A_70] : memref<2x128x128xf32, #tpu.memory_space<vmem>> -> memref<1x128x128xf32, #tpu.memory_space<vmem>>
        %dma_start3A_72 = tpu.memref_squeeze %dma_start3A_71 : memref<1x128x128xf32, #tpu.memory_space<vmem>> -> memref<128x128xf32, #tpu.memory_space<vmem>>
        %dma_start3A_73 = tpu.memref_slice %arg12[%mul3A_67] : memref<10240xi32, #tpu.memory_space<vmem>> -> memref<128xi32, #tpu.memory_space<vmem>>
        %dma_start3A_74 = arith.constant 0 : i32
        %dma_start3A_75 = arith.constant 0 : i32
        %dma_start3A_76 = tpu.memref_slice %arg2[%dma_start3A_74, %dma_start3A_75] : memref<10240x128xf32, #tpu.memory_space<hbm>> -> memref<10240x128xf32, #tpu.memory_space<hbm>>
        tpu.enqueue_indirect_dma source(%dma_start3A_76 : memref<10240x128xf32, #tpu.memory_space<hbm>>) target(%dma_start3A_72 : memref<128x128xf32, #tpu.memory_space<vmem>>) offsets(%dma_start3A_73 : memref<128xi32, #tpu.memory_space<vmem>>) semaphore(%arg16 : memref<!tpu.dma_semaphore, #tpu.memory_space<semaphore_mem>>)
        %mul3A_77 = arith.constant 128 : i32
        %mul3A_78 = arith.muli %min3A_65, %mul3A_77 : i32
        %add3A_79 = arith.addi %mul3A_2, %mul3A_78 : i32
        %dma_start3A_80 = arith.constant 1 : i32
        %dma_start3A_81 = arith.constant 0 : i32
        %dma_start3A_82 = tpu.memref_slice %arg13[%dma_start3A_80, %dma_start3A_81] : memref<2x128xi32, #tpu.memory_space<vmem>> -> memref<1x128xi32, #tpu.memory_space<vmem>>
        %dma_start3A_83 = tpu.memref_squeeze %dma_start3A_82 : memref<1x128xi32, #tpu.memory_space<vmem>> -> memref<128xi32, #tpu.memory_space<vmem>>
        %dma_start3A_84 = tpu.memref_slice %arg4[%add3A_79] : memref<163840xi32, #tpu.memory_space<hbm>> -> memref<128xi32, #tpu.memory_space<hbm>>
        %dma_start3A_85 = arith.constant 0 : i32
        %dma_start3A_86 = tpu.memref_slice %arg13[%dma_start3A_80, %dma_start3A_85] : memref<2x128xi32, #tpu.memory_space<vmem>> -> memref<1x128xi32, #tpu.memory_space<vmem>>
        %dma_start3A_87 = tpu.memref_squeeze %dma_start3A_86 : memref<1x128xi32, #tpu.memory_space<vmem>> -> memref<128xi32, #tpu.memory_space<vmem>>
        %dma_start3A_88 = tpu.memref_slice %arg4[%add3A_79] : memref<163840xi32, #tpu.memory_space<hbm>> -> memref<128xi32, #tpu.memory_space<hbm>>
        tpu.enqueue_dma source(%dma_start3A_88 : memref<128xi32, #tpu.memory_space<hbm>>) target(%dma_start3A_87 : memref<128xi32, #tpu.memory_space<vmem>>) target_semaphore(%arg18 : memref<!tpu.dma_semaphore, #tpu.memory_space<semaphore_mem>>)
        %dma_wait3A_89 = arith.constant 0 : i32
        %dma_wait3A_90 = arith.constant 0 : i32
        %dma_wait3A_91 = arith.constant 0 : i32
        %dma_wait3A_92 = tpu.memref_slice %arg14[%dma_wait3A_89, %dma_wait3A_90, %dma_wait3A_91] : memref<2x128x128xf32, #tpu.memory_space<vmem>> -> memref<1x128x128xf32, #tpu.memory_space<vmem>>
        %dma_wait3A_93 = tpu.memref_squeeze %dma_wait3A_92 : memref<1x128x128xf32, #tpu.memory_space<vmem>> -> memref<128x128xf32, #tpu.memory_space<vmem>>
        %dma_wait3A_94 = arith.constant 0 : i32
        %dma_wait3A_95 = tpu.memref_slice %arg12[%dma_wait3A_94] : memref<10240xi32, #tpu.memory_space<vmem>> -> memref<128xi32, #tpu.memory_space<vmem>>
        %dma_wait3A_96 = arith.constant 0 : i32
        %dma_wait3A_97 = arith.constant 0 : i32
        %dma_wait3A_98 = tpu.memref_slice %arg2[%dma_wait3A_96, %dma_wait3A_97] : memref<10240x128xf32, #tpu.memory_space<hbm>> -> memref<10240x128xf32, #tpu.memory_space<hbm>>
        tpu.wait_indirect_dma semaphore(%arg15 : memref<!tpu.dma_semaphore, #tpu.memory_space<semaphore_mem>>) src(%dma_wait3A_98 : memref<10240x128xf32, #tpu.memory_space<hbm>>) dst(%dma_wait3A_93 : memref<128x128xf32, #tpu.memory_space<vmem>>)
        %dma_wait3A_99 = arith.constant 0 : i32
        %dma_wait3A_100 = arith.constant 0 : i32
        %dma_wait3A_101 = tpu.memref_slice %arg13[%dma_wait3A_99, %dma_wait3A_100] : memref<2x128xi32, #tpu.memory_space<vmem>> -> memref<1x128xi32, #tpu.memory_space<vmem>>
        %dma_wait3A_102 = tpu.memref_squeeze %dma_wait3A_101 : memref<1x128xi32, #tpu.memory_space<vmem>> -> memref<128xi32, #tpu.memory_space<vmem>>
        %dma_wait3A_103 = arith.constant 0 : i32
        %dma_wait3A_104 = tpu.memref_slice %arg4[%dma_wait3A_103] : memref<163840xi32, #tpu.memory_space<hbm>> -> memref<128xi32, #tpu.memory_space<hbm>>
        %dma_wait3A_105 = arith.constant 0 : i32
        %dma_wait3A_106 = tpu.memref_slice %arg13[%dma_wait3A_99, %dma_wait3A_105] : memref<2x128xi32, #tpu.memory_space<vmem>> -> memref<1x128xi32, #tpu.memory_space<vmem>>
        %dma_wait3A_107 = tpu.memref_squeeze %dma_wait3A_106 : memref<1x128xi32, #tpu.memory_space<vmem>> -> memref<128xi32, #tpu.memory_space<vmem>>
        %dma_wait3A_108 = arith.constant 0 : i32
        %dma_wait3A_109 = tpu.memref_slice %arg4[%dma_wait3A_108] : memref<163840xi32, #tpu.memory_space<hbm>> -> memref<128xi32, #tpu.memory_space<hbm>>
        tpu.wait_dma2 semaphore(%arg17 : memref<!tpu.dma_semaphore, #tpu.memory_space<semaphore_mem>>) src(%dma_wait3A_109 : memref<128xi32, #tpu.memory_space<hbm>>) dst(%dma_wait3A_107 : memref<128xi32, #tpu.memory_space<vmem>>)
        %run_scoped3A = arith.constant 0 : i32
        %run_scoped3A_110 = arith.constant 0 : i32
        "tpu.region"() ({
          %run_scoped3A_165 = tpu.sem_alloc : memref<!tpu.dma_semaphore, #tpu.memory_space<semaphore_mem>>
          %dma_start3A_166 = arith.constant 0 : i32
          %dma_start3A_167 = arith.constant 0 : i32
          %dma_start3A_168 = tpu.memref_slice %arg14[%run_scoped3A, %dma_start3A_166, %dma_start3A_167] : memref<2x128x128xf32, #tpu.memory_space<vmem>> -> memref<1x128x128xf32, #tpu.memory_space<vmem>>
          %dma_start3A_169 = tpu.memref_squeeze %dma_start3A_168 : memref<1x128x128xf32, #tpu.memory_space<vmem>> -> memref<128x128xf32, #tpu.memory_space<vmem>>
          %dma_start3A_170 = arith.constant 0 : i32
          %dma_start3A_171 = tpu.memref_slice %arg13[%run_scoped3A_110, %dma_start3A_170] : memref<2x128xi32, #tpu.memory_space<vmem>> -> memref<1x128xi32, #tpu.memory_space<vmem>>
          %dma_start3A_172 = tpu.memref_squeeze %dma_start3A_171 : memref<1x128xi32, #tpu.memory_space<vmem>> -> memref<128xi32, #tpu.memory_space<vmem>>
          %dma_start3A_173 = arith.constant 0 : i32
          %dma_start3A_174 = arith.constant 0 : i32
          %dma_start3A_175 = tpu.memref_slice %arg11[%dma_start3A_173, %dma_start3A_174] : memref<10240x128xf32, #tpu.memory_space<vmem_shared>> -> memref<10240x128xf32, #tpu.memory_space<vmem_shared>>
          tpu.enqueue_indirect_dma source(%dma_start3A_169 : memref<128x128xf32, #tpu.memory_space<vmem>>) target(%dma_start3A_175 : memref<10240x128xf32, #tpu.memory_space<vmem_shared>>) offsets(%dma_start3A_172 : memref<128xi32, #tpu.memory_space<vmem>>) semaphore(%run_scoped3A_165 : memref<!tpu.dma_semaphore, #tpu.memory_space<semaphore_mem>>) {add = true}
          %dma_wait3A_176 = arith.constant 0 : i32
          %dma_wait3A_177 = arith.constant 0 : i32
          %dma_wait3A_178 = tpu.memref_slice %arg14[%run_scoped3A, %dma_wait3A_176, %dma_wait3A_177] : memref<2x128x128xf32, #tpu.memory_space<vmem>> -> memref<1x128x128xf32, #tpu.memory_space<vmem>>
          %dma_wait3A_179 = tpu.memref_squeeze %dma_wait3A_178 : memref<1x128x128xf32, #tpu.memory_space<vmem>> -> memref<128x128xf32, #tpu.memory_space<vmem>>
          %dma_wait3A_180 = arith.constant 0 : i32
          %dma_wait3A_181 = tpu.memref_slice %arg13[%run_scoped3A_110, %dma_wait3A_180] : memref<2x128xi32, #tpu.memory_space<vmem>> -> memref<1x128xi32, #tpu.memory_space<vmem>>
          %dma_wait3A_182 = tpu.memref_squeeze %dma_wait3A_181 : memref<1x128xi32, #tpu.memory_space<vmem>> -> memref<128xi32, #tpu.memory_space<vmem>>
          %dma_wait3A_183 = arith.constant 0 : i32
          %dma_wait3A_184 = arith.constant 0 : i32
          %dma_wait3A_185 = tpu.memref_slice %arg11[%dma_wait3A_183, %dma_wait3A_184] : memref<10240x128xf32, #tpu.memory_space<vmem_shared>> -> memref<10240x128xf32, #tpu.memory_space<vmem_shared>>
          tpu.wait_indirect_dma semaphore(%run_scoped3A_165 : memref<!tpu.dma_semaphore, #tpu.memory_space<semaphore_mem>>) src(%dma_wait3A_179 : memref<128x128xf32, #tpu.memory_space<vmem>>) dst(%dma_wait3A_185 : memref<10240x128xf32, #tpu.memory_space<vmem_shared>>)
          tpu.yield
        }) : () -> ()
        %mul3A_111 = arith.constant 2 : i32
        %mul3A_112 = arith.muli %add3A_58, %mul3A_111 : i32
        %add3A_113 = arith.constant 1 : i32
        %add3A_114 = arith.addi %mul3A_112, %add3A_113 : i32
        %add3A_115 = arith.constant 1 : i32
        %add3A_116 = arith.addi %add3A_114, %add3A_115 : i32
        %min3A_117 = arith.constant 79 : i32
        %min3A_118 = arith.minsi %add3A_116, %min3A_117 : i32
        %mul3A_119 = arith.constant 128 : i32
        %mul3A_120 = arith.muli %min3A_118, %mul3A_119 : i32
        %dma_start3A_121 = arith.constant 0 : i32
        %dma_start3A_122 = arith.constant 0 : i32
        %dma_start3A_123 = arith.constant 0 : i32
        %dma_start3A_124 = tpu.memref_slice %arg14[%dma_start3A_121, %dma_start3A_122, %dma_start3A_123] : memref<2x128x128xf32, #tpu.memory_space<vmem>> -> memref<1x128x128xf32, #tpu.memory_space<vmem>>
        %dma_start3A_125 = tpu.memref_squeeze %dma_start3A_124 : memref<1x128x128xf32, #tpu.memory_space<vmem>> -> memref<128x128xf32, #tpu.memory_space<vmem>>
        %dma_start3A_126 = tpu.memref_slice %arg12[%mul3A_120] : memref<10240xi32, #tpu.memory_space<vmem>> -> memref<128xi32, #tpu.memory_space<vmem>>
        %dma_start3A_127 = arith.constant 0 : i32
        %dma_start3A_128 = arith.constant 0 : i32
        %dma_start3A_129 = tpu.memref_slice %arg2[%dma_start3A_127, %dma_start3A_128] : memref<10240x128xf32, #tpu.memory_space<hbm>> -> memref<10240x128xf32, #tpu.memory_space<hbm>>
        tpu.enqueue_indirect_dma source(%dma_start3A_129 : memref<10240x128xf32, #tpu.memory_space<hbm>>) target(%dma_start3A_125 : memref<128x128xf32, #tpu.memory_space<vmem>>) offsets(%dma_start3A_126 : memref<128xi32, #tpu.memory_space<vmem>>) semaphore(%arg15 : memref<!tpu.dma_semaphore, #tpu.memory_space<semaphore_mem>>)
        %mul3A_130 = arith.constant 128 : i32
        %mul3A_131 = arith.muli %min3A_118, %mul3A_130 : i32
        %add3A_132 = arith.addi %mul3A_2, %mul3A_131 : i32
        %dma_start3A_133 = arith.constant 0 : i32
        %dma_start3A_134 = arith.constant 0 : i32
        %dma_start3A_135 = tpu.memref_slice %arg13[%dma_start3A_133, %dma_start3A_134] : memref<2x128xi32, #tpu.memory_space<vmem>> -> memref<1x128xi32, #tpu.memory_space<vmem>>
        %dma_start3A_136 = tpu.memref_squeeze %dma_start3A_135 : memref<1x128xi32, #tpu.memory_space<vmem>> -> memref<128xi32, #tpu.memory_space<vmem>>
        %dma_start3A_137 = tpu.memref_slice %arg4[%add3A_132] : memref<163840xi32, #tpu.memory_space<hbm>> -> memref<128xi32, #tpu.memory_space<hbm>>
        %dma_start3A_138 = arith.constant 0 : i32
        %dma_start3A_139 = tpu.memref_slice %arg13[%dma_start3A_133, %dma_start3A_138] : memref<2x128xi32, #tpu.memory_space<vmem>> -> memref<1x128xi32, #tpu.memory_space<vmem>>
        %dma_start3A_140 = tpu.memref_squeeze %dma_start3A_139 : memref<1x128xi32, #tpu.memory_space<vmem>> -> memref<128xi32, #tpu.memory_space<vmem>>
        %dma_start3A_141 = tpu.memref_slice %arg4[%add3A_132] : memref<163840xi32, #tpu.memory_space<hbm>> -> memref<128xi32, #tpu.memory_space<hbm>>
        tpu.enqueue_dma source(%dma_start3A_141 : memref<128xi32, #tpu.memory_space<hbm>>) target(%dma_start3A_140 : memref<128xi32, #tpu.memory_space<vmem>>) target_semaphore(%arg17 : memref<!tpu.dma_semaphore, #tpu.memory_space<semaphore_mem>>)
        %dma_wait3A_142 = arith.constant 1 : i32
        %dma_wait3A_143 = arith.constant 0 : i32
        %dma_wait3A_144 = arith.constant 0 : i32
        %dma_wait3A_145 = tpu.memref_slice %arg14[%dma_wait3A_142, %dma_wait3A_143, %dma_wait3A_144] : memref<2x128x128xf32, #tpu.memory_space<vmem>> -> memref<1x128x128xf32, #tpu.memory_space<vmem>>
        %dma_wait3A_146 = tpu.memref_squeeze %dma_wait3A_145 : memref<1x128x128xf32, #tpu.memory_space<vmem>> -> memref<128x128xf32, #tpu.memory_space<vmem>>
        %dma_wait3A_147 = arith.constant 0 : i32
        %dma_wait3A_148 = tpu.memref_slice %arg12[%dma_wait3A_147] : memref<10240xi32, #tpu.memory_space<vmem>> -> memref<128xi32, #tpu.memory_space<vmem>>
        %dma_wait3A_149 = arith.constant 0 : i32
        %dma_wait3A_150 = arith.constant 0 : i32
        %dma_wait3A_151 = tpu.memref_slice %arg2[%dma_wait3A_149, %dma_wait3A_150] : memref<10240x128xf32, #tpu.memory_space<hbm>> -> memref<10240x128xf32, #tpu.memory_space<hbm>>
        tpu.wait_indirect_dma semaphore(%arg16 : memref<!tpu.dma_semaphore, #tpu.memory_space<semaphore_mem>>) src(%dma_wait3A_151 : memref<10240x128xf32, #tpu.memory_space<hbm>>) dst(%dma_wait3A_146 : memref<128x128xf32, #tpu.memory_space<vmem>>)
        %dma_wait3A_152 = arith.constant 1 : i32
        %dma_wait3A_153 = arith.constant 0 : i32
        %dma_wait3A_154 = tpu.memref_slice %arg13[%dma_wait3A_152, %dma_wait3A_153] : memref<2x128xi32, #tpu.memory_space<vmem>> -> memref<1x128xi32, #tpu.memory_space<vmem>>
        %dma_wait3A_155 = tpu.memref_squeeze %dma_wait3A_154 : memref<1x128xi32, #tpu.memory_space<vmem>> -> memref<128xi32, #tpu.memory_space<vmem>>
        %dma_wait3A_156 = arith.constant 0 : i32
        %dma_wait3A_157 = tpu.memref_slice %arg4[%dma_wait3A_156] : memref<163840xi32, #tpu.memory_space<hbm>> -> memref<128xi32, #tpu.memory_space<hbm>>
        %dma_wait3A_158 = arith.constant 0 : i32
        %dma_wait3A_159 = tpu.memref_slice %arg13[%dma_wait3A_152, %dma_wait3A_158] : memref<2x128xi32, #tpu.memory_space<vmem>> -> memref<1x128xi32, #tpu.memory_space<vmem>>
        %dma_wait3A_160 = tpu.memref_squeeze %dma_wait3A_159 : memref<1x128xi32, #tpu.memory_space<vmem>> -> memref<128xi32, #tpu.memory_space<vmem>>
        %dma_wait3A_161 = arith.constant 0 : i32
        %dma_wait3A_162 = tpu.memref_slice %arg4[%dma_wait3A_161] : memref<163840xi32, #tpu.memory_space<hbm>> -> memref<128xi32, #tpu.memory_space<hbm>>
        tpu.wait_dma2 semaphore(%arg18 : memref<!tpu.dma_semaphore, #tpu.memory_space<semaphore_mem>>) src(%dma_wait3A_162 : memref<128xi32, #tpu.memory_space<hbm>>) dst(%dma_wait3A_160 : memref<128xi32, #tpu.memory_space<vmem>>)
        %run_scoped3A_163 = arith.constant 1 : i32
        %run_scoped3A_164 = arith.constant 1 : i32
        "tpu.region"() ({
          %run_scoped3A_165 = tpu.sem_alloc : memref<!tpu.dma_semaphore, #tpu.memory_space<semaphore_mem>>
          %dma_start3A_166 = arith.constant 0 : i32
          %dma_start3A_167 = arith.constant 0 : i32
          %dma_start3A_168 = tpu.memref_slice %arg14[%run_scoped3A_163, %dma_start3A_166, %dma_start3A_167] : memref<2x128x128xf32, #tpu.memory_space<vmem>> -> memref<1x128x128xf32, #tpu.memory_space<vmem>>
          %dma_start3A_169 = tpu.memref_squeeze %dma_start3A_168 : memref<1x128x128xf32, #tpu.memory_space<vmem>> -> memref<128x128xf32, #tpu.memory_space<vmem>>
          %dma_start3A_170 = arith.constant 0 : i32
          %dma_start3A_171 = tpu.memref_slice %arg13[%run_scoped3A_164, %dma_start3A_170] : memref<2x128xi32, #tpu.memory_space<vmem>> -> memref<1x128xi32, #tpu.memory_space<vmem>>
          %dma_start3A_172 = tpu.memref_squeeze %dma_start3A_171 : memref<1x128xi32, #tpu.memory_space<vmem>> -> memref<128xi32, #tpu.memory_space<vmem>>
          %dma_start3A_173 = arith.constant 0 : i32
          %dma_start3A_174 = arith.constant 0 : i32
          %dma_start3A_175 = tpu.memref_slice %arg11[%dma_start3A_173, %dma_start3A_174] : memref<10240x128xf32, #tpu.memory_space<vmem_shared>> -> memref<10240x128xf32, #tpu.memory_space<vmem_shared>>
          tpu.enqueue_indirect_dma source(%dma_start3A_169 : memref<128x128xf32, #tpu.memory_space<vmem>>) target(%dma_start3A_175 : memref<10240x128xf32, #tpu.memory_space<vmem_shared>>) offsets(%dma_start3A_172 : memref<128xi32, #tpu.memory_space<vmem>>) semaphore(%run_scoped3A_165 : memref<!tpu.dma_semaphore, #tpu.memory_space<semaphore_mem>>) {add = true}
          %dma_wait3A_176 = arith.constant 0 : i32
          %dma_wait3A_177 = arith.constant 0 : i32
          %dma_wait3A_178 = tpu.memref_slice %arg14[%run_scoped3A_163, %dma_wait3A_176, %dma_wait3A_177] : memref<2x128x128xf32, #tpu.memory_space<vmem>> -> memref<1x128x128xf32, #tpu.memory_space<vmem>>
          %dma_wait3A_179 = tpu.memref_squeeze %dma_wait3A_178 : memref<1x128x128xf32, #tpu.memory_space<vmem>> -> memref<128x128xf32, #tpu.memory_space<vmem>>
          %dma_wait3A_180 = arith.constant 0 : i32
          %dma_wait3A_181 = tpu.memref_slice %arg13[%run_scoped3A_164, %dma_wait3A_180] : memref<2x128xi32, #tpu.memory_space<vmem>> -> memref<1x128xi32, #tpu.memory_space<vmem>>
          %dma_wait3A_182 = tpu.memref_squeeze %dma_wait3A_181 : memref<1x128xi32, #tpu.memory_space<vmem>> -> memref<128xi32, #tpu.memory_space<vmem>>
          %dma_wait3A_183 = arith.constant 0 : i32
          %dma_wait3A_184 = arith.constant 0 : i32
          %dma_wait3A_185 = tpu.memref_slice %arg11[%dma_wait3A_183, %dma_wait3A_184] : memref<10240x128xf32, #tpu.memory_space<vmem_shared>> -> memref<10240x128xf32, #tpu.memory_space<vmem_shared>>
          tpu.wait_indirect_dma semaphore(%run_scoped3A_165 : memref<!tpu.dma_semaphore, #tpu.memory_space<semaphore_mem>>) src(%dma_wait3A_179 : memref<128x128xf32, #tpu.memory_space<vmem>>) dst(%dma_wait3A_185 : memref<10240x128xf32, #tpu.memory_space<vmem_shared>>)
          tpu.yield
        }) : () -> ()
      }
      %scan3A_32 = arith.constant 40 : i32
      %dma_wait3A = arith.constant 0 : i32
      %dma_wait3A_33 = arith.constant 0 : i32
      %dma_wait3A_34 = arith.constant 0 : i32
      %dma_wait3A_35 = tpu.memref_slice %arg14[%dma_wait3A, %dma_wait3A_33, %dma_wait3A_34] : memref<2x128x128xf32, #tpu.memory_space<vmem>> -> memref<1x128x128xf32, #tpu.memory_space<vmem>>
      %dma_wait3A_36 = tpu.memref_squeeze %dma_wait3A_35 : memref<1x128x128xf32, #tpu.memory_space<vmem>> -> memref<128x128xf32, #tpu.memory_space<vmem>>
      %dma_wait3A_37 = arith.constant 0 : i32
      %dma_wait3A_38 = tpu.memref_slice %arg12[%dma_wait3A_37] : memref<10240xi32, #tpu.memory_space<vmem>> -> memref<128xi32, #tpu.memory_space<vmem>>
      %dma_wait3A_39 = arith.constant 0 : i32
      %dma_wait3A_40 = arith.constant 0 : i32
      %dma_wait3A_41 = tpu.memref_slice %arg2[%dma_wait3A_39, %dma_wait3A_40] : memref<10240x128xf32, #tpu.memory_space<hbm>> -> memref<10240x128xf32, #tpu.memory_space<hbm>>
      tpu.wait_indirect_dma semaphore(%arg15 : memref<!tpu.dma_semaphore, #tpu.memory_space<semaphore_mem>>) src(%dma_wait3A_41 : memref<10240x128xf32, #tpu.memory_space<hbm>>) dst(%dma_wait3A_36 : memref<128x128xf32, #tpu.memory_space<vmem>>)
      %dma_wait3A_42 = arith.constant 0 : i32
      %dma_wait3A_43 = arith.constant 0 : i32
      %dma_wait3A_44 = tpu.memref_slice %arg13[%dma_wait3A_42, %dma_wait3A_43] : memref<2x128xi32, #tpu.memory_space<vmem>> -> memref<1x128xi32, #tpu.memory_space<vmem>>
      %dma_wait3A_45 = tpu.memref_squeeze %dma_wait3A_44 : memref<1x128xi32, #tpu.memory_space<vmem>> -> memref<128xi32, #tpu.memory_space<vmem>>
      %dma_wait3A_46 = arith.constant 0 : i32
      %dma_wait3A_47 = tpu.memref_slice %arg4[%dma_wait3A_46] : memref<163840xi32, #tpu.memory_space<hbm>> -> memref<128xi32, #tpu.memory_space<hbm>>
      %dma_wait3A_48 = arith.constant 0 : i32
      %dma_wait3A_49 = tpu.memref_slice %arg13[%dma_wait3A_42, %dma_wait3A_48] : memref<2x128xi32, #tpu.memory_space<vmem>> -> memref<1x128xi32, #tpu.memory_space<vmem>>
      %dma_wait3A_50 = tpu.memref_squeeze %dma_wait3A_49 : memref<1x128xi32, #tpu.memory_space<vmem>> -> memref<128xi32, #tpu.memory_space<vmem>>
      %dma_wait3A_51 = arith.constant 0 : i32
      %dma_wait3A_52 = tpu.memref_slice %arg4[%dma_wait3A_51] : memref<163840xi32, #tpu.memory_space<hbm>> -> memref<128xi32, #tpu.memory_space<hbm>>
      tpu.wait_dma2 semaphore(%arg17 : memref<!tpu.dma_semaphore, #tpu.memory_space<semaphore_mem>>) src(%dma_wait3A_52 : memref<128xi32, #tpu.memory_space<hbm>>) dst(%dma_wait3A_50 : memref<128xi32, #tpu.memory_space<vmem>>)
      %barrier3A_53 = arith.constant 0 : index
      tpu.barrier barrier_id(%barrier3A_53)
      "tpu.region"() ({
        %run_scoped3A = tpu.sem_alloc : memref<!tpu.dma_semaphore, #tpu.memory_space<semaphore_mem>>
        %dma_start3A_54 = arith.constant 0 : i32
        %dma_start3A_55 = tpu.memref_slice %arg9[%mul3A_0, %dma_start3A_54] : memref<10240x128xf32, #tpu.memory_space<hbm>> -> memref<640x128xf32, #tpu.memory_space<hbm>>
        %dma_start3A_56 = arith.constant 0 : i32
        %dma_start3A_57 = tpu.memref_slice %arg11[%mul3A_0, %dma_start3A_56] : memref<10240x128xf32, #tpu.memory_space<vmem_shared>> -> memref<640x128xf32, #tpu.memory_space<vmem_shared>>
        tpu.enqueue_dma source(%dma_start3A_57 : memref<640x128xf32, #tpu.memory_space<vmem_shared>>) target(%dma_start3A_55 : memref<640x128xf32, #tpu.memory_space<hbm>>) target_semaphore(%run_scoped3A : memref<!tpu.dma_semaphore, #tpu.memory_space<semaphore_mem>>)
        %dma_wait3A_58 = arith.constant 0 : i32
        %dma_wait3A_59 = tpu.memref_slice %arg9[%mul3A_0, %dma_wait3A_58] : memref<10240x128xf32, #tpu.memory_space<hbm>> -> memref<640x128xf32, #tpu.memory_space<hbm>>
        %dma_wait3A_60 = arith.constant 0 : i32
        %dma_wait3A_61 = tpu.memref_slice %arg11[%mul3A_0, %dma_wait3A_60] : memref<10240x128xf32, #tpu.memory_space<vmem_shared>> -> memref<640x128xf32, #tpu.memory_space<vmem_shared>>
        tpu.wait_dma2 semaphore(%run_scoped3A : memref<!tpu.dma_semaphore, #tpu.memory_space<semaphore_mem>>) src(%dma_wait3A_61 : memref<640x128xf32, #tpu.memory_space<vmem_shared>>) dst(%dma_wait3A_59 : memref<640x128xf32, #tpu.memory_space<hbm>>)
        tpu.yield
      }) : () -> ()
    } else {
    }
    %eq3A_5 = arith.constant 1 : i32
    %eq3A_6 = arith.cmpi eq, %arg0, %eq3A_5 : i32
    %convert_element_type3A_7 = arith.extui %eq3A_6 : i1 to i32
    %cond3A_8 = arith.constant 0 : i32
    %cond3A_9 = arith.cmpi ne, %convert_element_type3A_7, %cond3A_8 : i32
    scf.if %cond3A_9 {
      "tpu.region"() ({
        %run_scoped3A = tpu.sem_alloc : memref<!tpu.dma_semaphore, #tpu.memory_space<semaphore_mem>>
        %dma_start3A_54 = tpu.memref_slice %arg6[%mul3A_2] : memref<163840xi32, #tpu.memory_space<hbm>> -> memref<10240xi32, #tpu.memory_space<hbm>>
        %dma_start3A_55 = tpu.memref_slice %arg6[%mul3A_2] : memref<163840xi32, #tpu.memory_space<hbm>> -> memref<10240xi32, #tpu.memory_space<hbm>>
        tpu.enqueue_dma source(%dma_start3A_55 : memref<10240xi32, #tpu.memory_space<hbm>>) target(%arg12 : memref<10240xi32, #tpu.memory_space<vmem>>) target_semaphore(%run_scoped3A : memref<!tpu.dma_semaphore, #tpu.memory_space<semaphore_mem>>)
        %dma_wait3A_56 = tpu.memref_slice %arg6[%mul3A_2] : memref<163840xi32, #tpu.memory_space<hbm>> -> memref<10240xi32, #tpu.memory_space<hbm>>
        %dma_wait3A_57 = tpu.memref_slice %arg6[%mul3A_2] : memref<163840xi32, #tpu.memory_space<hbm>> -> memref<10240xi32, #tpu.memory_space<hbm>>
        tpu.wait_dma2 semaphore(%run_scoped3A : memref<!tpu.dma_semaphore, #tpu.memory_space<semaphore_mem>>) src(%dma_wait3A_57 : memref<10240xi32, #tpu.memory_space<hbm>>) dst(%arg12 : memref<10240xi32, #tpu.memory_space<vmem>>)
        tpu.yield
      }) : () -> ()
      "tpu.region"() ({
        %run_scoped3A = tpu.sem_alloc : memref<!tpu.dma_semaphore, #tpu.memory_space<semaphore_mem>>
        %dma_start3A_54 = arith.constant 0 : i32
        %dma_start3A_55 = tpu.memref_slice %arg11[%mul3A_0, %dma_start3A_54] : memref<10240x128xf32, #tpu.memory_space<vmem_shared>> -> memref<640x128xf32, #tpu.memory_space<vmem_shared>>
        tpu.enqueue_dma source(%arg8 : memref<640x128xf32, #tpu.memory_space<hbm>>) target(%dma_start3A_55 : memref<640x128xf32, #tpu.memory_space<vmem_shared>>) target_semaphore(%run_scoped3A : memref<!tpu.dma_semaphore, #tpu.memory_space<semaphore_mem>>)
        %dma_wait3A_56 = arith.constant 0 : i32
        %dma_wait3A_57 = tpu.memref_slice %arg11[%mul3A_0, %dma_wait3A_56] : memref<10240x128xf32, #tpu.memory_space<vmem_shared>> -> memref<640x128xf32, #tpu.memory_space<vmem_shared>>
        tpu.wait_dma2 semaphore(%run_scoped3A : memref<!tpu.dma_semaphore, #tpu.memory_space<semaphore_mem>>) src(%arg8 : memref<640x128xf32, #tpu.memory_space<hbm>>) dst(%dma_wait3A_57 : memref<640x128xf32, #tpu.memory_space<vmem_shared>>)
        tpu.yield
      }) : () -> ()
      %barrier3A = arith.constant 0 : index
      tpu.barrier barrier_id(%barrier3A)
      %dma_start3A = arith.constant 0 : i32
      %dma_start3A_10 = arith.constant 0 : i32
      %dma_start3A_11 = arith.constant 0 : i32
      %dma_start3A_12 = tpu.memref_slice %arg14[%dma_start3A, %dma_start3A_10, %dma_start3A_11] : memref<2x128x128xf32, #tpu.memory_space<vmem>> -> memref<1x128x128xf32, #tpu.memory_space<vmem>>
      %dma_start3A_13 = tpu.memref_squeeze %dma_start3A_12 : memref<1x128x128xf32, #tpu.memory_space<vmem>> -> memref<128x128xf32, #tpu.memory_space<vmem>>
      %dma_start3A_14 = arith.constant 0 : i32
      %dma_start3A_15 = tpu.memref_slice %arg12[%dma_start3A_14] : memref<10240xi32, #tpu.memory_space<vmem>> -> memref<128xi32, #tpu.memory_space<vmem>>
      %dma_start3A_16 = arith.constant 0 : i32
      %dma_start3A_17 = arith.constant 0 : i32
      %dma_start3A_18 = tpu.memref_slice %arg5[%dma_start3A_16, %dma_start3A_17] : memref<10240x128xf32, #tpu.memory_space<hbm>> -> memref<10240x128xf32, #tpu.memory_space<hbm>>
      tpu.enqueue_indirect_dma source(%dma_start3A_18 : memref<10240x128xf32, #tpu.memory_space<hbm>>) target(%dma_start3A_13 : memref<128x128xf32, #tpu.memory_space<vmem>>) offsets(%dma_start3A_15 : memref<128xi32, #tpu.memory_space<vmem>>) semaphore(%arg15 : memref<!tpu.dma_semaphore, #tpu.memory_space<semaphore_mem>>)
      %add3A = arith.constant 0 : i32
      %add3A_19 = arith.addi %mul3A_2, %add3A : i32
      %dma_start3A_20 = arith.constant 0 : i32
      %dma_start3A_21 = arith.constant 0 : i32
      %dma_start3A_22 = tpu.memref_slice %arg13[%dma_start3A_20, %dma_start3A_21] : memref<2x128xi32, #tpu.memory_space<vmem>> -> memref<1x128xi32, #tpu.memory_space<vmem>>
      %dma_start3A_23 = tpu.memref_squeeze %dma_start3A_22 : memref<1x128xi32, #tpu.memory_space<vmem>> -> memref<128xi32, #tpu.memory_space<vmem>>
      %dma_start3A_24 = tpu.memref_slice %arg7[%add3A_19] : memref<163840xi32, #tpu.memory_space<hbm>> -> memref<128xi32, #tpu.memory_space<hbm>>
      %dma_start3A_25 = arith.constant 0 : i32
      %dma_start3A_26 = tpu.memref_slice %arg13[%dma_start3A_20, %dma_start3A_25] : memref<2x128xi32, #tpu.memory_space<vmem>> -> memref<1x128xi32, #tpu.memory_space<vmem>>
      %dma_start3A_27 = tpu.memref_squeeze %dma_start3A_26 : memref<1x128xi32, #tpu.memory_space<vmem>> -> memref<128xi32, #tpu.memory_space<vmem>>
      %dma_start3A_28 = tpu.memref_slice %arg7[%add3A_19] : memref<163840xi32, #tpu.memory_space<hbm>> -> memref<128xi32, #tpu.memory_space<hbm>>
      tpu.enqueue_dma source(%dma_start3A_28 : memref<128xi32, #tpu.memory_space<hbm>>) target(%dma_start3A_27 : memref<128xi32, #tpu.memory_space<vmem>>) target_semaphore(%arg17 : memref<!tpu.dma_semaphore, #tpu.memory_space<semaphore_mem>>)
      %scan3A = arith.constant 0 : i32
      %scan3A_29 = arith.constant 40 : i32
      %scan3A_30 = arith.addi %scan3A, %scan3A_29 : i32
      %scan3A_31 = arith.constant 1 : i32
      scf.for %scan3A_54 = %scan3A to %scan3A_30 step %scan3A_31  : i32 {
        %mul3A_55 = arith.constant 1 : i32
        %mul3A_56 = arith.muli %scan3A_54, %mul3A_55 : i32
        %add3A_57 = arith.constant 0 : i32
        %add3A_58 = arith.addi %add3A_57, %mul3A_56 : i32
        %mul3A_59 = arith.constant 2 : i32
        %mul3A_60 = arith.muli %add3A_58, %mul3A_59 : i32
        %add3A_61 = arith.constant 0 : i32
        %add3A_62 = arith.addi %mul3A_60, %add3A_61 : i32
        %add3A_63 = arith.constant 1 : i32
        %add3A_64 = arith.addi %add3A_62, %add3A_63 : i32
        %min3A = arith.constant 79 : i32
        %min3A_65 = arith.minsi %add3A_64, %min3A : i32
        %mul3A_66 = arith.constant 128 : i32
        %mul3A_67 = arith.muli %min3A_65, %mul3A_66 : i32
        %dma_start3A_68 = arith.constant 1 : i32
        %dma_start3A_69 = arith.constant 0 : i32
        %dma_start3A_70 = arith.constant 0 : i32
        %dma_start3A_71 = tpu.memref_slice %arg14[%dma_start3A_68, %dma_start3A_69, %dma_start3A_70] : memref<2x128x128xf32, #tpu.memory_space<vmem>> -> memref<1x128x128xf32, #tpu.memory_space<vmem>>
        %dma_start3A_72 = tpu.memref_squeeze %dma_start3A_71 : memref<1x128x128xf32, #tpu.memory_space<vmem>> -> memref<128x128xf32, #tpu.memory_space<vmem>>
        %dma_start3A_73 = tpu.memref_slice %arg12[%mul3A_67] : memref<10240xi32, #tpu.memory_space<vmem>> -> memref<128xi32, #tpu.memory_space<vmem>>
        %dma_start3A_74 = arith.constant 0 : i32
        %dma_start3A_75 = arith.constant 0 : i32
        %dma_start3A_76 = tpu.memref_slice %arg5[%dma_start3A_74, %dma_start3A_75] : memref<10240x128xf32, #tpu.memory_space<hbm>> -> memref<10240x128xf32, #tpu.memory_space<hbm>>
        tpu.enqueue_indirect_dma source(%dma_start3A_76 : memref<10240x128xf32, #tpu.memory_space<hbm>>) target(%dma_start3A_72 : memref<128x128xf32, #tpu.memory_space<vmem>>) offsets(%dma_start3A_73 : memref<128xi32, #tpu.memory_space<vmem>>) semaphore(%arg16 : memref<!tpu.dma_semaphore, #tpu.memory_space<semaphore_mem>>)
        %mul3A_77 = arith.constant 128 : i32
        %mul3A_78 = arith.muli %min3A_65, %mul3A_77 : i32
        %add3A_79 = arith.addi %mul3A_2, %mul3A_78 : i32
        %dma_start3A_80 = arith.constant 1 : i32
        %dma_start3A_81 = arith.constant 0 : i32
        %dma_start3A_82 = tpu.memref_slice %arg13[%dma_start3A_80, %dma_start3A_81] : memref<2x128xi32, #tpu.memory_space<vmem>> -> memref<1x128xi32, #tpu.memory_space<vmem>>
        %dma_start3A_83 = tpu.memref_squeeze %dma_start3A_82 : memref<1x128xi32, #tpu.memory_space<vmem>> -> memref<128xi32, #tpu.memory_space<vmem>>
        %dma_start3A_84 = tpu.memref_slice %arg7[%add3A_79] : memref<163840xi32, #tpu.memory_space<hbm>> -> memref<128xi32, #tpu.memory_space<hbm>>
        %dma_start3A_85 = arith.constant 0 : i32
        %dma_start3A_86 = tpu.memref_slice %arg13[%dma_start3A_80, %dma_start3A_85] : memref<2x128xi32, #tpu.memory_space<vmem>> -> memref<1x128xi32, #tpu.memory_space<vmem>>
        %dma_start3A_87 = tpu.memref_squeeze %dma_start3A_86 : memref<1x128xi32, #tpu.memory_space<vmem>> -> memref<128xi32, #tpu.memory_space<vmem>>
        %dma_start3A_88 = tpu.memref_slice %arg7[%add3A_79] : memref<163840xi32, #tpu.memory_space<hbm>> -> memref<128xi32, #tpu.memory_space<hbm>>
        tpu.enqueue_dma source(%dma_start3A_88 : memref<128xi32, #tpu.memory_space<hbm>>) target(%dma_start3A_87 : memref<128xi32, #tpu.memory_space<vmem>>) target_semaphore(%arg18 : memref<!tpu.dma_semaphore, #tpu.memory_space<semaphore_mem>>)
        %dma_wait3A_89 = arith.constant 0 : i32
        %dma_wait3A_90 = arith.constant 0 : i32
        %dma_wait3A_91 = arith.constant 0 : i32
        %dma_wait3A_92 = tpu.memref_slice %arg14[%dma_wait3A_89, %dma_wait3A_90, %dma_wait3A_91] : memref<2x128x128xf32, #tpu.memory_space<vmem>> -> memref<1x128x128xf32, #tpu.memory_space<vmem>>
        %dma_wait3A_93 = tpu.memref_squeeze %dma_wait3A_92 : memref<1x128x128xf32, #tpu.memory_space<vmem>> -> memref<128x128xf32, #tpu.memory_space<vmem>>
        %dma_wait3A_94 = arith.constant 0 : i32
        %dma_wait3A_95 = tpu.memref_slice %arg12[%dma_wait3A_94] : memref<10240xi32, #tpu.memory_space<vmem>> -> memref<128xi32, #tpu.memory_space<vmem>>
        %dma_wait3A_96 = arith.constant 0 : i32
        %dma_wait3A_97 = arith.constant 0 : i32
        %dma_wait3A_98 = tpu.memref_slice %arg5[%dma_wait3A_96, %dma_wait3A_97] : memref<10240x128xf32, #tpu.memory_space<hbm>> -> memref<10240x128xf32, #tpu.memory_space<hbm>>
        tpu.wait_indirect_dma semaphore(%arg15 : memref<!tpu.dma_semaphore, #tpu.memory_space<semaphore_mem>>) src(%dma_wait3A_98 : memref<10240x128xf32, #tpu.memory_space<hbm>>) dst(%dma_wait3A_93 : memref<128x128xf32, #tpu.memory_space<vmem>>)
        %dma_wait3A_99 = arith.constant 0 : i32
        %dma_wait3A_100 = arith.constant 0 : i32
        %dma_wait3A_101 = tpu.memref_slice %arg13[%dma_wait3A_99, %dma_wait3A_100] : memref<2x128xi32, #tpu.memory_space<vmem>> -> memref<1x128xi32, #tpu.memory_space<vmem>>
        %dma_wait3A_102 = tpu.memref_squeeze %dma_wait3A_101 : memref<1x128xi32, #tpu.memory_space<vmem>> -> memref<128xi32, #tpu.memory_space<vmem>>
        %dma_wait3A_103 = arith.constant 0 : i32
        %dma_wait3A_104 = tpu.memref_slice %arg7[%dma_wait3A_103] : memref<163840xi32, #tpu.memory_space<hbm>> -> memref<128xi32, #tpu.memory_space<hbm>>
        %dma_wait3A_105 = arith.constant 0 : i32
        %dma_wait3A_106 = tpu.memref_slice %arg13[%dma_wait3A_99, %dma_wait3A_105] : memref<2x128xi32, #tpu.memory_space<vmem>> -> memref<1x128xi32, #tpu.memory_space<vmem>>
        %dma_wait3A_107 = tpu.memref_squeeze %dma_wait3A_106 : memref<1x128xi32, #tpu.memory_space<vmem>> -> memref<128xi32, #tpu.memory_space<vmem>>
        %dma_wait3A_108 = arith.constant 0 : i32
        %dma_wait3A_109 = tpu.memref_slice %arg7[%dma_wait3A_108] : memref<163840xi32, #tpu.memory_space<hbm>> -> memref<128xi32, #tpu.memory_space<hbm>>
        tpu.wait_dma2 semaphore(%arg17 : memref<!tpu.dma_semaphore, #tpu.memory_space<semaphore_mem>>) src(%dma_wait3A_109 : memref<128xi32, #tpu.memory_space<hbm>>) dst(%dma_wait3A_107 : memref<128xi32, #tpu.memory_space<vmem>>)
        %run_scoped3A = arith.constant 0 : i32
        %run_scoped3A_110 = arith.constant 0 : i32
        "tpu.region"() ({
          %run_scoped3A_165 = tpu.sem_alloc : memref<!tpu.dma_semaphore, #tpu.memory_space<semaphore_mem>>
          %dma_start3A_166 = arith.constant 0 : i32
          %dma_start3A_167 = arith.constant 0 : i32
          %dma_start3A_168 = tpu.memref_slice %arg14[%run_scoped3A, %dma_start3A_166, %dma_start3A_167] : memref<2x128x128xf32, #tpu.memory_space<vmem>> -> memref<1x128x128xf32, #tpu.memory_space<vmem>>
          %dma_start3A_169 = tpu.memref_squeeze %dma_start3A_168 : memref<1x128x128xf32, #tpu.memory_space<vmem>> -> memref<128x128xf32, #tpu.memory_space<vmem>>
          %dma_start3A_170 = arith.constant 0 : i32
          %dma_start3A_171 = tpu.memref_slice %arg13[%run_scoped3A_110, %dma_start3A_170] : memref<2x128xi32, #tpu.memory_space<vmem>> -> memref<1x128xi32, #tpu.memory_space<vmem>>
          %dma_start3A_172 = tpu.memref_squeeze %dma_start3A_171 : memref<1x128xi32, #tpu.memory_space<vmem>> -> memref<128xi32, #tpu.memory_space<vmem>>
          %dma_start3A_173 = arith.constant 0 : i32
          %dma_start3A_174 = arith.constant 0 : i32
          %dma_start3A_175 = tpu.memref_slice %arg11[%dma_start3A_173, %dma_start3A_174] : memref<10240x128xf32, #tpu.memory_space<vmem_shared>> -> memref<10240x128xf32, #tpu.memory_space<vmem_shared>>
          tpu.enqueue_indirect_dma source(%dma_start3A_169 : memref<128x128xf32, #tpu.memory_space<vmem>>) target(%dma_start3A_175 : memref<10240x128xf32, #tpu.memory_space<vmem_shared>>) offsets(%dma_start3A_172 : memref<128xi32, #tpu.memory_space<vmem>>) semaphore(%run_scoped3A_165 : memref<!tpu.dma_semaphore, #tpu.memory_space<semaphore_mem>>) {add = true}
          %dma_wait3A_176 = arith.constant 0 : i32
          %dma_wait3A_177 = arith.constant 0 : i32
          %dma_wait3A_178 = tpu.memref_slice %arg14[%run_scoped3A, %dma_wait3A_176, %dma_wait3A_177] : memref<2x128x128xf32, #tpu.memory_space<vmem>> -> memref<1x128x128xf32, #tpu.memory_space<vmem>>
          %dma_wait3A_179 = tpu.memref_squeeze %dma_wait3A_178 : memref<1x128x128xf32, #tpu.memory_space<vmem>> -> memref<128x128xf32, #tpu.memory_space<vmem>>
          %dma_wait3A_180 = arith.constant 0 : i32
          %dma_wait3A_181 = tpu.memref_slice %arg13[%run_scoped3A_110, %dma_wait3A_180] : memref<2x128xi32, #tpu.memory_space<vmem>> -> memref<1x128xi32, #tpu.memory_space<vmem>>
          %dma_wait3A_182 = tpu.memref_squeeze %dma_wait3A_181 : memref<1x128xi32, #tpu.memory_space<vmem>> -> memref<128xi32, #tpu.memory_space<vmem>>
          %dma_wait3A_183 = arith.constant 0 : i32
          %dma_wait3A_184 = arith.constant 0 : i32
          %dma_wait3A_185 = tpu.memref_slice %arg11[%dma_wait3A_183, %dma_wait3A_184] : memref<10240x128xf32, #tpu.memory_space<vmem_shared>> -> memref<10240x128xf32, #tpu.memory_space<vmem_shared>>
          tpu.wait_indirect_dma semaphore(%run_scoped3A_165 : memref<!tpu.dma_semaphore, #tpu.memory_space<semaphore_mem>>) src(%dma_wait3A_179 : memref<128x128xf32, #tpu.memory_space<vmem>>) dst(%dma_wait3A_185 : memref<10240x128xf32, #tpu.memory_space<vmem_shared>>)
          tpu.yield
        }) : () -> ()
        %mul3A_111 = arith.constant 2 : i32
        %mul3A_112 = arith.muli %add3A_58, %mul3A_111 : i32
        %add3A_113 = arith.constant 1 : i32
        %add3A_114 = arith.addi %mul3A_112, %add3A_113 : i32
        %add3A_115 = arith.constant 1 : i32
        %add3A_116 = arith.addi %add3A_114, %add3A_115 : i32
        %min3A_117 = arith.constant 79 : i32
        %min3A_118 = arith.minsi %add3A_116, %min3A_117 : i32
        %mul3A_119 = arith.constant 128 : i32
        %mul3A_120 = arith.muli %min3A_118, %mul3A_119 : i32
        %dma_start3A_121 = arith.constant 0 : i32
        %dma_start3A_122 = arith.constant 0 : i32
        %dma_start3A_123 = arith.constant 0 : i32
        %dma_start3A_124 = tpu.memref_slice %arg14[%dma_start3A_121, %dma_start3A_122, %dma_start3A_123] : memref<2x128x128xf32, #tpu.memory_space<vmem>> -> memref<1x128x128xf32, #tpu.memory_space<vmem>>
        %dma_start3A_125 = tpu.memref_squeeze %dma_start3A_124 : memref<1x128x128xf32, #tpu.memory_space<vmem>> -> memref<128x128xf32, #tpu.memory_space<vmem>>
        %dma_start3A_126 = tpu.memref_slice %arg12[%mul3A_120] : memref<10240xi32, #tpu.memory_space<vmem>> -> memref<128xi32, #tpu.memory_space<vmem>>
        %dma_start3A_127 = arith.constant 0 : i32
        %dma_start3A_128 = arith.constant 0 : i32
        %dma_start3A_129 = tpu.memref_slice %arg5[%dma_start3A_127, %dma_start3A_128] : memref<10240x128xf32, #tpu.memory_space<hbm>> -> memref<10240x128xf32, #tpu.memory_space<hbm>>
        tpu.enqueue_indirect_dma source(%dma_start3A_129 : memref<10240x128xf32, #tpu.memory_space<hbm>>) target(%dma_start3A_125 : memref<128x128xf32, #tpu.memory_space<vmem>>) offsets(%dma_start3A_126 : memref<128xi32, #tpu.memory_space<vmem>>) semaphore(%arg15 : memref<!tpu.dma_semaphore, #tpu.memory_space<semaphore_mem>>)
        %mul3A_130 = arith.constant 128 : i32
        %mul3A_131 = arith.muli %min3A_118, %mul3A_130 : i32
        %add3A_132 = arith.addi %mul3A_2, %mul3A_131 : i32
        %dma_start3A_133 = arith.constant 0 : i32
        %dma_start3A_134 = arith.constant 0 : i32
        %dma_start3A_135 = tpu.memref_slice %arg13[%dma_start3A_133, %dma_start3A_134] : memref<2x128xi32, #tpu.memory_space<vmem>> -> memref<1x128xi32, #tpu.memory_space<vmem>>
        %dma_start3A_136 = tpu.memref_squeeze %dma_start3A_135 : memref<1x128xi32, #tpu.memory_space<vmem>> -> memref<128xi32, #tpu.memory_space<vmem>>
        %dma_start3A_137 = tpu.memref_slice %arg7[%add3A_132] : memref<163840xi32, #tpu.memory_space<hbm>> -> memref<128xi32, #tpu.memory_space<hbm>>
        %dma_start3A_138 = arith.constant 0 : i32
        %dma_start3A_139 = tpu.memref_slice %arg13[%dma_start3A_133, %dma_start3A_138] : memref<2x128xi32, #tpu.memory_space<vmem>> -> memref<1x128xi32, #tpu.memory_space<vmem>>
        %dma_start3A_140 = tpu.memref_squeeze %dma_start3A_139 : memref<1x128xi32, #tpu.memory_space<vmem>> -> memref<128xi32, #tpu.memory_space<vmem>>
        %dma_start3A_141 = tpu.memref_slice %arg7[%add3A_132] : memref<163840xi32, #tpu.memory_space<hbm>> -> memref<128xi32, #tpu.memory_space<hbm>>
        tpu.enqueue_dma source(%dma_start3A_141 : memref<128xi32, #tpu.memory_space<hbm>>) target(%dma_start3A_140 : memref<128xi32, #tpu.memory_space<vmem>>) target_semaphore(%arg17 : memref<!tpu.dma_semaphore, #tpu.memory_space<semaphore_mem>>)
        %dma_wait3A_142 = arith.constant 1 : i32
        %dma_wait3A_143 = arith.constant 0 : i32
        %dma_wait3A_144 = arith.constant 0 : i32
        %dma_wait3A_145 = tpu.memref_slice %arg14[%dma_wait3A_142, %dma_wait3A_143, %dma_wait3A_144] : memref<2x128x128xf32, #tpu.memory_space<vmem>> -> memref<1x128x128xf32, #tpu.memory_space<vmem>>
        %dma_wait3A_146 = tpu.memref_squeeze %dma_wait3A_145 : memref<1x128x128xf32, #tpu.memory_space<vmem>> -> memref<128x128xf32, #tpu.memory_space<vmem>>
        %dma_wait3A_147 = arith.constant 0 : i32
        %dma_wait3A_148 = tpu.memref_slice %arg12[%dma_wait3A_147] : memref<10240xi32, #tpu.memory_space<vmem>> -> memref<128xi32, #tpu.memory_space<vmem>>
        %dma_wait3A_149 = arith.constant 0 : i32
        %dma_wait3A_150 = arith.constant 0 : i32
        %dma_wait3A_151 = tpu.memref_slice %arg5[%dma_wait3A_149, %dma_wait3A_150] : memref<10240x128xf32, #tpu.memory_space<hbm>> -> memref<10240x128xf32, #tpu.memory_space<hbm>>
        tpu.wait_indirect_dma semaphore(%arg16 : memref<!tpu.dma_semaphore, #tpu.memory_space<semaphore_mem>>) src(%dma_wait3A_151 : memref<10240x128xf32, #tpu.memory_space<hbm>>) dst(%dma_wait3A_146 : memref<128x128xf32, #tpu.memory_space<vmem>>)
        %dma_wait3A_152 = arith.constant 1 : i32
        %dma_wait3A_153 = arith.constant 0 : i32
        %dma_wait3A_154 = tpu.memref_slice %arg13[%dma_wait3A_152, %dma_wait3A_153] : memref<2x128xi32, #tpu.memory_space<vmem>> -> memref<1x128xi32, #tpu.memory_space<vmem>>
        %dma_wait3A_155 = tpu.memref_squeeze %dma_wait3A_154 : memref<1x128xi32, #tpu.memory_space<vmem>> -> memref<128xi32, #tpu.memory_space<vmem>>
        %dma_wait3A_156 = arith.constant 0 : i32
        %dma_wait3A_157 = tpu.memref_slice %arg7[%dma_wait3A_156] : memref<163840xi32, #tpu.memory_space<hbm>> -> memref<128xi32, #tpu.memory_space<hbm>>
        %dma_wait3A_158 = arith.constant 0 : i32
        %dma_wait3A_159 = tpu.memref_slice %arg13[%dma_wait3A_152, %dma_wait3A_158] : memref<2x128xi32, #tpu.memory_space<vmem>> -> memref<1x128xi32, #tpu.memory_space<vmem>>
        %dma_wait3A_160 = tpu.memref_squeeze %dma_wait3A_159 : memref<1x128xi32, #tpu.memory_space<vmem>> -> memref<128xi32, #tpu.memory_space<vmem>>
        %dma_wait3A_161 = arith.constant 0 : i32
        %dma_wait3A_162 = tpu.memref_slice %arg7[%dma_wait3A_161] : memref<163840xi32, #tpu.memory_space<hbm>> -> memref<128xi32, #tpu.memory_space<hbm>>
        tpu.wait_dma2 semaphore(%arg18 : memref<!tpu.dma_semaphore, #tpu.memory_space<semaphore_mem>>) src(%dma_wait3A_162 : memref<128xi32, #tpu.memory_space<hbm>>) dst(%dma_wait3A_160 : memref<128xi32, #tpu.memory_space<vmem>>)
        %run_scoped3A_163 = arith.constant 1 : i32
        %run_scoped3A_164 = arith.constant 1 : i32
        "tpu.region"() ({
          %run_scoped3A_165 = tpu.sem_alloc : memref<!tpu.dma_semaphore, #tpu.memory_space<semaphore_mem>>
          %dma_start3A_166 = arith.constant 0 : i32
          %dma_start3A_167 = arith.constant 0 : i32
          %dma_start3A_168 = tpu.memref_slice %arg14[%run_scoped3A_163, %dma_start3A_166, %dma_start3A_167] : memref<2x128x128xf32, #tpu.memory_space<vmem>> -> memref<1x128x128xf32, #tpu.memory_space<vmem>>
          %dma_start3A_169 = tpu.memref_squeeze %dma_start3A_168 : memref<1x128x128xf32, #tpu.memory_space<vmem>> -> memref<128x128xf32, #tpu.memory_space<vmem>>
          %dma_start3A_170 = arith.constant 0 : i32
          %dma_start3A_171 = tpu.memref_slice %arg13[%run_scoped3A_164, %dma_start3A_170] : memref<2x128xi32, #tpu.memory_space<vmem>> -> memref<1x128xi32, #tpu.memory_space<vmem>>
          %dma_start3A_172 = tpu.memref_squeeze %dma_start3A_171 : memref<1x128xi32, #tpu.memory_space<vmem>> -> memref<128xi32, #tpu.memory_space<vmem>>
          %dma_start3A_173 = arith.constant 0 : i32
          %dma_start3A_174 = arith.constant 0 : i32
          %dma_start3A_175 = tpu.memref_slice %arg11[%dma_start3A_173, %dma_start3A_174] : memref<10240x128xf32, #tpu.memory_space<vmem_shared>> -> memref<10240x128xf32, #tpu.memory_space<vmem_shared>>
          tpu.enqueue_indirect_dma source(%dma_start3A_169 : memref<128x128xf32, #tpu.memory_space<vmem>>) target(%dma_start3A_175 : memref<10240x128xf32, #tpu.memory_space<vmem_shared>>) offsets(%dma_start3A_172 : memref<128xi32, #tpu.memory_space<vmem>>) semaphore(%run_scoped3A_165 : memref<!tpu.dma_semaphore, #tpu.memory_space<semaphore_mem>>) {add = true}
          %dma_wait3A_176 = arith.constant 0 : i32
          %dma_wait3A_177 = arith.constant 0 : i32
          %dma_wait3A_178 = tpu.memref_slice %arg14[%run_scoped3A_163, %dma_wait3A_176, %dma_wait3A_177] : memref<2x128x128xf32, #tpu.memory_space<vmem>> -> memref<1x128x128xf32, #tpu.memory_space<vmem>>
          %dma_wait3A_179 = tpu.memref_squeeze %dma_wait3A_178 : memref<1x128x128xf32, #tpu.memory_space<vmem>> -> memref<128x128xf32, #tpu.memory_space<vmem>>
          %dma_wait3A_180 = arith.constant 0 : i32
          %dma_wait3A_181 = tpu.memref_slice %arg13[%run_scoped3A_164, %dma_wait3A_180] : memref<2x128xi32, #tpu.memory_space<vmem>> -> memref<1x128xi32, #tpu.memory_space<vmem>>
          %dma_wait3A_182 = tpu.memref_squeeze %dma_wait3A_181 : memref<1x128xi32, #tpu.memory_space<vmem>> -> memref<128xi32, #tpu.memory_space<vmem>>
          %dma_wait3A_183 = arith.constant 0 : i32
          %dma_wait3A_184 = arith.constant 0 : i32
          %dma_wait3A_185 = tpu.memref_slice %arg11[%dma_wait3A_183, %dma_wait3A_184] : memref<10240x128xf32, #tpu.memory_space<vmem_shared>> -> memref<10240x128xf32, #tpu.memory_space<vmem_shared>>
          tpu.wait_indirect_dma semaphore(%run_scoped3A_165 : memref<!tpu.dma_semaphore, #tpu.memory_space<semaphore_mem>>) src(%dma_wait3A_179 : memref<128x128xf32, #tpu.memory_space<vmem>>) dst(%dma_wait3A_185 : memref<10240x128xf32, #tpu.memory_space<vmem_shared>>)
          tpu.yield
        }) : () -> ()
      }
      %scan3A_32 = arith.constant 40 : i32
      %dma_wait3A = arith.constant 0 : i32
      %dma_wait3A_33 = arith.constant 0 : i32
      %dma_wait3A_34 = arith.constant 0 : i32
      %dma_wait3A_35 = tpu.memref_slice %arg14[%dma_wait3A, %dma_wait3A_33, %dma_wait3A_34] : memref<2x128x128xf32, #tpu.memory_space<vmem>> -> memref<1x128x128xf32, #tpu.memory_space<vmem>>
      %dma_wait3A_36 = tpu.memref_squeeze %dma_wait3A_35 : memref<1x128x128xf32, #tpu.memory_space<vmem>> -> memref<128x128xf32, #tpu.memory_space<vmem>>
      %dma_wait3A_37 = arith.constant 0 : i32
      %dma_wait3A_38 = tpu.memref_slice %arg12[%dma_wait3A_37] : memref<10240xi32, #tpu.memory_space<vmem>> -> memref<128xi32, #tpu.memory_space<vmem>>
      %dma_wait3A_39 = arith.constant 0 : i32
      %dma_wait3A_40 = arith.constant 0 : i32
      %dma_wait3A_41 = tpu.memref_slice %arg5[%dma_wait3A_39, %dma_wait3A_40] : memref<10240x128xf32, #tpu.memory_space<hbm>> -> memref<10240x128xf32, #tpu.memory_space<hbm>>
      tpu.wait_indirect_dma semaphore(%arg15 : memref<!tpu.dma_semaphore, #tpu.memory_space<semaphore_mem>>) src(%dma_wait3A_41 : memref<10240x128xf32, #tpu.memory_space<hbm>>) dst(%dma_wait3A_36 : memref<128x128xf32, #tpu.memory_space<vmem>>)
      %dma_wait3A_42 = arith.constant 0 : i32
      %dma_wait3A_43 = arith.constant 0 : i32
      %dma_wait3A_44 = tpu.memref_slice %arg13[%dma_wait3A_42, %dma_wait3A_43] : memref<2x128xi32, #tpu.memory_space<vmem>> -> memref<1x128xi32, #tpu.memory_space<vmem>>
      %dma_wait3A_45 = tpu.memref_squeeze %dma_wait3A_44 : memref<1x128xi32, #tpu.memory_space<vmem>> -> memref<128xi32, #tpu.memory_space<vmem>>
      %dma_wait3A_46 = arith.constant 0 : i32
      %dma_wait3A_47 = tpu.memref_slice %arg7[%dma_wait3A_46] : memref<163840xi32, #tpu.memory_space<hbm>> -> memref<128xi32, #tpu.memory_space<hbm>>
      %dma_wait3A_48 = arith.constant 0 : i32
      %dma_wait3A_49 = tpu.memref_slice %arg13[%dma_wait3A_42, %dma_wait3A_48] : memref<2x128xi32, #tpu.memory_space<vmem>> -> memref<1x128xi32, #tpu.memory_space<vmem>>
      %dma_wait3A_50 = tpu.memref_squeeze %dma_wait3A_49 : memref<1x128xi32, #tpu.memory_space<vmem>> -> memref<128xi32, #tpu.memory_space<vmem>>
      %dma_wait3A_51 = arith.constant 0 : i32
      %dma_wait3A_52 = tpu.memref_slice %arg7[%dma_wait3A_51] : memref<163840xi32, #tpu.memory_space<hbm>> -> memref<128xi32, #tpu.memory_space<hbm>>
      tpu.wait_dma2 semaphore(%arg17 : memref<!tpu.dma_semaphore, #tpu.memory_space<semaphore_mem>>) src(%dma_wait3A_52 : memref<128xi32, #tpu.memory_space<hbm>>) dst(%dma_wait3A_50 : memref<128xi32, #tpu.memory_space<vmem>>)
      %barrier3A_53 = arith.constant 0 : index
      tpu.barrier barrier_id(%barrier3A_53)
      "tpu.region"() ({
        %run_scoped3A = tpu.sem_alloc : memref<!tpu.dma_semaphore, #tpu.memory_space<semaphore_mem>>
        %dma_start3A_54 = arith.constant 0 : i32
        %dma_start3A_55 = tpu.memref_slice %arg10[%mul3A_0, %dma_start3A_54] : memref<10240x128xf32, #tpu.memory_space<hbm>> -> memref<640x128xf32, #tpu.memory_space<hbm>>
        %dma_start3A_56 = arith.constant 0 : i32
        %dma_start3A_57 = tpu.memref_slice %arg11[%mul3A_0, %dma_start3A_56] : memref<10240x128xf32, #tpu.memory_space<vmem_shared>> -> memref<640x128xf32, #tpu.memory_space<vmem_shared>>
        tpu.enqueue_dma source(%dma_start3A_57 : memref<640x128xf32, #tpu.memory_space<vmem_shared>>) target(%dma_start3A_55 : memref<640x128xf32, #tpu.memory_space<hbm>>) target_semaphore(%run_scoped3A : memref<!tpu.dma_semaphore, #tpu.memory_space<semaphore_mem>>)
        %dma_wait3A_58 = arith.constant 0 : i32
        %dma_wait3A_59 = tpu.memref_slice %arg10[%mul3A_0, %dma_wait3A_58] : memref<10240x128xf32, #tpu.memory_space<hbm>> -> memref<640x128xf32, #tpu.memory_space<hbm>>
        %dma_wait3A_60 = arith.constant 0 : i32
        %dma_wait3A_61 = tpu.memref_slice %arg11[%mul3A_0, %dma_wait3A_60] : memref<10240x128xf32, #tpu.memory_space<vmem_shared>> -> memref<640x128xf32, #tpu.memory_space<vmem_shared>>
        tpu.wait_dma2 semaphore(%run_scoped3A : memref<!tpu.dma_semaphore, #tpu.memory_space<semaphore_mem>>) src(%dma_wait3A_61 : memref<640x128xf32, #tpu.memory_space<vmem_shared>>) dst(%dma_wait3A_59 : memref<640x128xf32, #tpu.memory_space<hbm>>)
        tpu.yield
      }) : () -> ()
    } else {
    }
    return
  }
}

module attributes {stable_mosaic.version = 14 : i64} {
  func.func @_mlp_pair_body(%arg0: i32, %arg1: memref<1024x1xf32, #tpu.memory_space<vmem>>, %arg2: memref<1024x1xf32, #tpu.memory_space<vmem>>, %arg3: memref<2x128x153xf32, #tpu.memory_space<vmem>>, %arg4: memref<2x1x153xf32, #tpu.memory_space<vmem>>, %arg5: memref<2x153x153xf32, #tpu.memory_space<vmem>>, %arg6: memref<2x1x153xf32, #tpu.memory_space<vmem>>, %arg7: memref<2x153x128xf32, #tpu.memory_space<vmem>>, %arg8: memref<2x1x128xf32, #tpu.memory_space<vmem>>, %arg9: memref<1x128xf32, #tpu.memory_space<vmem>>, %arg10: memref<1024x128xf32, #tpu.memory_space<vmem>>, %arg11: memref<1024x128xf32, #tpu.memory_space<vmem>>) attributes {dimension_semantics = [#tpu.dimension_semantics<arbitrary>], iteration_bounds = array<i64: 10>, scalar_prefetch = 0 : i64, scratch_operands = 0 : i64, tpu.core_type = #tpu.core_type<tc>, window_params = [{transform_indices = @transform_0, window_bounds = array<i64: 1024, 1>}, {transform_indices = @transform_1, window_bounds = array<i64: 1024, 1>}, {pipeline_mode = #tpu.pipeline_mode<synchronous>, transform_indices = @transform_2, window_bounds = array<i64: 2, 128, 153>}, {pipeline_mode = #tpu.pipeline_mode<synchronous>, transform_indices = @transform_3, window_bounds = array<i64: 2, 1, 153>}, {pipeline_mode = #tpu.pipeline_mode<synchronous>, transform_indices = @transform_4, window_bounds = array<i64: 2, 153, 153>}, {pipeline_mode = #tpu.pipeline_mode<synchronous>, transform_indices = @transform_5, window_bounds = array<i64: 2, 1, 153>}, {pipeline_mode = #tpu.pipeline_mode<synchronous>, transform_indices = @transform_6, window_bounds = array<i64: 2, 153, 128>}, {pipeline_mode = #tpu.pipeline_mode<synchronous>, transform_indices = @transform_7, window_bounds = array<i64: 2, 1, 128>}, {pipeline_mode = #tpu.pipeline_mode<synchronous>, transform_indices = @transform_8, window_bounds = array<i64: 1, 128>}, {transform_indices = @transform_9, window_bounds = array<i64: 1024, 128>}, {transform_indices = @transform_10, window_bounds = array<i64: 1024, 128>}]} {
    %get3A = arith.constant 0 : index
    %get3A_0 = arith.constant 0 : index
    %get3A_1 = vector.load %arg2[%get3A, %get3A_0] : memref<1024x1xf32, #tpu.memory_space<vmem>>, vector<1024x1xf32>
    %gt3A = arith.constant 0.000000e+00 : f32
    %gt3A_2 = vector.broadcast %gt3A : f32 to vector<1024x1xf32>
    %gt3A_3 = arith.cmpf ogt, %get3A_1, %gt3A_2 : vector<1024x1xf32>
    %jit3A = arith.constant 1.000000e+00 : f32
    %broadcast_in_dim3A = vector.broadcast %jit3A : f32 to vector<1024x1xf32>
    %select_n3A = arith.select %gt3A_3, %get3A_1, %broadcast_in_dim3A : vector<1024x1xi1>, vector<1024x1xf32>
    %gt3A_4 = arith.constant 0.000000e+00 : f32
    %gt3A_5 = vector.broadcast %gt3A_4 : f32 to vector<1024x1xf32>
    %gt3A_6 = arith.cmpf ogt, %get3A_1, %gt3A_5 : vector<1024x1xf32>
    %pow3A = arith.constant -5.000000e-01 : f32
    %pow3A_7 = vector.broadcast %pow3A : f32 to vector<1024x1xf32>
    %pow3A_8 = math.powf %select_n3A, %pow3A_7 : vector<1024x1xf32>
    %jit3A_9 = arith.constant 0.000000e+00 : f32
    %broadcast_in_dim3A_10 = vector.broadcast %jit3A_9 : f32 to vector<1024x1xf32>
    %select_n3A_11 = arith.select %gt3A_6, %pow3A_8, %broadcast_in_dim3A_10 : vector<1024x1xi1>, vector<1024x1xf32>
    %get3A_12 = arith.constant 0 : index
    %get3A_13 = arith.constant 0 : index
    %get3A_14 = vector.load %arg1[%get3A_12, %get3A_13] : memref<1024x1xf32, #tpu.memory_space<vmem>>, vector<1024x1xf32>
    %get3A_15 = arith.constant 0 : index
    %get3A_16 = arith.constant 0 : index
    %get3A_17 = vector.load %arg9[%get3A_15, %get3A_16] : memref<1x128xf32, #tpu.memory_space<vmem>>, vector<1x128xf32>
    %get3A_18 = arith.constant 0 : index
    %get3A_19 = arith.constant 0 : index
    %get3A_20 = arith.constant 0 : index
    %get3A_21 = vector.load %arg3[%get3A_18, %get3A_19, %get3A_20] : memref<2x128x153xf32, #tpu.memory_space<vmem>>, vector<1x128x153xf32>
    %get3A_22 = vector.shape_cast %get3A_21 : vector<1x128x153xf32> to vector<128x153xf32>
    %dot_general3A = arith.constant dense<0.000000e+00> : vector<1x153xf32>
    %dot_general3A_23 = tpu.matmul %get3A_17, %get3A_22, %dot_general3A {dimension_numbers = #tpu.dot_dimension_numbers<[1], [0], [0], [1], [0, 0, 1, 1], [], []>, transpose_lhs_hint = false} : vector<1x128xf32>, vector<128x153xf32>, vector<1x153xf32> -> vector<1x153xf32>
    %mul3A = vector.broadcast %get3A_14 : vector<1024x1xf32> to vector<1024x153xf32>
    %mul3A_24 = vector.broadcast %dot_general3A_23 : vector<1x153xf32> to vector<1024x153xf32>
    %mul3A_25 = arith.mulf %mul3A, %mul3A_24 : vector<1024x153xf32>
    %get3A_26 = arith.constant 0 : index
    %get3A_27 = arith.constant 0 : index
    %get3A_28 = arith.constant 0 : index
    %get3A_29 = vector.load %arg4[%get3A_26, %get3A_27, %get3A_28] : memref<2x1x153xf32, #tpu.memory_space<vmem>>, vector<1x1x153xf32>
    %get3A_30 = vector.shape_cast %get3A_29 : vector<1x1x153xf32> to vector<1x153xf32>
    %add3A = vector.broadcast %get3A_30 : vector<1x153xf32> to vector<1024x153xf32>
    %add3A_31 = arith.addf %mul3A_25, %add3A : vector<1024x153xf32>
    %max3A = arith.constant 0.000000e+00 : f32
    %max3A_32 = vector.broadcast %max3A : f32 to vector<1024x153xf32>
    %max3A_33 = arith.maximumf %add3A_31, %max3A_32 : vector<1024x153xf32>
    %get3A_34 = arith.constant 0 : index
    %get3A_35 = arith.constant 0 : index
    %get3A_36 = arith.constant 0 : index
    %get3A_37 = vector.load %arg5[%get3A_34, %get3A_35, %get3A_36] : memref<2x153x153xf32, #tpu.memory_space<vmem>>, vector<1x153x153xf32>
    %get3A_38 = vector.shape_cast %get3A_37 : vector<1x153x153xf32> to vector<153x153xf32>
    %dot_general3A_39 = arith.constant dense<0.000000e+00> : vector<1024x153xf32>
    %dot_general3A_40 = tpu.matmul %max3A_33, %get3A_38, %dot_general3A_39 {dimension_numbers = #tpu.dot_dimension_numbers<[1], [0], [0], [1], [0, 0, 1, 1], [], []>, transpose_lhs_hint = false} : vector<1024x153xf32>, vector<153x153xf32>, vector<1024x153xf32> -> vector<1024x153xf32>
    %get3A_41 = arith.constant 0 : index
    %get3A_42 = arith.constant 0 : index
    %get3A_43 = arith.constant 0 : index
    %get3A_44 = vector.load %arg6[%get3A_41, %get3A_42, %get3A_43] : memref<2x1x153xf32, #tpu.memory_space<vmem>>, vector<1x1x153xf32>
    %get3A_45 = vector.shape_cast %get3A_44 : vector<1x1x153xf32> to vector<1x153xf32>
    %add3A_46 = vector.broadcast %get3A_45 : vector<1x153xf32> to vector<1024x153xf32>
    %add3A_47 = arith.addf %dot_general3A_40, %add3A_46 : vector<1024x153xf32>
    %max3A_48 = arith.constant 0.000000e+00 : f32
    %max3A_49 = vector.broadcast %max3A_48 : f32 to vector<1024x153xf32>
    %max3A_50 = arith.maximumf %add3A_47, %max3A_49 : vector<1024x153xf32>
    %get3A_51 = arith.constant 0 : index
    %get3A_52 = arith.constant 0 : index
    %get3A_53 = arith.constant 0 : index
    %get3A_54 = vector.load %arg7[%get3A_51, %get3A_52, %get3A_53] : memref<2x153x128xf32, #tpu.memory_space<vmem>>, vector<1x153x128xf32>
    %get3A_55 = vector.shape_cast %get3A_54 : vector<1x153x128xf32> to vector<153x128xf32>
    %dot_general3A_56 = arith.constant dense<0.000000e+00> : vector<1024x128xf32>
    %dot_general3A_57 = tpu.matmul %max3A_50, %get3A_55, %dot_general3A_56 {dimension_numbers = #tpu.dot_dimension_numbers<[1], [0], [0], [1], [0, 0, 1, 1], [], []>, transpose_lhs_hint = false} : vector<1024x153xf32>, vector<153x128xf32>, vector<1024x128xf32> -> vector<1024x128xf32>
    %get3A_58 = arith.constant 0 : index
    %get3A_59 = arith.constant 0 : index
    %get3A_60 = arith.constant 0 : index
    %get3A_61 = vector.load %arg8[%get3A_58, %get3A_59, %get3A_60] : memref<2x1x128xf32, #tpu.memory_space<vmem>>, vector<1x1x128xf32>
    %get3A_62 = vector.shape_cast %get3A_61 : vector<1x1x128xf32> to vector<1x128xf32>
    %add3A_63 = vector.broadcast %get3A_62 : vector<1x128xf32> to vector<1024x128xf32>
    %add3A_64 = arith.addf %dot_general3A_57, %add3A_63 : vector<1024x128xf32>
    %max3A_65 = arith.constant 0.000000e+00 : f32
    %max3A_66 = vector.broadcast %max3A_65 : f32 to vector<1024x128xf32>
    %max3A_67 = arith.maximumf %add3A_64, %max3A_66 : vector<1024x128xf32>
    %mul3A_68 = vector.broadcast %select_n3A_11 : vector<1024x1xf32> to vector<1024x128xf32>
    %mul3A_69 = arith.mulf %max3A_67, %mul3A_68 : vector<1024x128xf32>
    %swap3A = arith.constant 0 : index
    %swap3A_70 = arith.constant 0 : index
    %swap3A_71 = vector.load %arg10[%swap3A, %swap3A_70] : memref<1024x128xf32, #tpu.memory_space<vmem>>, vector<1024x128xf32>
    tpu.vector_store %arg10[%swap3A, %swap3A_70], %mul3A_69 {strides = array<i32>} : memref<1024x128xf32, #tpu.memory_space<vmem>>, vector<1024x128xf32>,
    %get3A_72 = arith.constant 0 : index
    %get3A_73 = arith.constant 0 : index
    %get3A_74 = vector.load %arg9[%get3A_72, %get3A_73] : memref<1x128xf32, #tpu.memory_space<vmem>>, vector<1x128xf32>
    %get3A_75 = arith.constant 1 : index
    %get3A_76 = arith.constant 0 : index
    %get3A_77 = arith.constant 0 : index
    %get3A_78 = vector.load %arg3[%get3A_75, %get3A_76, %get3A_77] : memref<2x128x153xf32, #tpu.memory_space<vmem>>, vector<1x128x153xf32>
    %get3A_79 = vector.shape_cast %get3A_78 : vector<1x128x153xf32> to vector<128x153xf32>
    %dot_general3A_80 = arith.constant dense<0.000000e+00> : vector<1x153xf32>
    %dot_general3A_81 = tpu.matmul %get3A_74, %get3A_79, %dot_general3A_80 {dimension_numbers = #tpu.dot_dimension_numbers<[1], [0], [0], [1], [0, 0, 1, 1], [], []>, transpose_lhs_hint = false} : vector<1x128xf32>, vector<128x153xf32>, vector<1x153xf32> -> vector<1x153xf32>
    %mul3A_82 = vector.broadcast %get3A_14 : vector<1024x1xf32> to vector<1024x153xf32>
    %mul3A_83 = vector.broadcast %dot_general3A_81 : vector<1x153xf32> to vector<1024x153xf32>
    %mul3A_84 = arith.mulf %mul3A_82, %mul3A_83 : vector<1024x153xf32>
    %get3A_85 = arith.constant 1 : index
    %get3A_86 = arith.constant 0 : index
    %get3A_87 = arith.constant 0 : index
    %get3A_88 = vector.load %arg4[%get3A_85, %get3A_86, %get3A_87] : memref<2x1x153xf32, #tpu.memory_space<vmem>>, vector<1x1x153xf32>
    %get3A_89 = vector.shape_cast %get3A_88 : vector<1x1x153xf32> to vector<1x153xf32>
    %add3A_90 = vector.broadcast %get3A_89 : vector<1x153xf32> to vector<1024x153xf32>
    %add3A_91 = arith.addf %mul3A_84, %add3A_90 : vector<1024x153xf32>
    %max3A_92 = arith.constant 0.000000e+00 : f32
    %max3A_93 = vector.broadcast %max3A_92 : f32 to vector<1024x153xf32>
    %max3A_94 = arith.maximumf %add3A_91, %max3A_93 : vector<1024x153xf32>
    %get3A_95 = arith.constant 1 : index
    %get3A_96 = arith.constant 0 : index
    %get3A_97 = arith.constant 0 : index
    %get3A_98 = vector.load %arg5[%get3A_95, %get3A_96, %get3A_97] : memref<2x153x153xf32, #tpu.memory_space<vmem>>, vector<1x153x153xf32>
    %get3A_99 = vector.shape_cast %get3A_98 : vector<1x153x153xf32> to vector<153x153xf32>
    %dot_general3A_100 = arith.constant dense<0.000000e+00> : vector<1024x153xf32>
    %dot_general3A_101 = tpu.matmul %max3A_94, %get3A_99, %dot_general3A_100 {dimension_numbers = #tpu.dot_dimension_numbers<[1], [0], [0], [1], [0, 0, 1, 1], [], []>, transpose_lhs_hint = false} : vector<1024x153xf32>, vector<153x153xf32>, vector<1024x153xf32> -> vector<1024x153xf32>
    %get3A_102 = arith.constant 1 : index
    %get3A_103 = arith.constant 0 : index
    %get3A_104 = arith.constant 0 : index
    %get3A_105 = vector.load %arg6[%get3A_102, %get3A_103, %get3A_104] : memref<2x1x153xf32, #tpu.memory_space<vmem>>, vector<1x1x153xf32>
    %get3A_106 = vector.shape_cast %get3A_105 : vector<1x1x153xf32> to vector<1x153xf32>
    %add3A_107 = vector.broadcast %get3A_106 : vector<1x153xf32> to vector<1024x153xf32>
    %add3A_108 = arith.addf %dot_general3A_101, %add3A_107 : vector<1024x153xf32>
    %max3A_109 = arith.constant 0.000000e+00 : f32
    %max3A_110 = vector.broadcast %max3A_109 : f32 to vector<1024x153xf32>
    %max3A_111 = arith.maximumf %add3A_108, %max3A_110 : vector<1024x153xf32>
    %get3A_112 = arith.constant 1 : index
    %get3A_113 = arith.constant 0 : index
    %get3A_114 = arith.constant 0 : index
    %get3A_115 = vector.load %arg7[%get3A_112, %get3A_113, %get3A_114] : memref<2x153x128xf32, #tpu.memory_space<vmem>>, vector<1x153x128xf32>
    %get3A_116 = vector.shape_cast %get3A_115 : vector<1x153x128xf32> to vector<153x128xf32>
    %dot_general3A_117 = arith.constant dense<0.000000e+00> : vector<1024x128xf32>
    %dot_general3A_118 = tpu.matmul %max3A_111, %get3A_116, %dot_general3A_117 {dimension_numbers = #tpu.dot_dimension_numbers<[1], [0], [0], [1], [0, 0, 1, 1], [], []>, transpose_lhs_hint = false} : vector<1024x153xf32>, vector<153x128xf32>, vector<1024x128xf32> -> vector<1024x128xf32>
    %get3A_119 = arith.constant 1 : index
    %get3A_120 = arith.constant 0 : index
    %get3A_121 = arith.constant 0 : index
    %get3A_122 = vector.load %arg8[%get3A_119, %get3A_120, %get3A_121] : memref<2x1x128xf32, #tpu.memory_space<vmem>>, vector<1x1x128xf32>
    %get3A_123 = vector.shape_cast %get3A_122 : vector<1x1x128xf32> to vector<1x128xf32>
    %add3A_124 = vector.broadcast %get3A_123 : vector<1x128xf32> to vector<1024x128xf32>
    %add3A_125 = arith.addf %dot_general3A_118, %add3A_124 : vector<1024x128xf32>
    %max3A_126 = arith.constant 0.000000e+00 : f32
    %max3A_127 = vector.broadcast %max3A_126 : f32 to vector<1024x128xf32>
    %max3A_128 = arith.maximumf %add3A_125, %max3A_127 : vector<1024x128xf32>
    %mul3A_129 = vector.broadcast %select_n3A_11 : vector<1024x1xf32> to vector<1024x128xf32>
    %mul3A_130 = arith.mulf %max3A_128, %mul3A_129 : vector<1024x128xf32>
    %swap3A_131 = arith.constant 0 : index
    %swap3A_132 = arith.constant 0 : index
    %swap3A_133 = vector.load %arg11[%swap3A_131, %swap3A_132] : memref<1024x128xf32, #tpu.memory_space<vmem>>, vector<1024x128xf32>
    tpu.vector_store %arg11[%swap3A_131, %swap3A_132], %mul3A_130 {strides = array<i32>} : memref<1024x128xf32, #tpu.memory_space<vmem>>, vector<1024x128xf32>,
    return
  }
  func.func @transform_0(%arg0: i32) -> (i32, i32) {
    %c0_i32 = arith.constant 0 : i32
    %c0_i32_0 = arith.constant 0 : i32
    return %arg0, %c0_i32 : i32, i32
  }
  func.func @transform_1(%arg0: i32) -> (i32, i32) {
    %c0_i32 = arith.constant 0 : i32
    %c0_i32_0 = arith.constant 0 : i32
    return %arg0, %c0_i32 : i32, i32
  }
  func.func @transform_2(%arg0: i32) -> (i32, i32, i32) {
    %c0_i32 = arith.constant 0 : i32
    %c0_i32_0 = arith.constant 0 : i32
    %c0_i32_1 = arith.constant 0 : i32
    %c0_i32_2 = arith.constant 0 : i32
    return %c0_i32, %c0_i32_0, %c0_i32_1 : i32, i32, i32
  }
  func.func @transform_3(%arg0: i32) -> (i32, i32, i32) {
    %c0_i32 = arith.constant 0 : i32
    %c0_i32_0 = arith.constant 0 : i32
    %c0_i32_1 = arith.constant 0 : i32
    %c0_i32_2 = arith.constant 0 : i32
    return %c0_i32, %c0_i32_0, %c0_i32_1 : i32, i32, i32
  }
  func.func @transform_4(%arg0: i32) -> (i32, i32, i32) {
    %c0_i32 = arith.constant 0 : i32
    %c0_i32_0 = arith.constant 0 : i32
    %c0_i32_1 = arith.constant 0 : i32
    %c0_i32_2 = arith.constant 0 : i32
    return %c0_i32, %c0_i32_0, %c0_i32_1 : i32, i32, i32
  }
  func.func @transform_5(%arg0: i32) -> (i32, i32, i32) {
    %c0_i32 = arith.constant 0 : i32
    %c0_i32_0 = arith.constant 0 : i32
    %c0_i32_1 = arith.constant 0 : i32
    %c0_i32_2 = arith.constant 0 : i32
    return %c0_i32, %c0_i32_0, %c0_i32_1 : i32, i32, i32
  }
  func.func @transform_6(%arg0: i32) -> (i32, i32, i32) {
    %c0_i32 = arith.constant 0 : i32
    %c0_i32_0 = arith.constant 0 : i32
    %c0_i32_1 = arith.constant 0 : i32
    %c0_i32_2 = arith.constant 0 : i32
    return %c0_i32, %c0_i32_0, %c0_i32_1 : i32, i32, i32
  }
  func.func @transform_7(%arg0: i32) -> (i32, i32, i32) {
    %c0_i32 = arith.constant 0 : i32
    %c0_i32_0 = arith.constant 0 : i32
    %c0_i32_1 = arith.constant 0 : i32
    %c0_i32_2 = arith.constant 0 : i32
    return %c0_i32, %c0_i32_0, %c0_i32_1 : i32, i32, i32
  }
  func.func @transform_8(%arg0: i32) -> (i32, i32) {
    %c0_i32 = arith.constant 0 : i32
    %c0_i32_0 = arith.constant 0 : i32
    %c0_i32_1 = arith.constant 0 : i32
    return %c0_i32, %c0_i32_0 : i32, i32
  }
  func.func @transform_9(%arg0: i32) -> (i32, i32) {
    %c0_i32 = arith.constant 0 : i32
    %c0_i32_0 = arith.constant 0 : i32
    return %arg0, %c0_i32 : i32, i32
  }
  func.func @transform_10(%arg0: i32) -> (i32, i32) {
    %c0_i32 = arith.constant 0 : i32
    %c0_i32_0 = arith.constant 0 : i32
    return %arg0, %c0_i32 : i32, i32
  }
}

module attributes {stable_mosaic.version = 14 : i64} {
  func.func @_combine_body(%arg0: i32, %arg1: memref<1024x128xf32, #tpu.memory_space<vmem>>, %arg2: memref<1024x128xf32, #tpu.memory_space<vmem>>, %arg3: memref<1024x1xf32, #tpu.memory_space<vmem>>, %arg4: memref<1024x1xf32, #tpu.memory_space<vmem>>, %arg5: memref<1x128xf32, #tpu.memory_space<vmem>>, %arg6: memref<3x128x128xf32, #tpu.memory_space<vmem>>, %arg7: memref<1x128xf32, #tpu.memory_space<vmem>>, %arg8: memref<1024x128xf32, #tpu.memory_space<vmem>>) attributes {dimension_semantics = [#tpu.dimension_semantics<arbitrary>], iteration_bounds = array<i64: 10>, scalar_prefetch = 0 : i64, scratch_operands = 0 : i64, tpu.core_type = #tpu.core_type<tc>, window_params = [{transform_indices = @transform_0, window_bounds = array<i64: 1024, 128>}, {transform_indices = @transform_1, window_bounds = array<i64: 1024, 128>}, {transform_indices = @transform_2, window_bounds = array<i64: 1024, 1>}, {transform_indices = @transform_3, window_bounds = array<i64: 1024, 1>}, {pipeline_mode = #tpu.pipeline_mode<synchronous>, transform_indices = @transform_4, window_bounds = array<i64: 1, 128>}, {pipeline_mode = #tpu.pipeline_mode<synchronous>, transform_indices = @transform_5, window_bounds = array<i64: 3, 128, 128>}, {pipeline_mode = #tpu.pipeline_mode<synchronous>, transform_indices = @transform_6, window_bounds = array<i64: 1, 128>}, {transform_indices = @transform_7, window_bounds = array<i64: 1024, 128>}]} {
    %get3A = arith.constant 0 : index
    %get3A_0 = arith.constant 0 : index
    %get3A_1 = vector.load %arg3[%get3A, %get3A_0] : memref<1024x1xf32, #tpu.memory_space<vmem>>, vector<1024x1xf32>
    %gt3A = arith.constant 0.000000e+00 : f32
    %gt3A_2 = vector.broadcast %gt3A : f32 to vector<1024x1xf32>
    %gt3A_3 = arith.cmpf ogt, %get3A_1, %gt3A_2 : vector<1024x1xf32>
    %jit3A = arith.constant 1.000000e+00 : f32
    %broadcast_in_dim3A = vector.broadcast %jit3A : f32 to vector<1024x1xf32>
    %select_n3A = arith.select %gt3A_3, %get3A_1, %broadcast_in_dim3A : vector<1024x1xi1>, vector<1024x1xf32>
    %gt3A_4 = arith.constant 0.000000e+00 : f32
    %gt3A_5 = vector.broadcast %gt3A_4 : f32 to vector<1024x1xf32>
    %gt3A_6 = arith.cmpf ogt, %get3A_1, %gt3A_5 : vector<1024x1xf32>
    %pow3A = arith.constant -5.000000e-01 : f32
    %pow3A_7 = vector.broadcast %pow3A : f32 to vector<1024x1xf32>
    %pow3A_8 = math.powf %select_n3A, %pow3A_7 : vector<1024x1xf32>
    %jit3A_9 = arith.constant 0.000000e+00 : f32
    %broadcast_in_dim3A_10 = vector.broadcast %jit3A_9 : f32 to vector<1024x1xf32>
    %select_n3A_11 = arith.select %gt3A_6, %pow3A_8, %broadcast_in_dim3A_10 : vector<1024x1xi1>, vector<1024x1xf32>
    %get3A_12 = arith.constant 0 : index
    %get3A_13 = arith.constant 0 : index
    %get3A_14 = vector.load %arg1[%get3A_12, %get3A_13] : memref<1024x128xf32, #tpu.memory_space<vmem>>, vector<1024x128xf32>
    %mul3A = vector.broadcast %select_n3A_11 : vector<1024x1xf32> to vector<1024x128xf32>
    %mul3A_15 = arith.mulf %get3A_14, %mul3A : vector<1024x128xf32>
    %get3A_16 = arith.constant 0 : index
    %get3A_17 = arith.constant 0 : index
    %get3A_18 = vector.load %arg2[%get3A_16, %get3A_17] : memref<1024x128xf32, #tpu.memory_space<vmem>>, vector<1024x128xf32>
    %mul3A_19 = vector.broadcast %select_n3A_11 : vector<1024x1xf32> to vector<1024x128xf32>
    %mul3A_20 = arith.mulf %get3A_18, %mul3A_19 : vector<1024x128xf32>
    %get3A_21 = arith.constant 0 : index
    %get3A_22 = arith.constant 0 : index
    %get3A_23 = arith.constant 0 : index
    %get3A_24 = vector.load %arg6[%get3A_21, %get3A_22, %get3A_23] : memref<3x128x128xf32, #tpu.memory_space<vmem>>, vector<1x128x128xf32>
    %get3A_25 = vector.shape_cast %get3A_24 : vector<1x128x128xf32> to vector<128x128xf32>
    %dot_general3A = arith.constant dense<0.000000e+00> : vector<1024x128xf32>
    %dot_general3A_26 = tpu.matmul %mul3A_15, %get3A_25, %dot_general3A {dimension_numbers = #tpu.dot_dimension_numbers<[1], [0], [0], [1], [0, 0, 1, 1], [], []>, transpose_lhs_hint = false} : vector<1024x128xf32>, vector<128x128xf32>, vector<1024x128xf32> -> vector<1024x128xf32>
    %get3A_27 = arith.constant 1 : index
    %get3A_28 = arith.constant 0 : index
    %get3A_29 = arith.constant 0 : index
    %get3A_30 = vector.load %arg6[%get3A_27, %get3A_28, %get3A_29] : memref<3x128x128xf32, #tpu.memory_space<vmem>>, vector<1x128x128xf32>
    %get3A_31 = vector.shape_cast %get3A_30 : vector<1x128x128xf32> to vector<128x128xf32>
    %dot_general3A_32 = arith.constant dense<0.000000e+00> : vector<1024x128xf32>
    %dot_general3A_33 = tpu.matmul %mul3A_20, %get3A_31, %dot_general3A_32 {dimension_numbers = #tpu.dot_dimension_numbers<[1], [0], [0], [1], [0, 0, 1, 1], [], []>, transpose_lhs_hint = false} : vector<1024x128xf32>, vector<128x128xf32>, vector<1024x128xf32> -> vector<1024x128xf32>
    %add3A = arith.addf %dot_general3A_26, %dot_general3A_33 : vector<1024x128xf32>
    %get3A_34 = arith.constant 0 : index
    %get3A_35 = arith.constant 0 : index
    %get3A_36 = vector.load %arg5[%get3A_34, %get3A_35] : memref<1x128xf32, #tpu.memory_space<vmem>>, vector<1x128xf32>
    %get3A_37 = arith.constant 2 : index
    %get3A_38 = arith.constant 0 : index
    %get3A_39 = arith.constant 0 : index
    %get3A_40 = vector.load %arg6[%get3A_37, %get3A_38, %get3A_39] : memref<3x128x128xf32, #tpu.memory_space<vmem>>, vector<1x128x128xf32>
    %get3A_41 = vector.shape_cast %get3A_40 : vector<1x128x128xf32> to vector<128x128xf32>
    %dot_general3A_42 = arith.constant dense<0.000000e+00> : vector<1x128xf32>
    %dot_general3A_43 = tpu.matmul %get3A_36, %get3A_41, %dot_general3A_42 {dimension_numbers = #tpu.dot_dimension_numbers<[1], [0], [0], [1], [0, 0, 1, 1], [], []>, transpose_lhs_hint = false} : vector<1x128xf32>, vector<128x128xf32>, vector<1x128xf32> -> vector<1x128xf32>
    %get3A_44 = arith.constant 0 : index
    %get3A_45 = arith.constant 0 : index
    %get3A_46 = vector.load %arg4[%get3A_44, %get3A_45] : memref<1024x1xf32, #tpu.memory_space<vmem>>, vector<1024x1xf32>
    %mul3A_47 = vector.broadcast %get3A_46 : vector<1024x1xf32> to vector<1024x128xf32>
    %mul3A_48 = vector.broadcast %dot_general3A_43 : vector<1x128xf32> to vector<1024x128xf32>
    %mul3A_49 = arith.mulf %mul3A_47, %mul3A_48 : vector<1024x128xf32>
    %add3A_50 = arith.addf %add3A, %mul3A_49 : vector<1024x128xf32>
    %get3A_51 = arith.constant 0 : index
    %get3A_52 = arith.constant 0 : index
    %get3A_53 = vector.load %arg7[%get3A_51, %get3A_52] : memref<1x128xf32, #tpu.memory_space<vmem>>, vector<1x128xf32>
    %add3A_54 = vector.broadcast %get3A_53 : vector<1x128xf32> to vector<1024x128xf32>
    %add3A_55 = arith.addf %add3A_50, %add3A_54 : vector<1024x128xf32>
    %swap3A = arith.constant 0 : index
    %swap3A_56 = arith.constant 0 : index
    %swap3A_57 = vector.load %arg8[%swap3A, %swap3A_56] : memref<1024x128xf32, #tpu.memory_space<vmem>>, vector<1024x128xf32>
    tpu.vector_store %arg8[%swap3A, %swap3A_56], %add3A_55 {strides = array<i32>} : memref<1024x128xf32, #tpu.memory_space<vmem>>, vector<1024x128xf32>,
    return
  }
  func.func @transform_0(%arg0: i32) -> (i32, i32) {
    %c0_i32 = arith.constant 0 : i32
    %c0_i32_0 = arith.constant 0 : i32
    return %arg0, %c0_i32 : i32, i32
  }
  func.func @transform_1(%arg0: i32) -> (i32, i32) {
    %c0_i32 = arith.constant 0 : i32
    %c0_i32_0 = arith.constant 0 : i32
    return %arg0, %c0_i32 : i32, i32
  }
  func.func @transform_2(%arg0: i32) -> (i32, i32) {
    %c0_i32 = arith.constant 0 : i32
    %c0_i32_0 = arith.constant 0 : i32
    return %arg0, %c0_i32 : i32, i32
  }
  func.func @transform_3(%arg0: i32) -> (i32, i32) {
    %c0_i32 = arith.constant 0 : i32
    %c0_i32_0 = arith.constant 0 : i32
    return %arg0, %c0_i32 : i32, i32
  }
  func.func @transform_4(%arg0: i32) -> (i32, i32) {
    %c0_i32 = arith.constant 0 : i32
    %c0_i32_0 = arith.constant 0 : i32
    %c0_i32_1 = arith.constant 0 : i32
    return %c0_i32, %c0_i32_0 : i32, i32
  }
  func.func @transform_5(%arg0: i32) -> (i32, i32, i32) {
    %c0_i32 = arith.constant 0 : i32
    %c0_i32_0 = arith.constant 0 : i32
    %c0_i32_1 = arith.constant 0 : i32
    %c0_i32_2 = arith.constant 0 : i32
    return %c0_i32, %c0_i32_0, %c0_i32_1 : i32, i32, i32
  }
  func.func @transform_6(%arg0: i32) -> (i32, i32) {
    %c0_i32 = arith.constant 0 : i32
    %c0_i32_0 = arith.constant 0 : i32
    %c0_i32_1 = arith.constant 0 : i32
    return %c0_i32, %c0_i32_0 : i32, i32
  }
  func.func @transform_7(%arg0: i32) -> (i32, i32) {
    %c0_i32 = arith.constant 0 : i32
    %c0_i32_0 = arith.constant 0 : i32
    return %arg0, %c0_i32 : i32, i32
  }
}

module attributes {stable_mosaic.version = 14 : i64} {
  func.func @_mlp_pair_body(%arg0: i32, %arg1: memref<1024x128xf32, #tpu.memory_space<vmem>>, %arg2: memref<1024x1xf32, #tpu.memory_space<vmem>>, %arg3: memref<2x128x153xf32, #tpu.memory_space<vmem>>, %arg4: memref<2x1x153xf32, #tpu.memory_space<vmem>>, %arg5: memref<2x153x153xf32, #tpu.memory_space<vmem>>, %arg6: memref<2x1x153xf32, #tpu.memory_space<vmem>>, %arg7: memref<2x153x128xf32, #tpu.memory_space<vmem>>, %arg8: memref<2x1x128xf32, #tpu.memory_space<vmem>>, %arg9: memref<1x128xf32, #tpu.memory_space<vmem>>, %arg10: memref<1024x128xf32, #tpu.memory_space<vmem>>, %arg11: memref<1024x128xf32, #tpu.memory_space<vmem>>) attributes {dimension_semantics = [#tpu.dimension_semantics<arbitrary>], iteration_bounds = array<i64: 10>, scalar_prefetch = 0 : i64, scratch_operands = 0 : i64, tpu.core_type = #tpu.core_type<tc>, window_params = [{transform_indices = @transform_0, window_bounds = array<i64: 1024, 128>}, {transform_indices = @transform_1, window_bounds = array<i64: 1024, 1>}, {pipeline_mode = #tpu.pipeline_mode<synchronous>, transform_indices = @transform_2, window_bounds = array<i64: 2, 128, 153>}, {pipeline_mode = #tpu.pipeline_mode<synchronous>, transform_indices = @transform_3, window_bounds = array<i64: 2, 1, 153>}, {pipeline_mode = #tpu.pipeline_mode<synchronous>, transform_indices = @transform_4, window_bounds = array<i64: 2, 153, 153>}, {pipeline_mode = #tpu.pipeline_mode<synchronous>, transform_indices = @transform_5, window_bounds = array<i64: 2, 1, 153>}, {pipeline_mode = #tpu.pipeline_mode<synchronous>, transform_indices = @transform_6, window_bounds = array<i64: 2, 153, 128>}, {pipeline_mode = #tpu.pipeline_mode<synchronous>, transform_indices = @transform_7, window_bounds = array<i64: 2, 1, 128>}, {pipeline_mode = #tpu.pipeline_mode<synchronous>, transform_indices = @transform_8, window_bounds = array<i64: 1, 128>}, {transform_indices = @transform_9, window_bounds = array<i64: 1024, 128>}, {transform_indices = @transform_10, window_bounds = array<i64: 1024, 128>}]} {
    %get3A = arith.constant 0 : index
    %get3A_0 = arith.constant 0 : index
    %get3A_1 = vector.load %arg2[%get3A, %get3A_0] : memref<1024x1xf32, #tpu.memory_space<vmem>>, vector<1024x1xf32>
    %gt3A = arith.constant 0.000000e+00 : f32
    %gt3A_2 = vector.broadcast %gt3A : f32 to vector<1024x1xf32>
    %gt3A_3 = arith.cmpf ogt, %get3A_1, %gt3A_2 : vector<1024x1xf32>
    %jit3A = arith.constant 1.000000e+00 : f32
    %broadcast_in_dim3A = vector.broadcast %jit3A : f32 to vector<1024x1xf32>
    %select_n3A = arith.select %gt3A_3, %get3A_1, %broadcast_in_dim3A : vector<1024x1xi1>, vector<1024x1xf32>
    %gt3A_4 = arith.constant 0.000000e+00 : f32
    %gt3A_5 = vector.broadcast %gt3A_4 : f32 to vector<1024x1xf32>
    %gt3A_6 = arith.cmpf ogt, %get3A_1, %gt3A_5 : vector<1024x1xf32>
    %pow3A = arith.constant -5.000000e-01 : f32
    %pow3A_7 = vector.broadcast %pow3A : f32 to vector<1024x1xf32>
    %pow3A_8 = math.powf %select_n3A, %pow3A_7 : vector<1024x1xf32>
    %jit3A_9 = arith.constant 0.000000e+00 : f32
    %broadcast_in_dim3A_10 = vector.broadcast %jit3A_9 : f32 to vector<1024x1xf32>
    %select_n3A_11 = arith.select %gt3A_6, %pow3A_8, %broadcast_in_dim3A_10 : vector<1024x1xi1>, vector<1024x1xf32>
    %get3A_12 = arith.constant 0 : index
    %get3A_13 = arith.constant 0 : index
    %get3A_14 = vector.load %arg1[%get3A_12, %get3A_13] : memref<1024x128xf32, #tpu.memory_space<vmem>>, vector<1024x128xf32>
    %get3A_15 = arith.constant 0 : index
    %get3A_16 = arith.constant 0 : index
    %get3A_17 = arith.constant 0 : index
    %get3A_18 = vector.load %arg3[%get3A_15, %get3A_16, %get3A_17] : memref<2x128x153xf32, #tpu.memory_space<vmem>>, vector<1x128x153xf32>
    %get3A_19 = vector.shape_cast %get3A_18 : vector<1x128x153xf32> to vector<128x153xf32>
    %dot_general3A = arith.constant dense<0.000000e+00> : vector<1024x153xf32>
    %dot_general3A_20 = tpu.matmul %get3A_14, %get3A_19, %dot_general3A {dimension_numbers = #tpu.dot_dimension_numbers<[1], [0], [0], [1], [0, 0, 1, 1], [], []>, transpose_lhs_hint = false} : vector<1024x128xf32>, vector<128x153xf32>, vector<1024x153xf32> -> vector<1024x153xf32>
    %get3A_21 = arith.constant 0 : index
    %get3A_22 = arith.constant 0 : index
    %get3A_23 = arith.constant 0 : index
    %get3A_24 = vector.load %arg4[%get3A_21, %get3A_22, %get3A_23] : memref<2x1x153xf32, #tpu.memory_space<vmem>>, vector<1x1x153xf32>
    %get3A_25 = vector.shape_cast %get3A_24 : vector<1x1x153xf32> to vector<1x153xf32>
    %add3A = vector.broadcast %get3A_25 : vector<1x153xf32> to vector<1024x153xf32>
    %add3A_26 = arith.addf %dot_general3A_20, %add3A : vector<1024x153xf32>
    %max3A = arith.constant 0.000000e+00 : f32
    %max3A_27 = vector.broadcast %max3A : f32 to vector<1024x153xf32>
    %max3A_28 = arith.maximumf %add3A_26, %max3A_27 : vector<1024x153xf32>
    %get3A_29 = arith.constant 0 : index
    %get3A_30 = arith.constant 0 : index
    %get3A_31 = arith.constant 0 : index
    %get3A_32 = vector.load %arg5[%get3A_29, %get3A_30, %get3A_31] : memref<2x153x153xf32, #tpu.memory_space<vmem>>, vector<1x153x153xf32>
    %get3A_33 = vector.shape_cast %get3A_32 : vector<1x153x153xf32> to vector<153x153xf32>
    %dot_general3A_34 = arith.constant dense<0.000000e+00> : vector<1024x153xf32>
    %dot_general3A_35 = tpu.matmul %max3A_28, %get3A_33, %dot_general3A_34 {dimension_numbers = #tpu.dot_dimension_numbers<[1], [0], [0], [1], [0, 0, 1, 1], [], []>, transpose_lhs_hint = false} : vector<1024x153xf32>, vector<153x153xf32>, vector<1024x153xf32> -> vector<1024x153xf32>
    %get3A_36 = arith.constant 0 : index
    %get3A_37 = arith.constant 0 : index
    %get3A_38 = arith.constant 0 : index
    %get3A_39 = vector.load %arg6[%get3A_36, %get3A_37, %get3A_38] : memref<2x1x153xf32, #tpu.memory_space<vmem>>, vector<1x1x153xf32>
    %get3A_40 = vector.shape_cast %get3A_39 : vector<1x1x153xf32> to vector<1x153xf32>
    %add3A_41 = vector.broadcast %get3A_40 : vector<1x153xf32> to vector<1024x153xf32>
    %add3A_42 = arith.addf %dot_general3A_35, %add3A_41 : vector<1024x153xf32>
    %max3A_43 = arith.constant 0.000000e+00 : f32
    %max3A_44 = vector.broadcast %max3A_43 : f32 to vector<1024x153xf32>
    %max3A_45 = arith.maximumf %add3A_42, %max3A_44 : vector<1024x153xf32>
    %get3A_46 = arith.constant 0 : index
    %get3A_47 = arith.constant 0 : index
    %get3A_48 = arith.constant 0 : index
    %get3A_49 = vector.load %arg7[%get3A_46, %get3A_47, %get3A_48] : memref<2x153x128xf32, #tpu.memory_space<vmem>>, vector<1x153x128xf32>
    %get3A_50 = vector.shape_cast %get3A_49 : vector<1x153x128xf32> to vector<153x128xf32>
    %dot_general3A_51 = arith.constant dense<0.000000e+00> : vector<1024x128xf32>
    %dot_general3A_52 = tpu.matmul %max3A_45, %get3A_50, %dot_general3A_51 {dimension_numbers = #tpu.dot_dimension_numbers<[1], [0], [0], [1], [0, 0, 1, 1], [], []>, transpose_lhs_hint = false} : vector<1024x153xf32>, vector<153x128xf32>, vector<1024x128xf32> -> vector<1024x128xf32>
    %get3A_53 = arith.constant 0 : index
    %get3A_54 = arith.constant 0 : index
    %get3A_55 = arith.constant 0 : index
    %get3A_56 = vector.load %arg8[%get3A_53, %get3A_54, %get3A_55] : memref<2x1x128xf32, #tpu.memory_space<vmem>>, vector<1x1x128xf32>
    %get3A_57 = vector.shape_cast %get3A_56 : vector<1x1x128xf32> to vector<1x128xf32>
    %add3A_58 = vector.broadcast %get3A_57 : vector<1x128xf32> to vector<1024x128xf32>
    %add3A_59 = arith.addf %dot_general3A_52, %add3A_58 : vector<1024x128xf32>
    %max3A_60 = arith.constant 0.000000e+00 : f32
    %max3A_61 = vector.broadcast %max3A_60 : f32 to vector<1024x128xf32>
    %max3A_62 = arith.maximumf %add3A_59, %max3A_61 : vector<1024x128xf32>
    %mul3A = vector.broadcast %select_n3A_11 : vector<1024x1xf32> to vector<1024x128xf32>
    %mul3A_63 = arith.mulf %max3A_62, %mul3A : vector<1024x128xf32>
    %swap3A = arith.constant 0 : index
    %swap3A_64 = arith.constant 0 : index
    %swap3A_65 = vector.load %arg10[%swap3A, %swap3A_64] : memref<1024x128xf32, #tpu.memory_space<vmem>>, vector<1024x128xf32>
    tpu.vector_store %arg10[%swap3A, %swap3A_64], %mul3A_63 {strides = array<i32>} : memref<1024x128xf32, #tpu.memory_space<vmem>>, vector<1024x128xf32>,
    %get3A_66 = arith.constant 1 : index
    %get3A_67 = arith.constant 0 : index
    %get3A_68 = arith.constant 0 : index
    %get3A_69 = vector.load %arg3[%get3A_66, %get3A_67, %get3A_68] : memref<2x128x153xf32, #tpu.memory_space<vmem>>, vector<1x128x153xf32>
    %get3A_70 = vector.shape_cast %get3A_69 : vector<1x128x153xf32> to vector<128x153xf32>
    %dot_general3A_71 = arith.constant dense<0.000000e+00> : vector<1024x153xf32>
    %dot_general3A_72 = tpu.matmul %get3A_14, %get3A_70, %dot_general3A_71 {dimension_numbers = #tpu.dot_dimension_numbers<[1], [0], [0], [1], [0, 0, 1, 1], [], []>, transpose_lhs_hint = false} : vector<1024x128xf32>, vector<128x153xf32>, vector<1024x153xf32> -> vector<1024x153xf32>
    %get3A_73 = arith.constant 1 : index
    %get3A_74 = arith.constant 0 : index
    %get3A_75 = arith.constant 0 : index
    %get3A_76 = vector.load %arg4[%get3A_73, %get3A_74, %get3A_75] : memref<2x1x153xf32, #tpu.memory_space<vmem>>, vector<1x1x153xf32>
    %get3A_77 = vector.shape_cast %get3A_76 : vector<1x1x153xf32> to vector<1x153xf32>
    %add3A_78 = vector.broadcast %get3A_77 : vector<1x153xf32> to vector<1024x153xf32>
    %add3A_79 = arith.addf %dot_general3A_72, %add3A_78 : vector<1024x153xf32>
    %max3A_80 = arith.constant 0.000000e+00 : f32
    %max3A_81 = vector.broadcast %max3A_80 : f32 to vector<1024x153xf32>
    %max3A_82 = arith.maximumf %add3A_79, %max3A_81 : vector<1024x153xf32>
    %get3A_83 = arith.constant 1 : index
    %get3A_84 = arith.constant 0 : index
    %get3A_85 = arith.constant 0 : index
    %get3A_86 = vector.load %arg5[%get3A_83, %get3A_84, %get3A_85] : memref<2x153x153xf32, #tpu.memory_space<vmem>>, vector<1x153x153xf32>
    %get3A_87 = vector.shape_cast %get3A_86 : vector<1x153x153xf32> to vector<153x153xf32>
    %dot_general3A_88 = arith.constant dense<0.000000e+00> : vector<1024x153xf32>
    %dot_general3A_89 = tpu.matmul %max3A_82, %get3A_87, %dot_general3A_88 {dimension_numbers = #tpu.dot_dimension_numbers<[1], [0], [0], [1], [0, 0, 1, 1], [], []>, transpose_lhs_hint = false} : vector<1024x153xf32>, vector<153x153xf32>, vector<1024x153xf32> -> vector<1024x153xf32>
    %get3A_90 = arith.constant 1 : index
    %get3A_91 = arith.constant 0 : index
    %get3A_92 = arith.constant 0 : index
    %get3A_93 = vector.load %arg6[%get3A_90, %get3A_91, %get3A_92] : memref<2x1x153xf32, #tpu.memory_space<vmem>>, vector<1x1x153xf32>
    %get3A_94 = vector.shape_cast %get3A_93 : vector<1x1x153xf32> to vector<1x153xf32>
    %add3A_95 = vector.broadcast %get3A_94 : vector<1x153xf32> to vector<1024x153xf32>
    %add3A_96 = arith.addf %dot_general3A_89, %add3A_95 : vector<1024x153xf32>
    %max3A_97 = arith.constant 0.000000e+00 : f32
    %max3A_98 = vector.broadcast %max3A_97 : f32 to vector<1024x153xf32>
    %max3A_99 = arith.maximumf %add3A_96, %max3A_98 : vector<1024x153xf32>
    %get3A_100 = arith.constant 1 : index
    %get3A_101 = arith.constant 0 : index
    %get3A_102 = arith.constant 0 : index
    %get3A_103 = vector.load %arg7[%get3A_100, %get3A_101, %get3A_102] : memref<2x153x128xf32, #tpu.memory_space<vmem>>, vector<1x153x128xf32>
    %get3A_104 = vector.shape_cast %get3A_103 : vector<1x153x128xf32> to vector<153x128xf32>
    %dot_general3A_105 = arith.constant dense<0.000000e+00> : vector<1024x128xf32>
    %dot_general3A_106 = tpu.matmul %max3A_99, %get3A_104, %dot_general3A_105 {dimension_numbers = #tpu.dot_dimension_numbers<[1], [0], [0], [1], [0, 0, 1, 1], [], []>, transpose_lhs_hint = false} : vector<1024x153xf32>, vector<153x128xf32>, vector<1024x128xf32> -> vector<1024x128xf32>
    %get3A_107 = arith.constant 1 : index
    %get3A_108 = arith.constant 0 : index
    %get3A_109 = arith.constant 0 : index
    %get3A_110 = vector.load %arg8[%get3A_107, %get3A_108, %get3A_109] : memref<2x1x128xf32, #tpu.memory_space<vmem>>, vector<1x1x128xf32>
    %get3A_111 = vector.shape_cast %get3A_110 : vector<1x1x128xf32> to vector<1x128xf32>
    %add3A_112 = vector.broadcast %get3A_111 : vector<1x128xf32> to vector<1024x128xf32>
    %add3A_113 = arith.addf %dot_general3A_106, %add3A_112 : vector<1024x128xf32>
    %max3A_114 = arith.constant 0.000000e+00 : f32
    %max3A_115 = vector.broadcast %max3A_114 : f32 to vector<1024x128xf32>
    %max3A_116 = arith.maximumf %add3A_113, %max3A_115 : vector<1024x128xf32>
    %mul3A_117 = vector.broadcast %select_n3A_11 : vector<1024x1xf32> to vector<1024x128xf32>
    %mul3A_118 = arith.mulf %max3A_116, %mul3A_117 : vector<1024x128xf32>
    %swap3A_119 = arith.constant 0 : index
    %swap3A_120 = arith.constant 0 : index
    %swap3A_121 = vector.load %arg11[%swap3A_119, %swap3A_120] : memref<1024x128xf32, #tpu.memory_space<vmem>>, vector<1024x128xf32>
    tpu.vector_store %arg11[%swap3A_119, %swap3A_120], %mul3A_118 {strides = array<i32>} : memref<1024x128xf32, #tpu.memory_space<vmem>>, vector<1024x128xf32>,
    return
  }
  func.func @transform_0(%arg0: i32) -> (i32, i32) {
    %c0_i32 = arith.constant 0 : i32
    %c0_i32_0 = arith.constant 0 : i32
    return %arg0, %c0_i32 : i32, i32
  }
  func.func @transform_1(%arg0: i32) -> (i32, i32) {
    %c0_i32 = arith.constant 0 : i32
    %c0_i32_0 = arith.constant 0 : i32
    return %arg0, %c0_i32 : i32, i32
  }
  func.func @transform_2(%arg0: i32) -> (i32, i32, i32) {
    %c0_i32 = arith.constant 0 : i32
    %c0_i32_0 = arith.constant 0 : i32
    %c0_i32_1 = arith.constant 0 : i32
    %c0_i32_2 = arith.constant 0 : i32
    return %c0_i32, %c0_i32_0, %c0_i32_1 : i32, i32, i32
  }
  func.func @transform_3(%arg0: i32) -> (i32, i32, i32) {
    %c0_i32 = arith.constant 0 : i32
    %c0_i32_0 = arith.constant 0 : i32
    %c0_i32_1 = arith.constant 0 : i32
    %c0_i32_2 = arith.constant 0 : i32
    return %c0_i32, %c0_i32_0, %c0_i32_1 : i32, i32, i32
  }
  func.func @transform_4(%arg0: i32) -> (i32, i32, i32) {
    %c0_i32 = arith.constant 0 : i32
    %c0_i32_0 = arith.constant 0 : i32
    %c0_i32_1 = arith.constant 0 : i32
    %c0_i32_2 = arith.constant 0 : i32
    return %c0_i32, %c0_i32_0, %c0_i32_1 : i32, i32, i32
  }
  func.func @transform_5(%arg0: i32) -> (i32, i32, i32) {
    %c0_i32 = arith.constant 0 : i32
    %c0_i32_0 = arith.constant 0 : i32
    %c0_i32_1 = arith.constant 0 : i32
    %c0_i32_2 = arith.constant 0 : i32
    return %c0_i32, %c0_i32_0, %c0_i32_1 : i32, i32, i32
  }
  func.func @transform_6(%arg0: i32) -> (i32, i32, i32) {
    %c0_i32 = arith.constant 0 : i32
    %c0_i32_0 = arith.constant 0 : i32
    %c0_i32_1 = arith.constant 0 : i32
    %c0_i32_2 = arith.constant 0 : i32
    return %c0_i32, %c0_i32_0, %c0_i32_1 : i32, i32, i32
  }
  func.func @transform_7(%arg0: i32) -> (i32, i32, i32) {
    %c0_i32 = arith.constant 0 : i32
    %c0_i32_0 = arith.constant 0 : i32
    %c0_i32_1 = arith.constant 0 : i32
    %c0_i32_2 = arith.constant 0 : i32
    return %c0_i32, %c0_i32_0, %c0_i32_1 : i32, i32, i32
  }
  func.func @transform_8(%arg0: i32) -> (i32, i32) {
    %c0_i32 = arith.constant 0 : i32
    %c0_i32_0 = arith.constant 0 : i32
    %c0_i32_1 = arith.constant 0 : i32
    return %c0_i32, %c0_i32_0 : i32, i32
  }
  func.func @transform_9(%arg0: i32) -> (i32, i32) {
    %c0_i32 = arith.constant 0 : i32
    %c0_i32_0 = arith.constant 0 : i32
    return %arg0, %c0_i32 : i32, i32
  }
  func.func @transform_10(%arg0: i32) -> (i32, i32) {
    %c0_i32 = arith.constant 0 : i32
    %c0_i32_0 = arith.constant 0 : i32
    return %arg0, %c0_i32 : i32, i32
  }
}

module attributes {stable_mosaic.version = 14 : i64} {
  func.func @_combine_body(%arg0: i32, %arg1: memref<1000x128xf32, #tpu.memory_space<vmem>>, %arg2: memref<1000x128xf32, #tpu.memory_space<vmem>>, %arg3: memref<1000x1xf32, #tpu.memory_space<vmem>>, %arg4: memref<1000x128xf32, #tpu.memory_space<vmem>>, %arg5: memref<1x128xf32, #tpu.memory_space<vmem>>, %arg6: memref<3x128x128xf32, #tpu.memory_space<vmem>>, %arg7: memref<1x128xf32, #tpu.memory_space<vmem>>, %arg8: memref<1000x128xf32, #tpu.memory_space<vmem>>) attributes {dimension_semantics = [#tpu.dimension_semantics<arbitrary>], iteration_bounds = array<i64: 10>, scalar_prefetch = 0 : i64, scratch_operands = 0 : i64, tpu.core_type = #tpu.core_type<tc>, window_params = [{transform_indices = @transform_0, window_bounds = array<i64: 1000, 128>}, {transform_indices = @transform_1, window_bounds = array<i64: 1000, 128>}, {transform_indices = @transform_2, window_bounds = array<i64: 1000, 1>}, {transform_indices = @transform_3, window_bounds = array<i64: 1000, 128>}, {pipeline_mode = #tpu.pipeline_mode<synchronous>, transform_indices = @transform_4, window_bounds = array<i64: 1, 128>}, {pipeline_mode = #tpu.pipeline_mode<synchronous>, transform_indices = @transform_5, window_bounds = array<i64: 3, 128, 128>}, {pipeline_mode = #tpu.pipeline_mode<synchronous>, transform_indices = @transform_6, window_bounds = array<i64: 1, 128>}, {transform_indices = @transform_7, window_bounds = array<i64: 1000, 128>}]} {
    %get3A = arith.constant 0 : index
    %get3A_0 = arith.constant 0 : index
    %get3A_1 = vector.load %arg3[%get3A, %get3A_0] : memref<1000x1xf32, #tpu.memory_space<vmem>>, vector<1000x1xf32>
    %gt3A = arith.constant 0.000000e+00 : f32
    %gt3A_2 = vector.broadcast %gt3A : f32 to vector<1000x1xf32>
    %gt3A_3 = arith.cmpf ogt, %get3A_1, %gt3A_2 : vector<1000x1xf32>
    %jit3A = arith.constant 1.000000e+00 : f32
    %broadcast_in_dim3A = vector.broadcast %jit3A : f32 to vector<1000x1xf32>
    %select_n3A = arith.select %gt3A_3, %get3A_1, %broadcast_in_dim3A : vector<1000x1xi1>, vector<1000x1xf32>
    %gt3A_4 = arith.constant 0.000000e+00 : f32
    %gt3A_5 = vector.broadcast %gt3A_4 : f32 to vector<1000x1xf32>
    %gt3A_6 = arith.cmpf ogt, %get3A_1, %gt3A_5 : vector<1000x1xf32>
    %pow3A = arith.constant -5.000000e-01 : f32
    %pow3A_7 = vector.broadcast %pow3A : f32 to vector<1000x1xf32>
    %pow3A_8 = math.powf %select_n3A, %pow3A_7 : vector<1000x1xf32>
    %jit3A_9 = arith.constant 0.000000e+00 : f32
    %broadcast_in_dim3A_10 = vector.broadcast %jit3A_9 : f32 to vector<1000x1xf32>
    %select_n3A_11 = arith.select %gt3A_6, %pow3A_8, %broadcast_in_dim3A_10 : vector<1000x1xi1>, vector<1000x1xf32>
    %get3A_12 = arith.constant 0 : index
    %get3A_13 = arith.constant 0 : index
    %get3A_14 = vector.load %arg1[%get3A_12, %get3A_13] : memref<1000x128xf32, #tpu.memory_space<vmem>>, vector<1000x128xf32>
    %mul3A = vector.broadcast %select_n3A_11 : vector<1000x1xf32> to vector<1000x128xf32>
    %mul3A_15 = arith.mulf %get3A_14, %mul3A : vector<1000x128xf32>
    %get3A_16 = arith.constant 0 : index
    %get3A_17 = arith.constant 0 : index
    %get3A_18 = vector.load %arg2[%get3A_16, %get3A_17] : memref<1000x128xf32, #tpu.memory_space<vmem>>, vector<1000x128xf32>
    %mul3A_19 = vector.broadcast %select_n3A_11 : vector<1000x1xf32> to vector<1000x128xf32>
    %mul3A_20 = arith.mulf %get3A_18, %mul3A_19 : vector<1000x128xf32>
    %get3A_21 = arith.constant 0 : index
    %get3A_22 = arith.constant 0 : index
    %get3A_23 = arith.constant 0 : index
    %get3A_24 = vector.load %arg6[%get3A_21, %get3A_22, %get3A_23] : memref<3x128x128xf32, #tpu.memory_space<vmem>>, vector<1x128x128xf32>
    %get3A_25 = vector.shape_cast %get3A_24 : vector<1x128x128xf32> to vector<128x128xf32>
    %dot_general3A = arith.constant dense<0.000000e+00> : vector<1000x128xf32>
    %dot_general3A_26 = tpu.matmul %mul3A_15, %get3A_25, %dot_general3A {dimension_numbers = #tpu.dot_dimension_numbers<[1], [0], [0], [1], [0, 0, 1, 1], [], []>, transpose_lhs_hint = false} : vector<1000x128xf32>, vector<128x128xf32>, vector<1000x128xf32> -> vector<1000x128xf32>
    %get3A_27 = arith.constant 1 : index
    %get3A_28 = arith.constant 0 : index
    %get3A_29 = arith.constant 0 : index
    %get3A_30 = vector.load %arg6[%get3A_27, %get3A_28, %get3A_29] : memref<3x128x128xf32, #tpu.memory_space<vmem>>, vector<1x128x128xf32>
    %get3A_31 = vector.shape_cast %get3A_30 : vector<1x128x128xf32> to vector<128x128xf32>
    %dot_general3A_32 = arith.constant dense<0.000000e+00> : vector<1000x128xf32>
    %dot_general3A_33 = tpu.matmul %mul3A_20, %get3A_31, %dot_general3A_32 {dimension_numbers = #tpu.dot_dimension_numbers<[1], [0], [0], [1], [0, 0, 1, 1], [], []>, transpose_lhs_hint = false} : vector<1000x128xf32>, vector<128x128xf32>, vector<1000x128xf32> -> vector<1000x128xf32>
    %add3A = arith.addf %dot_general3A_26, %dot_general3A_33 : vector<1000x128xf32>
    %get3A_34 = arith.constant 0 : index
    %get3A_35 = arith.constant 0 : index
    %get3A_36 = vector.load %arg4[%get3A_34, %get3A_35] : memref<1000x128xf32, #tpu.memory_space<vmem>>, vector<1000x128xf32>
    %get3A_37 = arith.constant 2 : index
    %get3A_38 = arith.constant 0 : index
    %get3A_39 = arith.constant 0 : index
    %get3A_40 = vector.load %arg6[%get3A_37, %get3A_38, %get3A_39] : memref<3x128x128xf32, #tpu.memory_space<vmem>>, vector<1x128x128xf32>
    %get3A_41 = vector.shape_cast %get3A_40 : vector<1x128x128xf32> to vector<128x128xf32>
    %dot_general3A_42 = arith.constant dense<0.000000e+00> : vector<1000x128xf32>
    %dot_general3A_43 = tpu.matmul %get3A_36, %get3A_41, %dot_general3A_42 {dimension_numbers = #tpu.dot_dimension_numbers<[1], [0], [0], [1], [0, 0, 1, 1], [], []>, transpose_lhs_hint = false} : vector<1000x128xf32>, vector<128x128xf32>, vector<1000x128xf32> -> vector<1000x128xf32>
    %add3A_44 = arith.addf %add3A, %dot_general3A_43 : vector<1000x128xf32>
    %get3A_45 = arith.constant 0 : index
    %get3A_46 = arith.constant 0 : index
    %get3A_47 = vector.load %arg7[%get3A_45, %get3A_46] : memref<1x128xf32, #tpu.memory_space<vmem>>, vector<1x128xf32>
    %add3A_48 = vector.broadcast %get3A_47 : vector<1x128xf32> to vector<1000x128xf32>
    %add3A_49 = arith.addf %add3A_44, %add3A_48 : vector<1000x128xf32>
    %swap3A = arith.constant 0 : index
    %swap3A_50 = arith.constant 0 : index
    %swap3A_51 = vector.load %arg8[%swap3A, %swap3A_50] : memref<1000x128xf32, #tpu.memory_space<vmem>>, vector<1000x128xf32>
    tpu.vector_store %arg8[%swap3A, %swap3A_50], %add3A_49 {strides = array<i32>} : memref<1000x128xf32, #tpu.memory_space<vmem>>, vector<1000x128xf32>,
    return
  }
  func.func @transform_0(%arg0: i32) -> (i32, i32) {
    %c0_i32 = arith.constant 0 : i32
    %c0_i32_0 = arith.constant 0 : i32
    return %arg0, %c0_i32 : i32, i32
  }
  func.func @transform_1(%arg0: i32) -> (i32, i32) {
    %c0_i32 = arith.constant 0 : i32
    %c0_i32_0 = arith.constant 0 : i32
    return %arg0, %c0_i32 : i32, i32
  }
  func.func @transform_2(%arg0: i32) -> (i32, i32) {
    %c0_i32 = arith.constant 0 : i32
    %c0_i32_0 = arith.constant 0 : i32
    return %arg0, %c0_i32 : i32, i32
  }
  func.func @transform_3(%arg0: i32) -> (i32, i32) {
    %c0_i32 = arith.constant 0 : i32
    %c0_i32_0 = arith.constant 0 : i32
    return %arg0, %c0_i32 : i32, i32
  }
  func.func @transform_4(%arg0: i32) -> (i32, i32) {
    %c0_i32 = arith.constant 0 : i32
    %c0_i32_0 = arith.constant 0 : i32
    %c0_i32_1 = arith.constant 0 : i32
    return %c0_i32, %c0_i32_0 : i32, i32
  }
  func.func @transform_5(%arg0: i32) -> (i32, i32, i32) {
    %c0_i32 = arith.constant 0 : i32
    %c0_i32_0 = arith.constant 0 : i32
    %c0_i32_1 = arith.constant 0 : i32
    %c0_i32_2 = arith.constant 0 : i32
    return %c0_i32, %c0_i32_0, %c0_i32_1 : i32, i32, i32
  }
  func.func @transform_6(%arg0: i32) -> (i32, i32) {
    %c0_i32 = arith.constant 0 : i32
    %c0_i32_0 = arith.constant 0 : i32
    %c0_i32_1 = arith.constant 0 : i32
    return %c0_i32, %c0_i32_0 : i32, i32
  }
  func.func @transform_7(%arg0: i32) -> (i32, i32) {
    %c0_i32 = arith.constant 0 : i32
    %c0_i32_0 = arith.constant 0 : i32
    return %arg0, %c0_i32 : i32, i32
  }
}

</mosaic_0001>

<sc_bundles>
// kernel: kernel.11.cloned.1.call-start
scs
__scs_entry_jumppad:
0x0: {  	(pc) =	sbr.rel $0x88, $3  }
0x1: {  	(tag) =	ssettag $0x0;
	lr =	simm.s32 $0x1  }
0x2: {  	[smem:$0x3F8D] =	sst lr;
	_ =	strace $0xD0000000  }
0x3: {  	_ = 	snop  }
0x4: {  	_ = 	snop  }
0x5: {  	_ = 	snop  }
0x6: {  	_ = 	snop  }
0x7: {  	_ = 	snop  }
__scs_overlays_trampoline_lowered:
0x8: {  	[smem:$0x3F9C] =	sst s0  }
0x9: {  	[smem:$0x3F9D] =	sst s1  }
0xa: {  	[smem:$0x3F9E] =	sst s2  }
0xb: {  	[smem:$0x3F9F] =	sst s3  }
0xc: {  	[smem:$0x3FA0] =	sst s4  }
0xd: {  	[smem:$0x3FA1] =	sst s5  }
0xe: {  	[smem:$0x3FA2] =	sst s6  }
0xf: {  	[smem:$0x3FA3] =	sst s7  }
0x10: {  	[smem:$0x3FA4] =	sst s8  }
0x11: {  	[smem:$0x3FA5] =	sst s9;
	s0 =	simm.s32 @!p0 $0x0  }
0x12: {  	s1 =	sld [smem:$0x3F8B];
	s0 =	simm.s32 @p0 $0x1  }
0x13: {  	[smem:$0x3FA6] =	sst s0;
	s0 =	simm.s32 @!p1 $0x0  }
0x14: {  	s2 =	sld [smem:$0x3F8A];
	s0 =	simm.s32 @p1 $0x1  }
0x15: {  	[smem:$0x3FA7] =	sst s0;
	s0 =	simm.s32 @!p2 $0x0  }
0x16: {  	s3 =	sld [smem:$0x3FDB];
	s0 =	simm.s32 @p2 $0x1  }
0x17: {  	s4 =	simm.s32 $0x1BF5;
	[smem:$0x3FA9] =	sst s0  }
0x18: {  	s0 =	sld [smem:$0x3F8C];
	_ =	swait.ge [sflag:s4], $0x0  }
0x19: {  	s7 =	sld [smem:$0x3F8D]  }
0x1a: {  	s8 =	sadd.s32 $0xFFFFE003, lr  }
0x1b: {  	s9 =	sadd.s32 $0xFFFFFEF7, lr;
	s5 =	simm.s32 $0xFFFFFFFF;
	p2 =	slt.u32 s8, $0xFFFFF086  }
0x1c: {  	p1 =	slt.u32 s9, $0xF7A;
	s5 =	simm.s32 @!p2 $0x0  }
0x1d: {  	s5 =	simm.s32 @p1 $0x1;
	p0 =	seq.s32 s7, s2  }
0x1e: {  	s7 =	smul.u32 @!p0 $0xF7A, s2;
	p2 =	seq.s32 @!p0 s5, $0x0  }
0x1f: {  	s9 =	smul.u32 $0xF7A, s1;
	s8 =	simm.s32 @!p0 $0x1BF5;
	p2 =	por !p2, p0  }
0x20: {  	[sflag:s8] =	ssyncset.s32 @!p0 $0xFFFFF086;
	s6 =	sadd.s32 @!p0 s3, s7;
	s7 =	simm.s32 @!p0 $0x108  }
0x21: {  	s3 =	sadd.s32 s3, s9;
	s6 =	sadd.s32 @!p0 $0x88, s6;
	s7 =	simm.s32 @p2 $0x1082  }
0x22: {  	[simem:s7], [sflag:s8] =	dma.local @!p0 [hbm:s6], $0xF7A  }
0x23: {  	s9 =	sor.u32 $0xD0000000, s2;
	s6 =	simm.s32 $0x108;
	_ =	swait.ge @!p0 [sflag:s8], $0x0  }
0x24: {  	s3 =	sadd.s32 $0x88, s3;
	s6 =	simm.s32 @!p1 $0x1082;
	[sflag:s4] =	ssyncset.s32 $0xFFFFF086  }
0x25: {  	[simem:s6], [sflag:s4] =	dma.local [hbm:s3], $0xF7A  }
0x26: {  	[smem:$0x3F8D] =	sst s1;
	(tag) =	ssettag s2;
	_ =	strace s9  }
0x27: {  	s1 =	sld [smem:$0x3F9D]  }
0x28: {  	s2 =	sld [smem:$0x3F9E]  }
0x29: {  	s4 =	sld [smem:$0x3FA0]  }
0x2a: {  	p0 =	seq.s32 s5, $0x0;
	s5 =	sld [smem:$0x3FA1]  }
0x2b: {  	s6 =	sld [smem:$0x3FA2]  }
0x2c: {  	s7 =	sld [smem:$0x3FA3]  }
0x2d: {  	s3 =	simm.s32 $0x108;
	s8 =	sld [smem:$0x3FA4]  }
0x2e: {  	s3 =	simm.s32 @!p0 $0x1082;
	s9 =	sld [smem:$0x3FA5]  }
0x2f: {  	lr =	sadd.s32 s0, s3;
	s0 =	sld [smem:$0x3F9C]  }
0x30: {  	s3 =	sld [smem:$0x3F9F]  }
0x31: {  	[smem:$0x3FA8] =	sst s10  }
0x32: {  	s10 =	sld [smem:$0x3FA6];
	_ =	sdelay $0x3  }
0x33: {  	p0 =	seq.s32 s10, $0x1;
	s10 =	sld [smem:$0x3FA8];
	_ =	sdelay $0x3  }
0x34: {  	[smem:$0x3FA8] =	sst s10  }
0x35: {  	s10 =	sld [smem:$0x3FA7];
	_ =	sdelay $0x3  }
0x36: {  	p1 =	seq.s32 s10, $0x1;
	s10 =	sld [smem:$0x3FA8];
	_ =	sdelay $0x3  }
0x37: {  	[smem:$0x3FA8] =	sst s10  }
0x38: {  	s10 =	sld [smem:$0x3FA9]  }
0x39: {  	_ = 	snop;
	(pc) =	sbr.ind lr, $3  }
0x3a: {  	_ = 	snop  }
0x3b: {  	_ = 	snop  }
0x3c: {  	p2 =	seq.s32 s10, $0x1;
	s10 =	sld [smem:$0x3FA8]  }
0x3d: {  	_ =	shalt  }
0x3e: {  	_ =	shalt  }
0x3f: {  	_ =	shalt  }
0x40: {  	_ =	shalt  }
0x41: {  	_ =	shalt  }
0x42: {  	_ =	shalt  }
0x43: {  	_ =	shalt  }
0x44: {  	_ =	shalt  }
0x45: {  	_ =	shalt  }
0x46: {  	_ =	shalt  }
0x47: {  	_ =	shalt  }
0x48: {  	_ =	shalt  }
0x49: {  	_ =	shalt  }
0x4a: {  	_ =	shalt  }
0x4b: {  	_ =	shalt  }
0x4c: {  	_ =	shalt  }
0x4d: {  	_ =	shalt  }
0x4e: {  	_ =	shalt  }
0x4f: {  	_ =	shalt  }
0x50: {  	_ =	shalt  }
0x51: {  	_ =	shalt  }
0x52: {  	_ =	shalt  }
0x53: {  	_ =	shalt  }
0x54: {  	_ =	shalt  }
0x55: {  	_ =	shalt  }
0x56: {  	_ =	shalt  }
0x57: {  	_ =	shalt  }
0x58: {  	_ =	shalt  }
0x59: {  	_ =	shalt  }
0x5a: {  	_ =	shalt  }
0x5b: {  	_ =	shalt  }
0x5c: {  	_ =	shalt  }
0x5d: {  	_ =	shalt  }
0x5e: {  	_ =	shalt  }
0x5f: {  	_ =	shalt  }
0x60: {  	_ =	shalt  }
0x61: {  	_ =	shalt  }
0x62: {  	_ =	shalt  }
0x63: {  	_ =	shalt  }
0x64: {  	_ =	shalt  }
0x65: {  	_ =	shalt  }
0x66: {  	_ =	shalt  }
0x67: {  	_ =	shalt  }
0x68: {  	_ =	shalt  }
0x69: {  	_ =	shalt  }
0x6a: {  	_ =	shalt  }
0x6b: {  	_ =	shalt  }
0x6c: {  	_ =	shalt  }
0x6d: {  	_ =	shalt  }
0x6e: {  	_ =	shalt  }
0x6f: {  	_ =	shalt  }
0x70: {  	_ =	shalt  }
0x71: {  	_ =	shalt  }
0x72: {  	_ =	shalt  }
0x73: {  	_ =	shalt  }
0x74: {  	_ =	shalt  }
0x75: {  	_ =	shalt  }
0x76: {  	_ =	shalt  }
0x77: {  	_ =	shalt  }
0x78: {  	_ =	shalt  }
0x79: {  	_ =	shalt  }
0x7a: {  	_ =	shalt  }
0x7b: {  	_ =	shalt  }
0x7c: {  	_ =	shalt  }
0x7d: {  	_ =	shalt  }
0x7e: {  	_ =	shalt  }
0x7f: {  	_ =	shalt  }
0x80: {  	_ =	shalt  }
0x81: {  	_ =	shalt  }
0x82: {  	_ =	shalt  }
0x83: {  	_ =	shalt  }
0x84: {  	_ =	shalt  }
0x85: {  	_ =	shalt  }
0x86: {  	_ =	shalt  }
0x87: {  	_ =	shalt  }
.Lfunc_end0:
.L_simem_size_0:
called_computation_lowered:
.L_overlay_start_0:
0x88: {  	s2 =	sld [smem:$0x3FD9]  }
0x89: {  	s3 =	sld [smem:$0x3FFE];
	_ =	sdelay $0x1  }
0x8a: {  	s1 =	srdreg.scid  }
0x8b: {  	s0 =	sand.u32 $0x1, s1  }
0x8c: {  	s16 =	sshll.u32 s0, $0xA;
	s2 =	sadd.s32 s3, s2  }
0x8d: {  	s2 =	sadd.s32 s2, s16  }
0x8e: {  	[smem:$0x3FB4] =	sst s2  }
0x8f: {  	_ = 	snop  }
0x90: {  	(tm) =	ssettm $0x1  }
0x91: {  	s17 =	sld [smem:$0x3FFB];
	_ =	sdelay $0x3  }
0x92: {  	_ =	strace s17  }
0x93: {  	s2 =	sld [smem:$0x3FFC];
	_ =	sdelay $0x3  }
0x94: {  	_ =	strace s2  }
0x95: {  	s2 =	sld [smem:$0x3FFD];
	_ =	sdelay $0x3  }
0x96: {  	_ =	strace s2  }
0x97: {  	_ =	strace $0x8FFFFFFF  }
0x98: {  	s18 =	sld [smem:$0x3FDB];
	_ =	sdelay $0x1  }
0x99: {  	s19 =	simm.s32 $_scs_section_size  }
0x9a: {  	s4 =	simm.s32 $_size__tile_overlayer_lowered;
	s5 =	simm.s32 $_tile_overlayer_lowered  }
0x9b: {  	s22 =	simm.s32 $0x1BFF;
	s21 =	sshll.u32 s5, $0x1;
	s2 =	sadd.s32 s19, s18  }
0x9c: {  	s6 =	simm.s32 $0x0;
	s20 =	sshll.u32 s4, $0x1;
	s4 =	sadd.s32 s21, s2  }
0x9d: {  	[timem:s6], [sflag:s22] =	dma.local [hbm:s4], s20  }
0x9e: {  	_ =	swait.ge [sflag:s22], s20  }
0x9f: {  	s3 =	ssub.s32 $0x0, s20;
	[sflag:s22] =	ssyncset.done $0x0  }
0xa0: {  	[sflag:s22] =	ssyncadd.s32 s3;
	_ =	sdelay $0x1  }
0xa1: {  	s23 =	simm.s32 $0x1B8B  }
0xa2: {  	_ =	swait.ge [sflag:s23], $0x1  }
0xa3: {  	[sflag:s23] =	ssyncset.done $0x0  }
0xa4: {  	s25 =	simm.s32 $0x1B8E;
	s24 =	sld [smem:$0x3FFE];
	[sflag:s23] =	ssyncadd.s32 $0xFFFFFFFF  }
0xa5: {  	s26 =	simm.s32 $execute0_lowered;
	[smem:$0x3FD2] =	sst s25  }
0xa6: {  	s4 =	sshll.u32 s26, $0x1;
	_ =	strace $0x80000046;
	[dreg:$0x1] =	wrdreg $0xFFFFFFFF  }
0xa7: {  	s28 =	simm.s32 $_size_execute0_lowered;
	s2 =	sadd.s32 s2, s4;
	[dreg:$0x0] =	wrdreg $0x0  }
0xa8: {  	s4 =	sshll.u32 s28, $0x1;
	[dreg:$0x2] =	wrdreg s2  }
0xa9: {  	[dreg:$0x3] =	wrdreg s4  }
0xaa: {  	[dreg:$0x4] =	wrdreg $0xC0  }
0xab: {  	_ =	task [dreg:s6], $0x5FFFF  }
0xac: {  	[dreg:$0x1] =	wrdreg $0xFFFFFFFF  }
0xad: {  	[dreg:$0x0] =	wrdreg $0x60  }
0xae: {  	[dreg:$0x2] =	wrdreg s24  }
0xaf: {  	[dreg:$0x3] =	wrdreg $0x0  }
0xb0: {  	[dreg:$0x4] =	wrdreg $0xA  }
0xb1: {  	_ =	task.clear_ibuf [dreg:s6], $0x5FFFF;
	_ =	strace $0x90000046  }
0xb2: {  	s29 =	simm.s32 $0xA;
	_ =	strace $0x80000048  }
0xb3: {  	_ =	swait.ge [sflag:s29], $0x1  }
0xb4: {  	[sflag:s29] =	ssyncadd.s32 $0xFFFFFFFF  }
0xb5: {  	_ =	strace $0x90000048  }
0xb6: {  	_ =	sfence  }
0xb7: {  	s30 =	sld [smem:$0x0];
	_ =	sdelay $0x2  }
0xb8: {  	s31 =	sshll.u32 s1, $0xD;
	s1 =	sshrl.u32 s1, $0x2  }
0xb9: {  	s3 =	sand.u32 $0x4000, s31;
	s1 =	sadd.s32 s1, s30  }
0xba: {  	s0 =	sor.u32 s3, s0;
	s1 =	sshll.u32 s1, $0x11  }
0xbb: {  	s0 =	sor.u32 s1, s0  }
0xbc: {  	s0 =	sadd.s32 $0x8F2B, s0  }
0xbd: {  	[sflag:s0] =	ssyncadd.remote.s32 $0x1  }
0xbe: {  	_ =	sfence.sel $0xFFFF  }
0xbf: {  	[dreg:$0x0] =	wrdreg $0xFFFFFFFF;
	(pc) =	sbr.abs _section_cstart, $3  }
0xc0: {  	[dreg:$0x1] =	wrdreg $0xFFFFFFFF  }
0xc1: {  	_ =	task.clear_ibuf [dreg:s6], $0x2FFFF;
	_ =	strace $0x9FFFFFFF  }
0xc2: {  	(tm) =	ssettm $0x7FFFFFFF  }
0xc3: {  	_ =	shalt  }
tec
execute0_lowered:
.L_overlay_start_1:
0x0: {  	(tag) =	ssettag $0x1  }
0x1: {  	s0 =	rddreg [dreg:$0x0]  }
0x2: {  	s2 =	rddreg [dreg:$0x1]  }
0x3: {  	s3 =	simm.s32 $0x0;
	s1 =	stileid.u32;
	s7 =	srdreg.scid  }
0x4: {  	s28 =	simm.s32 $0x1;
	s29 =	simm.s32 $0x3;
	s30 =	simm.s32 $0x2  }
0x5: {  	s31 =	simm.s32 $0x4;
	[smem:$0x7FF] =	sst s3;
	s4 =	smul.u32 $0x2800, s1  }
0x6: {  	s5 =	sadd.s32 $0x52E00, s0;
	s8 =	sadd.s32 $0x3EE00, s0;
	s6 =	sadd.s32 $0x7AE00, s0  }
0x7: {  	s10 =	sand.u32 $0x1, s7;
	s13 =	sadd.s32 $0x34E00, s0;
	s15 =	smul.u32 $0x50000, s1  }
0x8: {  	s7 =	sadd.s32 $0xA2E00, s0;
	s16 =	sadd.s32 $0xA5600, s0;
	s26 =	smul.u32 $0x500, s1  }
0x9: {  	_ =	strace $0x80000047;
	s11 =	ssub.s32 $0x2, s10;
	[dreg:$0x3] =	wrdreg s16  }
0xa: {  	p0 =	seq.s32 s10, $0x1;
	s9 =	sshrl.u32 s4, $0x3;
	s14 =	sshrl.u32 s11, $0x1  }
0xb: {  	s22 =	sshrl.u32 s15, $0x2;
	s18 =	sadd.s32 s26, s8;
	s19 =	sadd.s32 s26, s13  }
0xc: {  	s26 =	simm.s32 $0x16880;
	s12 =	sadd.s32 s9, s0;
	s0 =	sadd.s32 $0xCD600, s0  }
0xd: {  	s20 =	ssub.s32 s11, s14;
	s11 =	sadd.s32 s22, s2;
	s23 =	sadd.s32 s8, s9  }
0xe: {  	s25 =	sadd.s32 s13, s9;
	s9 =	sadd.s32 $0x4F0, s9;
	[dreg:$0x4] =	wrdreg s0  }
0xf: {  	s22 =	simm.s32 $0x80;
	s21 =	sadd.s32 $0x39E00, s12;
	[dreg:$0x6] =	wrdreg s23  }
.Ltmp0:
0x10: {  	s24 =	sadd.s32 $0x2FE00, s12;
	[dreg:$0x8] =	wrdreg s25;
	(pc) =	sbr.rel .LBB2_1-.Ltmp0, $4  }
0x11: {  	s15 =	smax.u32 s20, $0x1;
	s16 =	sadd.s32 s8, s9;
	s17 =	sadd.s32 s13, s9  }
0x12: {  	s20 =	simm.s32 $0x14000;
	s23 =	simm.s32 $0x16900;
	s25 =	simm.s32 $0x1A900  }
0x13: {  	s0 =	simm.s32 $0x16780;
	s8 =	simm.s32 $0x0;
	[dreg:$0x5] =	wrdreg s21  }
0x14: {  	[dreg:$0x7] =	wrdreg s24;
	s21 =	simm.s32 $0x5;
	s24 =	simm.s32 $0x16800  }
.LBB2_7:
0x15: {  	s1 =	sadd.s32 $0xFFFFFF80, s9;
	s12 =	sadd.s32 s12, s19;
	[sflag:s21] =	ssyncadd.s32 $0xFFFFC000  }
0x16: {  	[tilespmem:s25], [sflag:$0x2] =	stream.indirect.gather [hbm4b:s6+s22], $0x80, s1, s22, $0xb8;
	[tilespmem:$0x1E900] =	vst v63  }
0x17: {  	s13 =	sadd.s32 $0x4F0, s12  }
0x18: {  	[tilespmem:s26], [sflag:$0x4] =	stream.linear.gather [hbm4b:s13+s3], $0x80, $0x38;
	[tilespmem:$0x1E900] =	vst v63  }
0x19: {  	_ =	swait.ge [sflag:s28], $0x4000  }
0x1a: {  	[sflag:s28] =	ssyncset.done $0x0  }
0x1b: {  	[sflag:s28] =	ssyncadd.s32 $0xFFFFC000  }
0x1c: {  	_ =	swait.ge [sflag:s29], $0x80  }
0x1d: {  	[sflag:s29] =	ssyncset.done $0x0  }
0x1e: {  	[sflag:s29] =	ssyncadd.s32 $0xFFFFFF80  }
0x1f: {  	[spmem:s2] =	stream.indirect.scatter.add.f32 [tilespmem:s23], [sflag:$0x5], $0x80, s24, s22, $0xb8;
	[tilespmem:$0x1E900] =	vst v63  }
0x20: {  	_ =	swait.ge [sflag:s21], $0x4000  }
0x21: {  	[sflag:s21] =	ssyncset.done $0x0  }
0x22: {  	[sflag:s21] =	ssyncadd.s32 $0xFFFFC000  }
0x23: {  	[tilespmem:s23], [sflag:$0x1] =	stream.indirect.gather [hbm4b:s6+s22], $0x80, s9, s22, $0xb8;
	[tilespmem:$0x1E900] =	vst v63  }
0x24: {  	s14 =	sadd.s32 $0x500, s12  }
0x25: {  	[tilespmem:s24], [sflag:$0x3] =	stream.linear.gather [hbm4b:s14+s3], $0x80, $0x38;
	[tilespmem:$0x1E900] =	vst v63  }
0x26: {  	_ =	swait.ge [sflag:s30], $0x4000  }
0x27: {  	[sflag:s30] =	ssyncset.done $0x0  }
0x28: {  	[sflag:s30] =	ssyncadd.s32 $0xFFFFC000  }
0x29: {  	_ =	swait.ge [sflag:s31], $0x80  }
0x2a: {  	[sflag:s31] =	ssyncset.done $0x0  }
0x2b: {  	[sflag:s31] =	ssyncadd.s32 $0xFFFFFF80  }
0x2c: {  	[spmem:s2] =	stream.indirect.scatter.add.f32 [tilespmem:s25], [sflag:$0x5], $0x80, s26, s22, $0xb8;
	[tilespmem:$0x1E900] =	vst v63  }
0x2d: {  	_ =	swait.ge [sflag:s21], $0x4000  }
0x2e: {  	[sflag:s21] =	ssyncset.done $0x0  }
0x2f: {  	[sflag:s21] =	ssyncadd.s32 $0xFFFFC000  }
0x30: {  	[tilespmem:s25], [sflag:$0x2] =	stream.indirect.gather [hbm4b:s6+s22], $0x80, s0, s22, $0xb8;
	[tilespmem:$0x1E900] =	vst v63  }
0x31: {  	_ = 	snop  }
0x32: {  	[tilespmem:s26], [sflag:$0x4] =	stream.linear.gather [hbm4b:s17+s3], $0x80, $0x38;
	[tilespmem:$0x1E900] =	vst v63  }
0x33: {  	_ =	swait.ge [sflag:s28], $0x4000  }
0x34: {  	[sflag:s28] =	ssyncset.done $0x0  }
0x35: {  	[sflag:s28] =	ssyncadd.s32 $0xFFFFC000  }
0x36: {  	_ =	swait.ge [sflag:s29], $0x80  }
0x37: {  	[sflag:s29] =	ssyncset.done $0x0  }
0x38: {  	[sflag:s29] =	ssyncadd.s32 $0xFFFFFF80  }
0x39: {  	[spmem:s2] =	stream.indirect.scatter.add.f32 [tilespmem:s23], [sflag:$0x5], $0x80, s24, s22, $0xb8;
	[tilespmem:$0x1E900] =	vst v63  }
0x3a: {  	_ =	swait.ge [sflag:s21], $0x4000  }
0x3b: {  	[sflag:s21] =	ssyncset.done $0x0  }
0x3c: {  	s12 =	smov.u32 s17;
	s9 =	rddreg [dreg:$0x4];
	[sflag:s21] =	ssyncadd.s32 $0xFFFFC000  }
0x3d: {  	[tilespmem:s23], [sflag:$0x1] =	stream.indirect.gather [hbm4b:s6+s22], $0x80, s0, s22, $0xb8;
	[tilespmem:$0x1E900] =	vst v63  }
.LBB2_8:
0x3e: {  	[tilespmem:s24], [sflag:$0x3] =	stream.linear.gather [hbm4b:s12+s3], $0x80, $0x38;
	[tilespmem:$0x1E900] =	vst v63  }
0x3f: {  	_ =	swait.ge [sflag:s30], $0x4000  }
0x40: {  	[sflag:s30] =	ssyncset.done $0x0  }
0x41: {  	[sflag:s30] =	ssyncadd.s32 $0xFFFFC000  }
0x42: {  	_ =	swait.ge [sflag:s31], $0x80  }
0x43: {  	[sflag:s31] =	ssyncset.done $0x0  }
0x44: {  	[sflag:s31] =	ssyncadd.s32 $0xFFFFFF80  }
0x45: {  	[spmem:s2] =	stream.indirect.scatter.add.f32 [tilespmem:s25], [sflag:$0x5], $0x80, s26, s22, $0xb8;
	[tilespmem:$0x1E900] =	vst v63  }
0x46: {  	_ =	swait.ge [sflag:s21], $0x4000  }
0x47: {  	[sflag:s21] =	ssyncset.done $0x0  }
0x48: {  	[sflag:s21] =	ssyncadd.s32 $0xFFFFC000  }
0x49: {  	_ =	swait.ge [sflag:s28], $0x4000  }
0x4a: {  	[sflag:s28] =	ssyncset.done $0x0  }
0x4b: {  	[sflag:s28] =	ssyncadd.s32 $0xFFFFC000  }
0x4c: {  	_ =	swait.ge [sflag:s29], $0x80  }
0x4d: {  	s8 =	sadd.s32 $0x1, s8;
	[sflag:s29] =	ssyncset.done $0x0  }
0x4e: {  	s1 =	sadd.s32 s9, s4;
	p1 =	sne.s32 s8, s15;
	[sflag:s29] =	ssyncadd.s32 $0xFFFFFF80  }
.Ltmp1:
0x4f: {  	s14 =	sshrl.u32 s11, $0x3;
	[bflag:$0x0] =	sbarrier.arrive $0xFFFF;
	(pc) =	sbr.rel @!p1 .LBB2_9-.Ltmp1, $4  }
0x50: {  	[hbm:s1], [sflag:s10] =	dma.local [spmem:s14], $0x2800  }
0x51: {  	_ =	swait.ge [sflag:s21], $0x2800  }
0x52: {  	[sflag:s21] =	ssyncset.done $0x0  }
0x53: {  	[sflag:s21] =	ssyncadd.s32 $0xFFFFD800  }
.LBB2_1:
.Ltmp2:
0x54: {  	(pc) =	sbr.rel @!p0 .LBB2_2-.Ltmp2, $1  }
0x55: {  	_ =	sdelay $0x3  }
0x56: {  	s1 =	rddreg [dreg:$0x7]  }
0x57: {  	[tilespmem:s20], [sflag:$0x5] =	stream.linear.gather [hbm4b:s1+s3], $0x2800, $0x38;
	[tilespmem:$0x1E900] =	vst v63  }
0x58: {  	s10 =	stileid.u32;
	_ =	swait.ge [sflag:s21], $0x2800  }
0x59: {  	s1 =	sshll.u32 s10, $0x6;
	[sflag:s21] =	ssyncset.done $0x0  }
0x5a: {  	s12 =	sshrl.u32 s11, $0x3;
	s10 =	sor.u32 $0x1C05, s1;
	[sflag:s21] =	ssyncadd.s32 $0xFFFFD800  }
0x5b: {  	[spmem:s12], [sflag:s10] =	dma.local [hbm:s7], $0x2800  }
0x5c: {  	_ =	swait.ge [sflag:s21], $0x2800  }
0x5d: {  	[sflag:s21] =	ssyncset.done $0x0  }
0x5e: {  	[sflag:s21] =	ssyncadd.s32 $0xFFFFD800  }
0x5f: {  	[bflag:$0x0] =	sbarrier.arrive $0xFFFF  }
0x60: {  	[tilespmem:s23], [sflag:$0x1] =	stream.indirect.gather [hbm4b:s6+s22], $0x80, s20, s22, $0xb8;
	[tilespmem:$0x1E900] =	vst v63  }
0x61: {  	s13 =	rddreg [dreg:$0x8]  }
0x62: {  	[tilespmem:s24], [sflag:$0x3] =	stream.linear.gather [hbm4b:s13+s3], $0x80, $0x38;
	[tilespmem:$0x1E900] =	vst v63  }
0x63: {  	s14 =	simm.s32 $0x14080;
	s9 =	sadd.s32 $0xFFFFFB20, s19  }
0x64: {  	[tilespmem:s25], [sflag:$0x2] =	stream.indirect.gather [hbm4b:s6+s22], $0x80, s14, s22, $0xb8;
	[tilespmem:$0x1E900] =	vst v63  }
0x65: {  	s12 =	sadd.s32 $0x4F0, s9  }
0x66: {  	[tilespmem:s26], [sflag:$0x4] =	stream.linear.gather [hbm4b:s12+s3], $0x80, $0x38;
	[tilespmem:$0x1E900] =	vst v63  }
0x67: {  	_ =	swait.ge [sflag:s28], $0x4000  }
0x68: {  	[sflag:s28] =	ssyncset.done $0x0  }
0x69: {  	[sflag:s28] =	ssyncadd.s32 $0xFFFFC000  }
0x6a: {  	_ =	swait.ge [sflag:s29], $0x80  }
0x6b: {  	[sflag:s29] =	ssyncset.done $0x0  }
0x6c: {  	[sflag:s29] =	ssyncadd.s32 $0xFFFFFF80  }
0x6d: {  	[spmem:s2] =	stream.indirect.scatter.add.f32 [tilespmem:s23], [sflag:$0x5], $0x80, s24, s22, $0xb8;
	[tilespmem:$0x1E900] =	vst v63  }
0x6e: {  	_ =	swait.ge [sflag:s21], $0x4000  }
0x6f: {  	[sflag:s21] =	ssyncset.done $0x0  }
0x70: {  	s13 =	simm.s32 $0x14100;
	[sflag:s21] =	ssyncadd.s32 $0xFFFFC000  }
0x71: {  	[tilespmem:s23], [sflag:$0x1] =	stream.indirect.gather [hbm4b:s6+s22], $0x80, s13, s22, $0xb8;
	[tilespmem:$0x1E900] =	vst v63  }
0x72: {  	s14 =	sadd.s32 $0x500, s9  }
0x73: {  	[tilespmem:s24], [sflag:$0x3] =	stream.linear.gather [hbm4b:s14+s3], $0x80, $0x38;
	[tilespmem:$0x1E900] =	vst v63  }
0x74: {  	_ =	swait.ge [sflag:s30], $0x4000  }
0x75: {  	[sflag:s30] =	ssyncset.done $0x0  }
0x76: {  	[sflag:s30] =	ssyncadd.s32 $0xFFFFC000  }
0x77: {  	_ =	swait.ge [sflag:s31], $0x80  }
0x78: {  	[sflag:s31] =	ssyncset.done $0x0  }
0x79: {  	[sflag:s31] =	ssyncadd.s32 $0xFFFFFF80  }
0x7a: {  	[spmem:s2] =	stream.indirect.scatter.add.f32 [tilespmem:s25], [sflag:$0x5], $0x80, s26, s22, $0xb8;
	[tilespmem:$0x1E900] =	vst v63  }
0x7b: {  	s9 =	simm.s32 $0x14200;
	_ =	swait.ge [sflag:s21], $0x4000  }
0x7c: {  	s12 =	simm.s32 $0xFFFFFB40;
	s13 =	simm.s32 $0xFFFFFB60;
	[sflag:s21] =	ssyncset.done $0x0  }
.LBB2_6:
0x7d: {  	s1 =	sadd.s32 $0xFFFFFF80, s9  }
0x7e: {  	s14 =	sadd.s32 s12, s19;
	[sflag:s21] =	ssyncadd.s32 $0xFFFFC000;
	s12 =	smov.u32 s13  }
0x7f: {  	[tilespmem:s25], [sflag:$0x2] =	stream.indirect.gather [hbm4b:s6+s22], $0x80, s1, s22, $0xb8;
	[tilespmem:$0x1E900] =	vst v63  }
0x80: {  	p1 =	sne.s32 s13, $0xFFFFFFE0;
	s13 =	sadd.s32 $0x20, s13;
	s1 =	sadd.s32 $0x4F0, s14  }
0x81: {  	[tilespmem:s26], [sflag:$0x4] =	stream.linear.gather [hbm4b:s1+s3], $0x80, $0x38;
	[tilespmem:$0x1E900] =	vst v63  }
0x82: {  	_ =	swait.ge [sflag:s28], $0x4000  }
0x83: {  	[sflag:s28] =	ssyncset.done $0x0  }
0x84: {  	[sflag:s28] =	ssyncadd.s32 $0xFFFFC000  }
0x85: {  	_ =	swait.ge [sflag:s29], $0x80  }
0x86: {  	[sflag:s29] =	ssyncset.done $0x0  }
0x87: {  	[sflag:s29] =	ssyncadd.s32 $0xFFFFFF80  }
0x88: {  	[spmem:s2] =	stream.indirect.scatter.add.f32 [tilespmem:s23], [sflag:$0x5], $0x80, s24, s22, $0xb8;
	[tilespmem:$0x1E900] =	vst v63  }
0x89: {  	_ =	swait.ge [sflag:s21], $0x4000  }
0x8a: {  	[sflag:s21] =	ssyncset.done $0x0  }
0x8b: {  	[sflag:s21] =	ssyncadd.s32 $0xFFFFC000  }
0x8c: {  	[tilespmem:s23], [sflag:$0x1] =	stream.indirect.gather [hbm4b:s6+s22], $0x80, s9, s22, $0xb8;
	[tilespmem:$0x1E900] =	vst v63  }
0x8d: {  	s1 =	sadd.s32 $0x500, s14  }
0x8e: {  	[tilespmem:s24], [sflag:$0x3] =	stream.linear.gather [hbm4b:s1+s3], $0x80, $0x38;
	[tilespmem:$0x1E900] =	vst v63  }
0x8f: {  	_ =	swait.ge [sflag:s30], $0x4000  }
0x90: {  	[sflag:s30] =	ssyncset.done $0x0  }
0x91: {  	[sflag:s30] =	ssyncadd.s32 $0xFFFFC000  }
0x92: {  	_ =	swait.ge [sflag:s31], $0x80  }
.Ltmp3:
0x93: {  	[sflag:s31] =	ssyncset.done $0x0;
	(pc) =	sbr.rel @p1 .LBB2_6-.Ltmp3, $4  }
0x94: {  	[sflag:s31] =	ssyncadd.s32 $0xFFFFFF80  }
0x95: {  	[spmem:s2] =	stream.indirect.scatter.add.f32 [tilespmem:s25], [sflag:$0x5], $0x80, s26, s22, $0xb8;
	[tilespmem:$0x1E900] =	vst v63  }
0x96: {  	_ =	swait.ge [sflag:s21], $0x4000  }
0x97: {  	s9 =	sadd.s32 $0x100, s9;
	[sflag:s21] =	ssyncset.done $0x0  }
.Ltmp4:
0x98: {  	_ = 	snop;
	(pc) =	sbr.rel .LBB2_7-.Ltmp4, $1  }
0x99: {  	_ =	sdelay $0x3  }
.LBB2_2:
0x9a: {  	s1 =	rddreg [dreg:$0x5]  }
0x9b: {  	[tilespmem:s20], [sflag:$0x5] =	stream.linear.gather [hbm4b:s1+s3], $0x2800, $0x38;
	[tilespmem:$0x1E900] =	vst v63  }
0x9c: {  	s10 =	stileid.u32;
	_ =	swait.ge [sflag:s21], $0x2800  }
0x9d: {  	s9 =	sshll.u32 s10, $0x6;
	[sflag:s21] =	ssyncset.done $0x0  }
0x9e: {  	s12 =	sshrl.u32 s11, $0x3;
	s10 =	sor.u32 $0x1C05, s9;
	[sflag:s21] =	ssyncadd.s32 $0xFFFFD800  }
0x9f: {  	[spmem:s12], [sflag:s10] =	dma.local [hbm:s7], $0x2800  }
0xa0: {  	_ =	swait.ge [sflag:s21], $0x2800  }
0xa1: {  	[sflag:s21] =	ssyncset.done $0x0  }
0xa2: {  	[sflag:s21] =	ssyncadd.s32 $0xFFFFD800  }
0xa3: {  	[bflag:$0x0] =	sbarrier.arrive $0xFFFF  }
0xa4: {  	[tilespmem:s23], [sflag:$0x1] =	stream.indirect.gather [hbm4b:s5+s22], $0x80, s20, s22, $0xb8;
	[tilespmem:$0x1E900] =	vst v63  }
0xa5: {  	s13 =	rddreg [dreg:$0x6]  }
0xa6: {  	[tilespmem:s24], [sflag:$0x3] =	stream.linear.gather [hbm4b:s13+s3], $0x80, $0x38;
	[tilespmem:$0x1E900] =	vst v63  }
0xa7: {  	s14 =	simm.s32 $0x14080;
	s12 =	sadd.s32 $0xFFFFFB20, s18  }
0xa8: {  	[tilespmem:s25], [sflag:$0x2] =	stream.indirect.gather [hbm4b:s5+s22], $0x80, s14, s22, $0xb8;
	[tilespmem:$0x1E900] =	vst v63  }
0xa9: {  	s1 =	sadd.s32 $0x4F0, s12  }
0xaa: {  	[tilespmem:s26], [sflag:$0x4] =	stream.linear.gather [hbm4b:s1+s3], $0x80, $0x38;
	[tilespmem:$0x1E900] =	vst v63  }
0xab: {  	_ =	swait.ge [sflag:s28], $0x4000  }
0xac: {  	[sflag:s28] =	ssyncset.done $0x0  }
0xad: {  	[sflag:s28] =	ssyncadd.s32 $0xFFFFC000  }
0xae: {  	_ =	swait.ge [sflag:s29], $0x80  }
0xaf: {  	[sflag:s29] =	ssyncset.done $0x0  }
0xb0: {  	[sflag:s29] =	ssyncadd.s32 $0xFFFFFF80  }
0xb1: {  	[spmem:s2] =	stream.indirect.scatter.add.f32 [tilespmem:s23], [sflag:$0x5], $0x80, s24, s22, $0xb8;
	[tilespmem:$0x1E900] =	vst v63  }
0xb2: {  	_ =	swait.ge [sflag:s21], $0x4000  }
0xb3: {  	[sflag:s21] =	ssyncset.done $0x0  }
0xb4: {  	s13 =	simm.s32 $0x14100;
	[sflag:s21] =	ssyncadd.s32 $0xFFFFC000  }
0xb5: {  	[tilespmem:s23], [sflag:$0x1] =	stream.indirect.gather [hbm4b:s5+s22], $0x80, s13, s22, $0xb8;
	[tilespmem:$0x1E900] =	vst v63  }
0xb6: {  	s14 =	sadd.s32 $0x500, s12  }
0xb7: {  	[tilespmem:s24], [sflag:$0x3] =	stream.linear.gather [hbm4b:s14+s3], $0x80, $0x38;
	[tilespmem:$0x1E900] =	vst v63  }
0xb8: {  	_ =	swait.ge [sflag:s30], $0x4000  }
0xb9: {  	[sflag:s30] =	ssyncset.done $0x0  }
0xba: {  	[sflag:s30] =	ssyncadd.s32 $0xFFFFC000  }
0xbb: {  	_ =	swait.ge [sflag:s31], $0x80  }
0xbc: {  	[sflag:s31] =	ssyncset.done $0x0  }
0xbd: {  	[sflag:s31] =	ssyncadd.s32 $0xFFFFFF80  }
0xbe: {  	[spmem:s2] =	stream.indirect.scatter.add.f32 [tilespmem:s25], [sflag:$0x5], $0x80, s26, s22, $0xb8;
	[tilespmem:$0x1E900] =	vst v63  }
0xbf: {  	s9 =	simm.s32 $0x14200;
	_ =	swait.ge [sflag:s21], $0x4000  }
0xc0: {  	s12 =	simm.s32 $0xFFFFFB40;
	s13 =	simm.s32 $0xFFFFFB60;
	[sflag:s21] =	ssyncset.done $0x0  }
.LBB2_3:
0xc1: {  	s14 =	sadd.s32 $0xFFFFFF80, s9  }
0xc2: {  	s1 =	sadd.s32 s12, s18;
	[sflag:s21] =	ssyncadd.s32 $0xFFFFC000;
	s12 =	smov.u32 s13  }
0xc3: {  	[tilespmem:s25], [sflag:$0x2] =	stream.indirect.gather [hbm4b:s5+s22], $0x80, s14, s22, $0xb8;
	[tilespmem:$0x1E900] =	vst v63  }
0xc4: {  	p1 =	sne.s32 s13, $0xFFFFFFE0;
	s13 =	sadd.s32 $0x20, s13;
	s14 =	sadd.s32 $0x4F0, s1  }
0xc5: {  	[tilespmem:s26], [sflag:$0x4] =	stream.linear.gather [hbm4b:s14+s3], $0x80, $0x38;
	[tilespmem:$0x1E900] =	vst v63  }
0xc6: {  	_ =	swait.ge [sflag:s28], $0x4000  }
0xc7: {  	[sflag:s28] =	ssyncset.done $0x0  }
0xc8: {  	[sflag:s28] =	ssyncadd.s32 $0xFFFFC000  }
0xc9: {  	_ =	swait.ge [sflag:s29], $0x80  }
0xca: {  	[sflag:s29] =	ssyncset.done $0x0  }
0xcb: {  	[sflag:s29] =	ssyncadd.s32 $0xFFFFFF80  }
0xcc: {  	[spmem:s2] =	stream.indirect.scatter.add.f32 [tilespmem:s23], [sflag:$0x5], $0x80, s24, s22, $0xb8;
	[tilespmem:$0x1E900] =	vst v63  }
0xcd: {  	_ =	swait.ge [sflag:s21], $0x4000  }
0xce: {  	[sflag:s21] =	ssyncset.done $0x0  }
0xcf: {  	[sflag:s21] =	ssyncadd.s32 $0xFFFFC000  }
0xd0: {  	[tilespmem:s23], [sflag:$0x1] =	stream.indirect.gather [hbm4b:s5+s22], $0x80, s9, s22, $0xb8;
	[tilespmem:$0x1E900] =	vst v63  }
0xd1: {  	s1 =	sadd.s32 $0x500, s1  }
0xd2: {  	[tilespmem:s24], [sflag:$0x3] =	stream.linear.gather [hbm4b:s1+s3], $0x80, $0x38;
	[tilespmem:$0x1E900] =	vst v63  }
0xd3: {  	_ =	swait.ge [sflag:s30], $0x4000  }
0xd4: {  	[sflag:s30] =	ssyncset.done $0x0  }
0xd5: {  	[sflag:s30] =	ssyncadd.s32 $0xFFFFC000  }
0xd6: {  	_ =	swait.ge [sflag:s31], $0x80  }
.Ltmp5:
0xd7: {  	[sflag:s31] =	ssyncset.done $0x0;
	(pc) =	sbr.rel @p1 .LBB2_3-.Ltmp5, $4  }
0xd8: {  	[sflag:s31] =	ssyncadd.s32 $0xFFFFFF80  }
0xd9: {  	[spmem:s2] =	stream.indirect.scatter.add.f32 [tilespmem:s25], [sflag:$0x5], $0x80, s26, s22, $0xb8;
	[tilespmem:$0x1E900] =	vst v63  }
0xda: {  	_ =	swait.ge [sflag:s21], $0x4000  }
0xdb: {  	s9 =	sadd.s32 $0x100, s9;
	[sflag:s21] =	ssyncset.done $0x0  }
0xdc: {  	s1 =	sadd.s32 $0xFFFFFF80, s9;
	s12 =	sadd.s32 s12, s18;
	[sflag:s21] =	ssyncadd.s32 $0xFFFFC000  }
0xdd: {  	[tilespmem:s25], [sflag:$0x2] =	stream.indirect.gather [hbm4b:s5+s22], $0x80, s1, s22, $0xb8;
	[tilespmem:$0x1E900] =	vst v63  }
0xde: {  	s13 =	sadd.s32 $0x4F0, s12  }
0xdf: {  	[tilespmem:s26], [sflag:$0x4] =	stream.linear.gather [hbm4b:s13+s3], $0x80, $0x38;
	[tilespmem:$0x1E900] =	vst v63  }
0xe0: {  	_ =	swait.ge [sflag:s28], $0x4000  }
0xe1: {  	[sflag:s28] =	ssyncset.done $0x0  }
0xe2: {  	[sflag:s28] =	ssyncadd.s32 $0xFFFFC000  }
0xe3: {  	_ =	swait.ge [sflag:s29], $0x80  }
0xe4: {  	[sflag:s29] =	ssyncset.done $0x0  }
0xe5: {  	[sflag:s29] =	ssyncadd.s32 $0xFFFFFF80  }
0xe6: {  	[spmem:s2] =	stream.indirect.scatter.add.f32 [tilespmem:s23], [sflag:$0x5], $0x80, s24, s22, $0xb8;
	[tilespmem:$0x1E900] =	vst v63  }
0xe7: {  	_ =	swait.ge [sflag:s21], $0x4000  }
0xe8: {  	[sflag:s21] =	ssyncset.done $0x0  }
0xe9: {  	[sflag:s21] =	ssyncadd.s32 $0xFFFFC000  }
0xea: {  	[tilespmem:s23], [sflag:$0x1] =	stream.indirect.gather [hbm4b:s5+s22], $0x80, s9, s22, $0xb8;
	[tilespmem:$0x1E900] =	vst v63  }
0xeb: {  	s14 =	sadd.s32 $0x500, s12  }
0xec: {  	[tilespmem:s24], [sflag:$0x3] =	stream.linear.gather [hbm4b:s14+s3], $0x80, $0x38;
	[tilespmem:$0x1E900] =	vst v63  }
0xed: {  	_ =	swait.ge [sflag:s30], $0x4000  }
0xee: {  	[sflag:s30] =	ssyncset.done $0x0  }
0xef: {  	[sflag:s30] =	ssyncadd.s32 $0xFFFFC000  }
0xf0: {  	_ =	swait.ge [sflag:s31], $0x80  }
0xf1: {  	[sflag:s31] =	ssyncset.done $0x0  }
0xf2: {  	[sflag:s31] =	ssyncadd.s32 $0xFFFFFF80  }
0xf3: {  	[spmem:s2] =	stream.indirect.scatter.add.f32 [tilespmem:s25], [sflag:$0x5], $0x80, s26, s22, $0xb8;
	[tilespmem:$0x1E900] =	vst v63  }
0xf4: {  	_ =	swait.ge [sflag:s21], $0x4000  }
0xf5: {  	[sflag:s21] =	ssyncset.done $0x0  }
0xf6: {  	[sflag:s21] =	ssyncadd.s32 $0xFFFFC000  }
0xf7: {  	[tilespmem:s25], [sflag:$0x2] =	stream.indirect.gather [hbm4b:s5+s22], $0x80, s0, s22, $0xb8;
	[tilespmem:$0x1E900] =	vst v63  }
0xf8: {  	_ = 	snop  }
0xf9: {  	[tilespmem:s26], [sflag:$0x4] =	stream.linear.gather [hbm4b:s16+s3], $0x80, $0x38;
	[tilespmem:$0x1E900] =	vst v63  }
0xfa: {  	_ =	swait.ge [sflag:s28], $0x4000  }
0xfb: {  	[sflag:s28] =	ssyncset.done $0x0  }
0xfc: {  	[sflag:s28] =	ssyncadd.s32 $0xFFFFC000  }
0xfd: {  	_ =	swait.ge [sflag:s29], $0x80  }
0xfe: {  	[sflag:s29] =	ssyncset.done $0x0  }
0xff: {  	[sflag:s29] =	ssyncadd.s32 $0xFFFFFF80  }
0x100: {  	[spmem:s2] =	stream.indirect.scatter.add.f32 [tilespmem:s23], [sflag:$0x5], $0x80, s24, s22, $0xb8;
	[tilespmem:$0x1E900] =	vst v63  }
.Ltmp6:
0x101: {  	_ = 	snop;
	(pc) =	sbr.rel .LBB2_8-.Ltmp6, $4  }
0x102: {  	_ =	swait.ge [sflag:s21], $0x4000  }
0x103: {  	[sflag:s21] =	ssyncset.done $0x0  }
0x104: {  	s12 =	smov.u32 s16;
	s9 =	rddreg [dreg:$0x3];
	[sflag:s21] =	ssyncadd.s32 $0xFFFFC000  }
0x105: {  	[tilespmem:s23], [sflag:$0x1] =	stream.indirect.gather [hbm4b:s5+s22], $0x80, s0, s22, $0xb8;
	[tilespmem:$0x1E900] =	vst v63  }
.LBB2_9:
0x106: {  	_ =	sfence.sel $0x180000  }
0x107: {  	[bflag:$0x0] =	sbarrier.arrive $0xFFFF  }
0x108: {  	_ =	strace $0x90000047  }
0x109: {  	s0 =	stileid.u32;
	[bflag:$0x2] =	sbarrier.arrive $0xFFFF  }
0x10a: {  	p0 =	sne.s32 s0, $0x0;
	s0 =	rddreg [dreg:$0x2]  }
0x10b: {  	s0 =	sadd.s32 @!p0 $0x100000, s0  }
0x10c: {  	[sflag:s0] =	ssyncadd.tile.s32 @!p0 $0x1;
	_ =	shalt  }
.Lfunc_end2:
_tile_overlayer_lowered:
.L_overlay_start_2:
0x10d: {  	(tag) =	ssettag $0x2  }
0x10e: {  	s0 =	rddreg [dreg:$0x0];
	s2 =	stileid.u32  }
0x10f: {  	s1 =	rddreg [dreg:$0x1];
	p0 =	sne.s32 s2, $0x0  }
0x110: {  	s3 =	rddreg [dreg:$0x2];
	[bflag:$0x3] =	sbarrier.arrive $0xFFFF;
	s2 =	simm.s32 @!p0 $0x1C05  }
0x111: {  	[timem:s3], [sflag:s2] =	dma.local @!p0 [hbm:s0], s1  }
0x112: {  	s0 =	simm.s32 @!p0 $0x5  }
0x113: {  	_ =	swait.ge @!p0 [sflag:s0], s1  }
0x114: {  	s1 =	ssub.s32 @!p0 $0x0, s1;
	[sflag:s0] =	ssyncset.done @!p0 $0x0  }
0x115: {  	[sflag:s0] =	ssyncadd.s32 @!p0 s1  }
0x116: {  	[bflag:$0x3] =	sbarrier.arrive $0xFFFF  }
0x117: {  	_ =	shalt  }

// kernel: kernel.14.cloned.1.call-start
scs
__scs_entry_jumppad:
0x0: {  	(pc) =	sbr.rel $0x88, $3  }
0x1: {  	(tag) =	ssettag $0x0;
	lr =	simm.s32 $0x1  }
0x2: {  	[smem:$0x3F8D] =	sst lr;
	_ =	strace $0xD0000000  }
0x3: {  	_ = 	snop  }
0x4: {  	_ = 	snop  }
0x5: {  	_ = 	snop  }
0x6: {  	_ = 	snop  }
0x7: {  	_ = 	snop  }
__scs_overlays_trampoline_lowered:
0x8: {  	[smem:$0x3F9C] =	sst s0  }
0x9: {  	[smem:$0x3F9D] =	sst s1  }
0xa: {  	[smem:$0x3F9E] =	sst s2  }
0xb: {  	[smem:$0x3F9F] =	sst s3  }
0xc: {  	[smem:$0x3FA0] =	sst s4  }
0xd: {  	[smem:$0x3FA1] =	sst s5  }
0xe: {  	[smem:$0x3FA2] =	sst s6  }
0xf: {  	[smem:$0x3FA3] =	sst s7  }
0x10: {  	[smem:$0x3FA4] =	sst s8  }
0x11: {  	[smem:$0x3FA5] =	sst s9;
	s0 =	simm.s32 @!p0 $0x0  }
0x12: {  	s1 =	sld [smem:$0x3F8B];
	s0 =	simm.s32 @p0 $0x1  }
0x13: {  	[smem:$0x3FA6] =	sst s0;
	s0 =	simm.s32 @!p1 $0x0  }
0x14: {  	s2 =	sld [smem:$0x3F8A];
	s0 =	simm.s32 @p1 $0x1  }
0x15: {  	[smem:$0x3FA7] =	sst s0;
	s0 =	simm.s32 @!p2 $0x0  }
0x16: {  	s3 =	sld [smem:$0x3FDB];
	s0 =	simm.s32 @p2 $0x1  }
0x17: {  	s4 =	simm.s32 $0x1BF5;
	[smem:$0x3FA9] =	sst s0  }
0x18: {  	s0 =	sld [smem:$0x3F8C];
	_ =	swait.ge [sflag:s4], $0x0  }
0x19: {  	s7 =	sld [smem:$0x3F8D]  }
0x1a: {  	s8 =	sadd.s32 $0xFFFFE003, lr  }
0x1b: {  	s9 =	sadd.s32 $0xFFFFFEF7, lr;
	s5 =	simm.s32 $0xFFFFFFFF;
	p2 =	slt.u32 s8, $0xFFFFF086  }
0x1c: {  	p1 =	slt.u32 s9, $0xF7A;
	s5 =	simm.s32 @!p2 $0x0  }
0x1d: {  	s5 =	simm.s32 @p1 $0x1;
	p0 =	seq.s32 s7, s2  }
0x1e: {  	s7 =	smul.u32 @!p0 $0xF7A, s2;
	p2 =	seq.s32 @!p0 s5, $0x0  }
0x1f: {  	s9 =	smul.u32 $0xF7A, s1;
	s8 =	simm.s32 @!p0 $0x1BF5;
	p2 =	por !p2, p0  }
0x20: {  	[sflag:s8] =	ssyncset.s32 @!p0 $0xFFFFF086;
	s6 =	sadd.s32 @!p0 s3, s7;
	s7 =	simm.s32 @!p0 $0x108  }
0x21: {  	s3 =	sadd.s32 s3, s9;
	s6 =	sadd.s32 @!p0 $0x88, s6;
	s7 =	simm.s32 @p2 $0x1082  }
0x22: {  	[simem:s7], [sflag:s8] =	dma.local @!p0 [hbm:s6], $0xF7A  }
0x23: {  	s9 =	sor.u32 $0xD0000000, s2;
	s6 =	simm.s32 $0x108;
	_ =	swait.ge @!p0 [sflag:s8], $0x0  }
0x24: {  	s3 =	sadd.s32 $0x88, s3;
	s6 =	simm.s32 @!p1 $0x1082;
	[sflag:s4] =	ssyncset.s32 $0xFFFFF086  }
0x25: {  	[simem:s6], [sflag:s4] =	dma.local [hbm:s3], $0xF7A  }
0x26: {  	[smem:$0x3F8D] =	sst s1;
	(tag) =	ssettag s2;
	_ =	strace s9  }
0x27: {  	s1 =	sld [smem:$0x3F9D]  }
0x28: {  	s2 =	sld [smem:$0x3F9E]  }
0x29: {  	s4 =	sld [smem:$0x3FA0]  }
0x2a: {  	p0 =	seq.s32 s5, $0x0;
	s5 =	sld [smem:$0x3FA1]  }
0x2b: {  	s6 =	sld [smem:$0x3FA2]  }
0x2c: {  	s7 =	sld [smem:$0x3FA3]  }
0x2d: {  	s3 =	simm.s32 $0x108;
	s8 =	sld [smem:$0x3FA4]  }
0x2e: {  	s3 =	simm.s32 @!p0 $0x1082;
	s9 =	sld [smem:$0x3FA5]  }
0x2f: {  	lr =	sadd.s32 s0, s3;
	s0 =	sld [smem:$0x3F9C]  }
0x30: {  	s3 =	sld [smem:$0x3F9F]  }
0x31: {  	[smem:$0x3FA8] =	sst s10  }
0x32: {  	s10 =	sld [smem:$0x3FA6];
	_ =	sdelay $0x3  }
0x33: {  	p0 =	seq.s32 s10, $0x1;
	s10 =	sld [smem:$0x3FA8];
	_ =	sdelay $0x3  }
0x34: {  	[smem:$0x3FA8] =	sst s10  }
0x35: {  	s10 =	sld [smem:$0x3FA7];
	_ =	sdelay $0x3  }
0x36: {  	p1 =	seq.s32 s10, $0x1;
	s10 =	sld [smem:$0x3FA8];
	_ =	sdelay $0x3  }
0x37: {  	[smem:$0x3FA8] =	sst s10  }
0x38: {  	s10 =	sld [smem:$0x3FA9]  }
0x39: {  	_ = 	snop;
	(pc) =	sbr.ind lr, $3  }
0x3a: {  	_ = 	snop  }
0x3b: {  	_ = 	snop  }
0x3c: {  	p2 =	seq.s32 s10, $0x1;
	s10 =	sld [smem:$0x3FA8]  }
0x3d: {  	_ =	shalt  }
0x3e: {  	_ =	shalt  }
0x3f: {  	_ =	shalt  }
0x40: {  	_ =	shalt  }
0x41: {  	_ =	shalt  }
0x42: {  	_ =	shalt  }
0x43: {  	_ =	shalt  }
0x44: {  	_ =	shalt  }
0x45: {  	_ =	shalt  }
0x46: {  	_ =	shalt  }
0x47: {  	_ =	shalt  }
0x48: {  	_ =	shalt  }
0x49: {  	_ =	shalt  }
0x4a: {  	_ =	shalt  }
0x4b: {  	_ =	shalt  }
0x4c: {  	_ =	shalt  }
0x4d: {  	_ =	shalt  }
0x4e: {  	_ =	shalt  }
0x4f: {  	_ =	shalt  }
0x50: {  	_ =	shalt  }
0x51: {  	_ =	shalt  }
0x52: {  	_ =	shalt  }
0x53: {  	_ =	shalt  }
0x54: {  	_ =	shalt  }
0x55: {  	_ =	shalt  }
0x56: {  	_ =	shalt  }
0x57: {  	_ =	shalt  }
0x58: {  	_ =	shalt  }
0x59: {  	_ =	shalt  }
0x5a: {  	_ =	shalt  }
0x5b: {  	_ =	shalt  }
0x5c: {  	_ =	shalt  }
0x5d: {  	_ =	shalt  }
0x5e: {  	_ =	shalt  }
0x5f: {  	_ =	shalt  }
0x60: {  	_ =	shalt  }
0x61: {  	_ =	shalt  }
0x62: {  	_ =	shalt  }
0x63: {  	_ =	shalt  }
0x64: {  	_ =	shalt  }
0x65: {  	_ =	shalt  }
0x66: {  	_ =	shalt  }
0x67: {  	_ =	shalt  }
0x68: {  	_ =	shalt  }
0x69: {  	_ =	shalt  }
0x6a: {  	_ =	shalt  }
0x6b: {  	_ =	shalt  }
0x6c: {  	_ =	shalt  }
0x6d: {  	_ =	shalt  }
0x6e: {  	_ =	shalt  }
0x6f: {  	_ =	shalt  }
0x70: {  	_ =	shalt  }
0x71: {  	_ =	shalt  }
0x72: {  	_ =	shalt  }
0x73: {  	_ =	shalt  }
0x74: {  	_ =	shalt  }
0x75: {  	_ =	shalt  }
0x76: {  	_ =	shalt  }
0x77: {  	_ =	shalt  }
0x78: {  	_ =	shalt  }
0x79: {  	_ =	shalt  }
0x7a: {  	_ =	shalt  }
0x7b: {  	_ =	shalt  }
0x7c: {  	_ =	shalt  }
0x7d: {  	_ =	shalt  }
0x7e: {  	_ =	shalt  }
0x7f: {  	_ =	shalt  }
0x80: {  	_ =	shalt  }
0x81: {  	_ =	shalt  }
0x82: {  	_ =	shalt  }
0x83: {  	_ =	shalt  }
0x84: {  	_ =	shalt  }
0x85: {  	_ =	shalt  }
0x86: {  	_ =	shalt  }
0x87: {  	_ =	shalt  }
.Lfunc_end0:
.L_simem_size_0:
called_computation.1_lowered:
.L_overlay_start_0:
0x88: {  	s2 =	sld [smem:$0x3FD9]  }
0x89: {  	s3 =	sld [smem:$0x3FFE];
	_ =	sdelay $0x1  }
0x8a: {  	s1 =	srdreg.scid  }
0x8b: {  	s0 =	sand.u32 $0x1, s1  }
0x8c: {  	s17 =	sshll.u32 s0, $0xA;
	s2 =	sadd.s32 s3, s2  }
0x8d: {  	s2 =	sadd.s32 s2, s17  }
0x8e: {  	[smem:$0x3FB4] =	sst s2  }
0x8f: {  	_ = 	snop  }
0x90: {  	s18 =	sld [smem:$0x3FD0];
	(tm) =	ssettm $0x1  }
0x91: {  	s19 =	sld [smem:$0x3FFB];
	_ =	sdelay $0x3  }
0x92: {  	_ =	strace s19  }
0x93: {  	s2 =	sld [smem:$0x3FFC];
	_ =	sdelay $0x3  }
0x94: {  	_ =	strace s2  }
0x95: {  	s2 =	sld [smem:$0x3FFD];
	_ =	sdelay $0x3  }
0x96: {  	_ =	strace s2  }
0x97: {  	_ =	strace $0x8FFFFFFF  }
0x98: {  	s20 =	sld [smem:$0x3FDB];
	_ =	sdelay $0x1  }
0x99: {  	s4 =	simm.s32 $_scs_section_size  }
0x9a: {  	s5 =	simm.s32 $_size__tile_overlayer_lowered;
	s6 =	simm.s32 $_tile_overlayer_lowered  }
0x9b: {  	s7 =	simm.s32 $0x1BFF;
	s21 =	sshll.u32 s6, $0x1;
	s4 =	sadd.s32 s4, s20  }
0x9c: {  	s22 =	simm.s32 $0x0;
	s5 =	sshll.u32 s5, $0x1;
	s6 =	sadd.s32 s21, s4  }
0x9d: {  	[timem:s22], [sflag:s7] =	dma.local [hbm:s6], s5  }
0x9e: {  	_ =	swait.ge [sflag:s7], s5  }
0x9f: {  	s5 =	ssub.s32 $0x0, s5;
	[sflag:s7] =	ssyncset.done $0x0  }
0xa0: {  	[sflag:s7] =	ssyncadd.s32 s5;
	_ =	sdelay $0x1  }
0xa1: {  	s23 =	simm.s32 $0x1B8B  }
0xa2: {  	_ =	swait.ge [sflag:s23], $0x1  }
0xa3: {  	[sflag:s23] =	ssyncset.done $0x0  }
0xa4: {  	[sflag:s23] =	ssyncadd.s32 $0xFFFFFFFF  }
0xa5: {  	s5 =	sld [smem:$0x0]  }
0xa6: {  	s6 =	sand.u32 $0xFFFFFFFE, s1  }
0xa7: {  	p0 =	sne.s32 s1, s6  }
0xa8: {  	s6 =	sshll.u32 @p0 s6, $0xE  }
0xa9: {  	s6 =	sadd.s32 @p0 $0x11B8D, s6;
	s7 =	sshll.u32 @p0 s5, $0x11  }
0xaa: {  	s6 =	sor.u32 @p0 s7, s6  }
0xab: {  	[sflag:s6] =	ssyncadd.remote.s32 @p0 $0x1;
	_ =	sdelay $0x1  }
0xac: {  	s6 =	simm.s32 @p0 $0x1B8D  }
0xad: {  	_ =	swait.eq @p0 [sflag:s6], $0x1  }
0xae: {  	[sflag:s6] =	ssyncadd.s32 @p0 $0xFFFFFFFF  }
0xaf: {  	s7 =	sshll.u32 @!p0 s1, $0xE  }
0xb0: {  	s7 =	sor.u32 @!p0 $0x4000, s7;
	s6 =	simm.s32 @!p0 $0x1B8D  }
0xb1: {  	s5 =	sshll.u32 @!p0 s5, $0x11;
	s7 =	sadd.s32 @!p0 $0x11B8D, s7;
	_ =	swait.eq @!p0 [sflag:s6], $0x1  }
0xb2: {  	s5 =	sor.u32 @!p0 s5, s7;
	[sflag:s6] =	ssyncadd.s32 @!p0 $0xFFFFFFFF  }
0xb3: {  	s25 =	simm.s32 $0x1B8E;
	s24 =	sld [smem:$0x3FFE];
	[sflag:s5] =	ssyncadd.remote.s32 @!p0 $0x1  }
0xb4: {  	s26 =	simm.s32 $execute0_lowered;
	[smem:$0x3FD2] =	sst s25  }
0xb5: {  	s6 =	sshll.u32 s26, $0x1;
	_ =	strace $0x80000049;
	[dreg:$0x1] =	wrdreg $0xFFFFFFFF  }
0xb6: {  	s28 =	simm.s32 $_size_execute0_lowered;
	s4 =	sadd.s32 s4, s6;
	[dreg:$0x0] =	wrdreg $0x0  }
0xb7: {  	s6 =	sshll.u32 s28, $0x1;
	[dreg:$0x2] =	wrdreg s4  }
0xb8: {  	[dreg:$0x3] =	wrdreg s6  }
0xb9: {  	[dreg:$0x4] =	wrdreg $0xC0  }
0xba: {  	_ =	task [dreg:s22], $0x5FFFF  }
0xbb: {  	[dreg:$0x1] =	wrdreg $0xFFFFFFFF  }
0xbc: {  	[dreg:$0x0] =	wrdreg $0x60  }
0xbd: {  	[dreg:$0x2] =	wrdreg s24  }
0xbe: {  	[dreg:$0x3] =	wrdreg s18  }
0xbf: {  	[dreg:$0x4] =	wrdreg $0x0  }
0xc0: {  	[dreg:$0x5] =	wrdreg $0x9  }
0xc1: {  	_ =	task.clear_ibuf [dreg:s22], $0x6FFFF;
	_ =	strace $0x90000049  }
0xc2: {  	s29 =	simm.s32 $0x9;
	_ =	strace $0x8000004B  }
0xc3: {  	_ =	swait.ge [sflag:s29], $0x1  }
0xc4: {  	[sflag:s29] =	ssyncadd.s32 $0xFFFFFFFF  }
0xc5: {  	_ =	strace $0x9000004B  }
0xc6: {  	_ =	sfence  }
0xc7: {  	s30 =	sld [smem:$0x0];
	_ =	sdelay $0x2  }
0xc8: {  	s31 =	sshll.u32 s1, $0xD;
	s1 =	sshrl.u32 s1, $0x2  }
0xc9: {  	s4 =	sand.u32 $0x4000, s31;
	s1 =	sadd.s32 s1, s30  }
0xca: {  	s0 =	sor.u32 s4, s0;
	s1 =	sshll.u32 s1, $0x11  }
0xcb: {  	s0 =	sor.u32 s1, s0  }
0xcc: {  	s0 =	sadd.s32 $0x8F2B, s0  }
0xcd: {  	[sflag:s0] =	ssyncadd.remote.s32 $0x1  }
0xce: {  	_ =	sfence.sel $0xFFFF  }
0xcf: {  	[dreg:$0x0] =	wrdreg $0xFFFFFFFF;
	(pc) =	sbr.abs _section_cstart, $3  }
0xd0: {  	[dreg:$0x1] =	wrdreg $0xFFFFFFFF  }
0xd1: {  	_ =	task.clear_ibuf [dreg:s22], $0x2FFFF;
	_ =	strace $0x9FFFFFFF  }
0xd2: {  	(tm) =	ssettm $0x7FFFFFFF  }
0xd3: {  	_ =	shalt  }
tec
execute0_lowered:
.L_overlay_start_1:
0x0: {  	(tag) =	ssettag $0x1  }
0x1: {  	s0 =	rddreg [dreg:$0x0]  }
0x2: {  	s8 =	rddreg [dreg:$0x1]  }
0x3: {  	s2 =	rddreg [dreg:$0x2];
	s3 =	simm.s32 $0x0;
	s1 =	stileid.u32  }
0x4: {  	s6 =	srdreg.scid;
	s20 =	simm.s32 $0x14000;
	s28 =	simm.s32 $0x1  }
0x5: {  	s29 =	simm.s32 $0x3;
	s30 =	simm.s32 $0x2;
	s31 =	simm.s32 $0x4  }
0x6: {  	[smem:$0x7FF] =	sst s3;
	s4 =	smul.u32 $0x2800, s1;
	s5 =	sadd.s32 $0x11D600, s0  }
0x7: {  	s9 =	sadd.s32 $0x4DE00, s0;
	s11 =	sand.u32 $0x1, s6;
	s6 =	sadd.s32 $0x145600, s0  }
0x8: {  	s7 =	sadd.s32 $0xA2E00, s0;
	s15 =	smul.u32 $0x50000, s1;
	s16 =	sadd.s32 $0x16D600, s0  }
0x9: {  	s26 =	smul.u32 $0x500, s1;
	_ =	strace $0x8000004A;
	s13 =	ssub.s32 $0x2, s11  }
0xa: {  	[dreg:$0x4] =	wrdreg s16;
	p0 =	seq.s32 s11, $0x1;
	s10 =	sshrl.u32 s4, $0x3  }
0xb: {  	s14 =	sshrl.u32 s13, $0x1;
	s23 =	sshrl.u32 s15, $0x2;
	s18 =	sadd.s32 s26, s9  }
0xc: {  	s19 =	sadd.s32 s26, s8;
	s26 =	simm.s32 $0x16880;
	s12 =	sadd.s32 s10, s0  }
0xd: {  	s0 =	sadd.s32 $0x195600, s0;
	s21 =	ssub.s32 s13, s14;
	s11 =	sadd.s32 s23, s2  }
0xe: {  	s24 =	sadd.s32 s9, s10;
	s25 =	sadd.s32 s8, s10;
	s10 =	sadd.s32 $0x4F0, s10  }
0xf: {  	s23 =	simm.s32 $0x16900;
	[dreg:$0x5] =	wrdreg s0;
	s22 =	sadd.s32 $0x48E00, s12  }
.Ltmp0:
0x10: {  	[dreg:$0x7] =	wrdreg s24;
	s12 =	sadd.s32 $0x43E00, s12;
	(pc) =	sbr.rel .LBB2_1-.Ltmp0, $4  }
0x11: {  	[dreg:$0x9] =	wrdreg s25;
	s15 =	smax.u32 s21, $0x1;
	s16 =	sadd.s32 s9, s10  }
0x12: {  	s17 =	sadd.s32 s8, s10;
	s21 =	simm.s32 $0x5;
	s24 =	simm.s32 $0x16800  }
0x13: {  	s25 =	simm.s32 $0x1A900;
	s0 =	simm.s32 $0x16780;
	[dreg:$0x6] =	wrdreg s22  }
0x14: {  	s8 =	simm.s32 $0x0;
	[dreg:$0x8] =	wrdreg s12;
	s22 =	simm.s32 $0x80  }
.LBB2_7:
0x15: {  	s1 =	sadd.s32 $0xFFFFFF80, s9;
	s12 =	sadd.s32 s12, s19;
	[sflag:s21] =	ssyncadd.s32 $0xFFFFC000  }
0x16: {  	[tilespmem:s25], [sflag:$0x2] =	stream.indirect.gather [hbm4b:s6+s22], $0x80, s1, s22, $0xb8;
	[tilespmem:$0x1E900] =	vst v63  }
0x17: {  	s13 =	sadd.s32 $0x4F0, s12  }
0x18: {  	[tilespmem:s26], [sflag:$0x4] =	stream.linear.gather [hbm4b:s13+s3], $0x80, $0x38;
	[tilespmem:$0x1E900] =	vst v63  }
0x19: {  	_ =	swait.ge [sflag:s28], $0x4000  }
0x1a: {  	[sflag:s28] =	ssyncset.done $0x0  }
0x1b: {  	[sflag:s28] =	ssyncadd.s32 $0xFFFFC000  }
0x1c: {  	_ =	swait.ge [sflag:s29], $0x80  }
0x1d: {  	[sflag:s29] =	ssyncset.done $0x0  }
0x1e: {  	[sflag:s29] =	ssyncadd.s32 $0xFFFFFF80  }
0x1f: {  	[spmem:s2] =	stream.indirect.scatter.add.f32 [tilespmem:s23], [sflag:$0x5], $0x80, s24, s22, $0xb8;
	[tilespmem:$0x1E900] =	vst v63  }
0x20: {  	_ =	swait.ge [sflag:s21], $0x4000  }
0x21: {  	[sflag:s21] =	ssyncset.done $0x0  }
0x22: {  	[sflag:s21] =	ssyncadd.s32 $0xFFFFC000  }
0x23: {  	[tilespmem:s23], [sflag:$0x1] =	stream.indirect.gather [hbm4b:s6+s22], $0x80, s9, s22, $0xb8;
	[tilespmem:$0x1E900] =	vst v63  }
0x24: {  	s14 =	sadd.s32 $0x500, s12  }
0x25: {  	[tilespmem:s24], [sflag:$0x3] =	stream.linear.gather [hbm4b:s14+s3], $0x80, $0x38;
	[tilespmem:$0x1E900] =	vst v63  }
0x26: {  	_ =	swait.ge [sflag:s30], $0x4000  }
0x27: {  	[sflag:s30] =	ssyncset.done $0x0  }
0x28: {  	[sflag:s30] =	ssyncadd.s32 $0xFFFFC000  }
0x29: {  	_ =	swait.ge [sflag:s31], $0x80  }
0x2a: {  	[sflag:s31] =	ssyncset.done $0x0  }
0x2b: {  	[sflag:s31] =	ssyncadd.s32 $0xFFFFFF80  }
0x2c: {  	[spmem:s2] =	stream.indirect.scatter.add.f32 [tilespmem:s25], [sflag:$0x5], $0x80, s26, s22, $0xb8;
	[tilespmem:$0x1E900] =	vst v63  }
0x2d: {  	_ =	swait.ge [sflag:s21], $0x4000  }
0x2e: {  	[sflag:s21] =	ssyncset.done $0x0  }
0x2f: {  	[sflag:s21] =	ssyncadd.s32 $0xFFFFC000  }
0x30: {  	[tilespmem:s25], [sflag:$0x2] =	stream.indirect.gather [hbm4b:s6+s22], $0x80, s0, s22, $0xb8;
	[tilespmem:$0x1E900] =	vst v63  }
0x31: {  	_ = 	snop  }
0x32: {  	[tilespmem:s26], [sflag:$0x4] =	stream.linear.gather [hbm4b:s17+s3], $0x80, $0x38;
	[tilespmem:$0x1E900] =	vst v63  }
0x33: {  	_ =	swait.ge [sflag:s28], $0x4000  }
0x34: {  	[sflag:s28] =	ssyncset.done $0x0  }
0x35: {  	[sflag:s28] =	ssyncadd.s32 $0xFFFFC000  }
0x36: {  	_ =	swait.ge [sflag:s29], $0x80  }
0x37: {  	[sflag:s29] =	ssyncset.done $0x0  }
0x38: {  	[sflag:s29] =	ssyncadd.s32 $0xFFFFFF80  }
0x39: {  	[spmem:s2] =	stream.indirect.scatter.add.f32 [tilespmem:s23], [sflag:$0x5], $0x80, s24, s22, $0xb8;
	[tilespmem:$0x1E900] =	vst v63  }
0x3a: {  	_ =	swait.ge [sflag:s21], $0x4000  }
0x3b: {  	[sflag:s21] =	ssyncset.done $0x0  }
0x3c: {  	s12 =	smov.u32 s17;
	s9 =	rddreg [dreg:$0x5];
	[sflag:s21] =	ssyncadd.s32 $0xFFFFC000  }
0x3d: {  	[tilespmem:s23], [sflag:$0x1] =	stream.indirect.gather [hbm4b:s6+s22], $0x80, s0, s22, $0xb8;
	[tilespmem:$0x1E900] =	vst v63  }
.LBB2_8:
0x3e: {  	[tilespmem:s24], [sflag:$0x3] =	stream.linear.gather [hbm4b:s12+s3], $0x80, $0x38;
	[tilespmem:$0x1E900] =	vst v63  }
0x3f: {  	_ =	swait.ge [sflag:s30], $0x4000  }
0x40: {  	[sflag:s30] =	ssyncset.done $0x0  }
0x41: {  	[sflag:s30] =	ssyncadd.s32 $0xFFFFC000  }
0x42: {  	_ =	swait.ge [sflag:s31], $0x80  }
0x43: {  	[sflag:s31] =	ssyncset.done $0x0  }
0x44: {  	[sflag:s31] =	ssyncadd.s32 $0xFFFFFF80  }
0x45: {  	[spmem:s2] =	stream.indirect.scatter.add.f32 [tilespmem:s25], [sflag:$0x5], $0x80, s26, s22, $0xb8;
	[tilespmem:$0x1E900] =	vst v63  }
0x46: {  	_ =	swait.ge [sflag:s21], $0x4000  }
0x47: {  	[sflag:s21] =	ssyncset.done $0x0  }
0x48: {  	[sflag:s21] =	ssyncadd.s32 $0xFFFFC000  }
0x49: {  	_ =	swait.ge [sflag:s28], $0x4000  }
0x4a: {  	[sflag:s28] =	ssyncset.done $0x0  }
0x4b: {  	[sflag:s28] =	ssyncadd.s32 $0xFFFFC000  }
0x4c: {  	_ =	swait.ge [sflag:s29], $0x80  }
0x4d: {  	s8 =	sadd.s32 $0x1, s8;
	[sflag:s29] =	ssyncset.done $0x0  }
0x4e: {  	s1 =	sadd.s32 s9, s4;
	p1 =	sne.s32 s8, s15;
	[sflag:s29] =	ssyncadd.s32 $0xFFFFFF80  }
.Ltmp1:
0x4f: {  	s14 =	sshrl.u32 s11, $0x3;
	[bflag:$0x0] =	sbarrier.arrive $0xFFFF;
	(pc) =	sbr.rel @!p1 .LBB2_9-.Ltmp1, $4  }
0x50: {  	[hbm:s1], [sflag:s10] =	dma.local [spmem:s14], $0x2800  }
0x51: {  	_ =	swait.ge [sflag:s21], $0x2800  }
0x52: {  	[sflag:s21] =	ssyncset.done $0x0  }
0x53: {  	[sflag:s21] =	ssyncadd.s32 $0xFFFFD800  }
.LBB2_1:
.Ltmp2:
0x54: {  	(pc) =	sbr.rel @!p0 .LBB2_2-.Ltmp2, $1  }
0x55: {  	_ =	sdelay $0x3  }
0x56: {  	s1 =	rddreg [dreg:$0x8]  }
0x57: {  	[tilespmem:s20], [sflag:$0x5] =	stream.linear.gather [hbm4b:s1+s3], $0x2800, $0x38;
	[tilespmem:$0x1E900] =	vst v63  }
0x58: {  	s10 =	stileid.u32;
	_ =	swait.ge [sflag:s21], $0x2800  }
0x59: {  	s1 =	sshll.u32 s10, $0x6;
	[sflag:s21] =	ssyncset.done $0x0  }
0x5a: {  	s12 =	sshrl.u32 s11, $0x3;
	s10 =	sor.u32 $0x1C05, s1;
	[sflag:s21] =	ssyncadd.s32 $0xFFFFD800  }
0x5b: {  	[spmem:s12], [sflag:s10] =	dma.local [hbm:s7], $0x2800  }
0x5c: {  	_ =	swait.ge [sflag:s21], $0x2800  }
0x5d: {  	[sflag:s21] =	ssyncset.done $0x0  }
0x5e: {  	[sflag:s21] =	ssyncadd.s32 $0xFFFFD800  }
0x5f: {  	[bflag:$0x0] =	sbarrier.arrive $0xFFFF  }
0x60: {  	[tilespmem:s23], [sflag:$0x1] =	stream.indirect.gather [hbm4b:s6+s22], $0x80, s20, s22, $0xb8;
	[tilespmem:$0x1E900] =	vst v63  }
0x61: {  	s13 =	rddreg [dreg:$0x9]  }
0x62: {  	[tilespmem:s24], [sflag:$0x3] =	stream.linear.gather [hbm4b:s13+s3], $0x80, $0x38;
	[tilespmem:$0x1E900] =	vst v63  }
0x63: {  	s14 =	simm.s32 $0x14080;
	s9 =	sadd.s32 $0xFFFFFB20, s19  }
0x64: {  	[tilespmem:s25], [sflag:$0x2] =	stream.indirect.gather [hbm4b:s6+s22], $0x80, s14, s22, $0xb8;
	[tilespmem:$0x1E900] =	vst v63  }
0x65: {  	s12 =	sadd.s32 $0x4F0, s9  }
0x66: {  	[tilespmem:s26], [sflag:$0x4] =	stream.linear.gather [hbm4b:s12+s3], $0x80, $0x38;
	[tilespmem:$0x1E900] =	vst v63  }
0x67: {  	_ =	swait.ge [sflag:s28], $0x4000  }
0x68: {  	[sflag:s28] =	ssyncset.done $0x0  }
0x69: {  	[sflag:s28] =	ssyncadd.s32 $0xFFFFC000  }
0x6a: {  	_ =	swait.ge [sflag:s29], $0x80  }
0x6b: {  	[sflag:s29] =	ssyncset.done $0x0  }
0x6c: {  	[sflag:s29] =	ssyncadd.s32 $0xFFFFFF80  }
0x6d: {  	[spmem:s2] =	stream.indirect.scatter.add.f32 [tilespmem:s23], [sflag:$0x5], $0x80, s24, s22, $0xb8;
	[tilespmem:$0x1E900] =	vst v63  }
0x6e: {  	_ =	swait.ge [sflag:s21], $0x4000  }
0x6f: {  	[sflag:s21] =	ssyncset.done $0x0  }
0x70: {  	s13 =	simm.s32 $0x14100;
	[sflag:s21] =	ssyncadd.s32 $0xFFFFC000  }
0x71: {  	[tilespmem:s23], [sflag:$0x1] =	stream.indirect.gather [hbm4b:s6+s22], $0x80, s13, s22, $0xb8;
	[tilespmem:$0x1E900] =	vst v63  }
0x72: {  	s14 =	sadd.s32 $0x500, s9  }
0x73: {  	[tilespmem:s24], [sflag:$0x3] =	stream.linear.gather [hbm4b:s14+s3], $0x80, $0x38;
	[tilespmem:$0x1E900] =	vst v63  }
0x74: {  	_ =	swait.ge [sflag:s30], $0x4000  }
0x75: {  	[sflag:s30] =	ssyncset.done $0x0  }
0x76: {  	[sflag:s30] =	ssyncadd.s32 $0xFFFFC000  }
0x77: {  	_ =	swait.ge [sflag:s31], $0x80  }
0x78: {  	[sflag:s31] =	ssyncset.done $0x0  }
0x79: {  	[sflag:s31] =	ssyncadd.s32 $0xFFFFFF80  }
0x7a: {  	[spmem:s2] =	stream.indirect.scatter.add.f32 [tilespmem:s25], [sflag:$0x5], $0x80, s26, s22, $0xb8;
	[tilespmem:$0x1E900] =	vst v63  }
0x7b: {  	s9 =	simm.s32 $0x14200;
	_ =	swait.ge [sflag:s21], $0x4000  }
0x7c: {  	s12 =	simm.s32 $0xFFFFFB40;
	s13 =	simm.s32 $0xFFFFFB60;
	[sflag:s21] =	ssyncset.done $0x0  }
.LBB2_6:
0x7d: {  	s1 =	sadd.s32 $0xFFFFFF80, s9  }
0x7e: {  	s14 =	sadd.s32 s12, s19;
	[sflag:s21] =	ssyncadd.s32 $0xFFFFC000;
	s12 =	smov.u32 s13  }
0x7f: {  	[tilespmem:s25], [sflag:$0x2] =	stream.indirect.gather [hbm4b:s6+s22], $0x80, s1, s22, $0xb8;
	[tilespmem:$0x1E900] =	vst v63  }
0x80: {  	p1 =	sne.s32 s13, $0xFFFFFFE0;
	s13 =	sadd.s32 $0x20, s13;
	s1 =	sadd.s32 $0x4F0, s14  }
0x81: {  	[tilespmem:s26], [sflag:$0x4] =	stream.linear.gather [hbm4b:s1+s3], $0x80, $0x38;
	[tilespmem:$0x1E900] =	vst v63  }
0x82: {  	_ =	swait.ge [sflag:s28], $0x4000  }
0x83: {  	[sflag:s28] =	ssyncset.done $0x0  }
0x84: {  	[sflag:s28] =	ssyncadd.s32 $0xFFFFC000  }
0x85: {  	_ =	swait.ge [sflag:s29], $0x80  }
0x86: {  	[sflag:s29] =	ssyncset.done $0x0  }
0x87: {  	[sflag:s29] =	ssyncadd.s32 $0xFFFFFF80  }
0x88: {  	[spmem:s2] =	stream.indirect.scatter.add.f32 [tilespmem:s23], [sflag:$0x5], $0x80, s24, s22, $0xb8;
	[tilespmem:$0x1E900] =	vst v63  }
0x89: {  	_ =	swait.ge [sflag:s21], $0x4000  }
0x8a: {  	[sflag:s21] =	ssyncset.done $0x0  }
0x8b: {  	[sflag:s21] =	ssyncadd.s32 $0xFFFFC000  }
0x8c: {  	[tilespmem:s23], [sflag:$0x1] =	stream.indirect.gather [hbm4b:s6+s22], $0x80, s9, s22, $0xb8;
	[tilespmem:$0x1E900] =	vst v63  }
0x8d: {  	s1 =	sadd.s32 $0x500, s14  }
0x8e: {  	[tilespmem:s24], [sflag:$0x3] =	stream.linear.gather [hbm4b:s1+s3], $0x80, $0x38;
	[tilespmem:$0x1E900] =	vst v63  }
0x8f: {  	_ =	swait.ge [sflag:s30], $0x4000  }
0x90: {  	[sflag:s30] =	ssyncset.done $0x0  }
0x91: {  	[sflag:s30] =	ssyncadd.s32 $0xFFFFC000  }
0x92: {  	_ =	swait.ge [sflag:s31], $0x80  }
.Ltmp3:
0x93: {  	[sflag:s31] =	ssyncset.done $0x0;
	(pc) =	sbr.rel @p1 .LBB2_6-.Ltmp3, $4  }
0x94: {  	[sflag:s31] =	ssyncadd.s32 $0xFFFFFF80  }
0x95: {  	[spmem:s2] =	stream.indirect.scatter.add.f32 [tilespmem:s25], [sflag:$0x5], $0x80, s26, s22, $0xb8;
	[tilespmem:$0x1E900] =	vst v63  }
0x96: {  	_ =	swait.ge [sflag:s21], $0x4000  }
0x97: {  	s9 =	sadd.s32 $0x100, s9;
	[sflag:s21] =	ssyncset.done $0x0  }
.Ltmp4:
0x98: {  	_ = 	snop;
	(pc) =	sbr.rel .LBB2_7-.Ltmp4, $1  }
0x99: {  	_ =	sdelay $0x3  }
.LBB2_2:
0x9a: {  	s1 =	rddreg [dreg:$0x6]  }
0x9b: {  	[tilespmem:s20], [sflag:$0x5] =	stream.linear.gather [hbm4b:s1+s3], $0x2800, $0x38;
	[tilespmem:$0x1E900] =	vst v63  }
0x9c: {  	s10 =	stileid.u32;
	_ =	swait.ge [sflag:s21], $0x2800  }
0x9d: {  	s9 =	sshll.u32 s10, $0x6;
	[sflag:s21] =	ssyncset.done $0x0  }
0x9e: {  	s12 =	sshrl.u32 s11, $0x3;
	s10 =	sor.u32 $0x1C05, s9;
	[sflag:s21] =	ssyncadd.s32 $0xFFFFD800  }
0x9f: {  	[spmem:s12], [sflag:s10] =	dma.local [hbm:s7], $0x2800  }
0xa0: {  	_ =	swait.ge [sflag:s21], $0x2800  }
0xa1: {  	[sflag:s21] =	ssyncset.done $0x0  }
0xa2: {  	[sflag:s21] =	ssyncadd.s32 $0xFFFFD800  }
0xa3: {  	[bflag:$0x0] =	sbarrier.arrive $0xFFFF  }
0xa4: {  	[tilespmem:s23], [sflag:$0x1] =	stream.indirect.gather [hbm4b:s5+s22], $0x80, s20, s22, $0xb8;
	[tilespmem:$0x1E900] =	vst v63  }
0xa5: {  	s13 =	rddreg [dreg:$0x7]  }
0xa6: {  	[tilespmem:s24], [sflag:$0x3] =	stream.linear.gather [hbm4b:s13+s3], $0x80, $0x38;
	[tilespmem:$0x1E900] =	vst v63  }
0xa7: {  	s14 =	simm.s32 $0x14080;
	s12 =	sadd.s32 $0xFFFFFB20, s18  }
0xa8: {  	[tilespmem:s25], [sflag:$0x2] =	stream.indirect.gather [hbm4b:s5+s22], $0x80, s14, s22, $0xb8;
	[tilespmem:$0x1E900] =	vst v63  }
0xa9: {  	s1 =	sadd.s32 $0x4F0, s12  }
0xaa: {  	[tilespmem:s26], [sflag:$0x4] =	stream.linear.gather [hbm4b:s1+s3], $0x80, $0x38;
	[tilespmem:$0x1E900] =	vst v63  }
0xab: {  	_ =	swait.ge [sflag:s28], $0x4000  }
0xac: {  	[sflag:s28] =	ssyncset.done $0x0  }
0xad: {  	[sflag:s28] =	ssyncadd.s32 $0xFFFFC000  }
0xae: {  	_ =	swait.ge [sflag:s29], $0x80  }
0xaf: {  	[sflag:s29] =	ssyncset.done $0x0  }
0xb0: {  	[sflag:s29] =	ssyncadd.s32 $0xFFFFFF80  }
0xb1: {  	[spmem:s2] =	stream.indirect.scatter.add.f32 [tilespmem:s23], [sflag:$0x5], $0x80, s24, s22, $0xb8;
	[tilespmem:$0x1E900] =	vst v63  }
0xb2: {  	_ =	swait.ge [sflag:s21], $0x4000  }
0xb3: {  	[sflag:s21] =	ssyncset.done $0x0  }
0xb4: {  	s13 =	simm.s32 $0x14100;
	[sflag:s21] =	ssyncadd.s32 $0xFFFFC000  }
0xb5: {  	[tilespmem:s23], [sflag:$0x1] =	stream.indirect.gather [hbm4b:s5+s22], $0x80, s13, s22, $0xb8;
	[tilespmem:$0x1E900] =	vst v63  }
0xb6: {  	s14 =	sadd.s32 $0x500, s12  }
0xb7: {  	[tilespmem:s24], [sflag:$0x3] =	stream.linear.gather [hbm4b:s14+s3], $0x80, $0x38;
	[tilespmem:$0x1E900] =	vst v63  }
0xb8: {  	_ =	swait.ge [sflag:s30], $0x4000  }
0xb9: {  	[sflag:s30] =	ssyncset.done $0x0  }
0xba: {  	[sflag:s30] =	ssyncadd.s32 $0xFFFFC000  }
0xbb: {  	_ =	swait.ge [sflag:s31], $0x80  }
0xbc: {  	[sflag:s31] =	ssyncset.done $0x0  }
0xbd: {  	[sflag:s31] =	ssyncadd.s32 $0xFFFFFF80  }
0xbe: {  	[spmem:s2] =	stream.indirect.scatter.add.f32 [tilespmem:s25], [sflag:$0x5], $0x80, s26, s22, $0xb8;
	[tilespmem:$0x1E900] =	vst v63  }
0xbf: {  	s9 =	simm.s32 $0x14200;
	_ =	swait.ge [sflag:s21], $0x4000  }
0xc0: {  	s12 =	simm.s32 $0xFFFFFB40;
	s13 =	simm.s32 $0xFFFFFB60;
	[sflag:s21] =	ssyncset.done $0x0  }
.LBB2_3:
0xc1: {  	s14 =	sadd.s32 $0xFFFFFF80, s9  }
0xc2: {  	s1 =	sadd.s32 s12, s18;
	[sflag:s21] =	ssyncadd.s32 $0xFFFFC000;
	s12 =	smov.u32 s13  }
0xc3: {  	[tilespmem:s25], [sflag:$0x2] =	stream.indirect.gather [hbm4b:s5+s22], $0x80, s14, s22, $0xb8;
	[tilespmem:$0x1E900] =	vst v63  }
0xc4: {  	p1 =	sne.s32 s13, $0xFFFFFFE0;
	s13 =	sadd.s32 $0x20, s13;
	s14 =	sadd.s32 $0x4F0, s1  }
0xc5: {  	[tilespmem:s26], [sflag:$0x4] =	stream.linear.gather [hbm4b:s14+s3], $0x80, $0x38;
	[tilespmem:$0x1E900] =	vst v63  }
0xc6: {  	_ =	swait.ge [sflag:s28], $0x4000  }
0xc7: {  	[sflag:s28] =	ssyncset.done $0x0  }
0xc8: {  	[sflag:s28] =	ssyncadd.s32 $0xFFFFC000  }
0xc9: {  	_ =	swait.ge [sflag:s29], $0x80  }
0xca: {  	[sflag:s29] =	ssyncset.done $0x0  }
0xcb: {  	[sflag:s29] =	ssyncadd.s32 $0xFFFFFF80  }
0xcc: {  	[spmem:s2] =	stream.indirect.scatter.add.f32 [tilespmem:s23], [sflag:$0x5], $0x80, s24, s22, $0xb8;
	[tilespmem:$0x1E900] =	vst v63  }
0xcd: {  	_ =	swait.ge [sflag:s21], $0x4000  }
0xce: {  	[sflag:s21] =	ssyncset.done $0x0  }
0xcf: {  	[sflag:s21] =	ssyncadd.s32 $0xFFFFC000  }
0xd0: {  	[tilespmem:s23], [sflag:$0x1] =	stream.indirect.gather [hbm4b:s5+s22], $0x80, s9, s22, $0xb8;
	[tilespmem:$0x1E900] =	vst v63  }
0xd1: {  	s1 =	sadd.s32 $0x500, s1  }
0xd2: {  	[tilespmem:s24], [sflag:$0x3] =	stream.linear.gather [hbm4b:s1+s3], $0x80, $0x38;
	[tilespmem:$0x1E900] =	vst v63  }
0xd3: {  	_ =	swait.ge [sflag:s30], $0x4000  }
0xd4: {  	[sflag:s30] =	ssyncset.done $0x0  }
0xd5: {  	[sflag:s30] =	ssyncadd.s32 $0xFFFFC000  }
0xd6: {  	_ =	swait.ge [sflag:s31], $0x80  }
.Ltmp5:
0xd7: {  	[sflag:s31] =	ssyncset.done $0x0;
	(pc) =	sbr.rel @p1 .LBB2_3-.Ltmp5, $4  }
0xd8: {  	[sflag:s31] =	ssyncadd.s32 $0xFFFFFF80  }
0xd9: {  	[spmem:s2] =	stream.indirect.scatter.add.f32 [tilespmem:s25], [sflag:$0x5], $0x80, s26, s22, $0xb8;
	[tilespmem:$0x1E900] =	vst v63  }
0xda: {  	_ =	swait.ge [sflag:s21], $0x4000  }
0xdb: {  	s9 =	sadd.s32 $0x100, s9;
	[sflag:s21] =	ssyncset.done $0x0  }
0xdc: {  	s1 =	sadd.s32 $0xFFFFFF80, s9;
	s12 =	sadd.s32 s12, s18;
	[sflag:s21] =	ssyncadd.s32 $0xFFFFC000  }
0xdd: {  	[tilespmem:s25], [sflag:$0x2] =	stream.indirect.gather [hbm4b:s5+s22], $0x80, s1, s22, $0xb8;
	[tilespmem:$0x1E900] =	vst v63  }
0xde: {  	s13 =	sadd.s32 $0x4F0, s12  }
0xdf: {  	[tilespmem:s26], [sflag:$0x4] =	stream.linear.gather [hbm4b:s13+s3], $0x80, $0x38;
	[tilespmem:$0x1E900] =	vst v63  }
0xe0: {  	_ =	swait.ge [sflag:s28], $0x4000  }
0xe1: {  	[sflag:s28] =	ssyncset.done $0x0  }
0xe2: {  	[sflag:s28] =	ssyncadd.s32 $0xFFFFC000  }
0xe3: {  	_ =	swait.ge [sflag:s29], $0x80  }
0xe4: {  	[sflag:s29] =	ssyncset.done $0x0  }
0xe5: {  	[sflag:s29] =	ssyncadd.s32 $0xFFFFFF80  }
0xe6: {  	[spmem:s2] =	stream.indirect.scatter.add.f32 [tilespmem:s23], [sflag:$0x5], $0x80, s24, s22, $0xb8;
	[tilespmem:$0x1E900] =	vst v63  }
0xe7: {  	_ =	swait.ge [sflag:s21], $0x4000  }
0xe8: {  	[sflag:s21] =	ssyncset.done $0x0  }
0xe9: {  	[sflag:s21] =	ssyncadd.s32 $0xFFFFC000  }
0xea: {  	[tilespmem:s23], [sflag:$0x1] =	stream.indirect.gather [hbm4b:s5+s22], $0x80, s9, s22, $0xb8;
	[tilespmem:$0x1E900] =	vst v63  }
0xeb: {  	s14 =	sadd.s32 $0x500, s12  }
0xec: {  	[tilespmem:s24], [sflag:$0x3] =	stream.linear.gather [hbm4b:s14+s3], $0x80, $0x38;
	[tilespmem:$0x1E900] =	vst v63  }
0xed: {  	_ =	swait.ge [sflag:s30], $0x4000  }
0xee: {  	[sflag:s30] =	ssyncset.done $0x0  }
0xef: {  	[sflag:s30] =	ssyncadd.s32 $0xFFFFC000  }
0xf0: {  	_ =	swait.ge [sflag:s31], $0x80  }
0xf1: {  	[sflag:s31] =	ssyncset.done $0x0  }
0xf2: {  	[sflag:s31] =	ssyncadd.s32 $0xFFFFFF80  }
0xf3: {  	[spmem:s2] =	stream.indirect.scatter.add.f32 [tilespmem:s25], [sflag:$0x5], $0x80, s26, s22, $0xb8;
	[tilespmem:$0x1E900] =	vst v63  }
0xf4: {  	_ =	swait.ge [sflag:s21], $0x4000  }
0xf5: {  	[sflag:s21] =	ssyncset.done $0x0  }
0xf6: {  	[sflag:s21] =	ssyncadd.s32 $0xFFFFC000  }
0xf7: {  	[tilespmem:s25], [sflag:$0x2] =	stream.indirect.gather [hbm4b:s5+s22], $0x80, s0, s22, $0xb8;
	[tilespmem:$0x1E900] =	vst v63  }
0xf8: {  	_ = 	snop  }
0xf9: {  	[tilespmem:s26], [sflag:$0x4] =	stream.linear.gather [hbm4b:s16+s3], $0x80, $0x38;
	[tilespmem:$0x1E900] =	vst v63  }
0xfa: {  	_ =	swait.ge [sflag:s28], $0x4000  }
0xfb: {  	[sflag:s28] =	ssyncset.done $0x0  }
0xfc: {  	[sflag:s28] =	ssyncadd.s32 $0xFFFFC000  }
0xfd: {  	_ =	swait.ge [sflag:s29], $0x80  }
0xfe: {  	[sflag:s29] =	ssyncset.done $0x0  }
0xff: {  	[sflag:s29] =	ssyncadd.s32 $0xFFFFFF80  }
0x100: {  	[spmem:s2] =	stream.indirect.scatter.add.f32 [tilespmem:s23], [sflag:$0x5], $0x80, s24, s22, $0xb8;
	[tilespmem:$0x1E900] =	vst v63  }
.Ltmp6:
0x101: {  	_ = 	snop;
	(pc) =	sbr.rel .LBB2_8-.Ltmp6, $4  }
0x102: {  	_ =	swait.ge [sflag:s21], $0x4000  }
0x103: {  	[sflag:s21] =	ssyncset.done $0x0  }
0x104: {  	s12 =	smov.u32 s16;
	s9 =	rddreg [dreg:$0x4];
	[sflag:s21] =	ssyncadd.s32 $0xFFFFC000  }
0x105: {  	[tilespmem:s23], [sflag:$0x1] =	stream.indirect.gather [hbm4b:s5+s22], $0x80, s0, s22, $0xb8;
	[tilespmem:$0x1E900] =	vst v63  }
.LBB2_9:
0x106: {  	_ =	sfence.sel $0x180000  }
0x107: {  	[bflag:$0x0] =	sbarrier.arrive $0xFFFF  }
0x108: {  	_ =	strace $0x9000004A  }
0x109: {  	s0 =	stileid.u32;
	[bflag:$0x2] =	sbarrier.arrive $0xFFFF  }
0x10a: {  	p0 =	sne.s32 s0, $0x0;
	s0 =	rddreg [dreg:$0x3]  }
0x10b: {  	s0 =	sadd.s32 @!p0 $0x100000, s0  }
0x10c: {  	[sflag:s0] =	ssyncadd.tile.s32 @!p0 $0x1;
	_ =	shalt  }
.Lfunc_end2:
_tile_overlayer_lowered:
.L_overlay_start_2:
0x10d: {  	(tag) =	ssettag $0x2  }
0x10e: {  	s0 =	rddreg [dreg:$0x0];
	s2 =	stileid.u32  }
0x10f: {  	s1 =	rddreg [dreg:$0x1];
	p0 =	sne.s32 s2, $0x0  }
0x110: {  	s3 =	rddreg [dreg:$0x2];
	[bflag:$0x3] =	sbarrier.arrive $0xFFFF;
	s2 =	simm.s32 @!p0 $0x1C05  }
0x111: {  	[timem:s3], [sflag:s2] =	dma.local @!p0 [hbm:s0], s1  }
0x112: {  	s0 =	simm.s32 @!p0 $0x5  }
0x113: {  	_ =	swait.ge @!p0 [sflag:s0], s1  }
0x114: {  	s1 =	ssub.s32 @!p0 $0x0, s1;
	[sflag:s0] =	ssyncset.done @!p0 $0x0  }
0x115: {  	[sflag:s0] =	ssyncadd.s32 @!p0 s1  }
0x116: {  	[bflag:$0x3] =	sbarrier.arrive $0xFFFF  }
0x117: {  	_ =	shalt  }

// kernel: kernel.17.cloned.1.call-start
scs
__scs_entry_jumppad:
0x0: {  	(pc) =	sbr.rel $0x88, $3  }
0x1: {  	(tag) =	ssettag $0x0;
	lr =	simm.s32 $0x1  }
0x2: {  	[smem:$0x3F8D] =	sst lr;
	_ =	strace $0xD0000000  }
0x3: {  	_ = 	snop  }
0x4: {  	_ = 	snop  }
0x5: {  	_ = 	snop  }
0x6: {  	_ = 	snop  }
0x7: {  	_ = 	snop  }
__scs_overlays_trampoline_lowered:
0x8: {  	[smem:$0x3F9C] =	sst s0  }
0x9: {  	[smem:$0x3F9D] =	sst s1  }
0xa: {  	[smem:$0x3F9E] =	sst s2  }
0xb: {  	[smem:$0x3F9F] =	sst s3  }
0xc: {  	[smem:$0x3FA0] =	sst s4  }
0xd: {  	[smem:$0x3FA1] =	sst s5  }
0xe: {  	[smem:$0x3FA2] =	sst s6  }
0xf: {  	[smem:$0x3FA3] =	sst s7  }
0x10: {  	[smem:$0x3FA4] =	sst s8  }
0x11: {  	[smem:$0x3FA5] =	sst s9;
	s0 =	simm.s32 @!p0 $0x0  }
0x12: {  	s1 =	sld [smem:$0x3F8B];
	s0 =	simm.s32 @p0 $0x1  }
0x13: {  	[smem:$0x3FA6] =	sst s0;
	s0 =	simm.s32 @!p1 $0x0  }
0x14: {  	s2 =	sld [smem:$0x3F8A];
	s0 =	simm.s32 @p1 $0x1  }
0x15: {  	[smem:$0x3FA7] =	sst s0;
	s0 =	simm.s32 @!p2 $0x0  }
0x16: {  	s3 =	sld [smem:$0x3FDB];
	s0 =	simm.s32 @p2 $0x1  }
0x17: {  	s4 =	simm.s32 $0x1BF5;
	[smem:$0x3FA9] =	sst s0  }
0x18: {  	s0 =	sld [smem:$0x3F8C];
	_ =	swait.ge [sflag:s4], $0x0  }
0x19: {  	s7 =	sld [smem:$0x3F8D]  }
0x1a: {  	s8 =	sadd.s32 $0xFFFFE003, lr  }
0x1b: {  	s9 =	sadd.s32 $0xFFFFFEF7, lr;
	s5 =	simm.s32 $0xFFFFFFFF;
	p2 =	slt.u32 s8, $0xFFFFF086  }
0x1c: {  	p1 =	slt.u32 s9, $0xF7A;
	s5 =	simm.s32 @!p2 $0x0  }
0x1d: {  	s5 =	simm.s32 @p1 $0x1;
	p0 =	seq.s32 s7, s2  }
0x1e: {  	s7 =	smul.u32 @!p0 $0xF7A, s2;
	p2 =	seq.s32 @!p0 s5, $0x0  }
0x1f: {  	s9 =	smul.u32 $0xF7A, s1;
	s8 =	simm.s32 @!p0 $0x1BF5;
	p2 =	por !p2, p0  }
0x20: {  	[sflag:s8] =	ssyncset.s32 @!p0 $0xFFFFF086;
	s6 =	sadd.s32 @!p0 s3, s7;
	s7 =	simm.s32 @!p0 $0x108  }
0x21: {  	s3 =	sadd.s32 s3, s9;
	s6 =	sadd.s32 @!p0 $0x88, s6;
	s7 =	simm.s32 @p2 $0x1082  }
0x22: {  	[simem:s7], [sflag:s8] =	dma.local @!p0 [hbm:s6], $0xF7A  }
0x23: {  	s9 =	sor.u32 $0xD0000000, s2;
	s6 =	simm.s32 $0x108;
	_ =	swait.ge @!p0 [sflag:s8], $0x0  }
0x24: {  	s3 =	sadd.s32 $0x88, s3;
	s6 =	simm.s32 @!p1 $0x1082;
	[sflag:s4] =	ssyncset.s32 $0xFFFFF086  }
0x25: {  	[simem:s6], [sflag:s4] =	dma.local [hbm:s3], $0xF7A  }
0x26: {  	[smem:$0x3F8D] =	sst s1;
	(tag) =	ssettag s2;
	_ =	strace s9  }
0x27: {  	s1 =	sld [smem:$0x3F9D]  }
0x28: {  	s2 =	sld [smem:$0x3F9E]  }
0x29: {  	s4 =	sld [smem:$0x3FA0]  }
0x2a: {  	p0 =	seq.s32 s5, $0x0;
	s5 =	sld [smem:$0x3FA1]  }
0x2b: {  	s6 =	sld [smem:$0x3FA2]  }
0x2c: {  	s7 =	sld [smem:$0x3FA3]  }
0x2d: {  	s3 =	simm.s32 $0x108;
	s8 =	sld [smem:$0x3FA4]  }
0x2e: {  	s3 =	simm.s32 @!p0 $0x1082;
	s9 =	sld [smem:$0x3FA5]  }
0x2f: {  	lr =	sadd.s32 s0, s3;
	s0 =	sld [smem:$0x3F9C]  }
0x30: {  	s3 =	sld [smem:$0x3F9F]  }
0x31: {  	[smem:$0x3FA8] =	sst s10  }
0x32: {  	s10 =	sld [smem:$0x3FA6];
	_ =	sdelay $0x3  }
0x33: {  	p0 =	seq.s32 s10, $0x1;
	s10 =	sld [smem:$0x3FA8];
	_ =	sdelay $0x3  }
0x34: {  	[smem:$0x3FA8] =	sst s10  }
0x35: {  	s10 =	sld [smem:$0x3FA7];
	_ =	sdelay $0x3  }
0x36: {  	p1 =	seq.s32 s10, $0x1;
	s10 =	sld [smem:$0x3FA8];
	_ =	sdelay $0x3  }
0x37: {  	[smem:$0x3FA8] =	sst s10  }
0x38: {  	s10 =	sld [smem:$0x3FA9]  }
0x39: {  	_ = 	snop;
	(pc) =	sbr.ind lr, $3  }
0x3a: {  	_ = 	snop  }
0x3b: {  	_ = 	snop  }
0x3c: {  	p2 =	seq.s32 s10, $0x1;
	s10 =	sld [smem:$0x3FA8]  }
0x3d: {  	_ =	shalt  }
0x3e: {  	_ =	shalt  }
0x3f: {  	_ =	shalt  }
0x40: {  	_ =	shalt  }
0x41: {  	_ =	shalt  }
0x42: {  	_ =	shalt  }
0x43: {  	_ =	shalt  }
0x44: {  	_ =	shalt  }
0x45: {  	_ =	shalt  }
0x46: {  	_ =	shalt  }
0x47: {  	_ =	shalt  }
0x48: {  	_ =	shalt  }
0x49: {  	_ =	shalt  }
0x4a: {  	_ =	shalt  }
0x4b: {  	_ =	shalt  }
0x4c: {  	_ =	shalt  }
0x4d: {  	_ =	shalt  }
0x4e: {  	_ =	shalt  }
0x4f: {  	_ =	shalt  }
0x50: {  	_ =	shalt  }
0x51: {  	_ =	shalt  }
0x52: {  	_ =	shalt  }
0x53: {  	_ =	shalt  }
0x54: {  	_ =	shalt  }
0x55: {  	_ =	shalt  }
0x56: {  	_ =	shalt  }
0x57: {  	_ =	shalt  }
0x58: {  	_ =	shalt  }
0x59: {  	_ =	shalt  }
0x5a: {  	_ =	shalt  }
0x5b: {  	_ =	shalt  }
0x5c: {  	_ =	shalt  }
0x5d: {  	_ =	shalt  }
0x5e: {  	_ =	shalt  }
0x5f: {  	_ =	shalt  }
0x60: {  	_ =	shalt  }
0x61: {  	_ =	shalt  }
0x62: {  	_ =	shalt  }
0x63: {  	_ =	shalt  }
0x64: {  	_ =	shalt  }
0x65: {  	_ =	shalt  }
0x66: {  	_ =	shalt  }
0x67: {  	_ =	shalt  }
0x68: {  	_ =	shalt  }
0x69: {  	_ =	shalt  }
0x6a: {  	_ =	shalt  }
0x6b: {  	_ =	shalt  }
0x6c: {  	_ =	shalt  }
0x6d: {  	_ =	shalt  }
0x6e: {  	_ =	shalt  }
0x6f: {  	_ =	shalt  }
0x70: {  	_ =	shalt  }
0x71: {  	_ =	shalt  }
0x72: {  	_ =	shalt  }
0x73: {  	_ =	shalt  }
0x74: {  	_ =	shalt  }
0x75: {  	_ =	shalt  }
0x76: {  	_ =	shalt  }
0x77: {  	_ =	shalt  }
0x78: {  	_ =	shalt  }
0x79: {  	_ =	shalt  }
0x7a: {  	_ =	shalt  }
0x7b: {  	_ =	shalt  }
0x7c: {  	_ =	shalt  }
0x7d: {  	_ =	shalt  }
0x7e: {  	_ =	shalt  }
0x7f: {  	_ =	shalt  }
0x80: {  	_ =	shalt  }
0x81: {  	_ =	shalt  }
0x82: {  	_ =	shalt  }
0x83: {  	_ =	shalt  }
0x84: {  	_ =	shalt  }
0x85: {  	_ =	shalt  }
0x86: {  	_ =	shalt  }
0x87: {  	_ =	shalt  }
.Lfunc_end0:
.L_simem_size_0:
called_computation.2_lowered:
.L_overlay_start_0:
0x88: {  	s2 =	sld [smem:$0x3FD9]  }
0x89: {  	s3 =	sld [smem:$0x3FFE];
	_ =	sdelay $0x1  }
0x8a: {  	s1 =	srdreg.scid  }
0x8b: {  	s0 =	sand.u32 $0x1, s1  }
0x8c: {  	s17 =	sshll.u32 s0, $0xA;
	s2 =	sadd.s32 s3, s2  }
0x8d: {  	s2 =	sadd.s32 s2, s17  }
0x8e: {  	[smem:$0x3FB4] =	sst s2  }
0x8f: {  	_ = 	snop  }
0x90: {  	s18 =	sld [smem:$0x3FD0];
	(tm) =	ssettm $0x1  }
0x91: {  	s19 =	sld [smem:$0x3FFB];
	_ =	sdelay $0x3  }
0x92: {  	_ =	strace s19  }
0x93: {  	s2 =	sld [smem:$0x3FFC];
	_ =	sdelay $0x3  }
0x94: {  	_ =	strace s2  }
0x95: {  	s2 =	sld [smem:$0x3FFD];
	_ =	sdelay $0x3  }
0x96: {  	_ =	strace s2  }
0x97: {  	_ =	strace $0x8FFFFFFF  }
0x98: {  	s20 =	sld [smem:$0x3FDB];
	_ =	sdelay $0x1  }
0x99: {  	s4 =	simm.s32 $_scs_section_size  }
0x9a: {  	s5 =	simm.s32 $_size__tile_overlayer_lowered;
	s6 =	simm.s32 $_tile_overlayer_lowered  }
0x9b: {  	s7 =	simm.s32 $0x1BFF;
	s21 =	sshll.u32 s6, $0x1;
	s4 =	sadd.s32 s4, s20  }
0x9c: {  	s22 =	simm.s32 $0x0;
	s5 =	sshll.u32 s5, $0x1;
	s6 =	sadd.s32 s21, s4  }
0x9d: {  	[timem:s22], [sflag:s7] =	dma.local [hbm:s6], s5  }
0x9e: {  	_ =	swait.ge [sflag:s7], s5  }
0x9f: {  	s5 =	ssub.s32 $0x0, s5;
	[sflag:s7] =	ssyncset.done $0x0  }
0xa0: {  	[sflag:s7] =	ssyncadd.s32 s5;
	_ =	sdelay $0x1  }
0xa1: {  	s23 =	simm.s32 $0x1B8B  }
0xa2: {  	_ =	swait.ge [sflag:s23], $0x1  }
0xa3: {  	[sflag:s23] =	ssyncset.done $0x0  }
0xa4: {  	[sflag:s23] =	ssyncadd.s32 $0xFFFFFFFF  }
0xa5: {  	s5 =	sld [smem:$0x0]  }
0xa6: {  	s6 =	sand.u32 $0xFFFFFFFE, s1  }
0xa7: {  	p0 =	sne.s32 s1, s6  }
0xa8: {  	s6 =	sshll.u32 @p0 s6, $0xE  }
0xa9: {  	s6 =	sadd.s32 @p0 $0x11B8D, s6;
	s7 =	sshll.u32 @p0 s5, $0x11  }
0xaa: {  	s6 =	sor.u32 @p0 s7, s6  }
0xab: {  	[sflag:s6] =	ssyncadd.remote.s32 @p0 $0x1;
	_ =	sdelay $0x1  }
0xac: {  	s6 =	simm.s32 @p0 $0x1B8D  }
0xad: {  	_ =	swait.eq @p0 [sflag:s6], $0x1  }
0xae: {  	[sflag:s6] =	ssyncadd.s32 @p0 $0xFFFFFFFF  }
0xaf: {  	s7 =	sshll.u32 @!p0 s1, $0xE  }
0xb0: {  	s7 =	sor.u32 @!p0 $0x4000, s7;
	s6 =	simm.s32 @!p0 $0x1B8D  }
0xb1: {  	s5 =	sshll.u32 @!p0 s5, $0x11;
	s7 =	sadd.s32 @!p0 $0x11B8D, s7;
	_ =	swait.eq @!p0 [sflag:s6], $0x1  }
0xb2: {  	s5 =	sor.u32 @!p0 s5, s7;
	[sflag:s6] =	ssyncadd.s32 @!p0 $0xFFFFFFFF  }
0xb3: {  	s25 =	simm.s32 $0x1B8E;
	s24 =	sld [smem:$0x3FFE];
	[sflag:s5] =	ssyncadd.remote.s32 @!p0 $0x1  }
0xb4: {  	s26 =	simm.s32 $execute0_lowered;
	[smem:$0x3FD2] =	sst s25  }
0xb5: {  	s6 =	sshll.u32 s26, $0x1;
	_ =	strace $0x8000004C;
	[dreg:$0x1] =	wrdreg $0xFFFFFFFF  }
0xb6: {  	s28 =	simm.s32 $_size_execute0_lowered;
	s4 =	sadd.s32 s4, s6;
	[dreg:$0x0] =	wrdreg $0x0  }
0xb7: {  	s6 =	sshll.u32 s28, $0x1;
	[dreg:$0x2] =	wrdreg s4  }
0xb8: {  	[dreg:$0x3] =	wrdreg s6  }
0xb9: {  	[dreg:$0x4] =	wrdreg $0xC0  }
0xba: {  	_ =	task [dreg:s22], $0x5FFFF  }
0xbb: {  	[dreg:$0x1] =	wrdreg $0xFFFFFFFF  }
0xbc: {  	[dreg:$0x0] =	wrdreg $0x60  }
0xbd: {  	[dreg:$0x2] =	wrdreg s24  }
0xbe: {  	[dreg:$0x3] =	wrdreg s18  }
0xbf: {  	[dreg:$0x4] =	wrdreg $0x0  }
0xc0: {  	[dreg:$0x5] =	wrdreg $0xA  }
0xc1: {  	_ =	task.clear_ibuf [dreg:s22], $0x6FFFF;
	_ =	strace $0x9000004C  }
0xc2: {  	s29 =	simm.s32 $0xA;
	_ =	strace $0x8000004E  }
0xc3: {  	_ =	swait.ge [sflag:s29], $0x1  }
0xc4: {  	[sflag:s29] =	ssyncadd.s32 $0xFFFFFFFF  }
0xc5: {  	_ =	strace $0x9000004E  }
0xc6: {  	_ =	sfence  }
0xc7: {  	s30 =	sld [smem:$0x0];
	_ =	sdelay $0x2  }
0xc8: {  	s31 =	sshll.u32 s1, $0xD;
	s1 =	sshrl.u32 s1, $0x2  }
0xc9: {  	s4 =	sand.u32 $0x4000, s31;
	s1 =	sadd.s32 s1, s30  }
0xca: {  	s0 =	sor.u32 s4, s0;
	s1 =	sshll.u32 s1, $0x11  }
0xcb: {  	s0 =	sor.u32 s1, s0  }
0xcc: {  	s0 =	sadd.s32 $0x8F2B, s0  }
0xcd: {  	[sflag:s0] =	ssyncadd.remote.s32 $0x1  }
0xce: {  	_ =	sfence.sel $0xFFFF  }
0xcf: {  	[dreg:$0x0] =	wrdreg $0xFFFFFFFF;
	(pc) =	sbr.abs _section_cstart, $3  }
0xd0: {  	[dreg:$0x1] =	wrdreg $0xFFFFFFFF  }
0xd1: {  	_ =	task.clear_ibuf [dreg:s22], $0x2FFFF;
	_ =	strace $0x9FFFFFFF  }
0xd2: {  	(tm) =	ssettm $0x7FFFFFFF  }
0xd3: {  	_ =	shalt  }
tec
execute0_lowered:
.L_overlay_start_1:
0x0: {  	(tag) =	ssettag $0x1  }
0x1: {  	s0 =	rddreg [dreg:$0x0]  }
0x2: {  	s8 =	rddreg [dreg:$0x1]  }
0x3: {  	s2 =	rddreg [dreg:$0x2];
	s3 =	simm.s32 $0x0;
	s1 =	stileid.u32  }
0x4: {  	s6 =	srdreg.scid;
	s20 =	simm.s32 $0x14000;
	s28 =	simm.s32 $0x1  }
0x5: {  	s29 =	simm.s32 $0x3;
	s30 =	simm.s32 $0x2;
	s31 =	simm.s32 $0x4  }
0x6: {  	[smem:$0x7FF] =	sst s3;
	s4 =	smul.u32 $0x2800, s1;
	s5 =	sadd.s32 $0x52E00, s0  }
0x7: {  	s9 =	sadd.s32 $0x4DE00, s0;
	s11 =	sand.u32 $0x1, s6;
	s6 =	sadd.s32 $0x7AE00, s0  }
0x8: {  	s7 =	sadd.s32 $0xA2E00, s0;
	s15 =	smul.u32 $0x50000, s1;
	s16 =	sadd.s32 $0xA5600, s0  }
0x9: {  	s26 =	smul.u32 $0x500, s1;
	_ =	strace $0x8000004D;
	s13 =	ssub.s32 $0x2, s11  }
0xa: {  	[dreg:$0x4] =	wrdreg s16;
	p0 =	seq.s32 s11, $0x1;
	s10 =	sshrl.u32 s4, $0x3  }
0xb: {  	s14 =	sshrl.u32 s13, $0x1;
	s23 =	sshrl.u32 s15, $0x2;
	s18 =	sadd.s32 s26, s9  }
0xc: {  	s19 =	sadd.s32 s26, s8;
	s26 =	simm.s32 $0x16880;
	s12 =	sadd.s32 s10, s0  }
0xd: {  	s0 =	sadd.s32 $0xCD600, s0;
	s21 =	ssub.s32 s13, s14;
	s11 =	sadd.s32 s23, s2  }
0xe: {  	s24 =	sadd.s32 s9, s10;
	s25 =	sadd.s32 s8, s10;
	s10 =	sadd.s32 $0x4F0, s10  }
0xf: {  	s23 =	simm.s32 $0x16900;
	[dreg:$0x5] =	wrdreg s0;
	s22 =	sadd.s32 $0x48E00, s12  }
.Ltmp0:
0x10: {  	[dreg:$0x7] =	wrdreg s24;
	s12 =	sadd.s32 $0x43E00, s12;
	(pc) =	sbr.rel .LBB2_1-.Ltmp0, $4  }
0x11: {  	[dreg:$0x9] =	wrdreg s25;
	s15 =	smax.u32 s21, $0x1;
	s16 =	sadd.s32 s9, s10  }
0x12: {  	s17 =	sadd.s32 s8, s10;
	s21 =	simm.s32 $0x5;
	s24 =	simm.s32 $0x16800  }
0x13: {  	s25 =	simm.s32 $0x1A900;
	s0 =	simm.s32 $0x16780;
	[dreg:$0x6] =	wrdreg s22  }
0x14: {  	s8 =	simm.s32 $0x0;
	[dreg:$0x8] =	wrdreg s12;
	s22 =	simm.s32 $0x80  }
.LBB2_7:
0x15: {  	s1 =	sadd.s32 $0xFFFFFF80, s9;
	s12 =	sadd.s32 s12, s19;
	[sflag:s21] =	ssyncadd.s32 $0xFFFFC000  }
0x16: {  	[tilespmem:s25], [sflag:$0x2] =	stream.indirect.gather [hbm4b:s6+s22], $0x80, s1, s22, $0xb8;
	[tilespmem:$0x1E900] =	vst v63  }
0x17: {  	s13 =	sadd.s32 $0x4F0, s12  }
0x18: {  	[tilespmem:s26], [sflag:$0x4] =	stream.linear.gather [hbm4b:s13+s3], $0x80, $0x38;
	[tilespmem:$0x1E900] =	vst v63  }
0x19: {  	_ =	swait.ge [sflag:s28], $0x4000  }
0x1a: {  	[sflag:s28] =	ssyncset.done $0x0  }
0x1b: {  	[sflag:s28] =	ssyncadd.s32 $0xFFFFC000  }
0x1c: {  	_ =	swait.ge [sflag:s29], $0x80  }
0x1d: {  	[sflag:s29] =	ssyncset.done $0x0  }
0x1e: {  	[sflag:s29] =	ssyncadd.s32 $0xFFFFFF80  }
0x1f: {  	[spmem:s2] =	stream.indirect.scatter.add.f32 [tilespmem:s23], [sflag:$0x5], $0x80, s24, s22, $0xb8;
	[tilespmem:$0x1E900] =	vst v63  }
0x20: {  	_ =	swait.ge [sflag:s21], $0x4000  }
0x21: {  	[sflag:s21] =	ssyncset.done $0x0  }
0x22: {  	[sflag:s21] =	ssyncadd.s32 $0xFFFFC000  }
0x23: {  	[tilespmem:s23], [sflag:$0x1] =	stream.indirect.gather [hbm4b:s6+s22], $0x80, s9, s22, $0xb8;
	[tilespmem:$0x1E900] =	vst v63  }
0x24: {  	s14 =	sadd.s32 $0x500, s12  }
0x25: {  	[tilespmem:s24], [sflag:$0x3] =	stream.linear.gather [hbm4b:s14+s3], $0x80, $0x38;
	[tilespmem:$0x1E900] =	vst v63  }
0x26: {  	_ =	swait.ge [sflag:s30], $0x4000  }
0x27: {  	[sflag:s30] =	ssyncset.done $0x0  }
0x28: {  	[sflag:s30] =	ssyncadd.s32 $0xFFFFC000  }
0x29: {  	_ =	swait.ge [sflag:s31], $0x80  }
0x2a: {  	[sflag:s31] =	ssyncset.done $0x0  }
0x2b: {  	[sflag:s31] =	ssyncadd.s32 $0xFFFFFF80  }
0x2c: {  	[spmem:s2] =	stream.indirect.scatter.add.f32 [tilespmem:s25], [sflag:$0x5], $0x80, s26, s22, $0xb8;
	[tilespmem:$0x1E900] =	vst v63  }
0x2d: {  	_ =	swait.ge [sflag:s21], $0x4000  }
0x2e: {  	[sflag:s21] =	ssyncset.done $0x0  }
0x2f: {  	[sflag:s21] =	ssyncadd.s32 $0xFFFFC000  }
0x30: {  	[tilespmem:s25], [sflag:$0x2] =	stream.indirect.gather [hbm4b:s6+s22], $0x80, s0, s22, $0xb8;
	[tilespmem:$0x1E900] =	vst v63  }
0x31: {  	_ = 	snop  }
0x32: {  	[tilespmem:s26], [sflag:$0x4] =	stream.linear.gather [hbm4b:s17+s3], $0x80, $0x38;
	[tilespmem:$0x1E900] =	vst v63  }
0x33: {  	_ =	swait.ge [sflag:s28], $0x4000  }
0x34: {  	[sflag:s28] =	ssyncset.done $0x0  }
0x35: {  	[sflag:s28] =	ssyncadd.s32 $0xFFFFC000  }
0x36: {  	_ =	swait.ge [sflag:s29], $0x80  }
0x37: {  	[sflag:s29] =	ssyncset.done $0x0  }
0x38: {  	[sflag:s29] =	ssyncadd.s32 $0xFFFFFF80  }
0x39: {  	[spmem:s2] =	stream.indirect.scatter.add.f32 [tilespmem:s23], [sflag:$0x5], $0x80, s24, s22, $0xb8;
	[tilespmem:$0x1E900] =	vst v63  }
0x3a: {  	_ =	swait.ge [sflag:s21], $0x4000  }
0x3b: {  	[sflag:s21] =	ssyncset.done $0x0  }
0x3c: {  	s12 =	smov.u32 s17;
	s9 =	rddreg [dreg:$0x5];
	[sflag:s21] =	ssyncadd.s32 $0xFFFFC000  }
0x3d: {  	[tilespmem:s23], [sflag:$0x1] =	stream.indirect.gather [hbm4b:s6+s22], $0x80, s0, s22, $0xb8;
	[tilespmem:$0x1E900] =	vst v63  }
.LBB2_8:
0x3e: {  	[tilespmem:s24], [sflag:$0x3] =	stream.linear.gather [hbm4b:s12+s3], $0x80, $0x38;
	[tilespmem:$0x1E900] =	vst v63  }
0x3f: {  	_ =	swait.ge [sflag:s30], $0x4000  }
0x40: {  	[sflag:s30] =	ssyncset.done $0x0  }
0x41: {  	[sflag:s30] =	ssyncadd.s32 $0xFFFFC000  }
0x42: {  	_ =	swait.ge [sflag:s31], $0x80  }
0x43: {  	[sflag:s31] =	ssyncset.done $0x0  }
0x44: {  	[sflag:s31] =	ssyncadd.s32 $0xFFFFFF80  }
0x45: {  	[spmem:s2] =	stream.indirect.scatter.add.f32 [tilespmem:s25], [sflag:$0x5], $0x80, s26, s22, $0xb8;
	[tilespmem:$0x1E900] =	vst v63  }
0x46: {  	_ =	swait.ge [sflag:s21], $0x4000  }
0x47: {  	[sflag:s21] =	ssyncset.done $0x0  }
0x48: {  	[sflag:s21] =	ssyncadd.s32 $0xFFFFC000  }
0x49: {  	_ =	swait.ge [sflag:s28], $0x4000  }
0x4a: {  	[sflag:s28] =	ssyncset.done $0x0  }
0x4b: {  	[sflag:s28] =	ssyncadd.s32 $0xFFFFC000  }
0x4c: {  	_ =	swait.ge [sflag:s29], $0x80  }
0x4d: {  	s8 =	sadd.s32 $0x1, s8;
	[sflag:s29] =	ssyncset.done $0x0  }
0x4e: {  	s1 =	sadd.s32 s9, s4;
	p1 =	sne.s32 s8, s15;
	[sflag:s29] =	ssyncadd.s32 $0xFFFFFF80  }
.Ltmp1:
0x4f: {  	s14 =	sshrl.u32 s11, $0x3;
	[bflag:$0x0] =	sbarrier.arrive $0xFFFF;
	(pc) =	sbr.rel @!p1 .LBB2_9-.Ltmp1, $4  }
0x50: {  	[hbm:s1], [sflag:s10] =	dma.local [spmem:s14], $0x2800  }
0x51: {  	_ =	swait.ge [sflag:s21], $0x2800  }
0x52: {  	[sflag:s21] =	ssyncset.done $0x0  }
0x53: {  	[sflag:s21] =	ssyncadd.s32 $0xFFFFD800  }
.LBB2_1:
.Ltmp2:
0x54: {  	(pc) =	sbr.rel @!p0 .LBB2_2-.Ltmp2, $1  }
0x55: {  	_ =	sdelay $0x3  }
0x56: {  	s1 =	rddreg [dreg:$0x8]  }
0x57: {  	[tilespmem:s20], [sflag:$0x5] =	stream.linear.gather [hbm4b:s1+s3], $0x2800, $0x38;
	[tilespmem:$0x1E900] =	vst v63  }
0x58: {  	s10 =	stileid.u32;
	_ =	swait.ge [sflag:s21], $0x2800  }
0x59: {  	s1 =	sshll.u32 s10, $0x6;
	[sflag:s21] =	ssyncset.done $0x0  }
0x5a: {  	s12 =	sshrl.u32 s11, $0x3;
	s10 =	sor.u32 $0x1C05, s1;
	[sflag:s21] =	ssyncadd.s32 $0xFFFFD800  }
0x5b: {  	[spmem:s12], [sflag:s10] =	dma.local [hbm:s7], $0x2800  }
0x5c: {  	_ =	swait.ge [sflag:s21], $0x2800  }
0x5d: {  	[sflag:s21] =	ssyncset.done $0x0  }
0x5e: {  	[sflag:s21] =	ssyncadd.s32 $0xFFFFD800  }
0x5f: {  	[bflag:$0x0] =	sbarrier.arrive $0xFFFF  }
0x60: {  	[tilespmem:s23], [sflag:$0x1] =	stream.indirect.gather [hbm4b:s6+s22], $0x80, s20, s22, $0xb8;
	[tilespmem:$0x1E900] =	vst v63  }
0x61: {  	s13 =	rddreg [dreg:$0x9]  }
0x62: {  	[tilespmem:s24], [sflag:$0x3] =	stream.linear.gather [hbm4b:s13+s3], $0x80, $0x38;
	[tilespmem:$0x1E900] =	vst v63  }
0x63: {  	s14 =	simm.s32 $0x14080;
	s9 =	sadd.s32 $0xFFFFFB20, s19  }
0x64: {  	[tilespmem:s25], [sflag:$0x2] =	stream.indirect.gather [hbm4b:s6+s22], $0x80, s14, s22, $0xb8;
	[tilespmem:$0x1E900] =	vst v63  }
0x65: {  	s12 =	sadd.s32 $0x4F0, s9  }
0x66: {  	[tilespmem:s26], [sflag:$0x4] =	stream.linear.gather [hbm4b:s12+s3], $0x80, $0x38;
	[tilespmem:$0x1E900] =	vst v63  }
0x67: {  	_ =	swait.ge [sflag:s28], $0x4000  }
0x68: {  	[sflag:s28] =	ssyncset.done $0x0  }
0x69: {  	[sflag:s28] =	ssyncadd.s32 $0xFFFFC000  }
0x6a: {  	_ =	swait.ge [sflag:s29], $0x80  }
0x6b: {  	[sflag:s29] =	ssyncset.done $0x0  }
0x6c: {  	[sflag:s29] =	ssyncadd.s32 $0xFFFFFF80  }
0x6d: {  	[spmem:s2] =	stream.indirect.scatter.add.f32 [tilespmem:s23], [sflag:$0x5], $0x80, s24, s22, $0xb8;
	[tilespmem:$0x1E900] =	vst v63  }
0x6e: {  	_ =	swait.ge [sflag:s21], $0x4000  }
0x6f: {  	[sflag:s21] =	ssyncset.done $0x0  }
0x70: {  	s13 =	simm.s32 $0x14100;
	[sflag:s21] =	ssyncadd.s32 $0xFFFFC000  }
0x71: {  	[tilespmem:s23], [sflag:$0x1] =	stream.indirect.gather [hbm4b:s6+s22], $0x80, s13, s22, $0xb8;
	[tilespmem:$0x1E900] =	vst v63  }
0x72: {  	s14 =	sadd.s32 $0x500, s9  }
0x73: {  	[tilespmem:s24], [sflag:$0x3] =	stream.linear.gather [hbm4b:s14+s3], $0x80, $0x38;
	[tilespmem:$0x1E900] =	vst v63  }
0x74: {  	_ =	swait.ge [sflag:s30], $0x4000  }
0x75: {  	[sflag:s30] =	ssyncset.done $0x0  }
0x76: {  	[sflag:s30] =	ssyncadd.s32 $0xFFFFC000  }
0x77: {  	_ =	swait.ge [sflag:s31], $0x80  }
0x78: {  	[sflag:s31] =	ssyncset.done $0x0  }
0x79: {  	[sflag:s31] =	ssyncadd.s32 $0xFFFFFF80  }
0x7a: {  	[spmem:s2] =	stream.indirect.scatter.add.f32 [tilespmem:s25], [sflag:$0x5], $0x80, s26, s22, $0xb8;
	[tilespmem:$0x1E900] =	vst v63  }
0x7b: {  	s9 =	simm.s32 $0x14200;
	_ =	swait.ge [sflag:s21], $0x4000  }
0x7c: {  	s12 =	simm.s32 $0xFFFFFB40;
	s13 =	simm.s32 $0xFFFFFB60;
	[sflag:s21] =	ssyncset.done $0x0  }
.LBB2_6:
0x7d: {  	s1 =	sadd.s32 $0xFFFFFF80, s9  }
0x7e: {  	s14 =	sadd.s32 s12, s19;
	[sflag:s21] =	ssyncadd.s32 $0xFFFFC000;
	s12 =	smov.u32 s13  }
0x7f: {  	[tilespmem:s25], [sflag:$0x2] =	stream.indirect.gather [hbm4b:s6+s22], $0x80, s1, s22, $0xb8;
	[tilespmem:$0x1E900] =	vst v63  }
0x80: {  	p1 =	sne.s32 s13, $0xFFFFFFE0;
	s13 =	sadd.s32 $0x20, s13;
	s1 =	sadd.s32 $0x4F0, s14  }
0x81: {  	[tilespmem:s26], [sflag:$0x4] =	stream.linear.gather [hbm4b:s1+s3], $0x80, $0x38;
	[tilespmem:$0x1E900] =	vst v63  }
0x82: {  	_ =	swait.ge [sflag:s28], $0x4000  }
0x83: {  	[sflag:s28] =	ssyncset.done $0x0  }
0x84: {  	[sflag:s28] =	ssyncadd.s32 $0xFFFFC000  }
0x85: {  	_ =	swait.ge [sflag:s29], $0x80  }
0x86: {  	[sflag:s29] =	ssyncset.done $0x0  }
0x87: {  	[sflag:s29] =	ssyncadd.s32 $0xFFFFFF80  }
0x88: {  	[spmem:s2] =	stream.indirect.scatter.add.f32 [tilespmem:s23], [sflag:$0x5], $0x80, s24, s22, $0xb8;
	[tilespmem:$0x1E900] =	vst v63  }
0x89: {  	_ =	swait.ge [sflag:s21], $0x4000  }
0x8a: {  	[sflag:s21] =	ssyncset.done $0x0  }
0x8b: {  	[sflag:s21] =	ssyncadd.s32 $0xFFFFC000  }
0x8c: {  	[tilespmem:s23], [sflag:$0x1] =	stream.indirect.gather [hbm4b:s6+s22], $0x80, s9, s22, $0xb8;
	[tilespmem:$0x1E900] =	vst v63  }
0x8d: {  	s1 =	sadd.s32 $0x500, s14  }
0x8e: {  	[tilespmem:s24], [sflag:$0x3] =	stream.linear.gather [hbm4b:s1+s3], $0x80, $0x38;
	[tilespmem:$0x1E900] =	vst v63  }
0x8f: {  	_ =	swait.ge [sflag:s30], $0x4000  }
0x90: {  	[sflag:s30] =	ssyncset.done $0x0  }
0x91: {  	[sflag:s30] =	ssyncadd.s32 $0xFFFFC000  }
0x92: {  	_ =	swait.ge [sflag:s31], $0x80  }
.Ltmp3:
0x93: {  	[sflag:s31] =	ssyncset.done $0x0;
	(pc) =	sbr.rel @p1 .LBB2_6-.Ltmp3, $4  }
0x94: {  	[sflag:s31] =	ssyncadd.s32 $0xFFFFFF80  }
0x95: {  	[spmem:s2] =	stream.indirect.scatter.add.f32 [tilespmem:s25], [sflag:$0x5], $0x80, s26, s22, $0xb8;
	[tilespmem:$0x1E900] =	vst v63  }
0x96: {  	_ =	swait.ge [sflag:s21], $0x4000  }
0x97: {  	s9 =	sadd.s32 $0x100, s9;
	[sflag:s21] =	ssyncset.done $0x0  }
.Ltmp4:
0x98: {  	_ = 	snop;
	(pc) =	sbr.rel .LBB2_7-.Ltmp4, $1  }
0x99: {  	_ =	sdelay $0x3  }
.LBB2_2:
0x9a: {  	s1 =	rddreg [dreg:$0x6]  }
0x9b: {  	[tilespmem:s20], [sflag:$0x5] =	stream.linear.gather [hbm4b:s1+s3], $0x2800, $0x38;
	[tilespmem:$0x1E900] =	vst v63  }
0x9c: {  	s10 =	stileid.u32;
	_ =	swait.ge [sflag:s21], $0x2800  }
0x9d: {  	s9 =	sshll.u32 s10, $0x6;
	[sflag:s21] =	ssyncset.done $0x0  }
0x9e: {  	s12 =	sshrl.u32 s11, $0x3;
	s10 =	sor.u32 $0x1C05, s9;
	[sflag:s21] =	ssyncadd.s32 $0xFFFFD800  }
0x9f: {  	[spmem:s12], [sflag:s10] =	dma.local [hbm:s7], $0x2800  }
0xa0: {  	_ =	swait.ge [sflag:s21], $0x2800  }
0xa1: {  	[sflag:s21] =	ssyncset.done $0x0  }
0xa2: {  	[sflag:s21] =	ssyncadd.s32 $0xFFFFD800  }
0xa3: {  	[bflag:$0x0] =	sbarrier.arrive $0xFFFF  }
0xa4: {  	[tilespmem:s23], [sflag:$0x1] =	stream.indirect.gather [hbm4b:s5+s22], $0x80, s20, s22, $0xb8;
	[tilespmem:$0x1E900] =	vst v63  }
0xa5: {  	s13 =	rddreg [dreg:$0x7]  }
0xa6: {  	[tilespmem:s24], [sflag:$0x3] =	stream.linear.gather [hbm4b:s13+s3], $0x80, $0x38;
	[tilespmem:$0x1E900] =	vst v63  }
0xa7: {  	s14 =	simm.s32 $0x14080;
	s12 =	sadd.s32 $0xFFFFFB20, s18  }
0xa8: {  	[tilespmem:s25], [sflag:$0x2] =	stream.indirect.gather [hbm4b:s5+s22], $0x80, s14, s22, $0xb8;
	[tilespmem:$0x1E900] =	vst v63  }
0xa9: {  	s1 =	sadd.s32 $0x4F0, s12  }
0xaa: {  	[tilespmem:s26], [sflag:$0x4] =	stream.linear.gather [hbm4b:s1+s3], $0x80, $0x38;
	[tilespmem:$0x1E900] =	vst v63  }
0xab: {  	_ =	swait.ge [sflag:s28], $0x4000  }
0xac: {  	[sflag:s28] =	ssyncset.done $0x0  }
0xad: {  	[sflag:s28] =	ssyncadd.s32 $0xFFFFC000  }
0xae: {  	_ =	swait.ge [sflag:s29], $0x80  }
0xaf: {  	[sflag:s29] =	ssyncset.done $0x0  }
0xb0: {  	[sflag:s29] =	ssyncadd.s32 $0xFFFFFF80  }
0xb1: {  	[spmem:s2] =	stream.indirect.scatter.add.f32 [tilespmem:s23], [sflag:$0x5], $0x80, s24, s22, $0xb8;
	[tilespmem:$0x1E900] =	vst v63  }
0xb2: {  	_ =	swait.ge [sflag:s21], $0x4000  }
0xb3: {  	[sflag:s21] =	ssyncset.done $0x0  }
0xb4: {  	s13 =	simm.s32 $0x14100;
	[sflag:s21] =	ssyncadd.s32 $0xFFFFC000  }
0xb5: {  	[tilespmem:s23], [sflag:$0x1] =	stream.indirect.gather [hbm4b:s5+s22], $0x80, s13, s22, $0xb8;
	[tilespmem:$0x1E900] =	vst v63  }
0xb6: {  	s14 =	sadd.s32 $0x500, s12  }
0xb7: {  	[tilespmem:s24], [sflag:$0x3] =	stream.linear.gather [hbm4b:s14+s3], $0x80, $0x38;
	[tilespmem:$0x1E900] =	vst v63  }
0xb8: {  	_ =	swait.ge [sflag:s30], $0x4000  }
0xb9: {  	[sflag:s30] =	ssyncset.done $0x0  }
0xba: {  	[sflag:s30] =	ssyncadd.s32 $0xFFFFC000  }
0xbb: {  	_ =	swait.ge [sflag:s31], $0x80  }
0xbc: {  	[sflag:s31] =	ssyncset.done $0x0  }
0xbd: {  	[sflag:s31] =	ssyncadd.s32 $0xFFFFFF80  }
0xbe: {  	[spmem:s2] =	stream.indirect.scatter.add.f32 [tilespmem:s25], [sflag:$0x5], $0x80, s26, s22, $0xb8;
	[tilespmem:$0x1E900] =	vst v63  }
0xbf: {  	s9 =	simm.s32 $0x14200;
	_ =	swait.ge [sflag:s21], $0x4000  }
0xc0: {  	s12 =	simm.s32 $0xFFFFFB40;
	s13 =	simm.s32 $0xFFFFFB60;
	[sflag:s21] =	ssyncset.done $0x0  }
.LBB2_3:
0xc1: {  	s14 =	sadd.s32 $0xFFFFFF80, s9  }
0xc2: {  	s1 =	sadd.s32 s12, s18;
	[sflag:s21] =	ssyncadd.s32 $0xFFFFC000;
	s12 =	smov.u32 s13  }
0xc3: {  	[tilespmem:s25], [sflag:$0x2] =	stream.indirect.gather [hbm4b:s5+s22], $0x80, s14, s22, $0xb8;
	[tilespmem:$0x1E900] =	vst v63  }
0xc4: {  	p1 =	sne.s32 s13, $0xFFFFFFE0;
	s13 =	sadd.s32 $0x20, s13;
	s14 =	sadd.s32 $0x4F0, s1  }
0xc5: {  	[tilespmem:s26], [sflag:$0x4] =	stream.linear.gather [hbm4b:s14+s3], $0x80, $0x38;
	[tilespmem:$0x1E900] =	vst v63  }
0xc6: {  	_ =	swait.ge [sflag:s28], $0x4000  }
0xc7: {  	[sflag:s28] =	ssyncset.done $0x0  }
0xc8: {  	[sflag:s28] =	ssyncadd.s32 $0xFFFFC000  }
0xc9: {  	_ =	swait.ge [sflag:s29], $0x80  }
0xca: {  	[sflag:s29] =	ssyncset.done $0x0  }
0xcb: {  	[sflag:s29] =	ssyncadd.s32 $0xFFFFFF80  }
0xcc: {  	[spmem:s2] =	stream.indirect.scatter.add.f32 [tilespmem:s23], [sflag:$0x5], $0x80, s24, s22, $0xb8;
	[tilespmem:$0x1E900] =	vst v63  }
0xcd: {  	_ =	swait.ge [sflag:s21], $0x4000  }
0xce: {  	[sflag:s21] =	ssyncset.done $0x0  }
0xcf: {  	[sflag:s21] =	ssyncadd.s32 $0xFFFFC000  }
0xd0: {  	[tilespmem:s23], [sflag:$0x1] =	stream.indirect.gather [hbm4b:s5+s22], $0x80, s9, s22, $0xb8;
	[tilespmem:$0x1E900] =	vst v63  }
0xd1: {  	s1 =	sadd.s32 $0x500, s1  }
0xd2: {  	[tilespmem:s24], [sflag:$0x3] =	stream.linear.gather [hbm4b:s1+s3], $0x80, $0x38;
	[tilespmem:$0x1E900] =	vst v63  }
0xd3: {  	_ =	swait.ge [sflag:s30], $0x4000  }
0xd4: {  	[sflag:s30] =	ssyncset.done $0x0  }
0xd5: {  	[sflag:s30] =	ssyncadd.s32 $0xFFFFC000  }
0xd6: {  	_ =	swait.ge [sflag:s31], $0x80  }
.Ltmp5:
0xd7: {  	[sflag:s31] =	ssyncset.done $0x0;
	(pc) =	sbr.rel @p1 .LBB2_3-.Ltmp5, $4  }
0xd8: {  	[sflag:s31] =	ssyncadd.s32 $0xFFFFFF80  }
0xd9: {  	[spmem:s2] =	stream.indirect.scatter.add.f32 [tilespmem:s25], [sflag:$0x5], $0x80, s26, s22, $0xb8;
	[tilespmem:$0x1E900] =	vst v63  }
0xda: {  	_ =	swait.ge [sflag:s21], $0x4000  }
0xdb: {  	s9 =	sadd.s32 $0x100, s9;
	[sflag:s21] =	ssyncset.done $0x0  }
0xdc: {  	s1 =	sadd.s32 $0xFFFFFF80, s9;
	s12 =	sadd.s32 s12, s18;
	[sflag:s21] =	ssyncadd.s32 $0xFFFFC000  }
0xdd: {  	[tilespmem:s25], [sflag:$0x2] =	stream.indirect.gather [hbm4b:s5+s22], $0x80, s1, s22, $0xb8;
	[tilespmem:$0x1E900] =	vst v63  }
0xde: {  	s13 =	sadd.s32 $0x4F0, s12  }
0xdf: {  	[tilespmem:s26], [sflag:$0x4] =	stream.linear.gather [hbm4b:s13+s3], $0x80, $0x38;
	[tilespmem:$0x1E900] =	vst v63  }
0xe0: {  	_ =	swait.ge [sflag:s28], $0x4000  }
0xe1: {  	[sflag:s28] =	ssyncset.done $0x0  }
0xe2: {  	[sflag:s28] =	ssyncadd.s32 $0xFFFFC000  }
0xe3: {  	_ =	swait.ge [sflag:s29], $0x80  }
0xe4: {  	[sflag:s29] =	ssyncset.done $0x0  }
0xe5: {  	[sflag:s29] =	ssyncadd.s32 $0xFFFFFF80  }
0xe6: {  	[spmem:s2] =	stream.indirect.scatter.add.f32 [tilespmem:s23], [sflag:$0x5], $0x80, s24, s22, $0xb8;
	[tilespmem:$0x1E900] =	vst v63  }
0xe7: {  	_ =	swait.ge [sflag:s21], $0x4000  }
0xe8: {  	[sflag:s21] =	ssyncset.done $0x0  }
0xe9: {  	[sflag:s21] =	ssyncadd.s32 $0xFFFFC000  }
0xea: {  	[tilespmem:s23], [sflag:$0x1] =	stream.indirect.gather [hbm4b:s5+s22], $0x80, s9, s22, $0xb8;
	[tilespmem:$0x1E900] =	vst v63  }
0xeb: {  	s14 =	sadd.s32 $0x500, s12  }
0xec: {  	[tilespmem:s24], [sflag:$0x3] =	stream.linear.gather [hbm4b:s14+s3], $0x80, $0x38;
	[tilespmem:$0x1E900] =	vst v63  }
0xed: {  	_ =	swait.ge [sflag:s30], $0x4000  }
0xee: {  	[sflag:s30] =	ssyncset.done $0x0  }
0xef: {  	[sflag:s30] =	ssyncadd.s32 $0xFFFFC000  }
0xf0: {  	_ =	swait.ge [sflag:s31], $0x80  }
0xf1: {  	[sflag:s31] =	ssyncset.done $0x0  }
0xf2: {  	[sflag:s31] =	ssyncadd.s32 $0xFFFFFF80  }
0xf3: {  	[spmem:s2] =	stream.indirect.scatter.add.f32 [tilespmem:s25], [sflag:$0x5], $0x80, s26, s22, $0xb8;
	[tilespmem:$0x1E900] =	vst v63  }
0xf4: {  	_ =	swait.ge [sflag:s21], $0x4000  }
0xf5: {  	[sflag:s21] =	ssyncset.done $0x0  }
0xf6: {  	[sflag:s21] =	ssyncadd.s32 $0xFFFFC000  }
0xf7: {  	[tilespmem:s25], [sflag:$0x2] =	stream.indirect.gather [hbm4b:s5+s22], $0x80, s0, s22, $0xb8;
	[tilespmem:$0x1E900] =	vst v63  }
0xf8: {  	_ = 	snop  }
0xf9: {  	[tilespmem:s26], [sflag:$0x4] =	stream.linear.gather [hbm4b:s16+s3], $0x80, $0x38;
	[tilespmem:$0x1E900] =	vst v63  }
0xfa: {  	_ =	swait.ge [sflag:s28], $0x4000  }
0xfb: {  	[sflag:s28] =	ssyncset.done $0x0  }
0xfc: {  	[sflag:s28] =	ssyncadd.s32 $0xFFFFC000  }
0xfd: {  	_ =	swait.ge [sflag:s29], $0x80  }
0xfe: {  	[sflag:s29] =	ssyncset.done $0x0  }
0xff: {  	[sflag:s29] =	ssyncadd.s32 $0xFFFFFF80  }
0x100: {  	[spmem:s2] =	stream.indirect.scatter.add.f32 [tilespmem:s23], [sflag:$0x5], $0x80, s24, s22, $0xb8;
	[tilespmem:$0x1E900] =	vst v63  }
.Ltmp6:
0x101: {  	_ = 	snop;
	(pc) =	sbr.rel .LBB2_8-.Ltmp6, $4  }
0x102: {  	_ =	swait.ge [sflag:s21], $0x4000  }
0x103: {  	[sflag:s21] =	ssyncset.done $0x0  }
0x104: {  	s12 =	smov.u32 s16;
	s9 =	rddreg [dreg:$0x4];
	[sflag:s21] =	ssyncadd.s32 $0xFFFFC000  }
0x105: {  	[tilespmem:s23], [sflag:$0x1] =	stream.indirect.gather [hbm4b:s5+s22], $0x80, s0, s22, $0xb8;
	[tilespmem:$0x1E900] =	vst v63  }
.LBB2_9:
0x106: {  	_ =	sfence.sel $0x180000  }
0x107: {  	[bflag:$0x0] =	sbarrier.arrive $0xFFFF  }
0x108: {  	_ =	strace $0x9000004D  }
0x109: {  	s0 =	stileid.u32;
	[bflag:$0x2] =	sbarrier.arrive $0xFFFF  }
0x10a: {  	p0 =	sne.s32 s0, $0x0;
	s0 =	rddreg [dreg:$0x3]  }
0x10b: {  	s0 =	sadd.s32 @!p0 $0x100000, s0  }
0x10c: {  	[sflag:s0] =	ssyncadd.tile.s32 @!p0 $0x1;
	_ =	shalt  }
.Lfunc_end2:
_tile_overlayer_lowered:
.L_overlay_start_2:
0x10d: {  	(tag) =	ssettag $0x2  }
0x10e: {  	s0 =	rddreg [dreg:$0x0];
	s2 =	stileid.u32  }
0x10f: {  	s1 =	rddreg [dreg:$0x1];
	p0 =	sne.s32 s2, $0x0  }
0x110: {  	s3 =	rddreg [dreg:$0x2];
	[bflag:$0x3] =	sbarrier.arrive $0xFFFF;
	s2 =	simm.s32 @!p0 $0x1C05  }
0x111: {  	[timem:s3], [sflag:s2] =	dma.local @!p0 [hbm:s0], s1  }
0x112: {  	s0 =	simm.s32 @!p0 $0x5  }
0x113: {  	_ =	swait.ge @!p0 [sflag:s0], s1  }
0x114: {  	s1 =	ssub.s32 @!p0 $0x0, s1;
	[sflag:s0] =	ssyncset.done @!p0 $0x0  }
0x115: {  	[sflag:s0] =	ssyncadd.s32 @!p0 s1  }
0x116: {  	[bflag:$0x3] =	sbarrier.arrive $0xFFFF  }
0x117: {  	_ =	shalt  }

</sc_bundles>
